<compile_context>
chip_gen: v7x
topology: tpu7x:2x2x1
jax: 0.10.2.dev20260603
libtpu: 0.0.44.dev20260713+nightly
codegen_flags: <defaults>
</compile_context>

<pallas_src>
import functools
import jax
import jax.numpy as jnp
from jax import lax
from jax.experimental import pallas as pl
from jax.experimental.pallas import tpu as pltpu
from jax.experimental.pallas import tpu_sc as plsc

_L = 16
_H = 512
_HP = _H + 4
_NW = 32
_RW = _H // _NW
_RB = _RW + 4
_NTBL = 12 * 4096 * 2
_BIAS = 2048
_BIAS12 = 12 * _BIAS


def _rot_off(d, r):
    dx, dy = d
    if r == 0:
        return (dx, dy)
    if r == 1:
        return (dy, -dx)
    if r == 2:
        return (-dx, -dy)
    return (-dy, dx)


_BASE_OFF = {0: ((0, 1), (0, 2)), 1: ((1, 1), (2, 2)), 2: ((1, 2), (2, 1))}
_PERMS = {0: [0, 1, 2, 3], 1: [2, 0, 3, 1], 2: [3, 2, 1, 0], 3: [1, 3, 0, 2]}
_PASS_OFFS = [
    (_rot_off(_BASE_OFF[kt][0], r), _rot_off(_BASE_OFF[kt][1], r))
    for kt in range(3)
    for r in range(4)
]


def _body(p_hbm, t_hbm, out_hbm, raw_v, img_v, tbl_v, row0_v, row1_v, sem, osem0, osem1):
    wid = lax.axis_index("s") * 2 + lax.axis_index("c")
    tbl_cp = pltpu.async_copy(t_hbm, tbl_v, sem)

    g0 = wid * _RW - 2
    blk0 = lax.clamp(0, g0, _H - _RB)
    pltpu.sync_copy(p_hbm.at[pl.ds(blk0 * _H, _RB * _H)], raw_v)

    def prow(pr, carry):
        g = g0 + pr
        gr = (_H - 1) - jnp.abs((_H - 1) - jnp.abs(g))
        sbase = (gr - blk0) * _H
        dbase = pr * _HP + 2

        def pchunk(j, carry2):
            img_v[pl.ds(dbase + j * 16, 16)] = raw_v[pl.ds(sbase + j * 16, 16)]
            return carry2

        return lax.fori_loop(0, _H // 16, pchunk, carry)

    lax.fori_loop(0, _RB, prow, 0)

    for o in (0, _RB - 16):
        prv = lax.iota(jnp.int32, 16) + o
        g = g0 + prv
        grv = (_H - 1) - jnp.abs((_H - 1) - jnp.abs(g))
        srow = (grv - blk0) * _H
        drow = prv * _HP
        for dcol, scol in ((0, 2), (1, 1), (_HP - 2, _H - 2), (_HP - 1, _H - 3)):
            v = plsc.load_gather(raw_v, [srow + scol])
            plsc.store_scatter(img_v, [drow + dcol], v)

    tbl_cp.wait()

    io2 = lax.iota(jnp.int32, 16) * 2
    third = jnp.float32(1.0 / 3.0)
    bias = jnp.float32(_BIAS12)

    def do_chunk(k, row_v):
        def row_body(i, carry):
            li = k * 2 + i

            def vec_body(j0, carry2):
                c0 = j0 * 16
                base2 = (li + 2) * _HP + c0 + 2

                def ld(dx, dy):
                    return img_v[pl.ds(base2 + (dx * _HP + dy), 16)]

                a8 = ld(0, 0) << 8
                acc_a = jnp.zeros((16,), jnp.int32)
                acc_b = jnp.zeros((16,), jnp.int32)
                for p, (vb, vc) in enumerate(_PASS_OFFS):
                    bv4 = ld(vb[0], vb[1]) << 4
                    cv = ld(vc[0], vc[1])
                    w0 = a8 + bv4 + cv + (p * 8192)
                    acc_a = acc_a + plsc.load_gather(tbl_v, [w0])
                    acc_b = acc_b + plsc.load_gather(tbl_v, [w0 + 4096])

                def fin(acc_half):
                    return (acc_half.astype(jnp.float32) - bias) * third

                ra = jnp.zeros((16,), jnp.int32) + 2 * i
                ci = 2 * c0 + io2
                plsc.store_scatter(row_v, [ra, ci], fin(acc_a & 0xFFFF))
                plsc.store_scatter(
                    row_v, [ra, ci + 1], fin(lax.shift_right_logical(acc_a, 16))
                )
                plsc.store_scatter(row_v, [ra + 1, ci], fin(acc_b & 0xFFFF))
                plsc.store_scatter(
                    row_v, [ra + 1, ci + 1], fin(lax.shift_right_logical(acc_b, 16))
                )
                return carry2

            return lax.fori_loop(0, 32, vec_body, carry)

        lax.fori_loop(0, 2, row_body, 0)

    bufs = (row0_v, row1_v)
    sems = (osem0, osem1)
    handles = [None, None]
    for k in range(8):
        b = k & 1
        if handles[b] is not None:
            handles[b].wait()
        do_chunk(k, bufs[b])
        handles[b] = pltpu.async_copy(
            bufs[b], out_hbm.at[pl.ds(wid * 32 + k * 4, 4)], sems[b]
        )
    handles[0].wait()
    handles[1].wait()


@jax.jit
def kernel(img_lr, msb_weight):
    flat = img_lr.astype(jnp.int32).reshape(-1)

    w_int = msb_weight.astype(jnp.int32)
    los, his = [], []
    for r in range(4):
        p = _PERMS[r]
        los.append(
            (w_int[:, :, p[0]] + _BIAS) | ((w_int[:, :, p[1]] + _BIAS) << 16)
        )
        his.append(
            (w_int[:, :, p[2]] + _BIAS) | ((w_int[:, :, p[3]] + _BIAS) << 16)
        )
    lo = jnp.stack(los, axis=-1)
    hi = jnp.stack(his, axis=-1)
    table = jnp.stack([lo, hi], axis=-1).transpose(0, 2, 3, 1).reshape(-1)

    mesh = plsc.VectorSubcoreMesh(core_axis_name="c", subcore_axis_name="s")
    run = functools.partial(
        pl.kernel,
        mesh=mesh,
        compiler_params=pltpu.CompilerParams(needs_layout_passes=False),
        out_type=jax.ShapeDtypeStruct((2 * _H, 2 * _H), jnp.float32),
        scratch_types=[
            pltpu.VMEM((_RB * _H,), jnp.int32),
            pltpu.VMEM((_RB * _HP,), jnp.int32),
            pltpu.VMEM((_NTBL,), jnp.int32),
            pltpu.VMEM((4, 2 * _H), jnp.float32),
            pltpu.VMEM((4, 2 * _H), jnp.float32),
            pltpu.SemaphoreType.DMA,
            pltpu.SemaphoreType.DMA,
            pltpu.SemaphoreType.DMA,
        ],
    )(_body)
    return run(flat, table)

# --- scband reference (transcript-rebuilt; emitter-appended) ---
"""Pipeline reference for scband-hdblut-87454124081251 (READ-ONLY COPY).

The authoritative reference and input builder live on the scoring server;
editing this copy changes nothing except your own understanding.
"""

import jax, jax.numpy as jnp
import numpy as np

L = 16
UPSCALE = 2
H = 512
W = 512


def get_slice(img, x, y, rot):
    if rot == 0 or rot == 4:
        im = img
    elif rot == 1:
        im = img[:, ::-1].T
    elif rot == 2:
        im = img[::-1, ::-1]
    elif rot == 3:
        im = img[::-1, :].T
    dx, dy = im.shape
    im = jnp.pad(im, ((0, 2), (0, 2)), mode='reflect').astype(jnp.int32)
    return im[x:x + dx, y:y + dy]


def setup_inputs(seed: int = 0):
    key = jax.random.key(seed)
    k1, k2 = jax.random.split(key)
    img_lr = jax.random.randint(k1, (H, W), 0, L, dtype=jnp.int32)
    # learned LUTs: one table per kernel type (h, d, b), each [L^3, upscale^2].
    # scaled x16 so the integer truncation in get_slice (faithful to the
    # original .astype(np.int64)) yields nonzero values.
    msb_weight = jax.random.normal(k2, (3, L ** 3, UPSCALE ** 2), dtype=jnp.float32) * 16.0
    return {"img_lr": img_lr, "msb_weight": msb_weight}


def reference(img_lr, msb_weight):
    h, w = img_lr.shape
    out = jnp.zeros((h * UPSCALE, w * UPSCALE), dtype=jnp.float32)
    for kt in range(3):  # 0 -> 'h', 1 -> 'd', 2 -> 'b'
        for r in [0, 1, 2, 3]:
            img_a = get_slice(img_lr, 0, 0, r)
            weight = msb_weight[kt]
            if kt == 0:
                img_b = get_slice(img_lr, 0, 1, r)
                img_c = get_slice(img_lr, 0, 2, r)
            elif kt == 1:
                img_b = get_slice(img_lr, 1, 1, r)
                img_c = get_slice(img_lr, 2, 2, r)
            else:
                img_b = get_slice(img_lr, 1, 2, r)
                img_c = get_slice(img_lr, 2, 1, r)
            idx = img_a.reshape(-1) * L * L + img_b.reshape(-1) * L + img_c.reshape(-1)
            ha, wa = img_a.shape
            tmp = weight[idx].reshape(ha, wa, UPSCALE, UPSCALE).transpose(0, 2, 1, 3).reshape(ha * UPSCALE, wa * UPSCALE)
            out = out + get_slice(tmp, 0, 0, 4 - r)
    return out / 3

if __name__ == "__main__":
    import jax
    _d = setup_inputs()
    print(jax.jit(kernel)(*tuple(_d.values())))

</pallas_src>

<mosaic_0001>
#map = affine_map<(d0, d1) -> (0)>
#map1 = affine_map<(d0, d1) -> (0, 0)>
module attributes {stable_mosaic.version = 14 : i64} {
  func.func @_body(%arg0: i32, %arg1: i32, %arg2: memref<262144xi32, #tpu.memory_space<hbm>>, %arg3: memref<98304xi32, #tpu.memory_space<hbm>>, %arg4: memref<1024x1024xf32, #tpu.memory_space<hbm>>, %arg5: memref<10240xi32, #tpu.memory_space<vmem>>, %arg6: memref<10320xi32, #tpu.memory_space<vmem>>, %arg7: memref<98304xi32, #tpu.memory_space<vmem>>, %arg8: memref<4x1024xf32, #tpu.memory_space<vmem>>, %arg9: memref<4x1024xf32, #tpu.memory_space<vmem>>, %arg10: memref<!tpu.dma_semaphore, #tpu.memory_space<semaphore_mem>>, %arg11: memref<!tpu.dma_semaphore, #tpu.memory_space<semaphore_mem>>, %arg12: memref<!tpu.dma_semaphore, #tpu.memory_space<semaphore_mem>>) attributes {dimension_semantics = [#tpu.dimension_semantics<core_parallel>, #tpu.dimension_semantics<subcore_parallel>], iteration_bounds = array<i64: 2, 16>, scalar_prefetch = 0 : i64, scratch_operands = 8 : i64, tpu.core_type = #tpu.core_type<sc_vector_subcore>, window_params = [{transform_indices = #map}, {transform_indices = #map}, {transform_indices = #map1}]} {
    %mul3A = arith.constant 2 : i32
    %mul3A_0 = arith.muli %arg1, %mul3A : i32
    %add3A = arith.addi %mul3A_0, %arg0 : i32
    tpu.enqueue_dma source(%arg3 : memref<98304xi32, #tpu.memory_space<hbm>>) target(%arg7 : memref<98304xi32, #tpu.memory_space<vmem>>) target_semaphore(%arg10 : memref<!tpu.dma_semaphore, #tpu.memory_space<semaphore_mem>>)
    %mul3A_1 = arith.constant 16 : i32
    %mul3A_2 = arith.muli %add3A, %mul3A_1 : i32
    %sub3A = arith.constant 2 : i32
    %sub3A_3 = arith.subi %mul3A_2, %sub3A : i32
    %clamp3A = arith.constant 0 : i32
    %clamp3A_4 = arith.constant 492 : i32
    %clamp3A_5 = arith.maxsi %sub3A_3, %clamp3A : i32
    %clamp3A_6 = arith.minsi %clamp3A_5, %clamp3A_4 : i32
    %mul3A_7 = arith.constant 512 : i32
    %mul3A_8 = arith.muli %clamp3A_6, %mul3A_7 : i32
    "tpu.region"() ({
      %run_scoped3A = tpu.sem_alloc : memref<!tpu.dma_semaphore, #tpu.memory_space<semaphore_mem>>
      %dma_start3A_273 = tpu.memref_slice %arg2[%mul3A_8] : memref<262144xi32, #tpu.memory_space<hbm>> -> memref<10240xi32, #tpu.memory_space<hbm>>
      %dma_start3A_274 = tpu.memref_slice %arg2[%mul3A_8] : memref<262144xi32, #tpu.memory_space<hbm>> -> memref<10240xi32, #tpu.memory_space<hbm>>
      tpu.enqueue_dma source(%dma_start3A_274 : memref<10240xi32, #tpu.memory_space<hbm>>) target(%arg5 : memref<10240xi32, #tpu.memory_space<vmem>>) target_semaphore(%run_scoped3A : memref<!tpu.dma_semaphore, #tpu.memory_space<semaphore_mem>>)
      %dma_wait3A_275 = tpu.memref_slice %arg2[%mul3A_8] : memref<262144xi32, #tpu.memory_space<hbm>> -> memref<10240xi32, #tpu.memory_space<hbm>>
      %dma_wait3A_276 = tpu.memref_slice %arg2[%mul3A_8] : memref<262144xi32, #tpu.memory_space<hbm>> -> memref<10240xi32, #tpu.memory_space<hbm>>
      tpu.wait_dma2 semaphore(%run_scoped3A : memref<!tpu.dma_semaphore, #tpu.memory_space<semaphore_mem>>) src(%dma_wait3A_276 : memref<10240xi32, #tpu.memory_space<hbm>>) dst(%arg5 : memref<10240xi32, #tpu.memory_space<vmem>>)
      tpu.yield
    }) : () -> ()
    %scan3A = arith.constant 0 : i32
    %scan3A_9 = arith.constant 0 : i32
    %scan3A_10 = arith.constant 20 : i32
    %scan3A_11 = arith.addi %scan3A_9, %scan3A_10 : i32
    %scan3A_12 = arith.constant 1 : i32
    scf.for %scan3A_273 = %scan3A_9 to %scan3A_11 step %scan3A_12  : i32 {
      %add3A_274 = arith.addi %sub3A_3, %scan3A_273 : i32
      %abs3A_275 = math.absi %add3A_274 : i32
      %sub3A_276 = arith.constant 511 : i32
      %sub3A_277 = arith.subi %sub3A_276, %abs3A_275 : i32
      %abs3A_278 = math.absi %sub3A_277 : i32
      %sub3A_279 = arith.constant 511 : i32
      %sub3A_280 = arith.subi %sub3A_279, %abs3A_278 : i32
      %sub3A_281 = arith.subi %sub3A_280, %clamp3A_6 : i32
      %mul3A_282 = arith.constant 512 : i32
      %mul3A_283 = arith.muli %sub3A_281, %mul3A_282 : i32
      %mul3A_284 = arith.constant 516 : i32
      %mul3A_285 = arith.muli %scan3A_273, %mul3A_284 : i32
      %add3A_286 = arith.constant 2 : i32
      %add3A_287 = arith.addi %mul3A_285, %add3A_286 : i32
      %scan3A_288 = arith.constant 0 : i32
      %scan3A_289 = arith.constant 32 : i32
      %scan3A_290 = arith.addi %scan3A_288, %scan3A_289 : i32
      %scan3A_291 = arith.constant 1 : i32
      scf.for %scan3A_293 = %scan3A_288 to %scan3A_290 step %scan3A_291  : i32 {
        %mul3A_294 = arith.constant 16 : i32
        %mul3A_295 = arith.muli %scan3A_293, %mul3A_294 : i32
        %add3A_296 = arith.addi %mul3A_283, %mul3A_295 : i32
        %get3A = arith.index_cast %add3A_296 : i32 to index
        %get3A_297 = tpu.vector_load %arg5[%get3A] {strides = array<i32>} : memref<10240xi32, #tpu.memory_space<vmem>>, vector<16xi32>,
        %mul3A_298 = arith.constant 16 : i32
        %mul3A_299 = arith.muli %scan3A_293, %mul3A_298 : i32
        %add3A_300 = arith.addi %add3A_287, %mul3A_299 : i32
        %swap3A = arith.index_cast %add3A_300 : i32 to index
        %swap3A_301 = tpu.vector_load %arg6[%swap3A] {strides = array<i32>} : memref<10320xi32, #tpu.memory_space<vmem>>, vector<16xi32>,
        tpu.vector_store %arg6[%swap3A], %get3A_297 {strides = array<i32>} : memref<10320xi32, #tpu.memory_space<vmem>>, vector<16xi32>,
      }
      %scan3A_292 = arith.constant 32 : i32
    }
    %scan3A_13 = arith.constant 20 : i32
    %iota3A = tpu.iota {dimensions = array<i32: 0>} : vector<16xi32>
    %add3A_14 = arith.constant 0 : i32
    %add3A_15 = vector.broadcast %add3A_14 : i32 to vector<16xi32>
    %add3A_16 = arith.addi %iota3A, %add3A_15 : vector<16xi32>
    %add3A_17 = vector.broadcast %sub3A_3 : i32 to vector<16xi32>
    %add3A_18 = arith.addi %add3A_17, %add3A_16 : vector<16xi32>
    %abs3A = math.absi %add3A_18 : vector<16xi32>
    %sub3A_19 = arith.constant 511 : i32
    %sub3A_20 = vector.broadcast %sub3A_19 : i32 to vector<16xi32>
    %sub3A_21 = arith.subi %sub3A_20, %abs3A : vector<16xi32>
    %abs3A_22 = math.absi %sub3A_21 : vector<16xi32>
    %sub3A_23 = arith.constant 511 : i32
    %sub3A_24 = vector.broadcast %sub3A_23 : i32 to vector<16xi32>
    %sub3A_25 = arith.subi %sub3A_24, %abs3A_22 : vector<16xi32>
    %sub3A_26 = vector.broadcast %clamp3A_6 : i32 to vector<16xi32>
    %sub3A_27 = arith.subi %sub3A_25, %sub3A_26 : vector<16xi32>
    %mul3A_28 = arith.constant 512 : i32
    %mul3A_29 = vector.broadcast %mul3A_28 : i32 to vector<16xi32>
    %mul3A_30 = arith.muli %sub3A_27, %mul3A_29 : vector<16xi32>
    %mul3A_31 = arith.constant 516 : i32
    %mul3A_32 = vector.broadcast %mul3A_31 : i32 to vector<16xi32>
    %mul3A_33 = arith.muli %add3A_16, %mul3A_32 : vector<16xi32>
    %add3A_34 = arith.constant 2 : i32
    %add3A_35 = vector.broadcast %add3A_34 : i32 to vector<16xi32>
    %add3A_36 = arith.addi %mul3A_30, %add3A_35 : vector<16xi32>
    %gather3A = tpu.vector_load_idx %arg5[%add3A_36] : memref<10240xi32, #tpu.memory_space<vmem>>[vector<16xi32>], vector<16xi32>,
    %add3A_37 = arith.constant 0 : i32
    %add3A_38 = vector.broadcast %add3A_37 : i32 to vector<16xi32>
    %add3A_39 = arith.addi %mul3A_33, %add3A_38 : vector<16xi32>
    tpu.vector_store_idx %arg6[%add3A_39], %gather3A : memref<10320xi32, #tpu.memory_space<vmem>>[vector<16xi32>], vector<16xi32>,
    %add3A_40 = arith.constant 1 : i32
    %add3A_41 = vector.broadcast %add3A_40 : i32 to vector<16xi32>
    %add3A_42 = arith.addi %mul3A_30, %add3A_41 : vector<16xi32>
    %gather3A_43 = tpu.vector_load_idx %arg5[%add3A_42] : memref<10240xi32, #tpu.memory_space<vmem>>[vector<16xi32>], vector<16xi32>,
    %add3A_44 = arith.constant 1 : i32
    %add3A_45 = vector.broadcast %add3A_44 : i32 to vector<16xi32>
    %add3A_46 = arith.addi %mul3A_33, %add3A_45 : vector<16xi32>
    tpu.vector_store_idx %arg6[%add3A_46], %gather3A_43 : memref<10320xi32, #tpu.memory_space<vmem>>[vector<16xi32>], vector<16xi32>,
    %add3A_47 = arith.constant 510 : i32
    %add3A_48 = vector.broadcast %add3A_47 : i32 to vector<16xi32>
    %add3A_49 = arith.addi %mul3A_30, %add3A_48 : vector<16xi32>
    %gather3A_50 = tpu.vector_load_idx %arg5[%add3A_49] : memref<10240xi32, #tpu.memory_space<vmem>>[vector<16xi32>], vector<16xi32>,
    %add3A_51 = arith.constant 514 : i32
    %add3A_52 = vector.broadcast %add3A_51 : i32 to vector<16xi32>
    %add3A_53 = arith.addi %mul3A_33, %add3A_52 : vector<16xi32>
    tpu.vector_store_idx %arg6[%add3A_53], %gather3A_50 : memref<10320xi32, #tpu.memory_space<vmem>>[vector<16xi32>], vector<16xi32>,
    %add3A_54 = arith.constant 509 : i32
    %add3A_55 = vector.broadcast %add3A_54 : i32 to vector<16xi32>
    %add3A_56 = arith.addi %mul3A_30, %add3A_55 : vector<16xi32>
    %gather3A_57 = tpu.vector_load_idx %arg5[%add3A_56] : memref<10240xi32, #tpu.memory_space<vmem>>[vector<16xi32>], vector<16xi32>,
    %add3A_58 = arith.constant 515 : i32
    %add3A_59 = vector.broadcast %add3A_58 : i32 to vector<16xi32>
    %add3A_60 = arith.addi %mul3A_33, %add3A_59 : vector<16xi32>
    tpu.vector_store_idx %arg6[%add3A_60], %gather3A_57 : memref<10320xi32, #tpu.memory_space<vmem>>[vector<16xi32>], vector<16xi32>,
    %iota3A_61 = tpu.iota {dimensions = array<i32: 0>} : vector<16xi32>
    %add3A_62 = arith.constant 4 : i32
    %add3A_63 = vector.broadcast %add3A_62 : i32 to vector<16xi32>
    %add3A_64 = arith.addi %iota3A_61, %add3A_63 : vector<16xi32>
    %add3A_65 = vector.broadcast %sub3A_3 : i32 to vector<16xi32>
    %add3A_66 = arith.addi %add3A_65, %add3A_64 : vector<16xi32>
    %abs3A_67 = math.absi %add3A_66 : vector<16xi32>
    %sub3A_68 = arith.constant 511 : i32
    %sub3A_69 = vector.broadcast %sub3A_68 : i32 to vector<16xi32>
    %sub3A_70 = arith.subi %sub3A_69, %abs3A_67 : vector<16xi32>
    %abs3A_71 = math.absi %sub3A_70 : vector<16xi32>
    %sub3A_72 = arith.constant 511 : i32
    %sub3A_73 = vector.broadcast %sub3A_72 : i32 to vector<16xi32>
    %sub3A_74 = arith.subi %sub3A_73, %abs3A_71 : vector<16xi32>
    %sub3A_75 = vector.broadcast %clamp3A_6 : i32 to vector<16xi32>
    %sub3A_76 = arith.subi %sub3A_74, %sub3A_75 : vector<16xi32>
    %mul3A_77 = arith.constant 512 : i32
    %mul3A_78 = vector.broadcast %mul3A_77 : i32 to vector<16xi32>
    %mul3A_79 = arith.muli %sub3A_76, %mul3A_78 : vector<16xi32>
    %mul3A_80 = arith.constant 516 : i32
    %mul3A_81 = vector.broadcast %mul3A_80 : i32 to vector<16xi32>
    %mul3A_82 = arith.muli %add3A_64, %mul3A_81 : vector<16xi32>
    %add3A_83 = arith.constant 2 : i32
    %add3A_84 = vector.broadcast %add3A_83 : i32 to vector<16xi32>
    %add3A_85 = arith.addi %mul3A_79, %add3A_84 : vector<16xi32>
    %gather3A_86 = tpu.vector_load_idx %arg5[%add3A_85] : memref<10240xi32, #tpu.memory_space<vmem>>[vector<16xi32>], vector<16xi32>,
    %add3A_87 = arith.constant 0 : i32
    %add3A_88 = vector.broadcast %add3A_87 : i32 to vector<16xi32>
    %add3A_89 = arith.addi %mul3A_82, %add3A_88 : vector<16xi32>
    tpu.vector_store_idx %arg6[%add3A_89], %gather3A_86 : memref<10320xi32, #tpu.memory_space<vmem>>[vector<16xi32>], vector<16xi32>,
    %add3A_90 = arith.constant 1 : i32
    %add3A_91 = vector.broadcast %add3A_90 : i32 to vector<16xi32>
    %add3A_92 = arith.addi %mul3A_79, %add3A_91 : vector<16xi32>
    %gather3A_93 = tpu.vector_load_idx %arg5[%add3A_92] : memref<10240xi32, #tpu.memory_space<vmem>>[vector<16xi32>], vector<16xi32>,
    %add3A_94 = arith.constant 1 : i32
    %add3A_95 = vector.broadcast %add3A_94 : i32 to vector<16xi32>
    %add3A_96 = arith.addi %mul3A_82, %add3A_95 : vector<16xi32>
    tpu.vector_store_idx %arg6[%add3A_96], %gather3A_93 : memref<10320xi32, #tpu.memory_space<vmem>>[vector<16xi32>], vector<16xi32>,
    %add3A_97 = arith.constant 510 : i32
    %add3A_98 = vector.broadcast %add3A_97 : i32 to vector<16xi32>
    %add3A_99 = arith.addi %mul3A_79, %add3A_98 : vector<16xi32>
    %gather3A_100 = tpu.vector_load_idx %arg5[%add3A_99] : memref<10240xi32, #tpu.memory_space<vmem>>[vector<16xi32>], vector<16xi32>,
    %add3A_101 = arith.constant 514 : i32
    %add3A_102 = vector.broadcast %add3A_101 : i32 to vector<16xi32>
    %add3A_103 = arith.addi %mul3A_82, %add3A_102 : vector<16xi32>
    tpu.vector_store_idx %arg6[%add3A_103], %gather3A_100 : memref<10320xi32, #tpu.memory_space<vmem>>[vector<16xi32>], vector<16xi32>,
    %add3A_104 = arith.constant 509 : i32
    %add3A_105 = vector.broadcast %add3A_104 : i32 to vector<16xi32>
    %add3A_106 = arith.addi %mul3A_79, %add3A_105 : vector<16xi32>
    %gather3A_107 = tpu.vector_load_idx %arg5[%add3A_106] : memref<10240xi32, #tpu.memory_space<vmem>>[vector<16xi32>], vector<16xi32>,
    %add3A_108 = arith.constant 515 : i32
    %add3A_109 = vector.broadcast %add3A_108 : i32 to vector<16xi32>
    %add3A_110 = arith.addi %mul3A_82, %add3A_109 : vector<16xi32>
    tpu.vector_store_idx %arg6[%add3A_110], %gather3A_107 : memref<10320xi32, #tpu.memory_space<vmem>>[vector<16xi32>], vector<16xi32>,
    tpu.wait_dma2 semaphore(%arg10 : memref<!tpu.dma_semaphore, #tpu.memory_space<semaphore_mem>>) src(%arg3 : memref<98304xi32, #tpu.memory_space<hbm>>) dst(%arg7 : memref<98304xi32, #tpu.memory_space<vmem>>)
    %iota3A_111 = tpu.iota {dimensions = array<i32: 0>} : vector<16xi32>
    %mul3A_112 = arith.constant 2 : i32
    %mul3A_113 = vector.broadcast %mul3A_112 : i32 to vector<16xi32>
    %mul3A_114 = arith.muli %iota3A_111, %mul3A_113 : vector<16xi32>
    %scan3A_115 = arith.constant 0 : i32
    %scan3A_116 = arith.constant 2.457600e+04 : f32
    %scan3A_117 = arith.constant 0.333333343 : f32
    %scan3A_118 = arith.constant 0 : i32
    %scan3A_119 = arith.constant 2 : i32
    %scan3A_120 = arith.addi %scan3A_118, %scan3A_119 : i32
    %scan3A_121 = arith.constant 1 : i32
    scf.for %scan3A_273 = %scan3A_118 to %scan3A_120 step %scan3A_121  : i32 {
      %add3A_274 = arith.constant 0 : i32
      %add3A_275 = arith.addi %add3A_274, %scan3A_273 : i32
      %scan3A_276 = arith.constant 0 : i32
      %scan3A_277 = arith.constant 32 : i32
      %scan3A_278 = arith.addi %scan3A_276, %scan3A_277 : i32
      %scan3A_279 = arith.constant 1 : i32
      scf.for %scan3A_281 = %scan3A_276 to %scan3A_278 step %scan3A_279  : i32 {
        %mul3A_282 = arith.constant 16 : i32
        %mul3A_283 = arith.muli %scan3A_281, %mul3A_282 : i32
        %add3A_284 = arith.constant 2 : i32
        %add3A_285 = arith.addi %add3A_275, %add3A_284 : i32
        %mul3A_286 = arith.constant 516 : i32
        %mul3A_287 = arith.muli %add3A_285, %mul3A_286 : i32
        %add3A_288 = arith.addi %mul3A_287, %mul3A_283 : i32
        %add3A_289 = arith.constant 2 : i32
        %add3A_290 = arith.addi %add3A_288, %add3A_289 : i32
        %add3A_291 = arith.constant 0 : i32
        %add3A_292 = arith.addi %add3A_290, %add3A_291 : i32
        %get3A = arith.index_cast %add3A_292 : i32 to index
        %get3A_293 = tpu.vector_load %arg6[%get3A] {strides = array<i32>} : memref<10320xi32, #tpu.memory_space<vmem>>, vector<16xi32>,
        %shift_left3A = arith.constant 8 : i32
        %shift_left3A_294 = vector.broadcast %shift_left3A : i32 to vector<16xi32>
        %shift_left3A_295 = arith.shli %get3A_293, %shift_left3A_294 : vector<16xi32>
        %broadcast_in_dim3A = arith.constant 0 : i32
        %broadcast_in_dim3A_296 = vector.broadcast %broadcast_in_dim3A : i32 to vector<16xi32>
        %broadcast_in_dim3A_297 = arith.constant 0 : i32
        %broadcast_in_dim3A_298 = vector.broadcast %broadcast_in_dim3A_297 : i32 to vector<16xi32>
        %add3A_299 = arith.constant 1 : i32
        %add3A_300 = arith.addi %add3A_290, %add3A_299 : i32
        %get3A_301 = arith.index_cast %add3A_300 : i32 to index
        %get3A_302 = tpu.vector_load %arg6[%get3A_301] {strides = array<i32>} : memref<10320xi32, #tpu.memory_space<vmem>>, vector<16xi32>,
        %shift_left3A_303 = arith.constant 4 : i32
        %shift_left3A_304 = vector.broadcast %shift_left3A_303 : i32 to vector<16xi32>
        %shift_left3A_305 = arith.shli %get3A_302, %shift_left3A_304 : vector<16xi32>
        %add3A_306 = arith.constant 2 : i32
        %add3A_307 = arith.addi %add3A_290, %add3A_306 : i32
        %get3A_308 = arith.index_cast %add3A_307 : i32 to index
        %get3A_309 = tpu.vector_load %arg6[%get3A_308] {strides = array<i32>} : memref<10320xi32, #tpu.memory_space<vmem>>, vector<16xi32>,
        %add3A_310 = arith.addi %shift_left3A_295, %shift_left3A_305 : vector<16xi32>
        %add3A_311 = arith.addi %add3A_310, %get3A_309 : vector<16xi32>
        %add3A_312 = arith.constant 0 : i32
        %add3A_313 = vector.broadcast %add3A_312 : i32 to vector<16xi32>
        %add3A_314 = arith.addi %add3A_311, %add3A_313 : vector<16xi32>
        %gather3A_315 = tpu.vector_load_idx %arg7[%add3A_314] : memref<98304xi32, #tpu.memory_space<vmem>>[vector<16xi32>], vector<16xi32>,
        %add3A_316 = arith.addi %broadcast_in_dim3A_296, %gather3A_315 : vector<16xi32>
        %add3A_317 = arith.constant 4096 : i32
        %add3A_318 = vector.broadcast %add3A_317 : i32 to vector<16xi32>
        %add3A_319 = arith.addi %add3A_314, %add3A_318 : vector<16xi32>
        %gather3A_320 = tpu.vector_load_idx %arg7[%add3A_319] : memref<98304xi32, #tpu.memory_space<vmem>>[vector<16xi32>], vector<16xi32>,
        %add3A_321 = arith.addi %broadcast_in_dim3A_298, %gather3A_320 : vector<16xi32>
        %add3A_322 = arith.constant 516 : i32
        %add3A_323 = arith.addi %add3A_290, %add3A_322 : i32
        %get3A_324 = arith.index_cast %add3A_323 : i32 to index
        %get3A_325 = tpu.vector_load %arg6[%get3A_324] {strides = array<i32>} : memref<10320xi32, #tpu.memory_space<vmem>>, vector<16xi32>,
        %shift_left3A_326 = arith.constant 4 : i32
        %shift_left3A_327 = vector.broadcast %shift_left3A_326 : i32 to vector<16xi32>
        %shift_left3A_328 = arith.shli %get3A_325, %shift_left3A_327 : vector<16xi32>
        %add3A_329 = arith.constant 1032 : i32
        %add3A_330 = arith.addi %add3A_290, %add3A_329 : i32
        %get3A_331 = arith.index_cast %add3A_330 : i32 to index
        %get3A_332 = tpu.vector_load %arg6[%get3A_331] {strides = array<i32>} : memref<10320xi32, #tpu.memory_space<vmem>>, vector<16xi32>,
        %add3A_333 = arith.addi %shift_left3A_295, %shift_left3A_328 : vector<16xi32>
        %add3A_334 = arith.addi %add3A_333, %get3A_332 : vector<16xi32>
        %add3A_335 = arith.constant 8192 : i32
        %add3A_336 = vector.broadcast %add3A_335 : i32 to vector<16xi32>
        %add3A_337 = arith.addi %add3A_334, %add3A_336 : vector<16xi32>
        %gather3A_338 = tpu.vector_load_idx %arg7[%add3A_337] : memref<98304xi32, #tpu.memory_space<vmem>>[vector<16xi32>], vector<16xi32>,
        %add3A_339 = arith.addi %add3A_316, %gather3A_338 : vector<16xi32>
        %add3A_340 = arith.constant 4096 : i32
        %add3A_341 = vector.broadcast %add3A_340 : i32 to vector<16xi32>
        %add3A_342 = arith.addi %add3A_337, %add3A_341 : vector<16xi32>
        %gather3A_343 = tpu.vector_load_idx %arg7[%add3A_342] : memref<98304xi32, #tpu.memory_space<vmem>>[vector<16xi32>], vector<16xi32>,
        %add3A_344 = arith.addi %add3A_321, %gather3A_343 : vector<16xi32>
        %add3A_345 = arith.constant -1 : i32
        %add3A_346 = arith.addi %add3A_290, %add3A_345 : i32
        %get3A_347 = arith.index_cast %add3A_346 : i32 to index
        %get3A_348 = tpu.vector_load %arg6[%get3A_347] {strides = array<i32>} : memref<10320xi32, #tpu.memory_space<vmem>>, vector<16xi32>,
        %shift_left3A_349 = arith.constant 4 : i32
        %shift_left3A_350 = vector.broadcast %shift_left3A_349 : i32 to vector<16xi32>
        %shift_left3A_351 = arith.shli %get3A_348, %shift_left3A_350 : vector<16xi32>
        %add3A_352 = arith.constant -2 : i32
        %add3A_353 = arith.addi %add3A_290, %add3A_352 : i32
        %get3A_354 = arith.index_cast %add3A_353 : i32 to index
        %get3A_355 = tpu.vector_load %arg6[%get3A_354] {strides = array<i32>} : memref<10320xi32, #tpu.memory_space<vmem>>, vector<16xi32>,
        %add3A_356 = arith.addi %shift_left3A_295, %shift_left3A_351 : vector<16xi32>
        %add3A_357 = arith.addi %add3A_356, %get3A_355 : vector<16xi32>
        %add3A_358 = arith.constant 16384 : i32
        %add3A_359 = vector.broadcast %add3A_358 : i32 to vector<16xi32>
        %add3A_360 = arith.addi %add3A_357, %add3A_359 : vector<16xi32>
        %gather3A_361 = tpu.vector_load_idx %arg7[%add3A_360] : memref<98304xi32, #tpu.memory_space<vmem>>[vector<16xi32>], vector<16xi32>,
        %add3A_362 = arith.addi %add3A_339, %gather3A_361 : vector<16xi32>
        %add3A_363 = arith.constant 4096 : i32
        %add3A_364 = vector.broadcast %add3A_363 : i32 to vector<16xi32>
        %add3A_365 = arith.addi %add3A_360, %add3A_364 : vector<16xi32>
        %gather3A_366 = tpu.vector_load_idx %arg7[%add3A_365] : memref<98304xi32, #tpu.memory_space<vmem>>[vector<16xi32>], vector<16xi32>,
        %add3A_367 = arith.addi %add3A_344, %gather3A_366 : vector<16xi32>
        %add3A_368 = arith.constant -516 : i32
        %add3A_369 = arith.addi %add3A_290, %add3A_368 : i32
        %get3A_370 = arith.index_cast %add3A_369 : i32 to index
        %get3A_371 = tpu.vector_load %arg6[%get3A_370] {strides = array<i32>} : memref<10320xi32, #tpu.memory_space<vmem>>, vector<16xi32>,
        %shift_left3A_372 = arith.constant 4 : i32
        %shift_left3A_373 = vector.broadcast %shift_left3A_372 : i32 to vector<16xi32>
        %shift_left3A_374 = arith.shli %get3A_371, %shift_left3A_373 : vector<16xi32>
        %add3A_375 = arith.constant -1032 : i32
        %add3A_376 = arith.addi %add3A_290, %add3A_375 : i32
        %get3A_377 = arith.index_cast %add3A_376 : i32 to index
        %get3A_378 = tpu.vector_load %arg6[%get3A_377] {strides = array<i32>} : memref<10320xi32, #tpu.memory_space<vmem>>, vector<16xi32>,
        %add3A_379 = arith.addi %shift_left3A_295, %shift_left3A_374 : vector<16xi32>
        %add3A_380 = arith.addi %add3A_379, %get3A_378 : vector<16xi32>
        %add3A_381 = arith.constant 24576 : i32
        %add3A_382 = vector.broadcast %add3A_381 : i32 to vector<16xi32>
        %add3A_383 = arith.addi %add3A_380, %add3A_382 : vector<16xi32>
        %gather3A_384 = tpu.vector_load_idx %arg7[%add3A_383] : memref<98304xi32, #tpu.memory_space<vmem>>[vector<16xi32>], vector<16xi32>,
        %add3A_385 = arith.addi %add3A_362, %gather3A_384 : vector<16xi32>
        %add3A_386 = arith.constant 4096 : i32
        %add3A_387 = vector.broadcast %add3A_386 : i32 to vector<16xi32>
        %add3A_388 = arith.addi %add3A_383, %add3A_387 : vector<16xi32>
        %gather3A_389 = tpu.vector_load_idx %arg7[%add3A_388] : memref<98304xi32, #tpu.memory_space<vmem>>[vector<16xi32>], vector<16xi32>,
        %add3A_390 = arith.addi %add3A_367, %gather3A_389 : vector<16xi32>
        %add3A_391 = arith.constant 517 : i32
        %add3A_392 = arith.addi %add3A_290, %add3A_391 : i32
        %get3A_393 = arith.index_cast %add3A_392 : i32 to index
        %get3A_394 = tpu.vector_load %arg6[%get3A_393] {strides = array<i32>} : memref<10320xi32, #tpu.memory_space<vmem>>, vector<16xi32>,
        %shift_left3A_395 = arith.constant 4 : i32
        %shift_left3A_396 = vector.broadcast %shift_left3A_395 : i32 to vector<16xi32>
        %shift_left3A_397 = arith.shli %get3A_394, %shift_left3A_396 : vector<16xi32>
        %add3A_398 = arith.constant 1034 : i32
        %add3A_399 = arith.addi %add3A_290, %add3A_398 : i32
        %get3A_400 = arith.index_cast %add3A_399 : i32 to index
        %get3A_401 = tpu.vector_load %arg6[%get3A_400] {strides = array<i32>} : memref<10320xi32, #tpu.memory_space<vmem>>, vector<16xi32>,
        %add3A_402 = arith.addi %shift_left3A_295, %shift_left3A_397 : vector<16xi32>
        %add3A_403 = arith.addi %add3A_402, %get3A_401 : vector<16xi32>
        %add3A_404 = arith.constant 32768 : i32
        %add3A_405 = vector.broadcast %add3A_404 : i32 to vector<16xi32>
        %add3A_406 = arith.addi %add3A_403, %add3A_405 : vector<16xi32>
        %gather3A_407 = tpu.vector_load_idx %arg7[%add3A_406] : memref<98304xi32, #tpu.memory_space<vmem>>[vector<16xi32>], vector<16xi32>,
        %add3A_408 = arith.addi %add3A_385, %gather3A_407 : vector<16xi32>
        %add3A_409 = arith.constant 4096 : i32
        %add3A_410 = vector.broadcast %add3A_409 : i32 to vector<16xi32>
        %add3A_411 = arith.addi %add3A_406, %add3A_410 : vector<16xi32>
        %gather3A_412 = tpu.vector_load_idx %arg7[%add3A_411] : memref<98304xi32, #tpu.memory_space<vmem>>[vector<16xi32>], vector<16xi32>,
        %add3A_413 = arith.addi %add3A_390, %gather3A_412 : vector<16xi32>
        %add3A_414 = arith.constant 515 : i32
        %add3A_415 = arith.addi %add3A_290, %add3A_414 : i32
        %get3A_416 = arith.index_cast %add3A_415 : i32 to index
        %get3A_417 = tpu.vector_load %arg6[%get3A_416] {strides = array<i32>} : memref<10320xi32, #tpu.memory_space<vmem>>, vector<16xi32>,
        %shift_left3A_418 = arith.constant 4 : i32
        %shift_left3A_419 = vector.broadcast %shift_left3A_418 : i32 to vector<16xi32>
        %shift_left3A_420 = arith.shli %get3A_417, %shift_left3A_419 : vector<16xi32>
        %add3A_421 = arith.constant 1030 : i32
        %add3A_422 = arith.addi %add3A_290, %add3A_421 : i32
        %get3A_423 = arith.index_cast %add3A_422 : i32 to index
        %get3A_424 = tpu.vector_load %arg6[%get3A_423] {strides = array<i32>} : memref<10320xi32, #tpu.memory_space<vmem>>, vector<16xi32>,
        %add3A_425 = arith.addi %shift_left3A_295, %shift_left3A_420 : vector<16xi32>
        %add3A_426 = arith.addi %add3A_425, %get3A_424 : vector<16xi32>
        %add3A_427 = arith.constant 40960 : i32
        %add3A_428 = vector.broadcast %add3A_427 : i32 to vector<16xi32>
        %add3A_429 = arith.addi %add3A_426, %add3A_428 : vector<16xi32>
        %gather3A_430 = tpu.vector_load_idx %arg7[%add3A_429] : memref<98304xi32, #tpu.memory_space<vmem>>[vector<16xi32>], vector<16xi32>,
        %add3A_431 = arith.addi %add3A_408, %gather3A_430 : vector<16xi32>
        %add3A_432 = arith.constant 4096 : i32
        %add3A_433 = vector.broadcast %add3A_432 : i32 to vector<16xi32>
        %add3A_434 = arith.addi %add3A_429, %add3A_433 : vector<16xi32>
        %gather3A_435 = tpu.vector_load_idx %arg7[%add3A_434] : memref<98304xi32, #tpu.memory_space<vmem>>[vector<16xi32>], vector<16xi32>,
        %add3A_436 = arith.addi %add3A_413, %gather3A_435 : vector<16xi32>
        %add3A_437 = arith.constant -517 : i32
        %add3A_438 = arith.addi %add3A_290, %add3A_437 : i32
        %get3A_439 = arith.index_cast %add3A_438 : i32 to index
        %get3A_440 = tpu.vector_load %arg6[%get3A_439] {strides = array<i32>} : memref<10320xi32, #tpu.memory_space<vmem>>, vector<16xi32>,
        %shift_left3A_441 = arith.constant 4 : i32
        %shift_left3A_442 = vector.broadcast %shift_left3A_441 : i32 to vector<16xi32>
        %shift_left3A_443 = arith.shli %get3A_440, %shift_left3A_442 : vector<16xi32>
        %add3A_444 = arith.constant -1034 : i32
        %add3A_445 = arith.addi %add3A_290, %add3A_444 : i32
        %get3A_446 = arith.index_cast %add3A_445 : i32 to index
        %get3A_447 = tpu.vector_load %arg6[%get3A_446] {strides = array<i32>} : memref<10320xi32, #tpu.memory_space<vmem>>, vector<16xi32>,
        %add3A_448 = arith.addi %shift_left3A_295, %shift_left3A_443 : vector<16xi32>
        %add3A_449 = arith.addi %add3A_448, %get3A_447 : vector<16xi32>
        %add3A_450 = arith.constant 49152 : i32
        %add3A_451 = vector.broadcast %add3A_450 : i32 to vector<16xi32>
        %add3A_452 = arith.addi %add3A_449, %add3A_451 : vector<16xi32>
        %gather3A_453 = tpu.vector_load_idx %arg7[%add3A_452] : memref<98304xi32, #tpu.memory_space<vmem>>[vector<16xi32>], vector<16xi32>,
        %add3A_454 = arith.addi %add3A_431, %gather3A_453 : vector<16xi32>
        %add3A_455 = arith.constant 4096 : i32
        %add3A_456 = vector.broadcast %add3A_455 : i32 to vector<16xi32>
        %add3A_457 = arith.addi %add3A_452, %add3A_456 : vector<16xi32>
        %gather3A_458 = tpu.vector_load_idx %arg7[%add3A_457] : memref<98304xi32, #tpu.memory_space<vmem>>[vector<16xi32>], vector<16xi32>,
        %add3A_459 = arith.addi %add3A_436, %gather3A_458 : vector<16xi32>
        %add3A_460 = arith.constant -515 : i32
        %add3A_461 = arith.addi %add3A_290, %add3A_460 : i32
        %get3A_462 = arith.index_cast %add3A_461 : i32 to index
        %get3A_463 = tpu.vector_load %arg6[%get3A_462] {strides = array<i32>} : memref<10320xi32, #tpu.memory_space<vmem>>, vector<16xi32>,
        %shift_left3A_464 = arith.constant 4 : i32
        %shift_left3A_465 = vector.broadcast %shift_left3A_464 : i32 to vector<16xi32>
        %shift_left3A_466 = arith.shli %get3A_463, %shift_left3A_465 : vector<16xi32>
        %add3A_467 = arith.constant -1030 : i32
        %add3A_468 = arith.addi %add3A_290, %add3A_467 : i32
        %get3A_469 = arith.index_cast %add3A_468 : i32 to index
        %get3A_470 = tpu.vector_load %arg6[%get3A_469] {strides = array<i32>} : memref<10320xi32, #tpu.memory_space<vmem>>, vector<16xi32>,
        %add3A_471 = arith.addi %shift_left3A_295, %shift_left3A_466 : vector<16xi32>
        %add3A_472 = arith.addi %add3A_471, %get3A_470 : vector<16xi32>
        %add3A_473 = arith.constant 57344 : i32
        %add3A_474 = vector.broadcast %add3A_473 : i32 to vector<16xi32>
        %add3A_475 = arith.addi %add3A_472, %add3A_474 : vector<16xi32>
        %gather3A_476 = tpu.vector_load_idx %arg7[%add3A_475] : memref<98304xi32, #tpu.memory_space<vmem>>[vector<16xi32>], vector<16xi32>,
        %add3A_477 = arith.addi %add3A_454, %gather3A_476 : vector<16xi32>
        %add3A_478 = arith.constant 4096 : i32
        %add3A_479 = vector.broadcast %add3A_478 : i32 to vector<16xi32>
        %add3A_480 = arith.addi %add3A_475, %add3A_479 : vector<16xi32>
        %gather3A_481 = tpu.vector_load_idx %arg7[%add3A_480] : memref<98304xi32, #tpu.memory_space<vmem>>[vector<16xi32>], vector<16xi32>,
        %add3A_482 = arith.addi %add3A_459, %gather3A_481 : vector<16xi32>
        %add3A_483 = arith.constant 518 : i32
        %add3A_484 = arith.addi %add3A_290, %add3A_483 : i32
        %get3A_485 = arith.index_cast %add3A_484 : i32 to index
        %get3A_486 = tpu.vector_load %arg6[%get3A_485] {strides = array<i32>} : memref<10320xi32, #tpu.memory_space<vmem>>, vector<16xi32>,
        %shift_left3A_487 = arith.constant 4 : i32
        %shift_left3A_488 = vector.broadcast %shift_left3A_487 : i32 to vector<16xi32>
        %shift_left3A_489 = arith.shli %get3A_486, %shift_left3A_488 : vector<16xi32>
        %add3A_490 = arith.constant 1033 : i32
        %add3A_491 = arith.addi %add3A_290, %add3A_490 : i32
        %get3A_492 = arith.index_cast %add3A_491 : i32 to index
        %get3A_493 = tpu.vector_load %arg6[%get3A_492] {strides = array<i32>} : memref<10320xi32, #tpu.memory_space<vmem>>, vector<16xi32>,
        %add3A_494 = arith.addi %shift_left3A_295, %shift_left3A_489 : vector<16xi32>
        %add3A_495 = arith.addi %add3A_494, %get3A_493 : vector<16xi32>
        %add3A_496 = arith.constant 65536 : i32
        %add3A_497 = vector.broadcast %add3A_496 : i32 to vector<16xi32>
        %add3A_498 = arith.addi %add3A_495, %add3A_497 : vector<16xi32>
        %gather3A_499 = tpu.vector_load_idx %arg7[%add3A_498] : memref<98304xi32, #tpu.memory_space<vmem>>[vector<16xi32>], vector<16xi32>,
        %add3A_500 = arith.addi %add3A_477, %gather3A_499 : vector<16xi32>
        %add3A_501 = arith.constant 4096 : i32
        %add3A_502 = vector.broadcast %add3A_501 : i32 to vector<16xi32>
        %add3A_503 = arith.addi %add3A_498, %add3A_502 : vector<16xi32>
        %gather3A_504 = tpu.vector_load_idx %arg7[%add3A_503] : memref<98304xi32, #tpu.memory_space<vmem>>[vector<16xi32>], vector<16xi32>,
        %add3A_505 = arith.addi %add3A_482, %gather3A_504 : vector<16xi32>
        %add3A_506 = arith.constant 1031 : i32
        %add3A_507 = arith.addi %add3A_290, %add3A_506 : i32
        %get3A_508 = arith.index_cast %add3A_507 : i32 to index
        %get3A_509 = tpu.vector_load %arg6[%get3A_508] {strides = array<i32>} : memref<10320xi32, #tpu.memory_space<vmem>>, vector<16xi32>,
        %shift_left3A_510 = arith.constant 4 : i32
        %shift_left3A_511 = vector.broadcast %shift_left3A_510 : i32 to vector<16xi32>
        %shift_left3A_512 = arith.shli %get3A_509, %shift_left3A_511 : vector<16xi32>
        %add3A_513 = arith.constant 514 : i32
        %add3A_514 = arith.addi %add3A_290, %add3A_513 : i32
        %get3A_515 = arith.index_cast %add3A_514 : i32 to index
        %get3A_516 = tpu.vector_load %arg6[%get3A_515] {strides = array<i32>} : memref<10320xi32, #tpu.memory_space<vmem>>, vector<16xi32>,
        %add3A_517 = arith.addi %shift_left3A_295, %shift_left3A_512 : vector<16xi32>
        %add3A_518 = arith.addi %add3A_517, %get3A_516 : vector<16xi32>
        %add3A_519 = arith.constant 73728 : i32
        %add3A_520 = vector.broadcast %add3A_519 : i32 to vector<16xi32>
        %add3A_521 = arith.addi %add3A_518, %add3A_520 : vector<16xi32>
        %gather3A_522 = tpu.vector_load_idx %arg7[%add3A_521] : memref<98304xi32, #tpu.memory_space<vmem>>[vector<16xi32>], vector<16xi32>,
        %add3A_523 = arith.addi %add3A_500, %gather3A_522 : vector<16xi32>
        %add3A_524 = arith.constant 4096 : i32
        %add3A_525 = vector.broadcast %add3A_524 : i32 to vector<16xi32>
        %add3A_526 = arith.addi %add3A_521, %add3A_525 : vector<16xi32>
        %gather3A_527 = tpu.vector_load_idx %arg7[%add3A_526] : memref<98304xi32, #tpu.memory_space<vmem>>[vector<16xi32>], vector<16xi32>,
        %add3A_528 = arith.addi %add3A_505, %gather3A_527 : vector<16xi32>
        %add3A_529 = arith.constant -518 : i32
        %add3A_530 = arith.addi %add3A_290, %add3A_529 : i32
        %get3A_531 = arith.index_cast %add3A_530 : i32 to index
        %get3A_532 = tpu.vector_load %arg6[%get3A_531] {strides = array<i32>} : memref<10320xi32, #tpu.memory_space<vmem>>, vector<16xi32>,
        %shift_left3A_533 = arith.constant 4 : i32
        %shift_left3A_534 = vector.broadcast %shift_left3A_533 : i32 to vector<16xi32>
        %shift_left3A_535 = arith.shli %get3A_532, %shift_left3A_534 : vector<16xi32>
        %add3A_536 = arith.constant -1033 : i32
        %add3A_537 = arith.addi %add3A_290, %add3A_536 : i32
        %get3A_538 = arith.index_cast %add3A_537 : i32 to index
        %get3A_539 = tpu.vector_load %arg6[%get3A_538] {strides = array<i32>} : memref<10320xi32, #tpu.memory_space<vmem>>, vector<16xi32>,
        %add3A_540 = arith.addi %shift_left3A_295, %shift_left3A_535 : vector<16xi32>
        %add3A_541 = arith.addi %add3A_540, %get3A_539 : vector<16xi32>
        %add3A_542 = arith.constant 81920 : i32
        %add3A_543 = vector.broadcast %add3A_542 : i32 to vector<16xi32>
        %add3A_544 = arith.addi %add3A_541, %add3A_543 : vector<16xi32>
        %gather3A_545 = tpu.vector_load_idx %arg7[%add3A_544] : memref<98304xi32, #tpu.memory_space<vmem>>[vector<16xi32>], vector<16xi32>,
        %add3A_546 = arith.addi %add3A_523, %gather3A_545 : vector<16xi32>
        %add3A_547 = arith.constant 4096 : i32
        %add3A_548 = vector.broadcast %add3A_547 : i32 to vector<16xi32>
        %add3A_549 = arith.addi %add3A_544, %add3A_548 : vector<16xi32>
        %gather3A_550 = tpu.vector_load_idx %arg7[%add3A_549] : memref<98304xi32, #tpu.memory_space<vmem>>[vector<16xi32>], vector<16xi32>,
        %add3A_551 = arith.addi %add3A_528, %gather3A_550 : vector<16xi32>
        %add3A_552 = arith.constant -1031 : i32
        %add3A_553 = arith.addi %add3A_290, %add3A_552 : i32
        %get3A_554 = arith.index_cast %add3A_553 : i32 to index
        %get3A_555 = tpu.vector_load %arg6[%get3A_554] {strides = array<i32>} : memref<10320xi32, #tpu.memory_space<vmem>>, vector<16xi32>,
        %shift_left3A_556 = arith.constant 4 : i32
        %shift_left3A_557 = vector.broadcast %shift_left3A_556 : i32 to vector<16xi32>
        %shift_left3A_558 = arith.shli %get3A_555, %shift_left3A_557 : vector<16xi32>
        %add3A_559 = arith.constant -514 : i32
        %add3A_560 = arith.addi %add3A_290, %add3A_559 : i32
        %get3A_561 = arith.index_cast %add3A_560 : i32 to index
        %get3A_562 = tpu.vector_load %arg6[%get3A_561] {strides = array<i32>} : memref<10320xi32, #tpu.memory_space<vmem>>, vector<16xi32>,
        %add3A_563 = arith.addi %shift_left3A_295, %shift_left3A_558 : vector<16xi32>
        %add3A_564 = arith.addi %add3A_563, %get3A_562 : vector<16xi32>
        %add3A_565 = arith.constant 90112 : i32
        %add3A_566 = vector.broadcast %add3A_565 : i32 to vector<16xi32>
        %add3A_567 = arith.addi %add3A_564, %add3A_566 : vector<16xi32>
        %gather3A_568 = tpu.vector_load_idx %arg7[%add3A_567] : memref<98304xi32, #tpu.memory_space<vmem>>[vector<16xi32>], vector<16xi32>,
        %add3A_569 = arith.addi %add3A_546, %gather3A_568 : vector<16xi32>
        %add3A_570 = arith.constant 4096 : i32
        %add3A_571 = vector.broadcast %add3A_570 : i32 to vector<16xi32>
        %add3A_572 = arith.addi %add3A_567, %add3A_571 : vector<16xi32>
        %gather3A_573 = tpu.vector_load_idx %arg7[%add3A_572] : memref<98304xi32, #tpu.memory_space<vmem>>[vector<16xi32>], vector<16xi32>,
        %add3A_574 = arith.addi %add3A_551, %gather3A_573 : vector<16xi32>
        %broadcast_in_dim3A_575 = arith.constant 0 : i32
        %broadcast_in_dim3A_576 = vector.broadcast %broadcast_in_dim3A_575 : i32 to vector<16xi32>
        %mul3A_577 = arith.constant 2 : i32
        %mul3A_578 = arith.muli %mul3A_577, %scan3A_273 : i32
        %add3A_579 = vector.broadcast %mul3A_578 : i32 to vector<16xi32>
        %add3A_580 = arith.addi %broadcast_in_dim3A_576, %add3A_579 : vector<16xi32>
        %mul3A_581 = arith.constant 2 : i32
        %mul3A_582 = arith.muli %mul3A_581, %mul3A_283 : i32
        %add3A_583 = vector.broadcast %mul3A_582 : i32 to vector<16xi32>
        %add3A_584 = arith.addi %add3A_583, %mul3A_114 : vector<16xi32>
        %and3A = arith.constant 65535 : i32
        %and3A_585 = vector.broadcast %and3A : i32 to vector<16xi32>
        %and3A_586 = arith.andi %add3A_569, %and3A_585 : vector<16xi32>
        %convert_element_type3A = arith.sitofp %and3A_586 : vector<16xi32> to vector<16xf32>
        %sub3A_587 = vector.broadcast %scan3A_116 : f32 to vector<16xf32>
        %sub3A_588 = arith.subf %convert_element_type3A, %sub3A_587 : vector<16xf32>
        %mul3A_589 = vector.broadcast %scan3A_117 : f32 to vector<16xf32>
        %mul3A_590 = arith.mulf %sub3A_588, %mul3A_589 : vector<16xf32>
        tpu.vector_store_idx %arg8[%add3A_580, %add3A_584], %mul3A_590 : memref<4x1024xf32, #tpu.memory_space<vmem>>[vector<16xi32>, vector<16xi32>], vector<16xf32>,
        %add3A_591 = arith.constant 1 : i32
        %add3A_592 = vector.broadcast %add3A_591 : i32 to vector<16xi32>
        %add3A_593 = arith.addi %add3A_584, %add3A_592 : vector<16xi32>
        %shift_right_logical3A = arith.constant 16 : i32
        %shift_right_logical3A_594 = vector.broadcast %shift_right_logical3A : i32 to vector<16xi32>
        %shift_right_logical3A_595 = arith.shrui %add3A_569, %shift_right_logical3A_594 : vector<16xi32>
        %convert_element_type3A_596 = arith.sitofp %shift_right_logical3A_595 : vector<16xi32> to vector<16xf32>
        %sub3A_597 = vector.broadcast %scan3A_116 : f32 to vector<16xf32>
        %sub3A_598 = arith.subf %convert_element_type3A_596, %sub3A_597 : vector<16xf32>
        %mul3A_599 = vector.broadcast %scan3A_117 : f32 to vector<16xf32>
        %mul3A_600 = arith.mulf %sub3A_598, %mul3A_599 : vector<16xf32>
        tpu.vector_store_idx %arg8[%add3A_580, %add3A_593], %mul3A_600 : memref<4x1024xf32, #tpu.memory_space<vmem>>[vector<16xi32>, vector<16xi32>], vector<16xf32>,
        %add3A_601 = arith.constant 1 : i32
        %add3A_602 = vector.broadcast %add3A_601 : i32 to vector<16xi32>
        %add3A_603 = arith.addi %add3A_580, %add3A_602 : vector<16xi32>
        %and3A_604 = arith.constant 65535 : i32
        %and3A_605 = vector.broadcast %and3A_604 : i32 to vector<16xi32>
        %and3A_606 = arith.andi %add3A_574, %and3A_605 : vector<16xi32>
        %convert_element_type3A_607 = arith.sitofp %and3A_606 : vector<16xi32> to vector<16xf32>
        %sub3A_608 = vector.broadcast %scan3A_116 : f32 to vector<16xf32>
        %sub3A_609 = arith.subf %convert_element_type3A_607, %sub3A_608 : vector<16xf32>
        %mul3A_610 = vector.broadcast %scan3A_117 : f32 to vector<16xf32>
        %mul3A_611 = arith.mulf %sub3A_609, %mul3A_610 : vector<16xf32>
        tpu.vector_store_idx %arg8[%add3A_603, %add3A_584], %mul3A_611 : memref<4x1024xf32, #tpu.memory_space<vmem>>[vector<16xi32>, vector<16xi32>], vector<16xf32>,
        %add3A_612 = arith.constant 1 : i32
        %add3A_613 = vector.broadcast %add3A_612 : i32 to vector<16xi32>
        %add3A_614 = arith.addi %add3A_580, %add3A_613 : vector<16xi32>
        %add3A_615 = arith.constant 1 : i32
        %add3A_616 = vector.broadcast %add3A_615 : i32 to vector<16xi32>
        %add3A_617 = arith.addi %add3A_584, %add3A_616 : vector<16xi32>
        %shift_right_logical3A_618 = arith.constant 16 : i32
        %shift_right_logical3A_619 = vector.broadcast %shift_right_logical3A_618 : i32 to vector<16xi32>
        %shift_right_logical3A_620 = arith.shrui %add3A_574, %shift_right_logical3A_619 : vector<16xi32>
        %convert_element_type3A_621 = arith.sitofp %shift_right_logical3A_620 : vector<16xi32> to vector<16xf32>
        %sub3A_622 = vector.broadcast %scan3A_116 : f32 to vector<16xf32>
        %sub3A_623 = arith.subf %convert_element_type3A_621, %sub3A_622 : vector<16xf32>
        %mul3A_624 = vector.broadcast %scan3A_117 : f32 to vector<16xf32>
        %mul3A_625 = arith.mulf %sub3A_623, %mul3A_624 : vector<16xf32>
        tpu.vector_store_idx %arg8[%add3A_614, %add3A_617], %mul3A_625 : memref<4x1024xf32, #tpu.memory_space<vmem>>[vector<16xi32>, vector<16xi32>], vector<16xf32>,
      }
      %scan3A_280 = arith.constant 32 : i32
    }
    %scan3A_122 = arith.constant 2 : i32
    %mul3A_123 = arith.constant 32 : i32
    %mul3A_124 = arith.muli %add3A, %mul3A_123 : i32
    %add3A_125 = arith.constant 0 : i32
    %add3A_126 = arith.addi %mul3A_124, %add3A_125 : i32
    %dma_start3A = arith.constant 0 : i32
    %dma_start3A_127 = tpu.memref_slice %arg4[%add3A_126, %dma_start3A] : memref<1024x1024xf32, #tpu.memory_space<hbm>> -> memref<4x1024xf32, #tpu.memory_space<hbm>>
    %dma_start3A_128 = arith.constant 0 : i32
    %dma_start3A_129 = tpu.memref_slice %arg4[%add3A_126, %dma_start3A_128] : memref<1024x1024xf32, #tpu.memory_space<hbm>> -> memref<4x1024xf32, #tpu.memory_space<hbm>>
    tpu.enqueue_dma source(%arg8 : memref<4x1024xf32, #tpu.memory_space<vmem>>) target(%dma_start3A_129 : memref<4x1024xf32, #tpu.memory_space<hbm>>) target_semaphore(%arg11 : memref<!tpu.dma_semaphore, #tpu.memory_space<semaphore_mem>>)
    %scan3A_130 = arith.constant 0 : i32
    %scan3A_131 = arith.constant 2.457600e+04 : f32
    %scan3A_132 = arith.constant 0.333333343 : f32
    %scan3A_133 = arith.constant 0 : i32
    %scan3A_134 = arith.constant 2 : i32
    %scan3A_135 = arith.addi %scan3A_133, %scan3A_134 : i32
    %scan3A_136 = arith.constant 1 : i32
    scf.for %scan3A_273 = %scan3A_133 to %scan3A_135 step %scan3A_136  : i32 {
      %add3A_274 = arith.constant 2 : i32
      %add3A_275 = arith.addi %add3A_274, %scan3A_273 : i32
      %scan3A_276 = arith.constant 0 : i32
      %scan3A_277 = arith.constant 32 : i32
      %scan3A_278 = arith.addi %scan3A_276, %scan3A_277 : i32
      %scan3A_279 = arith.constant 1 : i32
      scf.for %scan3A_281 = %scan3A_276 to %scan3A_278 step %scan3A_279  : i32 {
        %mul3A_282 = arith.constant 16 : i32
        %mul3A_283 = arith.muli %scan3A_281, %mul3A_282 : i32
        %add3A_284 = arith.constant 2 : i32
        %add3A_285 = arith.addi %add3A_275, %add3A_284 : i32
        %mul3A_286 = arith.constant 516 : i32
        %mul3A_287 = arith.muli %add3A_285, %mul3A_286 : i32
        %add3A_288 = arith.addi %mul3A_287, %mul3A_283 : i32
        %add3A_289 = arith.constant 2 : i32
        %add3A_290 = arith.addi %add3A_288, %add3A_289 : i32
        %add3A_291 = arith.constant 0 : i32
        %add3A_292 = arith.addi %add3A_290, %add3A_291 : i32
        %get3A = arith.index_cast %add3A_292 : i32 to index
        %get3A_293 = tpu.vector_load %arg6[%get3A] {strides = array<i32>} : memref<10320xi32, #tpu.memory_space<vmem>>, vector<16xi32>,
        %shift_left3A = arith.constant 8 : i32
        %shift_left3A_294 = vector.broadcast %shift_left3A : i32 to vector<16xi32>
        %shift_left3A_295 = arith.shli %get3A_293, %shift_left3A_294 : vector<16xi32>
        %broadcast_in_dim3A = arith.constant 0 : i32
        %broadcast_in_dim3A_296 = vector.broadcast %broadcast_in_dim3A : i32 to vector<16xi32>
        %broadcast_in_dim3A_297 = arith.constant 0 : i32
        %broadcast_in_dim3A_298 = vector.broadcast %broadcast_in_dim3A_297 : i32 to vector<16xi32>
        %add3A_299 = arith.constant 1 : i32
        %add3A_300 = arith.addi %add3A_290, %add3A_299 : i32
        %get3A_301 = arith.index_cast %add3A_300 : i32 to index
        %get3A_302 = tpu.vector_load %arg6[%get3A_301] {strides = array<i32>} : memref<10320xi32, #tpu.memory_space<vmem>>, vector<16xi32>,
        %shift_left3A_303 = arith.constant 4 : i32
        %shift_left3A_304 = vector.broadcast %shift_left3A_303 : i32 to vector<16xi32>
        %shift_left3A_305 = arith.shli %get3A_302, %shift_left3A_304 : vector<16xi32>
        %add3A_306 = arith.constant 2 : i32
        %add3A_307 = arith.addi %add3A_290, %add3A_306 : i32
        %get3A_308 = arith.index_cast %add3A_307 : i32 to index
        %get3A_309 = tpu.vector_load %arg6[%get3A_308] {strides = array<i32>} : memref<10320xi32, #tpu.memory_space<vmem>>, vector<16xi32>,
        %add3A_310 = arith.addi %shift_left3A_295, %shift_left3A_305 : vector<16xi32>
        %add3A_311 = arith.addi %add3A_310, %get3A_309 : vector<16xi32>
        %add3A_312 = arith.constant 0 : i32
        %add3A_313 = vector.broadcast %add3A_312 : i32 to vector<16xi32>
        %add3A_314 = arith.addi %add3A_311, %add3A_313 : vector<16xi32>
        %gather3A_315 = tpu.vector_load_idx %arg7[%add3A_314] : memref<98304xi32, #tpu.memory_space<vmem>>[vector<16xi32>], vector<16xi32>,
        %add3A_316 = arith.addi %broadcast_in_dim3A_296, %gather3A_315 : vector<16xi32>
        %add3A_317 = arith.constant 4096 : i32
        %add3A_318 = vector.broadcast %add3A_317 : i32 to vector<16xi32>
        %add3A_319 = arith.addi %add3A_314, %add3A_318 : vector<16xi32>
        %gather3A_320 = tpu.vector_load_idx %arg7[%add3A_319] : memref<98304xi32, #tpu.memory_space<vmem>>[vector<16xi32>], vector<16xi32>,
        %add3A_321 = arith.addi %broadcast_in_dim3A_298, %gather3A_320 : vector<16xi32>
        %add3A_322 = arith.constant 516 : i32
        %add3A_323 = arith.addi %add3A_290, %add3A_322 : i32
        %get3A_324 = arith.index_cast %add3A_323 : i32 to index
        %get3A_325 = tpu.vector_load %arg6[%get3A_324] {strides = array<i32>} : memref<10320xi32, #tpu.memory_space<vmem>>, vector<16xi32>,
        %shift_left3A_326 = arith.constant 4 : i32
        %shift_left3A_327 = vector.broadcast %shift_left3A_326 : i32 to vector<16xi32>
        %shift_left3A_328 = arith.shli %get3A_325, %shift_left3A_327 : vector<16xi32>
        %add3A_329 = arith.constant 1032 : i32
        %add3A_330 = arith.addi %add3A_290, %add3A_329 : i32
        %get3A_331 = arith.index_cast %add3A_330 : i32 to index
        %get3A_332 = tpu.vector_load %arg6[%get3A_331] {strides = array<i32>} : memref<10320xi32, #tpu.memory_space<vmem>>, vector<16xi32>,
        %add3A_333 = arith.addi %shift_left3A_295, %shift_left3A_328 : vector<16xi32>
        %add3A_334 = arith.addi %add3A_333, %get3A_332 : vector<16xi32>
        %add3A_335 = arith.constant 8192 : i32
        %add3A_336 = vector.broadcast %add3A_335 : i32 to vector<16xi32>
        %add3A_337 = arith.addi %add3A_334, %add3A_336 : vector<16xi32>
        %gather3A_338 = tpu.vector_load_idx %arg7[%add3A_337] : memref<98304xi32, #tpu.memory_space<vmem>>[vector<16xi32>], vector<16xi32>,
        %add3A_339 = arith.addi %add3A_316, %gather3A_338 : vector<16xi32>
        %add3A_340 = arith.constant 4096 : i32
        %add3A_341 = vector.broadcast %add3A_340 : i32 to vector<16xi32>
        %add3A_342 = arith.addi %add3A_337, %add3A_341 : vector<16xi32>
        %gather3A_343 = tpu.vector_load_idx %arg7[%add3A_342] : memref<98304xi32, #tpu.memory_space<vmem>>[vector<16xi32>], vector<16xi32>,
        %add3A_344 = arith.addi %add3A_321, %gather3A_343 : vector<16xi32>
        %add3A_345 = arith.constant -1 : i32
        %add3A_346 = arith.addi %add3A_290, %add3A_345 : i32
        %get3A_347 = arith.index_cast %add3A_346 : i32 to index
        %get3A_348 = tpu.vector_load %arg6[%get3A_347] {strides = array<i32>} : memref<10320xi32, #tpu.memory_space<vmem>>, vector<16xi32>,
        %shift_left3A_349 = arith.constant 4 : i32
        %shift_left3A_350 = vector.broadcast %shift_left3A_349 : i32 to vector<16xi32>
        %shift_left3A_351 = arith.shli %get3A_348, %shift_left3A_350 : vector<16xi32>
        %add3A_352 = arith.constant -2 : i32
        %add3A_353 = arith.addi %add3A_290, %add3A_352 : i32
        %get3A_354 = arith.index_cast %add3A_353 : i32 to index
        %get3A_355 = tpu.vector_load %arg6[%get3A_354] {strides = array<i32>} : memref<10320xi32, #tpu.memory_space<vmem>>, vector<16xi32>,
        %add3A_356 = arith.addi %shift_left3A_295, %shift_left3A_351 : vector<16xi32>
        %add3A_357 = arith.addi %add3A_356, %get3A_355 : vector<16xi32>
        %add3A_358 = arith.constant 16384 : i32
        %add3A_359 = vector.broadcast %add3A_358 : i32 to vector<16xi32>
        %add3A_360 = arith.addi %add3A_357, %add3A_359 : vector<16xi32>
        %gather3A_361 = tpu.vector_load_idx %arg7[%add3A_360] : memref<98304xi32, #tpu.memory_space<vmem>>[vector<16xi32>], vector<16xi32>,
        %add3A_362 = arith.addi %add3A_339, %gather3A_361 : vector<16xi32>
        %add3A_363 = arith.constant 4096 : i32
        %add3A_364 = vector.broadcast %add3A_363 : i32 to vector<16xi32>
        %add3A_365 = arith.addi %add3A_360, %add3A_364 : vector<16xi32>
        %gather3A_366 = tpu.vector_load_idx %arg7[%add3A_365] : memref<98304xi32, #tpu.memory_space<vmem>>[vector<16xi32>], vector<16xi32>,
        %add3A_367 = arith.addi %add3A_344, %gather3A_366 : vector<16xi32>
        %add3A_368 = arith.constant -516 : i32
        %add3A_369 = arith.addi %add3A_290, %add3A_368 : i32
        %get3A_370 = arith.index_cast %add3A_369 : i32 to index
        %get3A_371 = tpu.vector_load %arg6[%get3A_370] {strides = array<i32>} : memref<10320xi32, #tpu.memory_space<vmem>>, vector<16xi32>,
        %shift_left3A_372 = arith.constant 4 : i32
        %shift_left3A_373 = vector.broadcast %shift_left3A_372 : i32 to vector<16xi32>
        %shift_left3A_374 = arith.shli %get3A_371, %shift_left3A_373 : vector<16xi32>
        %add3A_375 = arith.constant -1032 : i32
        %add3A_376 = arith.addi %add3A_290, %add3A_375 : i32
        %get3A_377 = arith.index_cast %add3A_376 : i32 to index
        %get3A_378 = tpu.vector_load %arg6[%get3A_377] {strides = array<i32>} : memref<10320xi32, #tpu.memory_space<vmem>>, vector<16xi32>,
        %add3A_379 = arith.addi %shift_left3A_295, %shift_left3A_374 : vector<16xi32>
        %add3A_380 = arith.addi %add3A_379, %get3A_378 : vector<16xi32>
        %add3A_381 = arith.constant 24576 : i32
        %add3A_382 = vector.broadcast %add3A_381 : i32 to vector<16xi32>
        %add3A_383 = arith.addi %add3A_380, %add3A_382 : vector<16xi32>
        %gather3A_384 = tpu.vector_load_idx %arg7[%add3A_383] : memref<98304xi32, #tpu.memory_space<vmem>>[vector<16xi32>], vector<16xi32>,
        %add3A_385 = arith.addi %add3A_362, %gather3A_384 : vector<16xi32>
        %add3A_386 = arith.constant 4096 : i32
        %add3A_387 = vector.broadcast %add3A_386 : i32 to vector<16xi32>
        %add3A_388 = arith.addi %add3A_383, %add3A_387 : vector<16xi32>
        %gather3A_389 = tpu.vector_load_idx %arg7[%add3A_388] : memref<98304xi32, #tpu.memory_space<vmem>>[vector<16xi32>], vector<16xi32>,
        %add3A_390 = arith.addi %add3A_367, %gather3A_389 : vector<16xi32>
        %add3A_391 = arith.constant 517 : i32
        %add3A_392 = arith.addi %add3A_290, %add3A_391 : i32
        %get3A_393 = arith.index_cast %add3A_392 : i32 to index
        %get3A_394 = tpu.vector_load %arg6[%get3A_393] {strides = array<i32>} : memref<10320xi32, #tpu.memory_space<vmem>>, vector<16xi32>,
        %shift_left3A_395 = arith.constant 4 : i32
        %shift_left3A_396 = vector.broadcast %shift_left3A_395 : i32 to vector<16xi32>
        %shift_left3A_397 = arith.shli %get3A_394, %shift_left3A_396 : vector<16xi32>
        %add3A_398 = arith.constant 1034 : i32
        %add3A_399 = arith.addi %add3A_290, %add3A_398 : i32
        %get3A_400 = arith.index_cast %add3A_399 : i32 to index
        %get3A_401 = tpu.vector_load %arg6[%get3A_400] {strides = array<i32>} : memref<10320xi32, #tpu.memory_space<vmem>>, vector<16xi32>,
        %add3A_402 = arith.addi %shift_left3A_295, %shift_left3A_397 : vector<16xi32>
        %add3A_403 = arith.addi %add3A_402, %get3A_401 : vector<16xi32>
        %add3A_404 = arith.constant 32768 : i32
        %add3A_405 = vector.broadcast %add3A_404 : i32 to vector<16xi32>
        %add3A_406 = arith.addi %add3A_403, %add3A_405 : vector<16xi32>
        %gather3A_407 = tpu.vector_load_idx %arg7[%add3A_406] : memref<98304xi32, #tpu.memory_space<vmem>>[vector<16xi32>], vector<16xi32>,
        %add3A_408 = arith.addi %add3A_385, %gather3A_407 : vector<16xi32>
        %add3A_409 = arith.constant 4096 : i32
        %add3A_410 = vector.broadcast %add3A_409 : i32 to vector<16xi32>
        %add3A_411 = arith.addi %add3A_406, %add3A_410 : vector<16xi32>
        %gather3A_412 = tpu.vector_load_idx %arg7[%add3A_411] : memref<98304xi32, #tpu.memory_space<vmem>>[vector<16xi32>], vector<16xi32>,
        %add3A_413 = arith.addi %add3A_390, %gather3A_412 : vector<16xi32>
        %add3A_414 = arith.constant 515 : i32
        %add3A_415 = arith.addi %add3A_290, %add3A_414 : i32
        %get3A_416 = arith.index_cast %add3A_415 : i32 to index
        %get3A_417 = tpu.vector_load %arg6[%get3A_416] {strides = array<i32>} : memref<10320xi32, #tpu.memory_space<vmem>>, vector<16xi32>,
        %shift_left3A_418 = arith.constant 4 : i32
        %shift_left3A_419 = vector.broadcast %shift_left3A_418 : i32 to vector<16xi32>
        %shift_left3A_420 = arith.shli %get3A_417, %shift_left3A_419 : vector<16xi32>
        %add3A_421 = arith.constant 1030 : i32
        %add3A_422 = arith.addi %add3A_290, %add3A_421 : i32
        %get3A_423 = arith.index_cast %add3A_422 : i32 to index
        %get3A_424 = tpu.vector_load %arg6[%get3A_423] {strides = array<i32>} : memref<10320xi32, #tpu.memory_space<vmem>>, vector<16xi32>,
        %add3A_425 = arith.addi %shift_left3A_295, %shift_left3A_420 : vector<16xi32>
        %add3A_426 = arith.addi %add3A_425, %get3A_424 : vector<16xi32>
        %add3A_427 = arith.constant 40960 : i32
        %add3A_428 = vector.broadcast %add3A_427 : i32 to vector<16xi32>
        %add3A_429 = arith.addi %add3A_426, %add3A_428 : vector<16xi32>
        %gather3A_430 = tpu.vector_load_idx %arg7[%add3A_429] : memref<98304xi32, #tpu.memory_space<vmem>>[vector<16xi32>], vector<16xi32>,
        %add3A_431 = arith.addi %add3A_408, %gather3A_430 : vector<16xi32>
        %add3A_432 = arith.constant 4096 : i32
        %add3A_433 = vector.broadcast %add3A_432 : i32 to vector<16xi32>
        %add3A_434 = arith.addi %add3A_429, %add3A_433 : vector<16xi32>
        %gather3A_435 = tpu.vector_load_idx %arg7[%add3A_434] : memref<98304xi32, #tpu.memory_space<vmem>>[vector<16xi32>], vector<16xi32>,
        %add3A_436 = arith.addi %add3A_413, %gather3A_435 : vector<16xi32>
        %add3A_437 = arith.constant -517 : i32
        %add3A_438 = arith.addi %add3A_290, %add3A_437 : i32
        %get3A_439 = arith.index_cast %add3A_438 : i32 to index
        %get3A_440 = tpu.vector_load %arg6[%get3A_439] {strides = array<i32>} : memref<10320xi32, #tpu.memory_space<vmem>>, vector<16xi32>,
        %shift_left3A_441 = arith.constant 4 : i32
        %shift_left3A_442 = vector.broadcast %shift_left3A_441 : i32 to vector<16xi32>
        %shift_left3A_443 = arith.shli %get3A_440, %shift_left3A_442 : vector<16xi32>
        %add3A_444 = arith.constant -1034 : i32
        %add3A_445 = arith.addi %add3A_290, %add3A_444 : i32
        %get3A_446 = arith.index_cast %add3A_445 : i32 to index
        %get3A_447 = tpu.vector_load %arg6[%get3A_446] {strides = array<i32>} : memref<10320xi32, #tpu.memory_space<vmem>>, vector<16xi32>,
        %add3A_448 = arith.addi %shift_left3A_295, %shift_left3A_443 : vector<16xi32>
        %add3A_449 = arith.addi %add3A_448, %get3A_447 : vector<16xi32>
        %add3A_450 = arith.constant 49152 : i32
        %add3A_451 = vector.broadcast %add3A_450 : i32 to vector<16xi32>
        %add3A_452 = arith.addi %add3A_449, %add3A_451 : vector<16xi32>
        %gather3A_453 = tpu.vector_load_idx %arg7[%add3A_452] : memref<98304xi32, #tpu.memory_space<vmem>>[vector<16xi32>], vector<16xi32>,
        %add3A_454 = arith.addi %add3A_431, %gather3A_453 : vector<16xi32>
        %add3A_455 = arith.constant 4096 : i32
        %add3A_456 = vector.broadcast %add3A_455 : i32 to vector<16xi32>
        %add3A_457 = arith.addi %add3A_452, %add3A_456 : vector<16xi32>
        %gather3A_458 = tpu.vector_load_idx %arg7[%add3A_457] : memref<98304xi32, #tpu.memory_space<vmem>>[vector<16xi32>], vector<16xi32>,
        %add3A_459 = arith.addi %add3A_436, %gather3A_458 : vector<16xi32>
        %add3A_460 = arith.constant -515 : i32
        %add3A_461 = arith.addi %add3A_290, %add3A_460 : i32
        %get3A_462 = arith.index_cast %add3A_461 : i32 to index
        %get3A_463 = tpu.vector_load %arg6[%get3A_462] {strides = array<i32>} : memref<10320xi32, #tpu.memory_space<vmem>>, vector<16xi32>,
        %shift_left3A_464 = arith.constant 4 : i32
        %shift_left3A_465 = vector.broadcast %shift_left3A_464 : i32 to vector<16xi32>
        %shift_left3A_466 = arith.shli %get3A_463, %shift_left3A_465 : vector<16xi32>
        %add3A_467 = arith.constant -1030 : i32
        %add3A_468 = arith.addi %add3A_290, %add3A_467 : i32
        %get3A_469 = arith.index_cast %add3A_468 : i32 to index
        %get3A_470 = tpu.vector_load %arg6[%get3A_469] {strides = array<i32>} : memref<10320xi32, #tpu.memory_space<vmem>>, vector<16xi32>,
        %add3A_471 = arith.addi %shift_left3A_295, %shift_left3A_466 : vector<16xi32>
        %add3A_472 = arith.addi %add3A_471, %get3A_470 : vector<16xi32>
        %add3A_473 = arith.constant 57344 : i32
        %add3A_474 = vector.broadcast %add3A_473 : i32 to vector<16xi32>
        %add3A_475 = arith.addi %add3A_472, %add3A_474 : vector<16xi32>
        %gather3A_476 = tpu.vector_load_idx %arg7[%add3A_475] : memref<98304xi32, #tpu.memory_space<vmem>>[vector<16xi32>], vector<16xi32>,
        %add3A_477 = arith.addi %add3A_454, %gather3A_476 : vector<16xi32>
        %add3A_478 = arith.constant 4096 : i32
        %add3A_479 = vector.broadcast %add3A_478 : i32 to vector<16xi32>
        %add3A_480 = arith.addi %add3A_475, %add3A_479 : vector<16xi32>
        %gather3A_481 = tpu.vector_load_idx %arg7[%add3A_480] : memref<98304xi32, #tpu.memory_space<vmem>>[vector<16xi32>], vector<16xi32>,
        %add3A_482 = arith.addi %add3A_459, %gather3A_481 : vector<16xi32>
        %add3A_483 = arith.constant 518 : i32
        %add3A_484 = arith.addi %add3A_290, %add3A_483 : i32
        %get3A_485 = arith.index_cast %add3A_484 : i32 to index
        %get3A_486 = tpu.vector_load %arg6[%get3A_485] {strides = array<i32>} : memref<10320xi32, #tpu.memory_space<vmem>>, vector<16xi32>,
        %shift_left3A_487 = arith.constant 4 : i32
        %shift_left3A_488 = vector.broadcast %shift_left3A_487 : i32 to vector<16xi32>
        %shift_left3A_489 = arith.shli %get3A_486, %shift_left3A_488 : vector<16xi32>
        %add3A_490 = arith.constant 1033 : i32
        %add3A_491 = arith.addi %add3A_290, %add3A_490 : i32
        %get3A_492 = arith.index_cast %add3A_491 : i32 to index
        %get3A_493 = tpu.vector_load %arg6[%get3A_492] {strides = array<i32>} : memref<10320xi32, #tpu.memory_space<vmem>>, vector<16xi32>,
        %add3A_494 = arith.addi %shift_left3A_295, %shift_left3A_489 : vector<16xi32>
        %add3A_495 = arith.addi %add3A_494, %get3A_493 : vector<16xi32>
        %add3A_496 = arith.constant 65536 : i32
        %add3A_497 = vector.broadcast %add3A_496 : i32 to vector<16xi32>
        %add3A_498 = arith.addi %add3A_495, %add3A_497 : vector<16xi32>
        %gather3A_499 = tpu.vector_load_idx %arg7[%add3A_498] : memref<98304xi32, #tpu.memory_space<vmem>>[vector<16xi32>], vector<16xi32>,
        %add3A_500 = arith.addi %add3A_477, %gather3A_499 : vector<16xi32>
        %add3A_501 = arith.constant 4096 : i32
        %add3A_502 = vector.broadcast %add3A_501 : i32 to vector<16xi32>
        %add3A_503 = arith.addi %add3A_498, %add3A_502 : vector<16xi32>
        %gather3A_504 = tpu.vector_load_idx %arg7[%add3A_503] : memref<98304xi32, #tpu.memory_space<vmem>>[vector<16xi32>], vector<16xi32>,
        %add3A_505 = arith.addi %add3A_482, %gather3A_504 : vector<16xi32>
        %add3A_506 = arith.constant 1031 : i32
        %add3A_507 = arith.addi %add3A_290, %add3A_506 : i32
        %get3A_508 = arith.index_cast %add3A_507 : i32 to index
        %get3A_509 = tpu.vector_load %arg6[%get3A_508] {strides = array<i32>} : memref<10320xi32, #tpu.memory_space<vmem>>, vector<16xi32>,
        %shift_left3A_510 = arith.constant 4 : i32
        %shift_left3A_511 = vector.broadcast %shift_left3A_510 : i32 to vector<16xi32>
        %shift_left3A_512 = arith.shli %get3A_509, %shift_left3A_511 : vector<16xi32>
        %add3A_513 = arith.constant 514 : i32
        %add3A_514 = arith.addi %add3A_290, %add3A_513 : i32
        %get3A_515 = arith.index_cast %add3A_514 : i32 to index
        %get3A_516 = tpu.vector_load %arg6[%get3A_515] {strides = array<i32>} : memref<10320xi32, #tpu.memory_space<vmem>>, vector<16xi32>,
        %add3A_517 = arith.addi %shift_left3A_295, %shift_left3A_512 : vector<16xi32>
        %add3A_518 = arith.addi %add3A_517, %get3A_516 : vector<16xi32>
        %add3A_519 = arith.constant 73728 : i32
        %add3A_520 = vector.broadcast %add3A_519 : i32 to vector<16xi32>
        %add3A_521 = arith.addi %add3A_518, %add3A_520 : vector<16xi32>
        %gather3A_522 = tpu.vector_load_idx %arg7[%add3A_521] : memref<98304xi32, #tpu.memory_space<vmem>>[vector<16xi32>], vector<16xi32>,
        %add3A_523 = arith.addi %add3A_500, %gather3A_522 : vector<16xi32>
        %add3A_524 = arith.constant 4096 : i32
        %add3A_525 = vector.broadcast %add3A_524 : i32 to vector<16xi32>
        %add3A_526 = arith.addi %add3A_521, %add3A_525 : vector<16xi32>
        %gather3A_527 = tpu.vector_load_idx %arg7[%add3A_526] : memref<98304xi32, #tpu.memory_space<vmem>>[vector<16xi32>], vector<16xi32>,
        %add3A_528 = arith.addi %add3A_505, %gather3A_527 : vector<16xi32>
        %add3A_529 = arith.constant -518 : i32
        %add3A_530 = arith.addi %add3A_290, %add3A_529 : i32
        %get3A_531 = arith.index_cast %add3A_530 : i32 to index
        %get3A_532 = tpu.vector_load %arg6[%get3A_531] {strides = array<i32>} : memref<10320xi32, #tpu.memory_space<vmem>>, vector<16xi32>,
        %shift_left3A_533 = arith.constant 4 : i32
        %shift_left3A_534 = vector.broadcast %shift_left3A_533 : i32 to vector<16xi32>
        %shift_left3A_535 = arith.shli %get3A_532, %shift_left3A_534 : vector<16xi32>
        %add3A_536 = arith.constant -1033 : i32
        %add3A_537 = arith.addi %add3A_290, %add3A_536 : i32
        %get3A_538 = arith.index_cast %add3A_537 : i32 to index
        %get3A_539 = tpu.vector_load %arg6[%get3A_538] {strides = array<i32>} : memref<10320xi32, #tpu.memory_space<vmem>>, vector<16xi32>,
        %add3A_540 = arith.addi %shift_left3A_295, %shift_left3A_535 : vector<16xi32>
        %add3A_541 = arith.addi %add3A_540, %get3A_539 : vector<16xi32>
        %add3A_542 = arith.constant 81920 : i32
        %add3A_543 = vector.broadcast %add3A_542 : i32 to vector<16xi32>
        %add3A_544 = arith.addi %add3A_541, %add3A_543 : vector<16xi32>
        %gather3A_545 = tpu.vector_load_idx %arg7[%add3A_544] : memref<98304xi32, #tpu.memory_space<vmem>>[vector<16xi32>], vector<16xi32>,
        %add3A_546 = arith.addi %add3A_523, %gather3A_545 : vector<16xi32>
        %add3A_547 = arith.constant 4096 : i32
        %add3A_548 = vector.broadcast %add3A_547 : i32 to vector<16xi32>
        %add3A_549 = arith.addi %add3A_544, %add3A_548 : vector<16xi32>
        %gather3A_550 = tpu.vector_load_idx %arg7[%add3A_549] : memref<98304xi32, #tpu.memory_space<vmem>>[vector<16xi32>], vector<16xi32>,
        %add3A_551 = arith.addi %add3A_528, %gather3A_550 : vector<16xi32>
        %add3A_552 = arith.constant -1031 : i32
        %add3A_553 = arith.addi %add3A_290, %add3A_552 : i32
        %get3A_554 = arith.index_cast %add3A_553 : i32 to index
        %get3A_555 = tpu.vector_load %arg6[%get3A_554] {strides = array<i32>} : memref<10320xi32, #tpu.memory_space<vmem>>, vector<16xi32>,
        %shift_left3A_556 = arith.constant 4 : i32
        %shift_left3A_557 = vector.broadcast %shift_left3A_556 : i32 to vector<16xi32>
        %shift_left3A_558 = arith.shli %get3A_555, %shift_left3A_557 : vector<16xi32>
        %add3A_559 = arith.constant -514 : i32
        %add3A_560 = arith.addi %add3A_290, %add3A_559 : i32
        %get3A_561 = arith.index_cast %add3A_560 : i32 to index
        %get3A_562 = tpu.vector_load %arg6[%get3A_561] {strides = array<i32>} : memref<10320xi32, #tpu.memory_space<vmem>>, vector<16xi32>,
        %add3A_563 = arith.addi %shift_left3A_295, %shift_left3A_558 : vector<16xi32>
        %add3A_564 = arith.addi %add3A_563, %get3A_562 : vector<16xi32>
        %add3A_565 = arith.constant 90112 : i32
        %add3A_566 = vector.broadcast %add3A_565 : i32 to vector<16xi32>
        %add3A_567 = arith.addi %add3A_564, %add3A_566 : vector<16xi32>
        %gather3A_568 = tpu.vector_load_idx %arg7[%add3A_567] : memref<98304xi32, #tpu.memory_space<vmem>>[vector<16xi32>], vector<16xi32>,
        %add3A_569 = arith.addi %add3A_546, %gather3A_568 : vector<16xi32>
        %add3A_570 = arith.constant 4096 : i32
        %add3A_571 = vector.broadcast %add3A_570 : i32 to vector<16xi32>
        %add3A_572 = arith.addi %add3A_567, %add3A_571 : vector<16xi32>
        %gather3A_573 = tpu.vector_load_idx %arg7[%add3A_572] : memref<98304xi32, #tpu.memory_space<vmem>>[vector<16xi32>], vector<16xi32>,
        %add3A_574 = arith.addi %add3A_551, %gather3A_573 : vector<16xi32>
        %broadcast_in_dim3A_575 = arith.constant 0 : i32
        %broadcast_in_dim3A_576 = vector.broadcast %broadcast_in_dim3A_575 : i32 to vector<16xi32>
        %mul3A_577 = arith.constant 2 : i32
        %mul3A_578 = arith.muli %mul3A_577, %scan3A_273 : i32
        %add3A_579 = vector.broadcast %mul3A_578 : i32 to vector<16xi32>
        %add3A_580 = arith.addi %broadcast_in_dim3A_576, %add3A_579 : vector<16xi32>
        %mul3A_581 = arith.constant 2 : i32
        %mul3A_582 = arith.muli %mul3A_581, %mul3A_283 : i32
        %add3A_583 = vector.broadcast %mul3A_582 : i32 to vector<16xi32>
        %add3A_584 = arith.addi %add3A_583, %mul3A_114 : vector<16xi32>
        %and3A = arith.constant 65535 : i32
        %and3A_585 = vector.broadcast %and3A : i32 to vector<16xi32>
        %and3A_586 = arith.andi %add3A_569, %and3A_585 : vector<16xi32>
        %convert_element_type3A = arith.sitofp %and3A_586 : vector<16xi32> to vector<16xf32>
        %sub3A_587 = vector.broadcast %scan3A_131 : f32 to vector<16xf32>
        %sub3A_588 = arith.subf %convert_element_type3A, %sub3A_587 : vector<16xf32>
        %mul3A_589 = vector.broadcast %scan3A_132 : f32 to vector<16xf32>
        %mul3A_590 = arith.mulf %sub3A_588, %mul3A_589 : vector<16xf32>
        tpu.vector_store_idx %arg9[%add3A_580, %add3A_584], %mul3A_590 : memref<4x1024xf32, #tpu.memory_space<vmem>>[vector<16xi32>, vector<16xi32>], vector<16xf32>,
        %add3A_591 = arith.constant 1 : i32
        %add3A_592 = vector.broadcast %add3A_591 : i32 to vector<16xi32>
        %add3A_593 = arith.addi %add3A_584, %add3A_592 : vector<16xi32>
        %shift_right_logical3A = arith.constant 16 : i32
        %shift_right_logical3A_594 = vector.broadcast %shift_right_logical3A : i32 to vector<16xi32>
        %shift_right_logical3A_595 = arith.shrui %add3A_569, %shift_right_logical3A_594 : vector<16xi32>
        %convert_element_type3A_596 = arith.sitofp %shift_right_logical3A_595 : vector<16xi32> to vector<16xf32>
        %sub3A_597 = vector.broadcast %scan3A_131 : f32 to vector<16xf32>
        %sub3A_598 = arith.subf %convert_element_type3A_596, %sub3A_597 : vector<16xf32>
        %mul3A_599 = vector.broadcast %scan3A_132 : f32 to vector<16xf32>
        %mul3A_600 = arith.mulf %sub3A_598, %mul3A_599 : vector<16xf32>
        tpu.vector_store_idx %arg9[%add3A_580, %add3A_593], %mul3A_600 : memref<4x1024xf32, #tpu.memory_space<vmem>>[vector<16xi32>, vector<16xi32>], vector<16xf32>,
        %add3A_601 = arith.constant 1 : i32
        %add3A_602 = vector.broadcast %add3A_601 : i32 to vector<16xi32>
        %add3A_603 = arith.addi %add3A_580, %add3A_602 : vector<16xi32>
        %and3A_604 = arith.constant 65535 : i32
        %and3A_605 = vector.broadcast %and3A_604 : i32 to vector<16xi32>
        %and3A_606 = arith.andi %add3A_574, %and3A_605 : vector<16xi32>
        %convert_element_type3A_607 = arith.sitofp %and3A_606 : vector<16xi32> to vector<16xf32>
        %sub3A_608 = vector.broadcast %scan3A_131 : f32 to vector<16xf32>
        %sub3A_609 = arith.subf %convert_element_type3A_607, %sub3A_608 : vector<16xf32>
        %mul3A_610 = vector.broadcast %scan3A_132 : f32 to vector<16xf32>
        %mul3A_611 = arith.mulf %sub3A_609, %mul3A_610 : vector<16xf32>
        tpu.vector_store_idx %arg9[%add3A_603, %add3A_584], %mul3A_611 : memref<4x1024xf32, #tpu.memory_space<vmem>>[vector<16xi32>, vector<16xi32>], vector<16xf32>,
        %add3A_612 = arith.constant 1 : i32
        %add3A_613 = vector.broadcast %add3A_612 : i32 to vector<16xi32>
        %add3A_614 = arith.addi %add3A_580, %add3A_613 : vector<16xi32>
        %add3A_615 = arith.constant 1 : i32
        %add3A_616 = vector.broadcast %add3A_615 : i32 to vector<16xi32>
        %add3A_617 = arith.addi %add3A_584, %add3A_616 : vector<16xi32>
        %shift_right_logical3A_618 = arith.constant 16 : i32
        %shift_right_logical3A_619 = vector.broadcast %shift_right_logical3A_618 : i32 to vector<16xi32>
        %shift_right_logical3A_620 = arith.shrui %add3A_574, %shift_right_logical3A_619 : vector<16xi32>
        %convert_element_type3A_621 = arith.sitofp %shift_right_logical3A_620 : vector<16xi32> to vector<16xf32>
        %sub3A_622 = vector.broadcast %scan3A_131 : f32 to vector<16xf32>
        %sub3A_623 = arith.subf %convert_element_type3A_621, %sub3A_622 : vector<16xf32>
        %mul3A_624 = vector.broadcast %scan3A_132 : f32 to vector<16xf32>
        %mul3A_625 = arith.mulf %sub3A_623, %mul3A_624 : vector<16xf32>
        tpu.vector_store_idx %arg9[%add3A_614, %add3A_617], %mul3A_625 : memref<4x1024xf32, #tpu.memory_space<vmem>>[vector<16xi32>, vector<16xi32>], vector<16xf32>,
      }
      %scan3A_280 = arith.constant 32 : i32
    }
    %scan3A_137 = arith.constant 2 : i32
    %mul3A_138 = arith.constant 32 : i32
    %mul3A_139 = arith.muli %add3A, %mul3A_138 : i32
    %add3A_140 = arith.constant 4 : i32
    %add3A_141 = arith.addi %mul3A_139, %add3A_140 : i32
    %dma_start3A_142 = arith.constant 0 : i32
    %dma_start3A_143 = tpu.memref_slice %arg4[%add3A_141, %dma_start3A_142] : memref<1024x1024xf32, #tpu.memory_space<hbm>> -> memref<4x1024xf32, #tpu.memory_space<hbm>>
    %dma_start3A_144 = arith.constant 0 : i32
    %dma_start3A_145 = tpu.memref_slice %arg4[%add3A_141, %dma_start3A_144] : memref<1024x1024xf32, #tpu.memory_space<hbm>> -> memref<4x1024xf32, #tpu.memory_space<hbm>>
    tpu.enqueue_dma source(%arg9 : memref<4x1024xf32, #tpu.memory_space<vmem>>) target(%dma_start3A_145 : memref<4x1024xf32, #tpu.memory_space<hbm>>) target_semaphore(%arg12 : memref<!tpu.dma_semaphore, #tpu.memory_space<semaphore_mem>>)
    %dma_wait3A = arith.constant 0 : i32
    %dma_wait3A_146 = tpu.memref_slice %arg4[%add3A_126, %dma_wait3A] : memref<1024x1024xf32, #tpu.memory_space<hbm>> -> memref<4x1024xf32, #tpu.memory_space<hbm>>
    %dma_wait3A_147 = arith.constant 0 : i32
    %dma_wait3A_148 = tpu.memref_slice %arg4[%add3A_126, %dma_wait3A_147] : memref<1024x1024xf32, #tpu.memory_space<hbm>> -> memref<4x1024xf32, #tpu.memory_space<hbm>>
    tpu.wait_dma2 semaphore(%arg11 : memref<!tpu.dma_semaphore, #tpu.memory_space<semaphore_mem>>) src(%arg8 : memref<4x1024xf32, #tpu.memory_space<vmem>>) dst(%dma_wait3A_148 : memref<4x1024xf32, #tpu.memory_space<hbm>>)
    %scan3A_149 = arith.constant 0 : i32
    %scan3A_150 = arith.constant 2.457600e+04 : f32
    %scan3A_151 = arith.constant 0.333333343 : f32
    %scan3A_152 = arith.constant 0 : i32
    %scan3A_153 = arith.constant 2 : i32
    %scan3A_154 = arith.addi %scan3A_152, %scan3A_153 : i32
    %scan3A_155 = arith.constant 1 : i32
    scf.for %scan3A_273 = %scan3A_152 to %scan3A_154 step %scan3A_155  : i32 {
      %add3A_274 = arith.constant 4 : i32
      %add3A_275 = arith.addi %add3A_274, %scan3A_273 : i32
      %scan3A_276 = arith.constant 0 : i32
      %scan3A_277 = arith.constant 32 : i32
      %scan3A_278 = arith.addi %scan3A_276, %scan3A_277 : i32
      %scan3A_279 = arith.constant 1 : i32
      scf.for %scan3A_281 = %scan3A_276 to %scan3A_278 step %scan3A_279  : i32 {
        %mul3A_282 = arith.constant 16 : i32
        %mul3A_283 = arith.muli %scan3A_281, %mul3A_282 : i32
        %add3A_284 = arith.constant 2 : i32
        %add3A_285 = arith.addi %add3A_275, %add3A_284 : i32
        %mul3A_286 = arith.constant 516 : i32
        %mul3A_287 = arith.muli %add3A_285, %mul3A_286 : i32
        %add3A_288 = arith.addi %mul3A_287, %mul3A_283 : i32
        %add3A_289 = arith.constant 2 : i32
        %add3A_290 = arith.addi %add3A_288, %add3A_289 : i32
        %add3A_291 = arith.constant 0 : i32
        %add3A_292 = arith.addi %add3A_290, %add3A_291 : i32
        %get3A = arith.index_cast %add3A_292 : i32 to index
        %get3A_293 = tpu.vector_load %arg6[%get3A] {strides = array<i32>} : memref<10320xi32, #tpu.memory_space<vmem>>, vector<16xi32>,
        %shift_left3A = arith.constant 8 : i32
        %shift_left3A_294 = vector.broadcast %shift_left3A : i32 to vector<16xi32>
        %shift_left3A_295 = arith.shli %get3A_293, %shift_left3A_294 : vector<16xi32>
        %broadcast_in_dim3A = arith.constant 0 : i32
        %broadcast_in_dim3A_296 = vector.broadcast %broadcast_in_dim3A : i32 to vector<16xi32>
        %broadcast_in_dim3A_297 = arith.constant 0 : i32
        %broadcast_in_dim3A_298 = vector.broadcast %broadcast_in_dim3A_297 : i32 to vector<16xi32>
        %add3A_299 = arith.constant 1 : i32
        %add3A_300 = arith.addi %add3A_290, %add3A_299 : i32
        %get3A_301 = arith.index_cast %add3A_300 : i32 to index
        %get3A_302 = tpu.vector_load %arg6[%get3A_301] {strides = array<i32>} : memref<10320xi32, #tpu.memory_space<vmem>>, vector<16xi32>,
        %shift_left3A_303 = arith.constant 4 : i32
        %shift_left3A_304 = vector.broadcast %shift_left3A_303 : i32 to vector<16xi32>
        %shift_left3A_305 = arith.shli %get3A_302, %shift_left3A_304 : vector<16xi32>
        %add3A_306 = arith.constant 2 : i32
        %add3A_307 = arith.addi %add3A_290, %add3A_306 : i32
        %get3A_308 = arith.index_cast %add3A_307 : i32 to index
        %get3A_309 = tpu.vector_load %arg6[%get3A_308] {strides = array<i32>} : memref<10320xi32, #tpu.memory_space<vmem>>, vector<16xi32>,
        %add3A_310 = arith.addi %shift_left3A_295, %shift_left3A_305 : vector<16xi32>
        %add3A_311 = arith.addi %add3A_310, %get3A_309 : vector<16xi32>
        %add3A_312 = arith.constant 0 : i32
        %add3A_313 = vector.broadcast %add3A_312 : i32 to vector<16xi32>
        %add3A_314 = arith.addi %add3A_311, %add3A_313 : vector<16xi32>
        %gather3A_315 = tpu.vector_load_idx %arg7[%add3A_314] : memref<98304xi32, #tpu.memory_space<vmem>>[vector<16xi32>], vector<16xi32>,
        %add3A_316 = arith.addi %broadcast_in_dim3A_296, %gather3A_315 : vector<16xi32>
        %add3A_317 = arith.constant 4096 : i32
        %add3A_318 = vector.broadcast %add3A_317 : i32 to vector<16xi32>
        %add3A_319 = arith.addi %add3A_314, %add3A_318 : vector<16xi32>
        %gather3A_320 = tpu.vector_load_idx %arg7[%add3A_319] : memref<98304xi32, #tpu.memory_space<vmem>>[vector<16xi32>], vector<16xi32>,
        %add3A_321 = arith.addi %broadcast_in_dim3A_298, %gather3A_320 : vector<16xi32>
        %add3A_322 = arith.constant 516 : i32
        %add3A_323 = arith.addi %add3A_290, %add3A_322 : i32
        %get3A_324 = arith.index_cast %add3A_323 : i32 to index
        %get3A_325 = tpu.vector_load %arg6[%get3A_324] {strides = array<i32>} : memref<10320xi32, #tpu.memory_space<vmem>>, vector<16xi32>,
        %shift_left3A_326 = arith.constant 4 : i32
        %shift_left3A_327 = vector.broadcast %shift_left3A_326 : i32 to vector<16xi32>
        %shift_left3A_328 = arith.shli %get3A_325, %shift_left3A_327 : vector<16xi32>
        %add3A_329 = arith.constant 1032 : i32
        %add3A_330 = arith.addi %add3A_290, %add3A_329 : i32
        %get3A_331 = arith.index_cast %add3A_330 : i32 to index
        %get3A_332 = tpu.vector_load %arg6[%get3A_331] {strides = array<i32>} : memref<10320xi32, #tpu.memory_space<vmem>>, vector<16xi32>,
        %add3A_333 = arith.addi %shift_left3A_295, %shift_left3A_328 : vector<16xi32>
        %add3A_334 = arith.addi %add3A_333, %get3A_332 : vector<16xi32>
        %add3A_335 = arith.constant 8192 : i32
        %add3A_336 = vector.broadcast %add3A_335 : i32 to vector<16xi32>
        %add3A_337 = arith.addi %add3A_334, %add3A_336 : vector<16xi32>
        %gather3A_338 = tpu.vector_load_idx %arg7[%add3A_337] : memref<98304xi32, #tpu.memory_space<vmem>>[vector<16xi32>], vector<16xi32>,
        %add3A_339 = arith.addi %add3A_316, %gather3A_338 : vector<16xi32>
        %add3A_340 = arith.constant 4096 : i32
        %add3A_341 = vector.broadcast %add3A_340 : i32 to vector<16xi32>
        %add3A_342 = arith.addi %add3A_337, %add3A_341 : vector<16xi32>
        %gather3A_343 = tpu.vector_load_idx %arg7[%add3A_342] : memref<98304xi32, #tpu.memory_space<vmem>>[vector<16xi32>], vector<16xi32>,
        %add3A_344 = arith.addi %add3A_321, %gather3A_343 : vector<16xi32>
        %add3A_345 = arith.constant -1 : i32
        %add3A_346 = arith.addi %add3A_290, %add3A_345 : i32
        %get3A_347 = arith.index_cast %add3A_346 : i32 to index
        %get3A_348 = tpu.vector_load %arg6[%get3A_347] {strides = array<i32>} : memref<10320xi32, #tpu.memory_space<vmem>>, vector<16xi32>,
        %shift_left3A_349 = arith.constant 4 : i32
        %shift_left3A_350 = vector.broadcast %shift_left3A_349 : i32 to vector<16xi32>
        %shift_left3A_351 = arith.shli %get3A_348, %shift_left3A_350 : vector<16xi32>
        %add3A_352 = arith.constant -2 : i32
        %add3A_353 = arith.addi %add3A_290, %add3A_352 : i32
        %get3A_354 = arith.index_cast %add3A_353 : i32 to index
        %get3A_355 = tpu.vector_load %arg6[%get3A_354] {strides = array<i32>} : memref<10320xi32, #tpu.memory_space<vmem>>, vector<16xi32>,
        %add3A_356 = arith.addi %shift_left3A_295, %shift_left3A_351 : vector<16xi32>
        %add3A_357 = arith.addi %add3A_356, %get3A_355 : vector<16xi32>
        %add3A_358 = arith.constant 16384 : i32
        %add3A_359 = vector.broadcast %add3A_358 : i32 to vector<16xi32>
        %add3A_360 = arith.addi %add3A_357, %add3A_359 : vector<16xi32>
        %gather3A_361 = tpu.vector_load_idx %arg7[%add3A_360] : memref<98304xi32, #tpu.memory_space<vmem>>[vector<16xi32>], vector<16xi32>,
        %add3A_362 = arith.addi %add3A_339, %gather3A_361 : vector<16xi32>
        %add3A_363 = arith.constant 4096 : i32
        %add3A_364 = vector.broadcast %add3A_363 : i32 to vector<16xi32>
        %add3A_365 = arith.addi %add3A_360, %add3A_364 : vector<16xi32>
        %gather3A_366 = tpu.vector_load_idx %arg7[%add3A_365] : memref<98304xi32, #tpu.memory_space<vmem>>[vector<16xi32>], vector<16xi32>,
        %add3A_367 = arith.addi %add3A_344, %gather3A_366 : vector<16xi32>
        %add3A_368 = arith.constant -516 : i32
        %add3A_369 = arith.addi %add3A_290, %add3A_368 : i32
        %get3A_370 = arith.index_cast %add3A_369 : i32 to index
        %get3A_371 = tpu.vector_load %arg6[%get3A_370] {strides = array<i32>} : memref<10320xi32, #tpu.memory_space<vmem>>, vector<16xi32>,
        %shift_left3A_372 = arith.constant 4 : i32
        %shift_left3A_373 = vector.broadcast %shift_left3A_372 : i32 to vector<16xi32>
        %shift_left3A_374 = arith.shli %get3A_371, %shift_left3A_373 : vector<16xi32>
        %add3A_375 = arith.constant -1032 : i32
        %add3A_376 = arith.addi %add3A_290, %add3A_375 : i32
        %get3A_377 = arith.index_cast %add3A_376 : i32 to index
        %get3A_378 = tpu.vector_load %arg6[%get3A_377] {strides = array<i32>} : memref<10320xi32, #tpu.memory_space<vmem>>, vector<16xi32>,
        %add3A_379 = arith.addi %shift_left3A_295, %shift_left3A_374 : vector<16xi32>
        %add3A_380 = arith.addi %add3A_379, %get3A_378 : vector<16xi32>
        %add3A_381 = arith.constant 24576 : i32
        %add3A_382 = vector.broadcast %add3A_381 : i32 to vector<16xi32>
        %add3A_383 = arith.addi %add3A_380, %add3A_382 : vector<16xi32>
        %gather3A_384 = tpu.vector_load_idx %arg7[%add3A_383] : memref<98304xi32, #tpu.memory_space<vmem>>[vector<16xi32>], vector<16xi32>,
        %add3A_385 = arith.addi %add3A_362, %gather3A_384 : vector<16xi32>
        %add3A_386 = arith.constant 4096 : i32
        %add3A_387 = vector.broadcast %add3A_386 : i32 to vector<16xi32>
        %add3A_388 = arith.addi %add3A_383, %add3A_387 : vector<16xi32>
        %gather3A_389 = tpu.vector_load_idx %arg7[%add3A_388] : memref<98304xi32, #tpu.memory_space<vmem>>[vector<16xi32>], vector<16xi32>,
        %add3A_390 = arith.addi %add3A_367, %gather3A_389 : vector<16xi32>
        %add3A_391 = arith.constant 517 : i32
        %add3A_392 = arith.addi %add3A_290, %add3A_391 : i32
        %get3A_393 = arith.index_cast %add3A_392 : i32 to index
        %get3A_394 = tpu.vector_load %arg6[%get3A_393] {strides = array<i32>} : memref<10320xi32, #tpu.memory_space<vmem>>, vector<16xi32>,
        %shift_left3A_395 = arith.constant 4 : i32
        %shift_left3A_396 = vector.broadcast %shift_left3A_395 : i32 to vector<16xi32>
        %shift_left3A_397 = arith.shli %get3A_394, %shift_left3A_396 : vector<16xi32>
        %add3A_398 = arith.constant 1034 : i32
        %add3A_399 = arith.addi %add3A_290, %add3A_398 : i32
        %get3A_400 = arith.index_cast %add3A_399 : i32 to index
        %get3A_401 = tpu.vector_load %arg6[%get3A_400] {strides = array<i32>} : memref<10320xi32, #tpu.memory_space<vmem>>, vector<16xi32>,
        %add3A_402 = arith.addi %shift_left3A_295, %shift_left3A_397 : vector<16xi32>
        %add3A_403 = arith.addi %add3A_402, %get3A_401 : vector<16xi32>
        %add3A_404 = arith.constant 32768 : i32
        %add3A_405 = vector.broadcast %add3A_404 : i32 to vector<16xi32>
        %add3A_406 = arith.addi %add3A_403, %add3A_405 : vector<16xi32>
        %gather3A_407 = tpu.vector_load_idx %arg7[%add3A_406] : memref<98304xi32, #tpu.memory_space<vmem>>[vector<16xi32>], vector<16xi32>,
        %add3A_408 = arith.addi %add3A_385, %gather3A_407 : vector<16xi32>
        %add3A_409 = arith.constant 4096 : i32
        %add3A_410 = vector.broadcast %add3A_409 : i32 to vector<16xi32>
        %add3A_411 = arith.addi %add3A_406, %add3A_410 : vector<16xi32>
        %gather3A_412 = tpu.vector_load_idx %arg7[%add3A_411] : memref<98304xi32, #tpu.memory_space<vmem>>[vector<16xi32>], vector<16xi32>,
        %add3A_413 = arith.addi %add3A_390, %gather3A_412 : vector<16xi32>
        %add3A_414 = arith.constant 515 : i32
        %add3A_415 = arith.addi %add3A_290, %add3A_414 : i32
        %get3A_416 = arith.index_cast %add3A_415 : i32 to index
        %get3A_417 = tpu.vector_load %arg6[%get3A_416] {strides = array<i32>} : memref<10320xi32, #tpu.memory_space<vmem>>, vector<16xi32>,
        %shift_left3A_418 = arith.constant 4 : i32
        %shift_left3A_419 = vector.broadcast %shift_left3A_418 : i32 to vector<16xi32>
        %shift_left3A_420 = arith.shli %get3A_417, %shift_left3A_419 : vector<16xi32>
        %add3A_421 = arith.constant 1030 : i32
        %add3A_422 = arith.addi %add3A_290, %add3A_421 : i32
        %get3A_423 = arith.index_cast %add3A_422 : i32 to index
        %get3A_424 = tpu.vector_load %arg6[%get3A_423] {strides = array<i32>} : memref<10320xi32, #tpu.memory_space<vmem>>, vector<16xi32>,
        %add3A_425 = arith.addi %shift_left3A_295, %shift_left3A_420 : vector<16xi32>
        %add3A_426 = arith.addi %add3A_425, %get3A_424 : vector<16xi32>
        %add3A_427 = arith.constant 40960 : i32
        %add3A_428 = vector.broadcast %add3A_427 : i32 to vector<16xi32>
        %add3A_429 = arith.addi %add3A_426, %add3A_428 : vector<16xi32>
        %gather3A_430 = tpu.vector_load_idx %arg7[%add3A_429] : memref<98304xi32, #tpu.memory_space<vmem>>[vector<16xi32>], vector<16xi32>,
        %add3A_431 = arith.addi %add3A_408, %gather3A_430 : vector<16xi32>
        %add3A_432 = arith.constant 4096 : i32
        %add3A_433 = vector.broadcast %add3A_432 : i32 to vector<16xi32>
        %add3A_434 = arith.addi %add3A_429, %add3A_433 : vector<16xi32>
        %gather3A_435 = tpu.vector_load_idx %arg7[%add3A_434] : memref<98304xi32, #tpu.memory_space<vmem>>[vector<16xi32>], vector<16xi32>,
        %add3A_436 = arith.addi %add3A_413, %gather3A_435 : vector<16xi32>
        %add3A_437 = arith.constant -517 : i32
        %add3A_438 = arith.addi %add3A_290, %add3A_437 : i32
        %get3A_439 = arith.index_cast %add3A_438 : i32 to index
        %get3A_440 = tpu.vector_load %arg6[%get3A_439] {strides = array<i32>} : memref<10320xi32, #tpu.memory_space<vmem>>, vector<16xi32>,
        %shift_left3A_441 = arith.constant 4 : i32
        %shift_left3A_442 = vector.broadcast %shift_left3A_441 : i32 to vector<16xi32>
        %shift_left3A_443 = arith.shli %get3A_440, %shift_left3A_442 : vector<16xi32>
        %add3A_444 = arith.constant -1034 : i32
        %add3A_445 = arith.addi %add3A_290, %add3A_444 : i32
        %get3A_446 = arith.index_cast %add3A_445 : i32 to index
        %get3A_447 = tpu.vector_load %arg6[%get3A_446] {strides = array<i32>} : memref<10320xi32, #tpu.memory_space<vmem>>, vector<16xi32>,
        %add3A_448 = arith.addi %shift_left3A_295, %shift_left3A_443 : vector<16xi32>
        %add3A_449 = arith.addi %add3A_448, %get3A_447 : vector<16xi32>
        %add3A_450 = arith.constant 49152 : i32
        %add3A_451 = vector.broadcast %add3A_450 : i32 to vector<16xi32>
        %add3A_452 = arith.addi %add3A_449, %add3A_451 : vector<16xi32>
        %gather3A_453 = tpu.vector_load_idx %arg7[%add3A_452] : memref<98304xi32, #tpu.memory_space<vmem>>[vector<16xi32>], vector<16xi32>,
        %add3A_454 = arith.addi %add3A_431, %gather3A_453 : vector<16xi32>
        %add3A_455 = arith.constant 4096 : i32
        %add3A_456 = vector.broadcast %add3A_455 : i32 to vector<16xi32>
        %add3A_457 = arith.addi %add3A_452, %add3A_456 : vector<16xi32>
        %gather3A_458 = tpu.vector_load_idx %arg7[%add3A_457] : memref<98304xi32, #tpu.memory_space<vmem>>[vector<16xi32>], vector<16xi32>,
        %add3A_459 = arith.addi %add3A_436, %gather3A_458 : vector<16xi32>
        %add3A_460 = arith.constant -515 : i32
        %add3A_461 = arith.addi %add3A_290, %add3A_460 : i32
        %get3A_462 = arith.index_cast %add3A_461 : i32 to index
        %get3A_463 = tpu.vector_load %arg6[%get3A_462] {strides = array<i32>} : memref<10320xi32, #tpu.memory_space<vmem>>, vector<16xi32>,
        %shift_left3A_464 = arith.constant 4 : i32
        %shift_left3A_465 = vector.broadcast %shift_left3A_464 : i32 to vector<16xi32>
        %shift_left3A_466 = arith.shli %get3A_463, %shift_left3A_465 : vector<16xi32>
        %add3A_467 = arith.constant -1030 : i32
        %add3A_468 = arith.addi %add3A_290, %add3A_467 : i32
        %get3A_469 = arith.index_cast %add3A_468 : i32 to index
        %get3A_470 = tpu.vector_load %arg6[%get3A_469] {strides = array<i32>} : memref<10320xi32, #tpu.memory_space<vmem>>, vector<16xi32>,
        %add3A_471 = arith.addi %shift_left3A_295, %shift_left3A_466 : vector<16xi32>
        %add3A_472 = arith.addi %add3A_471, %get3A_470 : vector<16xi32>
        %add3A_473 = arith.constant 57344 : i32
        %add3A_474 = vector.broadcast %add3A_473 : i32 to vector<16xi32>
        %add3A_475 = arith.addi %add3A_472, %add3A_474 : vector<16xi32>
        %gather3A_476 = tpu.vector_load_idx %arg7[%add3A_475] : memref<98304xi32, #tpu.memory_space<vmem>>[vector<16xi32>], vector<16xi32>,
        %add3A_477 = arith.addi %add3A_454, %gather3A_476 : vector<16xi32>
        %add3A_478 = arith.constant 4096 : i32
        %add3A_479 = vector.broadcast %add3A_478 : i32 to vector<16xi32>
        %add3A_480 = arith.addi %add3A_475, %add3A_479 : vector<16xi32>
        %gather3A_481 = tpu.vector_load_idx %arg7[%add3A_480] : memref<98304xi32, #tpu.memory_space<vmem>>[vector<16xi32>], vector<16xi32>,
        %add3A_482 = arith.addi %add3A_459, %gather3A_481 : vector<16xi32>
        %add3A_483 = arith.constant 518 : i32
        %add3A_484 = arith.addi %add3A_290, %add3A_483 : i32
        %get3A_485 = arith.index_cast %add3A_484 : i32 to index
        %get3A_486 = tpu.vector_load %arg6[%get3A_485] {strides = array<i32>} : memref<10320xi32, #tpu.memory_space<vmem>>, vector<16xi32>,
        %shift_left3A_487 = arith.constant 4 : i32
        %shift_left3A_488 = vector.broadcast %shift_left3A_487 : i32 to vector<16xi32>
        %shift_left3A_489 = arith.shli %get3A_486, %shift_left3A_488 : vector<16xi32>
        %add3A_490 = arith.constant 1033 : i32
        %add3A_491 = arith.addi %add3A_290, %add3A_490 : i32
        %get3A_492 = arith.index_cast %add3A_491 : i32 to index
        %get3A_493 = tpu.vector_load %arg6[%get3A_492] {strides = array<i32>} : memref<10320xi32, #tpu.memory_space<vmem>>, vector<16xi32>,
        %add3A_494 = arith.addi %shift_left3A_295, %shift_left3A_489 : vector<16xi32>
        %add3A_495 = arith.addi %add3A_494, %get3A_493 : vector<16xi32>
        %add3A_496 = arith.constant 65536 : i32
        %add3A_497 = vector.broadcast %add3A_496 : i32 to vector<16xi32>
        %add3A_498 = arith.addi %add3A_495, %add3A_497 : vector<16xi32>
        %gather3A_499 = tpu.vector_load_idx %arg7[%add3A_498] : memref<98304xi32, #tpu.memory_space<vmem>>[vector<16xi32>], vector<16xi32>,
        %add3A_500 = arith.addi %add3A_477, %gather3A_499 : vector<16xi32>
        %add3A_501 = arith.constant 4096 : i32
        %add3A_502 = vector.broadcast %add3A_501 : i32 to vector<16xi32>
        %add3A_503 = arith.addi %add3A_498, %add3A_502 : vector<16xi32>
        %gather3A_504 = tpu.vector_load_idx %arg7[%add3A_503] : memref<98304xi32, #tpu.memory_space<vmem>>[vector<16xi32>], vector<16xi32>,
        %add3A_505 = arith.addi %add3A_482, %gather3A_504 : vector<16xi32>
        %add3A_506 = arith.constant 1031 : i32
        %add3A_507 = arith.addi %add3A_290, %add3A_506 : i32
        %get3A_508 = arith.index_cast %add3A_507 : i32 to index
        %get3A_509 = tpu.vector_load %arg6[%get3A_508] {strides = array<i32>} : memref<10320xi32, #tpu.memory_space<vmem>>, vector<16xi32>,
        %shift_left3A_510 = arith.constant 4 : i32
        %shift_left3A_511 = vector.broadcast %shift_left3A_510 : i32 to vector<16xi32>
        %shift_left3A_512 = arith.shli %get3A_509, %shift_left3A_511 : vector<16xi32>
        %add3A_513 = arith.constant 514 : i32
        %add3A_514 = arith.addi %add3A_290, %add3A_513 : i32
        %get3A_515 = arith.index_cast %add3A_514 : i32 to index
        %get3A_516 = tpu.vector_load %arg6[%get3A_515] {strides = array<i32>} : memref<10320xi32, #tpu.memory_space<vmem>>, vector<16xi32>,
        %add3A_517 = arith.addi %shift_left3A_295, %shift_left3A_512 : vector<16xi32>
        %add3A_518 = arith.addi %add3A_517, %get3A_516 : vector<16xi32>
        %add3A_519 = arith.constant 73728 : i32
        %add3A_520 = vector.broadcast %add3A_519 : i32 to vector<16xi32>
        %add3A_521 = arith.addi %add3A_518, %add3A_520 : vector<16xi32>
        %gather3A_522 = tpu.vector_load_idx %arg7[%add3A_521] : memref<98304xi32, #tpu.memory_space<vmem>>[vector<16xi32>], vector<16xi32>,
        %add3A_523 = arith.addi %add3A_500, %gather3A_522 : vector<16xi32>
        %add3A_524 = arith.constant 4096 : i32
        %add3A_525 = vector.broadcast %add3A_524 : i32 to vector<16xi32>
        %add3A_526 = arith.addi %add3A_521, %add3A_525 : vector<16xi32>
        %gather3A_527 = tpu.vector_load_idx %arg7[%add3A_526] : memref<98304xi32, #tpu.memory_space<vmem>>[vector<16xi32>], vector<16xi32>,
        %add3A_528 = arith.addi %add3A_505, %gather3A_527 : vector<16xi32>
        %add3A_529 = arith.constant -518 : i32
        %add3A_530 = arith.addi %add3A_290, %add3A_529 : i32
        %get3A_531 = arith.index_cast %add3A_530 : i32 to index
        %get3A_532 = tpu.vector_load %arg6[%get3A_531] {strides = array<i32>} : memref<10320xi32, #tpu.memory_space<vmem>>, vector<16xi32>,
        %shift_left3A_533 = arith.constant 4 : i32
        %shift_left3A_534 = vector.broadcast %shift_left3A_533 : i32 to vector<16xi32>
        %shift_left3A_535 = arith.shli %get3A_532, %shift_left3A_534 : vector<16xi32>
        %add3A_536 = arith.constant -1033 : i32
        %add3A_537 = arith.addi %add3A_290, %add3A_536 : i32
        %get3A_538 = arith.index_cast %add3A_537 : i32 to index
        %get3A_539 = tpu.vector_load %arg6[%get3A_538] {strides = array<i32>} : memref<10320xi32, #tpu.memory_space<vmem>>, vector<16xi32>,
        %add3A_540 = arith.addi %shift_left3A_295, %shift_left3A_535 : vector<16xi32>
        %add3A_541 = arith.addi %add3A_540, %get3A_539 : vector<16xi32>
        %add3A_542 = arith.constant 81920 : i32
        %add3A_543 = vector.broadcast %add3A_542 : i32 to vector<16xi32>
        %add3A_544 = arith.addi %add3A_541, %add3A_543 : vector<16xi32>
        %gather3A_545 = tpu.vector_load_idx %arg7[%add3A_544] : memref<98304xi32, #tpu.memory_space<vmem>>[vector<16xi32>], vector<16xi32>,
        %add3A_546 = arith.addi %add3A_523, %gather3A_545 : vector<16xi32>
        %add3A_547 = arith.constant 4096 : i32
        %add3A_548 = vector.broadcast %add3A_547 : i32 to vector<16xi32>
        %add3A_549 = arith.addi %add3A_544, %add3A_548 : vector<16xi32>
        %gather3A_550 = tpu.vector_load_idx %arg7[%add3A_549] : memref<98304xi32, #tpu.memory_space<vmem>>[vector<16xi32>], vector<16xi32>,
        %add3A_551 = arith.addi %add3A_528, %gather3A_550 : vector<16xi32>
        %add3A_552 = arith.constant -1031 : i32
        %add3A_553 = arith.addi %add3A_290, %add3A_552 : i32
        %get3A_554 = arith.index_cast %add3A_553 : i32 to index
        %get3A_555 = tpu.vector_load %arg6[%get3A_554] {strides = array<i32>} : memref<10320xi32, #tpu.memory_space<vmem>>, vector<16xi32>,
        %shift_left3A_556 = arith.constant 4 : i32
        %shift_left3A_557 = vector.broadcast %shift_left3A_556 : i32 to vector<16xi32>
        %shift_left3A_558 = arith.shli %get3A_555, %shift_left3A_557 : vector<16xi32>
        %add3A_559 = arith.constant -514 : i32
        %add3A_560 = arith.addi %add3A_290, %add3A_559 : i32
        %get3A_561 = arith.index_cast %add3A_560 : i32 to index
        %get3A_562 = tpu.vector_load %arg6[%get3A_561] {strides = array<i32>} : memref<10320xi32, #tpu.memory_space<vmem>>, vector<16xi32>,
        %add3A_563 = arith.addi %shift_left3A_295, %shift_left3A_558 : vector<16xi32>
        %add3A_564 = arith.addi %add3A_563, %get3A_562 : vector<16xi32>
        %add3A_565 = arith.constant 90112 : i32
        %add3A_566 = vector.broadcast %add3A_565 : i32 to vector<16xi32>
        %add3A_567 = arith.addi %add3A_564, %add3A_566 : vector<16xi32>
        %gather3A_568 = tpu.vector_load_idx %arg7[%add3A_567] : memref<98304xi32, #tpu.memory_space<vmem>>[vector<16xi32>], vector<16xi32>,
        %add3A_569 = arith.addi %add3A_546, %gather3A_568 : vector<16xi32>
        %add3A_570 = arith.constant 4096 : i32
        %add3A_571 = vector.broadcast %add3A_570 : i32 to vector<16xi32>
        %add3A_572 = arith.addi %add3A_567, %add3A_571 : vector<16xi32>
        %gather3A_573 = tpu.vector_load_idx %arg7[%add3A_572] : memref<98304xi32, #tpu.memory_space<vmem>>[vector<16xi32>], vector<16xi32>,
        %add3A_574 = arith.addi %add3A_551, %gather3A_573 : vector<16xi32>
        %broadcast_in_dim3A_575 = arith.constant 0 : i32
        %broadcast_in_dim3A_576 = vector.broadcast %broadcast_in_dim3A_575 : i32 to vector<16xi32>
        %mul3A_577 = arith.constant 2 : i32
        %mul3A_578 = arith.muli %mul3A_577, %scan3A_273 : i32
        %add3A_579 = vector.broadcast %mul3A_578 : i32 to vector<16xi32>
        %add3A_580 = arith.addi %broadcast_in_dim3A_576, %add3A_579 : vector<16xi32>
        %mul3A_581 = arith.constant 2 : i32
        %mul3A_582 = arith.muli %mul3A_581, %mul3A_283 : i32
        %add3A_583 = vector.broadcast %mul3A_582 : i32 to vector<16xi32>
        %add3A_584 = arith.addi %add3A_583, %mul3A_114 : vector<16xi32>
        %and3A = arith.constant 65535 : i32
        %and3A_585 = vector.broadcast %and3A : i32 to vector<16xi32>
        %and3A_586 = arith.andi %add3A_569, %and3A_585 : vector<16xi32>
        %convert_element_type3A = arith.sitofp %and3A_586 : vector<16xi32> to vector<16xf32>
        %sub3A_587 = vector.broadcast %scan3A_150 : f32 to vector<16xf32>
        %sub3A_588 = arith.subf %convert_element_type3A, %sub3A_587 : vector<16xf32>
        %mul3A_589 = vector.broadcast %scan3A_151 : f32 to vector<16xf32>
        %mul3A_590 = arith.mulf %sub3A_588, %mul3A_589 : vector<16xf32>
        tpu.vector_store_idx %arg8[%add3A_580, %add3A_584], %mul3A_590 : memref<4x1024xf32, #tpu.memory_space<vmem>>[vector<16xi32>, vector<16xi32>], vector<16xf32>,
        %add3A_591 = arith.constant 1 : i32
        %add3A_592 = vector.broadcast %add3A_591 : i32 to vector<16xi32>
        %add3A_593 = arith.addi %add3A_584, %add3A_592 : vector<16xi32>
        %shift_right_logical3A = arith.constant 16 : i32
        %shift_right_logical3A_594 = vector.broadcast %shift_right_logical3A : i32 to vector<16xi32>
        %shift_right_logical3A_595 = arith.shrui %add3A_569, %shift_right_logical3A_594 : vector<16xi32>
        %convert_element_type3A_596 = arith.sitofp %shift_right_logical3A_595 : vector<16xi32> to vector<16xf32>
        %sub3A_597 = vector.broadcast %scan3A_150 : f32 to vector<16xf32>
        %sub3A_598 = arith.subf %convert_element_type3A_596, %sub3A_597 : vector<16xf32>
        %mul3A_599 = vector.broadcast %scan3A_151 : f32 to vector<16xf32>
        %mul3A_600 = arith.mulf %sub3A_598, %mul3A_599 : vector<16xf32>
        tpu.vector_store_idx %arg8[%add3A_580, %add3A_593], %mul3A_600 : memref<4x1024xf32, #tpu.memory_space<vmem>>[vector<16xi32>, vector<16xi32>], vector<16xf32>,
        %add3A_601 = arith.constant 1 : i32
        %add3A_602 = vector.broadcast %add3A_601 : i32 to vector<16xi32>
        %add3A_603 = arith.addi %add3A_580, %add3A_602 : vector<16xi32>
        %and3A_604 = arith.constant 65535 : i32
        %and3A_605 = vector.broadcast %and3A_604 : i32 to vector<16xi32>
        %and3A_606 = arith.andi %add3A_574, %and3A_605 : vector<16xi32>
        %convert_element_type3A_607 = arith.sitofp %and3A_606 : vector<16xi32> to vector<16xf32>
        %sub3A_608 = vector.broadcast %scan3A_150 : f32 to vector<16xf32>
        %sub3A_609 = arith.subf %convert_element_type3A_607, %sub3A_608 : vector<16xf32>
        %mul3A_610 = vector.broadcast %scan3A_151 : f32 to vector<16xf32>
        %mul3A_611 = arith.mulf %sub3A_609, %mul3A_610 : vector<16xf32>
        tpu.vector_store_idx %arg8[%add3A_603, %add3A_584], %mul3A_611 : memref<4x1024xf32, #tpu.memory_space<vmem>>[vector<16xi32>, vector<16xi32>], vector<16xf32>,
        %add3A_612 = arith.constant 1 : i32
        %add3A_613 = vector.broadcast %add3A_612 : i32 to vector<16xi32>
        %add3A_614 = arith.addi %add3A_580, %add3A_613 : vector<16xi32>
        %add3A_615 = arith.constant 1 : i32
        %add3A_616 = vector.broadcast %add3A_615 : i32 to vector<16xi32>
        %add3A_617 = arith.addi %add3A_584, %add3A_616 : vector<16xi32>
        %shift_right_logical3A_618 = arith.constant 16 : i32
        %shift_right_logical3A_619 = vector.broadcast %shift_right_logical3A_618 : i32 to vector<16xi32>
        %shift_right_logical3A_620 = arith.shrui %add3A_574, %shift_right_logical3A_619 : vector<16xi32>
        %convert_element_type3A_621 = arith.sitofp %shift_right_logical3A_620 : vector<16xi32> to vector<16xf32>
        %sub3A_622 = vector.broadcast %scan3A_150 : f32 to vector<16xf32>
        %sub3A_623 = arith.subf %convert_element_type3A_621, %sub3A_622 : vector<16xf32>
        %mul3A_624 = vector.broadcast %scan3A_151 : f32 to vector<16xf32>
        %mul3A_625 = arith.mulf %sub3A_623, %mul3A_624 : vector<16xf32>
        tpu.vector_store_idx %arg8[%add3A_614, %add3A_617], %mul3A_625 : memref<4x1024xf32, #tpu.memory_space<vmem>>[vector<16xi32>, vector<16xi32>], vector<16xf32>,
      }
      %scan3A_280 = arith.constant 32 : i32
    }
    %scan3A_156 = arith.constant 2 : i32
    %mul3A_157 = arith.constant 32 : i32
    %mul3A_158 = arith.muli %add3A, %mul3A_157 : i32
    %add3A_159 = arith.constant 8 : i32
    %add3A_160 = arith.addi %mul3A_158, %add3A_159 : i32
    %dma_start3A_161 = arith.constant 0 : i32
    %dma_start3A_162 = tpu.memref_slice %arg4[%add3A_160, %dma_start3A_161] : memref<1024x1024xf32, #tpu.memory_space<hbm>> -> memref<4x1024xf32, #tpu.memory_space<hbm>>
    %dma_start3A_163 = arith.constant 0 : i32
    %dma_start3A_164 = tpu.memref_slice %arg4[%add3A_160, %dma_start3A_163] : memref<1024x1024xf32, #tpu.memory_space<hbm>> -> memref<4x1024xf32, #tpu.memory_space<hbm>>
    tpu.enqueue_dma source(%arg8 : memref<4x1024xf32, #tpu.memory_space<vmem>>) target(%dma_start3A_164 : memref<4x1024xf32, #tpu.memory_space<hbm>>) target_semaphore(%arg11 : memref<!tpu.dma_semaphore, #tpu.memory_space<semaphore_mem>>)
    %dma_wait3A_165 = arith.constant 0 : i32
    %dma_wait3A_166 = tpu.memref_slice %arg4[%add3A_141, %dma_wait3A_165] : memref<1024x1024xf32, #tpu.memory_space<hbm>> -> memref<4x1024xf32, #tpu.memory_space<hbm>>
    %dma_wait3A_167 = arith.constant 0 : i32
    %dma_wait3A_168 = tpu.memref_slice %arg4[%add3A_141, %dma_wait3A_167] : memref<1024x1024xf32, #tpu.memory_space<hbm>> -> memref<4x1024xf32, #tpu.memory_space<hbm>>
    tpu.wait_dma2 semaphore(%arg12 : memref<!tpu.dma_semaphore, #tpu.memory_space<semaphore_mem>>) src(%arg9 : memref<4x1024xf32, #tpu.memory_space<vmem>>) dst(%dma_wait3A_168 : memref<4x1024xf32, #tpu.memory_space<hbm>>)
    %scan3A_169 = arith.constant 0 : i32
    %scan3A_170 = arith.constant 2.457600e+04 : f32
    %scan3A_171 = arith.constant 0.333333343 : f32
    %scan3A_172 = arith.constant 0 : i32
    %scan3A_173 = arith.constant 2 : i32
    %scan3A_174 = arith.addi %scan3A_172, %scan3A_173 : i32
    %scan3A_175 = arith.constant 1 : i32
    scf.for %scan3A_273 = %scan3A_172 to %scan3A_174 step %scan3A_175  : i32 {
      %add3A_274 = arith.constant 6 : i32
      %add3A_275 = arith.addi %add3A_274, %scan3A_273 : i32
      %scan3A_276 = arith.constant 0 : i32
      %scan3A_277 = arith.constant 32 : i32
      %scan3A_278 = arith.addi %scan3A_276, %scan3A_277 : i32
      %scan3A_279 = arith.constant 1 : i32
      scf.for %scan3A_281 = %scan3A_276 to %scan3A_278 step %scan3A_279  : i32 {
        %mul3A_282 = arith.constant 16 : i32
        %mul3A_283 = arith.muli %scan3A_281, %mul3A_282 : i32
        %add3A_284 = arith.constant 2 : i32
        %add3A_285 = arith.addi %add3A_275, %add3A_284 : i32
        %mul3A_286 = arith.constant 516 : i32
        %mul3A_287 = arith.muli %add3A_285, %mul3A_286 : i32
        %add3A_288 = arith.addi %mul3A_287, %mul3A_283 : i32
        %add3A_289 = arith.constant 2 : i32
        %add3A_290 = arith.addi %add3A_288, %add3A_289 : i32
        %add3A_291 = arith.constant 0 : i32
        %add3A_292 = arith.addi %add3A_290, %add3A_291 : i32
        %get3A = arith.index_cast %add3A_292 : i32 to index
        %get3A_293 = tpu.vector_load %arg6[%get3A] {strides = array<i32>} : memref<10320xi32, #tpu.memory_space<vmem>>, vector<16xi32>,
        %shift_left3A = arith.constant 8 : i32
        %shift_left3A_294 = vector.broadcast %shift_left3A : i32 to vector<16xi32>
        %shift_left3A_295 = arith.shli %get3A_293, %shift_left3A_294 : vector<16xi32>
        %broadcast_in_dim3A = arith.constant 0 : i32
        %broadcast_in_dim3A_296 = vector.broadcast %broadcast_in_dim3A : i32 to vector<16xi32>
        %broadcast_in_dim3A_297 = arith.constant 0 : i32
        %broadcast_in_dim3A_298 = vector.broadcast %broadcast_in_dim3A_297 : i32 to vector<16xi32>
        %add3A_299 = arith.constant 1 : i32
        %add3A_300 = arith.addi %add3A_290, %add3A_299 : i32
        %get3A_301 = arith.index_cast %add3A_300 : i32 to index
        %get3A_302 = tpu.vector_load %arg6[%get3A_301] {strides = array<i32>} : memref<10320xi32, #tpu.memory_space<vmem>>, vector<16xi32>,
        %shift_left3A_303 = arith.constant 4 : i32
        %shift_left3A_304 = vector.broadcast %shift_left3A_303 : i32 to vector<16xi32>
        %shift_left3A_305 = arith.shli %get3A_302, %shift_left3A_304 : vector<16xi32>
        %add3A_306 = arith.constant 2 : i32
        %add3A_307 = arith.addi %add3A_290, %add3A_306 : i32
        %get3A_308 = arith.index_cast %add3A_307 : i32 to index
        %get3A_309 = tpu.vector_load %arg6[%get3A_308] {strides = array<i32>} : memref<10320xi32, #tpu.memory_space<vmem>>, vector<16xi32>,
        %add3A_310 = arith.addi %shift_left3A_295, %shift_left3A_305 : vector<16xi32>
        %add3A_311 = arith.addi %add3A_310, %get3A_309 : vector<16xi32>
        %add3A_312 = arith.constant 0 : i32
        %add3A_313 = vector.broadcast %add3A_312 : i32 to vector<16xi32>
        %add3A_314 = arith.addi %add3A_311, %add3A_313 : vector<16xi32>
        %gather3A_315 = tpu.vector_load_idx %arg7[%add3A_314] : memref<98304xi32, #tpu.memory_space<vmem>>[vector<16xi32>], vector<16xi32>,
        %add3A_316 = arith.addi %broadcast_in_dim3A_296, %gather3A_315 : vector<16xi32>
        %add3A_317 = arith.constant 4096 : i32
        %add3A_318 = vector.broadcast %add3A_317 : i32 to vector<16xi32>
        %add3A_319 = arith.addi %add3A_314, %add3A_318 : vector<16xi32>
        %gather3A_320 = tpu.vector_load_idx %arg7[%add3A_319] : memref<98304xi32, #tpu.memory_space<vmem>>[vector<16xi32>], vector<16xi32>,
        %add3A_321 = arith.addi %broadcast_in_dim3A_298, %gather3A_320 : vector<16xi32>
        %add3A_322 = arith.constant 516 : i32
        %add3A_323 = arith.addi %add3A_290, %add3A_322 : i32
        %get3A_324 = arith.index_cast %add3A_323 : i32 to index
        %get3A_325 = tpu.vector_load %arg6[%get3A_324] {strides = array<i32>} : memref<10320xi32, #tpu.memory_space<vmem>>, vector<16xi32>,
        %shift_left3A_326 = arith.constant 4 : i32
        %shift_left3A_327 = vector.broadcast %shift_left3A_326 : i32 to vector<16xi32>
        %shift_left3A_328 = arith.shli %get3A_325, %shift_left3A_327 : vector<16xi32>
        %add3A_329 = arith.constant 1032 : i32
        %add3A_330 = arith.addi %add3A_290, %add3A_329 : i32
        %get3A_331 = arith.index_cast %add3A_330 : i32 to index
        %get3A_332 = tpu.vector_load %arg6[%get3A_331] {strides = array<i32>} : memref<10320xi32, #tpu.memory_space<vmem>>, vector<16xi32>,
        %add3A_333 = arith.addi %shift_left3A_295, %shift_left3A_328 : vector<16xi32>
        %add3A_334 = arith.addi %add3A_333, %get3A_332 : vector<16xi32>
        %add3A_335 = arith.constant 8192 : i32
        %add3A_336 = vector.broadcast %add3A_335 : i32 to vector<16xi32>
        %add3A_337 = arith.addi %add3A_334, %add3A_336 : vector<16xi32>
        %gather3A_338 = tpu.vector_load_idx %arg7[%add3A_337] : memref<98304xi32, #tpu.memory_space<vmem>>[vector<16xi32>], vector<16xi32>,
        %add3A_339 = arith.addi %add3A_316, %gather3A_338 : vector<16xi32>
        %add3A_340 = arith.constant 4096 : i32
        %add3A_341 = vector.broadcast %add3A_340 : i32 to vector<16xi32>
        %add3A_342 = arith.addi %add3A_337, %add3A_341 : vector<16xi32>
        %gather3A_343 = tpu.vector_load_idx %arg7[%add3A_342] : memref<98304xi32, #tpu.memory_space<vmem>>[vector<16xi32>], vector<16xi32>,
        %add3A_344 = arith.addi %add3A_321, %gather3A_343 : vector<16xi32>
        %add3A_345 = arith.constant -1 : i32
        %add3A_346 = arith.addi %add3A_290, %add3A_345 : i32
        %get3A_347 = arith.index_cast %add3A_346 : i32 to index
        %get3A_348 = tpu.vector_load %arg6[%get3A_347] {strides = array<i32>} : memref<10320xi32, #tpu.memory_space<vmem>>, vector<16xi32>,
        %shift_left3A_349 = arith.constant 4 : i32
        %shift_left3A_350 = vector.broadcast %shift_left3A_349 : i32 to vector<16xi32>
        %shift_left3A_351 = arith.shli %get3A_348, %shift_left3A_350 : vector<16xi32>
        %add3A_352 = arith.constant -2 : i32
        %add3A_353 = arith.addi %add3A_290, %add3A_352 : i32
        %get3A_354 = arith.index_cast %add3A_353 : i32 to index
        %get3A_355 = tpu.vector_load %arg6[%get3A_354] {strides = array<i32>} : memref<10320xi32, #tpu.memory_space<vmem>>, vector<16xi32>,
        %add3A_356 = arith.addi %shift_left3A_295, %shift_left3A_351 : vector<16xi32>
        %add3A_357 = arith.addi %add3A_356, %get3A_355 : vector<16xi32>
        %add3A_358 = arith.constant 16384 : i32
        %add3A_359 = vector.broadcast %add3A_358 : i32 to vector<16xi32>
        %add3A_360 = arith.addi %add3A_357, %add3A_359 : vector<16xi32>
        %gather3A_361 = tpu.vector_load_idx %arg7[%add3A_360] : memref<98304xi32, #tpu.memory_space<vmem>>[vector<16xi32>], vector<16xi32>,
        %add3A_362 = arith.addi %add3A_339, %gather3A_361 : vector<16xi32>
        %add3A_363 = arith.constant 4096 : i32
        %add3A_364 = vector.broadcast %add3A_363 : i32 to vector<16xi32>
        %add3A_365 = arith.addi %add3A_360, %add3A_364 : vector<16xi32>
        %gather3A_366 = tpu.vector_load_idx %arg7[%add3A_365] : memref<98304xi32, #tpu.memory_space<vmem>>[vector<16xi32>], vector<16xi32>,
        %add3A_367 = arith.addi %add3A_344, %gather3A_366 : vector<16xi32>
        %add3A_368 = arith.constant -516 : i32
        %add3A_369 = arith.addi %add3A_290, %add3A_368 : i32
        %get3A_370 = arith.index_cast %add3A_369 : i32 to index
        %get3A_371 = tpu.vector_load %arg6[%get3A_370] {strides = array<i32>} : memref<10320xi32, #tpu.memory_space<vmem>>, vector<16xi32>,
        %shift_left3A_372 = arith.constant 4 : i32
        %shift_left3A_373 = vector.broadcast %shift_left3A_372 : i32 to vector<16xi32>
        %shift_left3A_374 = arith.shli %get3A_371, %shift_left3A_373 : vector<16xi32>
        %add3A_375 = arith.constant -1032 : i32
        %add3A_376 = arith.addi %add3A_290, %add3A_375 : i32
        %get3A_377 = arith.index_cast %add3A_376 : i32 to index
        %get3A_378 = tpu.vector_load %arg6[%get3A_377] {strides = array<i32>} : memref<10320xi32, #tpu.memory_space<vmem>>, vector<16xi32>,
        %add3A_379 = arith.addi %shift_left3A_295, %shift_left3A_374 : vector<16xi32>
        %add3A_380 = arith.addi %add3A_379, %get3A_378 : vector<16xi32>
        %add3A_381 = arith.constant 24576 : i32
        %add3A_382 = vector.broadcast %add3A_381 : i32 to vector<16xi32>
        %add3A_383 = arith.addi %add3A_380, %add3A_382 : vector<16xi32>
        %gather3A_384 = tpu.vector_load_idx %arg7[%add3A_383] : memref<98304xi32, #tpu.memory_space<vmem>>[vector<16xi32>], vector<16xi32>,
        %add3A_385 = arith.addi %add3A_362, %gather3A_384 : vector<16xi32>
        %add3A_386 = arith.constant 4096 : i32
        %add3A_387 = vector.broadcast %add3A_386 : i32 to vector<16xi32>
        %add3A_388 = arith.addi %add3A_383, %add3A_387 : vector<16xi32>
        %gather3A_389 = tpu.vector_load_idx %arg7[%add3A_388] : memref<98304xi32, #tpu.memory_space<vmem>>[vector<16xi32>], vector<16xi32>,
        %add3A_390 = arith.addi %add3A_367, %gather3A_389 : vector<16xi32>
        %add3A_391 = arith.constant 517 : i32
        %add3A_392 = arith.addi %add3A_290, %add3A_391 : i32
        %get3A_393 = arith.index_cast %add3A_392 : i32 to index
        %get3A_394 = tpu.vector_load %arg6[%get3A_393] {strides = array<i32>} : memref<10320xi32, #tpu.memory_space<vmem>>, vector<16xi32>,
        %shift_left3A_395 = arith.constant 4 : i32
        %shift_left3A_396 = vector.broadcast %shift_left3A_395 : i32 to vector<16xi32>
        %shift_left3A_397 = arith.shli %get3A_394, %shift_left3A_396 : vector<16xi32>
        %add3A_398 = arith.constant 1034 : i32
        %add3A_399 = arith.addi %add3A_290, %add3A_398 : i32
        %get3A_400 = arith.index_cast %add3A_399 : i32 to index
        %get3A_401 = tpu.vector_load %arg6[%get3A_400] {strides = array<i32>} : memref<10320xi32, #tpu.memory_space<vmem>>, vector<16xi32>,
        %add3A_402 = arith.addi %shift_left3A_295, %shift_left3A_397 : vector<16xi32>
        %add3A_403 = arith.addi %add3A_402, %get3A_401 : vector<16xi32>
        %add3A_404 = arith.constant 32768 : i32
        %add3A_405 = vector.broadcast %add3A_404 : i32 to vector<16xi32>
        %add3A_406 = arith.addi %add3A_403, %add3A_405 : vector<16xi32>
        %gather3A_407 = tpu.vector_load_idx %arg7[%add3A_406] : memref<98304xi32, #tpu.memory_space<vmem>>[vector<16xi32>], vector<16xi32>,
        %add3A_408 = arith.addi %add3A_385, %gather3A_407 : vector<16xi32>
        %add3A_409 = arith.constant 4096 : i32
        %add3A_410 = vector.broadcast %add3A_409 : i32 to vector<16xi32>
        %add3A_411 = arith.addi %add3A_406, %add3A_410 : vector<16xi32>
        %gather3A_412 = tpu.vector_load_idx %arg7[%add3A_411] : memref<98304xi32, #tpu.memory_space<vmem>>[vector<16xi32>], vector<16xi32>,
        %add3A_413 = arith.addi %add3A_390, %gather3A_412 : vector<16xi32>
        %add3A_414 = arith.constant 515 : i32
        %add3A_415 = arith.addi %add3A_290, %add3A_414 : i32
        %get3A_416 = arith.index_cast %add3A_415 : i32 to index
        %get3A_417 = tpu.vector_load %arg6[%get3A_416] {strides = array<i32>} : memref<10320xi32, #tpu.memory_space<vmem>>, vector<16xi32>,
        %shift_left3A_418 = arith.constant 4 : i32
        %shift_left3A_419 = vector.broadcast %shift_left3A_418 : i32 to vector<16xi32>
        %shift_left3A_420 = arith.shli %get3A_417, %shift_left3A_419 : vector<16xi32>
        %add3A_421 = arith.constant 1030 : i32
        %add3A_422 = arith.addi %add3A_290, %add3A_421 : i32
        %get3A_423 = arith.index_cast %add3A_422 : i32 to index
        %get3A_424 = tpu.vector_load %arg6[%get3A_423] {strides = array<i32>} : memref<10320xi32, #tpu.memory_space<vmem>>, vector<16xi32>,
        %add3A_425 = arith.addi %shift_left3A_295, %shift_left3A_420 : vector<16xi32>
        %add3A_426 = arith.addi %add3A_425, %get3A_424 : vector<16xi32>
        %add3A_427 = arith.constant 40960 : i32
        %add3A_428 = vector.broadcast %add3A_427 : i32 to vector<16xi32>
        %add3A_429 = arith.addi %add3A_426, %add3A_428 : vector<16xi32>
        %gather3A_430 = tpu.vector_load_idx %arg7[%add3A_429] : memref<98304xi32, #tpu.memory_space<vmem>>[vector<16xi32>], vector<16xi32>,
        %add3A_431 = arith.addi %add3A_408, %gather3A_430 : vector<16xi32>
        %add3A_432 = arith.constant 4096 : i32
        %add3A_433 = vector.broadcast %add3A_432 : i32 to vector<16xi32>
        %add3A_434 = arith.addi %add3A_429, %add3A_433 : vector<16xi32>
        %gather3A_435 = tpu.vector_load_idx %arg7[%add3A_434] : memref<98304xi32, #tpu.memory_space<vmem>>[vector<16xi32>], vector<16xi32>,
        %add3A_436 = arith.addi %add3A_413, %gather3A_435 : vector<16xi32>
        %add3A_437 = arith.constant -517 : i32
        %add3A_438 = arith.addi %add3A_290, %add3A_437 : i32
        %get3A_439 = arith.index_cast %add3A_438 : i32 to index
        %get3A_440 = tpu.vector_load %arg6[%get3A_439] {strides = array<i32>} : memref<10320xi32, #tpu.memory_space<vmem>>, vector<16xi32>,
        %shift_left3A_441 = arith.constant 4 : i32
        %shift_left3A_442 = vector.broadcast %shift_left3A_441 : i32 to vector<16xi32>
        %shift_left3A_443 = arith.shli %get3A_440, %shift_left3A_442 : vector<16xi32>
        %add3A_444 = arith.constant -1034 : i32
        %add3A_445 = arith.addi %add3A_290, %add3A_444 : i32
        %get3A_446 = arith.index_cast %add3A_445 : i32 to index
        %get3A_447 = tpu.vector_load %arg6[%get3A_446] {strides = array<i32>} : memref<10320xi32, #tpu.memory_space<vmem>>, vector<16xi32>,
        %add3A_448 = arith.addi %shift_left3A_295, %shift_left3A_443 : vector<16xi32>
        %add3A_449 = arith.addi %add3A_448, %get3A_447 : vector<16xi32>
        %add3A_450 = arith.constant 49152 : i32
        %add3A_451 = vector.broadcast %add3A_450 : i32 to vector<16xi32>
        %add3A_452 = arith.addi %add3A_449, %add3A_451 : vector<16xi32>
        %gather3A_453 = tpu.vector_load_idx %arg7[%add3A_452] : memref<98304xi32, #tpu.memory_space<vmem>>[vector<16xi32>], vector<16xi32>,
        %add3A_454 = arith.addi %add3A_431, %gather3A_453 : vector<16xi32>
        %add3A_455 = arith.constant 4096 : i32
        %add3A_456 = vector.broadcast %add3A_455 : i32 to vector<16xi32>
        %add3A_457 = arith.addi %add3A_452, %add3A_456 : vector<16xi32>
        %gather3A_458 = tpu.vector_load_idx %arg7[%add3A_457] : memref<98304xi32, #tpu.memory_space<vmem>>[vector<16xi32>], vector<16xi32>,
        %add3A_459 = arith.addi %add3A_436, %gather3A_458 : vector<16xi32>
        %add3A_460 = arith.constant -515 : i32
        %add3A_461 = arith.addi %add3A_290, %add3A_460 : i32
        %get3A_462 = arith.index_cast %add3A_461 : i32 to index
        %get3A_463 = tpu.vector_load %arg6[%get3A_462] {strides = array<i32>} : memref<10320xi32, #tpu.memory_space<vmem>>, vector<16xi32>,
        %shift_left3A_464 = arith.constant 4 : i32
        %shift_left3A_465 = vector.broadcast %shift_left3A_464 : i32 to vector<16xi32>
        %shift_left3A_466 = arith.shli %get3A_463, %shift_left3A_465 : vector<16xi32>
        %add3A_467 = arith.constant -1030 : i32
        %add3A_468 = arith.addi %add3A_290, %add3A_467 : i32
        %get3A_469 = arith.index_cast %add3A_468 : i32 to index
        %get3A_470 = tpu.vector_load %arg6[%get3A_469] {strides = array<i32>} : memref<10320xi32, #tpu.memory_space<vmem>>, vector<16xi32>,
        %add3A_471 = arith.addi %shift_left3A_295, %shift_left3A_466 : vector<16xi32>
        %add3A_472 = arith.addi %add3A_471, %get3A_470 : vector<16xi32>
        %add3A_473 = arith.constant 57344 : i32
        %add3A_474 = vector.broadcast %add3A_473 : i32 to vector<16xi32>
        %add3A_475 = arith.addi %add3A_472, %add3A_474 : vector<16xi32>
        %gather3A_476 = tpu.vector_load_idx %arg7[%add3A_475] : memref<98304xi32, #tpu.memory_space<vmem>>[vector<16xi32>], vector<16xi32>,
        %add3A_477 = arith.addi %add3A_454, %gather3A_476 : vector<16xi32>
        %add3A_478 = arith.constant 4096 : i32
        %add3A_479 = vector.broadcast %add3A_478 : i32 to vector<16xi32>
        %add3A_480 = arith.addi %add3A_475, %add3A_479 : vector<16xi32>
        %gather3A_481 = tpu.vector_load_idx %arg7[%add3A_480] : memref<98304xi32, #tpu.memory_space<vmem>>[vector<16xi32>], vector<16xi32>,
        %add3A_482 = arith.addi %add3A_459, %gather3A_481 : vector<16xi32>
        %add3A_483 = arith.constant 518 : i32
        %add3A_484 = arith.addi %add3A_290, %add3A_483 : i32
        %get3A_485 = arith.index_cast %add3A_484 : i32 to index
        %get3A_486 = tpu.vector_load %arg6[%get3A_485] {strides = array<i32>} : memref<10320xi32, #tpu.memory_space<vmem>>, vector<16xi32>,
        %shift_left3A_487 = arith.constant 4 : i32
        %shift_left3A_488 = vector.broadcast %shift_left3A_487 : i32 to vector<16xi32>
        %shift_left3A_489 = arith.shli %get3A_486, %shift_left3A_488 : vector<16xi32>
        %add3A_490 = arith.constant 1033 : i32
        %add3A_491 = arith.addi %add3A_290, %add3A_490 : i32
        %get3A_492 = arith.index_cast %add3A_491 : i32 to index
        %get3A_493 = tpu.vector_load %arg6[%get3A_492] {strides = array<i32>} : memref<10320xi32, #tpu.memory_space<vmem>>, vector<16xi32>,
        %add3A_494 = arith.addi %shift_left3A_295, %shift_left3A_489 : vector<16xi32>
        %add3A_495 = arith.addi %add3A_494, %get3A_493 : vector<16xi32>
        %add3A_496 = arith.constant 65536 : i32
        %add3A_497 = vector.broadcast %add3A_496 : i32 to vector<16xi32>
        %add3A_498 = arith.addi %add3A_495, %add3A_497 : vector<16xi32>
        %gather3A_499 = tpu.vector_load_idx %arg7[%add3A_498] : memref<98304xi32, #tpu.memory_space<vmem>>[vector<16xi32>], vector<16xi32>,
        %add3A_500 = arith.addi %add3A_477, %gather3A_499 : vector<16xi32>
        %add3A_501 = arith.constant 4096 : i32
        %add3A_502 = vector.broadcast %add3A_501 : i32 to vector<16xi32>
        %add3A_503 = arith.addi %add3A_498, %add3A_502 : vector<16xi32>
        %gather3A_504 = tpu.vector_load_idx %arg7[%add3A_503] : memref<98304xi32, #tpu.memory_space<vmem>>[vector<16xi32>], vector<16xi32>,
        %add3A_505 = arith.addi %add3A_482, %gather3A_504 : vector<16xi32>
        %add3A_506 = arith.constant 1031 : i32
        %add3A_507 = arith.addi %add3A_290, %add3A_506 : i32
        %get3A_508 = arith.index_cast %add3A_507 : i32 to index
        %get3A_509 = tpu.vector_load %arg6[%get3A_508] {strides = array<i32>} : memref<10320xi32, #tpu.memory_space<vmem>>, vector<16xi32>,
        %shift_left3A_510 = arith.constant 4 : i32
        %shift_left3A_511 = vector.broadcast %shift_left3A_510 : i32 to vector<16xi32>
        %shift_left3A_512 = arith.shli %get3A_509, %shift_left3A_511 : vector<16xi32>
        %add3A_513 = arith.constant 514 : i32
        %add3A_514 = arith.addi %add3A_290, %add3A_513 : i32
        %get3A_515 = arith.index_cast %add3A_514 : i32 to index
        %get3A_516 = tpu.vector_load %arg6[%get3A_515] {strides = array<i32>} : memref<10320xi32, #tpu.memory_space<vmem>>, vector<16xi32>,
        %add3A_517 = arith.addi %shift_left3A_295, %shift_left3A_512 : vector<16xi32>
        %add3A_518 = arith.addi %add3A_517, %get3A_516 : vector<16xi32>
        %add3A_519 = arith.constant 73728 : i32
        %add3A_520 = vector.broadcast %add3A_519 : i32 to vector<16xi32>
        %add3A_521 = arith.addi %add3A_518, %add3A_520 : vector<16xi32>
        %gather3A_522 = tpu.vector_load_idx %arg7[%add3A_521] : memref<98304xi32, #tpu.memory_space<vmem>>[vector<16xi32>], vector<16xi32>,
        %add3A_523 = arith.addi %add3A_500, %gather3A_522 : vector<16xi32>
        %add3A_524 = arith.constant 4096 : i32
        %add3A_525 = vector.broadcast %add3A_524 : i32 to vector<16xi32>
        %add3A_526 = arith.addi %add3A_521, %add3A_525 : vector<16xi32>
        %gather3A_527 = tpu.vector_load_idx %arg7[%add3A_526] : memref<98304xi32, #tpu.memory_space<vmem>>[vector<16xi32>], vector<16xi32>,
        %add3A_528 = arith.addi %add3A_505, %gather3A_527 : vector<16xi32>
        %add3A_529 = arith.constant -518 : i32
        %add3A_530 = arith.addi %add3A_290, %add3A_529 : i32
        %get3A_531 = arith.index_cast %add3A_530 : i32 to index
        %get3A_532 = tpu.vector_load %arg6[%get3A_531] {strides = array<i32>} : memref<10320xi32, #tpu.memory_space<vmem>>, vector<16xi32>,
        %shift_left3A_533 = arith.constant 4 : i32
        %shift_left3A_534 = vector.broadcast %shift_left3A_533 : i32 to vector<16xi32>
        %shift_left3A_535 = arith.shli %get3A_532, %shift_left3A_534 : vector<16xi32>
        %add3A_536 = arith.constant -1033 : i32
        %add3A_537 = arith.addi %add3A_290, %add3A_536 : i32
        %get3A_538 = arith.index_cast %add3A_537 : i32 to index
        %get3A_539 = tpu.vector_load %arg6[%get3A_538] {strides = array<i32>} : memref<10320xi32, #tpu.memory_space<vmem>>, vector<16xi32>,
        %add3A_540 = arith.addi %shift_left3A_295, %shift_left3A_535 : vector<16xi32>
        %add3A_541 = arith.addi %add3A_540, %get3A_539 : vector<16xi32>
        %add3A_542 = arith.constant 81920 : i32
        %add3A_543 = vector.broadcast %add3A_542 : i32 to vector<16xi32>
        %add3A_544 = arith.addi %add3A_541, %add3A_543 : vector<16xi32>
        %gather3A_545 = tpu.vector_load_idx %arg7[%add3A_544] : memref<98304xi32, #tpu.memory_space<vmem>>[vector<16xi32>], vector<16xi32>,
        %add3A_546 = arith.addi %add3A_523, %gather3A_545 : vector<16xi32>
        %add3A_547 = arith.constant 4096 : i32
        %add3A_548 = vector.broadcast %add3A_547 : i32 to vector<16xi32>
        %add3A_549 = arith.addi %add3A_544, %add3A_548 : vector<16xi32>
        %gather3A_550 = tpu.vector_load_idx %arg7[%add3A_549] : memref<98304xi32, #tpu.memory_space<vmem>>[vector<16xi32>], vector<16xi32>,
        %add3A_551 = arith.addi %add3A_528, %gather3A_550 : vector<16xi32>
        %add3A_552 = arith.constant -1031 : i32
        %add3A_553 = arith.addi %add3A_290, %add3A_552 : i32
        %get3A_554 = arith.index_cast %add3A_553 : i32 to index
        %get3A_555 = tpu.vector_load %arg6[%get3A_554] {strides = array<i32>} : memref<10320xi32, #tpu.memory_space<vmem>>, vector<16xi32>,
        %shift_left3A_556 = arith.constant 4 : i32
        %shift_left3A_557 = vector.broadcast %shift_left3A_556 : i32 to vector<16xi32>
        %shift_left3A_558 = arith.shli %get3A_555, %shift_left3A_557 : vector<16xi32>
        %add3A_559 = arith.constant -514 : i32
        %add3A_560 = arith.addi %add3A_290, %add3A_559 : i32
        %get3A_561 = arith.index_cast %add3A_560 : i32 to index
        %get3A_562 = tpu.vector_load %arg6[%get3A_561] {strides = array<i32>} : memref<10320xi32, #tpu.memory_space<vmem>>, vector<16xi32>,
        %add3A_563 = arith.addi %shift_left3A_295, %shift_left3A_558 : vector<16xi32>
        %add3A_564 = arith.addi %add3A_563, %get3A_562 : vector<16xi32>
        %add3A_565 = arith.constant 90112 : i32
        %add3A_566 = vector.broadcast %add3A_565 : i32 to vector<16xi32>
        %add3A_567 = arith.addi %add3A_564, %add3A_566 : vector<16xi32>
        %gather3A_568 = tpu.vector_load_idx %arg7[%add3A_567] : memref<98304xi32, #tpu.memory_space<vmem>>[vector<16xi32>], vector<16xi32>,
        %add3A_569 = arith.addi %add3A_546, %gather3A_568 : vector<16xi32>
        %add3A_570 = arith.constant 4096 : i32
        %add3A_571 = vector.broadcast %add3A_570 : i32 to vector<16xi32>
        %add3A_572 = arith.addi %add3A_567, %add3A_571 : vector<16xi32>
        %gather3A_573 = tpu.vector_load_idx %arg7[%add3A_572] : memref<98304xi32, #tpu.memory_space<vmem>>[vector<16xi32>], vector<16xi32>,
        %add3A_574 = arith.addi %add3A_551, %gather3A_573 : vector<16xi32>
        %broadcast_in_dim3A_575 = arith.constant 0 : i32
        %broadcast_in_dim3A_576 = vector.broadcast %broadcast_in_dim3A_575 : i32 to vector<16xi32>
        %mul3A_577 = arith.constant 2 : i32
        %mul3A_578 = arith.muli %mul3A_577, %scan3A_273 : i32
        %add3A_579 = vector.broadcast %mul3A_578 : i32 to vector<16xi32>
        %add3A_580 = arith.addi %broadcast_in_dim3A_576, %add3A_579 : vector<16xi32>
        %mul3A_581 = arith.constant 2 : i32
        %mul3A_582 = arith.muli %mul3A_581, %mul3A_283 : i32
        %add3A_583 = vector.broadcast %mul3A_582 : i32 to vector<16xi32>
        %add3A_584 = arith.addi %add3A_583, %mul3A_114 : vector<16xi32>
        %and3A = arith.constant 65535 : i32
        %and3A_585 = vector.broadcast %and3A : i32 to vector<16xi32>
        %and3A_586 = arith.andi %add3A_569, %and3A_585 : vector<16xi32>
        %convert_element_type3A = arith.sitofp %and3A_586 : vector<16xi32> to vector<16xf32>
        %sub3A_587 = vector.broadcast %scan3A_170 : f32 to vector<16xf32>
        %sub3A_588 = arith.subf %convert_element_type3A, %sub3A_587 : vector<16xf32>
        %mul3A_589 = vector.broadcast %scan3A_171 : f32 to vector<16xf32>
        %mul3A_590 = arith.mulf %sub3A_588, %mul3A_589 : vector<16xf32>
        tpu.vector_store_idx %arg9[%add3A_580, %add3A_584], %mul3A_590 : memref<4x1024xf32, #tpu.memory_space<vmem>>[vector<16xi32>, vector<16xi32>], vector<16xf32>,
        %add3A_591 = arith.constant 1 : i32
        %add3A_592 = vector.broadcast %add3A_591 : i32 to vector<16xi32>
        %add3A_593 = arith.addi %add3A_584, %add3A_592 : vector<16xi32>
        %shift_right_logical3A = arith.constant 16 : i32
        %shift_right_logical3A_594 = vector.broadcast %shift_right_logical3A : i32 to vector<16xi32>
        %shift_right_logical3A_595 = arith.shrui %add3A_569, %shift_right_logical3A_594 : vector<16xi32>
        %convert_element_type3A_596 = arith.sitofp %shift_right_logical3A_595 : vector<16xi32> to vector<16xf32>
        %sub3A_597 = vector.broadcast %scan3A_170 : f32 to vector<16xf32>
        %sub3A_598 = arith.subf %convert_element_type3A_596, %sub3A_597 : vector<16xf32>
        %mul3A_599 = vector.broadcast %scan3A_171 : f32 to vector<16xf32>
        %mul3A_600 = arith.mulf %sub3A_598, %mul3A_599 : vector<16xf32>
        tpu.vector_store_idx %arg9[%add3A_580, %add3A_593], %mul3A_600 : memref<4x1024xf32, #tpu.memory_space<vmem>>[vector<16xi32>, vector<16xi32>], vector<16xf32>,
        %add3A_601 = arith.constant 1 : i32
        %add3A_602 = vector.broadcast %add3A_601 : i32 to vector<16xi32>
        %add3A_603 = arith.addi %add3A_580, %add3A_602 : vector<16xi32>
        %and3A_604 = arith.constant 65535 : i32
        %and3A_605 = vector.broadcast %and3A_604 : i32 to vector<16xi32>
        %and3A_606 = arith.andi %add3A_574, %and3A_605 : vector<16xi32>
        %convert_element_type3A_607 = arith.sitofp %and3A_606 : vector<16xi32> to vector<16xf32>
        %sub3A_608 = vector.broadcast %scan3A_170 : f32 to vector<16xf32>
        %sub3A_609 = arith.subf %convert_element_type3A_607, %sub3A_608 : vector<16xf32>
        %mul3A_610 = vector.broadcast %scan3A_171 : f32 to vector<16xf32>
        %mul3A_611 = arith.mulf %sub3A_609, %mul3A_610 : vector<16xf32>
        tpu.vector_store_idx %arg9[%add3A_603, %add3A_584], %mul3A_611 : memref<4x1024xf32, #tpu.memory_space<vmem>>[vector<16xi32>, vector<16xi32>], vector<16xf32>,
        %add3A_612 = arith.constant 1 : i32
        %add3A_613 = vector.broadcast %add3A_612 : i32 to vector<16xi32>
        %add3A_614 = arith.addi %add3A_580, %add3A_613 : vector<16xi32>
        %add3A_615 = arith.constant 1 : i32
        %add3A_616 = vector.broadcast %add3A_615 : i32 to vector<16xi32>
        %add3A_617 = arith.addi %add3A_584, %add3A_616 : vector<16xi32>
        %shift_right_logical3A_618 = arith.constant 16 : i32
        %shift_right_logical3A_619 = vector.broadcast %shift_right_logical3A_618 : i32 to vector<16xi32>
        %shift_right_logical3A_620 = arith.shrui %add3A_574, %shift_right_logical3A_619 : vector<16xi32>
        %convert_element_type3A_621 = arith.sitofp %shift_right_logical3A_620 : vector<16xi32> to vector<16xf32>
        %sub3A_622 = vector.broadcast %scan3A_170 : f32 to vector<16xf32>
        %sub3A_623 = arith.subf %convert_element_type3A_621, %sub3A_622 : vector<16xf32>
        %mul3A_624 = vector.broadcast %scan3A_171 : f32 to vector<16xf32>
        %mul3A_625 = arith.mulf %sub3A_623, %mul3A_624 : vector<16xf32>
        tpu.vector_store_idx %arg9[%add3A_614, %add3A_617], %mul3A_625 : memref<4x1024xf32, #tpu.memory_space<vmem>>[vector<16xi32>, vector<16xi32>], vector<16xf32>,
      }
      %scan3A_280 = arith.constant 32 : i32
    }
    %scan3A_176 = arith.constant 2 : i32
    %mul3A_177 = arith.constant 32 : i32
    %mul3A_178 = arith.muli %add3A, %mul3A_177 : i32
    %add3A_179 = arith.constant 12 : i32
    %add3A_180 = arith.addi %mul3A_178, %add3A_179 : i32
    %dma_start3A_181 = arith.constant 0 : i32
    %dma_start3A_182 = tpu.memref_slice %arg4[%add3A_180, %dma_start3A_181] : memref<1024x1024xf32, #tpu.memory_space<hbm>> -> memref<4x1024xf32, #tpu.memory_space<hbm>>
    %dma_start3A_183 = arith.constant 0 : i32
    %dma_start3A_184 = tpu.memref_slice %arg4[%add3A_180, %dma_start3A_183] : memref<1024x1024xf32, #tpu.memory_space<hbm>> -> memref<4x1024xf32, #tpu.memory_space<hbm>>
    tpu.enqueue_dma source(%arg9 : memref<4x1024xf32, #tpu.memory_space<vmem>>) target(%dma_start3A_184 : memref<4x1024xf32, #tpu.memory_space<hbm>>) target_semaphore(%arg12 : memref<!tpu.dma_semaphore, #tpu.memory_space<semaphore_mem>>)
    %dma_wait3A_185 = arith.constant 0 : i32
    %dma_wait3A_186 = tpu.memref_slice %arg4[%add3A_160, %dma_wait3A_185] : memref<1024x1024xf32, #tpu.memory_space<hbm>> -> memref<4x1024xf32, #tpu.memory_space<hbm>>
    %dma_wait3A_187 = arith.constant 0 : i32
    %dma_wait3A_188 = tpu.memref_slice %arg4[%add3A_160, %dma_wait3A_187] : memref<1024x1024xf32, #tpu.memory_space<hbm>> -> memref<4x1024xf32, #tpu.memory_space<hbm>>
    tpu.wait_dma2 semaphore(%arg11 : memref<!tpu.dma_semaphore, #tpu.memory_space<semaphore_mem>>) src(%arg8 : memref<4x1024xf32, #tpu.memory_space<vmem>>) dst(%dma_wait3A_188 : memref<4x1024xf32, #tpu.memory_space<hbm>>)
    %scan3A_189 = arith.constant 0 : i32
    %scan3A_190 = arith.constant 2.457600e+04 : f32
    %scan3A_191 = arith.constant 0.333333343 : f32
    %scan3A_192 = arith.constant 0 : i32
    %scan3A_193 = arith.constant 2 : i32
    %scan3A_194 = arith.addi %scan3A_192, %scan3A_193 : i32
    %scan3A_195 = arith.constant 1 : i32
    scf.for %scan3A_273 = %scan3A_192 to %scan3A_194 step %scan3A_195  : i32 {
      %add3A_274 = arith.constant 8 : i32
      %add3A_275 = arith.addi %add3A_274, %scan3A_273 : i32
      %scan3A_276 = arith.constant 0 : i32
      %scan3A_277 = arith.constant 32 : i32
      %scan3A_278 = arith.addi %scan3A_276, %scan3A_277 : i32
      %scan3A_279 = arith.constant 1 : i32
      scf.for %scan3A_281 = %scan3A_276 to %scan3A_278 step %scan3A_279  : i32 {
        %mul3A_282 = arith.constant 16 : i32
        %mul3A_283 = arith.muli %scan3A_281, %mul3A_282 : i32
        %add3A_284 = arith.constant 2 : i32
        %add3A_285 = arith.addi %add3A_275, %add3A_284 : i32
        %mul3A_286 = arith.constant 516 : i32
        %mul3A_287 = arith.muli %add3A_285, %mul3A_286 : i32
        %add3A_288 = arith.addi %mul3A_287, %mul3A_283 : i32
        %add3A_289 = arith.constant 2 : i32
        %add3A_290 = arith.addi %add3A_288, %add3A_289 : i32
        %add3A_291 = arith.constant 0 : i32
        %add3A_292 = arith.addi %add3A_290, %add3A_291 : i32
        %get3A = arith.index_cast %add3A_292 : i32 to index
        %get3A_293 = tpu.vector_load %arg6[%get3A] {strides = array<i32>} : memref<10320xi32, #tpu.memory_space<vmem>>, vector<16xi32>,
        %shift_left3A = arith.constant 8 : i32
        %shift_left3A_294 = vector.broadcast %shift_left3A : i32 to vector<16xi32>
        %shift_left3A_295 = arith.shli %get3A_293, %shift_left3A_294 : vector<16xi32>
        %broadcast_in_dim3A = arith.constant 0 : i32
        %broadcast_in_dim3A_296 = vector.broadcast %broadcast_in_dim3A : i32 to vector<16xi32>
        %broadcast_in_dim3A_297 = arith.constant 0 : i32
        %broadcast_in_dim3A_298 = vector.broadcast %broadcast_in_dim3A_297 : i32 to vector<16xi32>
        %add3A_299 = arith.constant 1 : i32
        %add3A_300 = arith.addi %add3A_290, %add3A_299 : i32
        %get3A_301 = arith.index_cast %add3A_300 : i32 to index
        %get3A_302 = tpu.vector_load %arg6[%get3A_301] {strides = array<i32>} : memref<10320xi32, #tpu.memory_space<vmem>>, vector<16xi32>,
        %shift_left3A_303 = arith.constant 4 : i32
        %shift_left3A_304 = vector.broadcast %shift_left3A_303 : i32 to vector<16xi32>
        %shift_left3A_305 = arith.shli %get3A_302, %shift_left3A_304 : vector<16xi32>
        %add3A_306 = arith.constant 2 : i32
        %add3A_307 = arith.addi %add3A_290, %add3A_306 : i32
        %get3A_308 = arith.index_cast %add3A_307 : i32 to index
        %get3A_309 = tpu.vector_load %arg6[%get3A_308] {strides = array<i32>} : memref<10320xi32, #tpu.memory_space<vmem>>, vector<16xi32>,
        %add3A_310 = arith.addi %shift_left3A_295, %shift_left3A_305 : vector<16xi32>
        %add3A_311 = arith.addi %add3A_310, %get3A_309 : vector<16xi32>
        %add3A_312 = arith.constant 0 : i32
        %add3A_313 = vector.broadcast %add3A_312 : i32 to vector<16xi32>
        %add3A_314 = arith.addi %add3A_311, %add3A_313 : vector<16xi32>
        %gather3A_315 = tpu.vector_load_idx %arg7[%add3A_314] : memref<98304xi32, #tpu.memory_space<vmem>>[vector<16xi32>], vector<16xi32>,
        %add3A_316 = arith.addi %broadcast_in_dim3A_296, %gather3A_315 : vector<16xi32>
        %add3A_317 = arith.constant 4096 : i32
        %add3A_318 = vector.broadcast %add3A_317 : i32 to vector<16xi32>
        %add3A_319 = arith.addi %add3A_314, %add3A_318 : vector<16xi32>
        %gather3A_320 = tpu.vector_load_idx %arg7[%add3A_319] : memref<98304xi32, #tpu.memory_space<vmem>>[vector<16xi32>], vector<16xi32>,
        %add3A_321 = arith.addi %broadcast_in_dim3A_298, %gather3A_320 : vector<16xi32>
        %add3A_322 = arith.constant 516 : i32
        %add3A_323 = arith.addi %add3A_290, %add3A_322 : i32
        %get3A_324 = arith.index_cast %add3A_323 : i32 to index
        %get3A_325 = tpu.vector_load %arg6[%get3A_324] {strides = array<i32>} : memref<10320xi32, #tpu.memory_space<vmem>>, vector<16xi32>,
        %shift_left3A_326 = arith.constant 4 : i32
        %shift_left3A_327 = vector.broadcast %shift_left3A_326 : i32 to vector<16xi32>
        %shift_left3A_328 = arith.shli %get3A_325, %shift_left3A_327 : vector<16xi32>
        %add3A_329 = arith.constant 1032 : i32
        %add3A_330 = arith.addi %add3A_290, %add3A_329 : i32
        %get3A_331 = arith.index_cast %add3A_330 : i32 to index
        %get3A_332 = tpu.vector_load %arg6[%get3A_331] {strides = array<i32>} : memref<10320xi32, #tpu.memory_space<vmem>>, vector<16xi32>,
        %add3A_333 = arith.addi %shift_left3A_295, %shift_left3A_328 : vector<16xi32>
        %add3A_334 = arith.addi %add3A_333, %get3A_332 : vector<16xi32>
        %add3A_335 = arith.constant 8192 : i32
        %add3A_336 = vector.broadcast %add3A_335 : i32 to vector<16xi32>
        %add3A_337 = arith.addi %add3A_334, %add3A_336 : vector<16xi32>
        %gather3A_338 = tpu.vector_load_idx %arg7[%add3A_337] : memref<98304xi32, #tpu.memory_space<vmem>>[vector<16xi32>], vector<16xi32>,
        %add3A_339 = arith.addi %add3A_316, %gather3A_338 : vector<16xi32>
        %add3A_340 = arith.constant 4096 : i32
        %add3A_341 = vector.broadcast %add3A_340 : i32 to vector<16xi32>
        %add3A_342 = arith.addi %add3A_337, %add3A_341 : vector<16xi32>
        %gather3A_343 = tpu.vector_load_idx %arg7[%add3A_342] : memref<98304xi32, #tpu.memory_space<vmem>>[vector<16xi32>], vector<16xi32>,
        %add3A_344 = arith.addi %add3A_321, %gather3A_343 : vector<16xi32>
        %add3A_345 = arith.constant -1 : i32
        %add3A_346 = arith.addi %add3A_290, %add3A_345 : i32
        %get3A_347 = arith.index_cast %add3A_346 : i32 to index
        %get3A_348 = tpu.vector_load %arg6[%get3A_347] {strides = array<i32>} : memref<10320xi32, #tpu.memory_space<vmem>>, vector<16xi32>,
        %shift_left3A_349 = arith.constant 4 : i32
        %shift_left3A_350 = vector.broadcast %shift_left3A_349 : i32 to vector<16xi32>
        %shift_left3A_351 = arith.shli %get3A_348, %shift_left3A_350 : vector<16xi32>
        %add3A_352 = arith.constant -2 : i32
        %add3A_353 = arith.addi %add3A_290, %add3A_352 : i32
        %get3A_354 = arith.index_cast %add3A_353 : i32 to index
        %get3A_355 = tpu.vector_load %arg6[%get3A_354] {strides = array<i32>} : memref<10320xi32, #tpu.memory_space<vmem>>, vector<16xi32>,
        %add3A_356 = arith.addi %shift_left3A_295, %shift_left3A_351 : vector<16xi32>
        %add3A_357 = arith.addi %add3A_356, %get3A_355 : vector<16xi32>
        %add3A_358 = arith.constant 16384 : i32
        %add3A_359 = vector.broadcast %add3A_358 : i32 to vector<16xi32>
        %add3A_360 = arith.addi %add3A_357, %add3A_359 : vector<16xi32>
        %gather3A_361 = tpu.vector_load_idx %arg7[%add3A_360] : memref<98304xi32, #tpu.memory_space<vmem>>[vector<16xi32>], vector<16xi32>,
        %add3A_362 = arith.addi %add3A_339, %gather3A_361 : vector<16xi32>
        %add3A_363 = arith.constant 4096 : i32
        %add3A_364 = vector.broadcast %add3A_363 : i32 to vector<16xi32>
        %add3A_365 = arith.addi %add3A_360, %add3A_364 : vector<16xi32>
        %gather3A_366 = tpu.vector_load_idx %arg7[%add3A_365] : memref<98304xi32, #tpu.memory_space<vmem>>[vector<16xi32>], vector<16xi32>,
        %add3A_367 = arith.addi %add3A_344, %gather3A_366 : vector<16xi32>
        %add3A_368 = arith.constant -516 : i32
        %add3A_369 = arith.addi %add3A_290, %add3A_368 : i32
        %get3A_370 = arith.index_cast %add3A_369 : i32 to index
        %get3A_371 = tpu.vector_load %arg6[%get3A_370] {strides = array<i32>} : memref<10320xi32, #tpu.memory_space<vmem>>, vector<16xi32>,
        %shift_left3A_372 = arith.constant 4 : i32
        %shift_left3A_373 = vector.broadcast %shift_left3A_372 : i32 to vector<16xi32>
        %shift_left3A_374 = arith.shli %get3A_371, %shift_left3A_373 : vector<16xi32>
        %add3A_375 = arith.constant -1032 : i32
        %add3A_376 = arith.addi %add3A_290, %add3A_375 : i32
        %get3A_377 = arith.index_cast %add3A_376 : i32 to index
        %get3A_378 = tpu.vector_load %arg6[%get3A_377] {strides = array<i32>} : memref<10320xi32, #tpu.memory_space<vmem>>, vector<16xi32>,
        %add3A_379 = arith.addi %shift_left3A_295, %shift_left3A_374 : vector<16xi32>
        %add3A_380 = arith.addi %add3A_379, %get3A_378 : vector<16xi32>
        %add3A_381 = arith.constant 24576 : i32
        %add3A_382 = vector.broadcast %add3A_381 : i32 to vector<16xi32>
        %add3A_383 = arith.addi %add3A_380, %add3A_382 : vector<16xi32>
        %gather3A_384 = tpu.vector_load_idx %arg7[%add3A_383] : memref<98304xi32, #tpu.memory_space<vmem>>[vector<16xi32>], vector<16xi32>,
        %add3A_385 = arith.addi %add3A_362, %gather3A_384 : vector<16xi32>
        %add3A_386 = arith.constant 4096 : i32
        %add3A_387 = vector.broadcast %add3A_386 : i32 to vector<16xi32>
        %add3A_388 = arith.addi %add3A_383, %add3A_387 : vector<16xi32>
        %gather3A_389 = tpu.vector_load_idx %arg7[%add3A_388] : memref<98304xi32, #tpu.memory_space<vmem>>[vector<16xi32>], vector<16xi32>,
        %add3A_390 = arith.addi %add3A_367, %gather3A_389 : vector<16xi32>
        %add3A_391 = arith.constant 517 : i32
        %add3A_392 = arith.addi %add3A_290, %add3A_391 : i32
        %get3A_393 = arith.index_cast %add3A_392 : i32 to index
        %get3A_394 = tpu.vector_load %arg6[%get3A_393] {strides = array<i32>} : memref<10320xi32, #tpu.memory_space<vmem>>, vector<16xi32>,
        %shift_left3A_395 = arith.constant 4 : i32
        %shift_left3A_396 = vector.broadcast %shift_left3A_395 : i32 to vector<16xi32>
        %shift_left3A_397 = arith.shli %get3A_394, %shift_left3A_396 : vector<16xi32>
        %add3A_398 = arith.constant 1034 : i32
        %add3A_399 = arith.addi %add3A_290, %add3A_398 : i32
        %get3A_400 = arith.index_cast %add3A_399 : i32 to index
        %get3A_401 = tpu.vector_load %arg6[%get3A_400] {strides = array<i32>} : memref<10320xi32, #tpu.memory_space<vmem>>, vector<16xi32>,
        %add3A_402 = arith.addi %shift_left3A_295, %shift_left3A_397 : vector<16xi32>
        %add3A_403 = arith.addi %add3A_402, %get3A_401 : vector<16xi32>
        %add3A_404 = arith.constant 32768 : i32
        %add3A_405 = vector.broadcast %add3A_404 : i32 to vector<16xi32>
        %add3A_406 = arith.addi %add3A_403, %add3A_405 : vector<16xi32>
        %gather3A_407 = tpu.vector_load_idx %arg7[%add3A_406] : memref<98304xi32, #tpu.memory_space<vmem>>[vector<16xi32>], vector<16xi32>,
        %add3A_408 = arith.addi %add3A_385, %gather3A_407 : vector<16xi32>
        %add3A_409 = arith.constant 4096 : i32
        %add3A_410 = vector.broadcast %add3A_409 : i32 to vector<16xi32>
        %add3A_411 = arith.addi %add3A_406, %add3A_410 : vector<16xi32>
        %gather3A_412 = tpu.vector_load_idx %arg7[%add3A_411] : memref<98304xi32, #tpu.memory_space<vmem>>[vector<16xi32>], vector<16xi32>,
        %add3A_413 = arith.addi %add3A_390, %gather3A_412 : vector<16xi32>
        %add3A_414 = arith.constant 515 : i32
        %add3A_415 = arith.addi %add3A_290, %add3A_414 : i32
        %get3A_416 = arith.index_cast %add3A_415 : i32 to index
        %get3A_417 = tpu.vector_load %arg6[%get3A_416] {strides = array<i32>} : memref<10320xi32, #tpu.memory_space<vmem>>, vector<16xi32>,
        %shift_left3A_418 = arith.constant 4 : i32
        %shift_left3A_419 = vector.broadcast %shift_left3A_418 : i32 to vector<16xi32>
        %shift_left3A_420 = arith.shli %get3A_417, %shift_left3A_419 : vector<16xi32>
        %add3A_421 = arith.constant 1030 : i32
        %add3A_422 = arith.addi %add3A_290, %add3A_421 : i32
        %get3A_423 = arith.index_cast %add3A_422 : i32 to index
        %get3A_424 = tpu.vector_load %arg6[%get3A_423] {strides = array<i32>} : memref<10320xi32, #tpu.memory_space<vmem>>, vector<16xi32>,
        %add3A_425 = arith.addi %shift_left3A_295, %shift_left3A_420 : vector<16xi32>
        %add3A_426 = arith.addi %add3A_425, %get3A_424 : vector<16xi32>
        %add3A_427 = arith.constant 40960 : i32
        %add3A_428 = vector.broadcast %add3A_427 : i32 to vector<16xi32>
        %add3A_429 = arith.addi %add3A_426, %add3A_428 : vector<16xi32>
        %gather3A_430 = tpu.vector_load_idx %arg7[%add3A_429] : memref<98304xi32, #tpu.memory_space<vmem>>[vector<16xi32>], vector<16xi32>,
        %add3A_431 = arith.addi %add3A_408, %gather3A_430 : vector<16xi32>
        %add3A_432 = arith.constant 4096 : i32
        %add3A_433 = vector.broadcast %add3A_432 : i32 to vector<16xi32>
        %add3A_434 = arith.addi %add3A_429, %add3A_433 : vector<16xi32>
        %gather3A_435 = tpu.vector_load_idx %arg7[%add3A_434] : memref<98304xi32, #tpu.memory_space<vmem>>[vector<16xi32>], vector<16xi32>,
        %add3A_436 = arith.addi %add3A_413, %gather3A_435 : vector<16xi32>
        %add3A_437 = arith.constant -517 : i32
        %add3A_438 = arith.addi %add3A_290, %add3A_437 : i32
        %get3A_439 = arith.index_cast %add3A_438 : i32 to index
        %get3A_440 = tpu.vector_load %arg6[%get3A_439] {strides = array<i32>} : memref<10320xi32, #tpu.memory_space<vmem>>, vector<16xi32>,
        %shift_left3A_441 = arith.constant 4 : i32
        %shift_left3A_442 = vector.broadcast %shift_left3A_441 : i32 to vector<16xi32>
        %shift_left3A_443 = arith.shli %get3A_440, %shift_left3A_442 : vector<16xi32>
        %add3A_444 = arith.constant -1034 : i32
        %add3A_445 = arith.addi %add3A_290, %add3A_444 : i32
        %get3A_446 = arith.index_cast %add3A_445 : i32 to index
        %get3A_447 = tpu.vector_load %arg6[%get3A_446] {strides = array<i32>} : memref<10320xi32, #tpu.memory_space<vmem>>, vector<16xi32>,
        %add3A_448 = arith.addi %shift_left3A_295, %shift_left3A_443 : vector<16xi32>
        %add3A_449 = arith.addi %add3A_448, %get3A_447 : vector<16xi32>
        %add3A_450 = arith.constant 49152 : i32
        %add3A_451 = vector.broadcast %add3A_450 : i32 to vector<16xi32>
        %add3A_452 = arith.addi %add3A_449, %add3A_451 : vector<16xi32>
        %gather3A_453 = tpu.vector_load_idx %arg7[%add3A_452] : memref<98304xi32, #tpu.memory_space<vmem>>[vector<16xi32>], vector<16xi32>,
        %add3A_454 = arith.addi %add3A_431, %gather3A_453 : vector<16xi32>
        %add3A_455 = arith.constant 4096 : i32
        %add3A_456 = vector.broadcast %add3A_455 : i32 to vector<16xi32>
        %add3A_457 = arith.addi %add3A_452, %add3A_456 : vector<16xi32>
        %gather3A_458 = tpu.vector_load_idx %arg7[%add3A_457] : memref<98304xi32, #tpu.memory_space<vmem>>[vector<16xi32>], vector<16xi32>,
        %add3A_459 = arith.addi %add3A_436, %gather3A_458 : vector<16xi32>
        %add3A_460 = arith.constant -515 : i32
        %add3A_461 = arith.addi %add3A_290, %add3A_460 : i32
        %get3A_462 = arith.index_cast %add3A_461 : i32 to index
        %get3A_463 = tpu.vector_load %arg6[%get3A_462] {strides = array<i32>} : memref<10320xi32, #tpu.memory_space<vmem>>, vector<16xi32>,
        %shift_left3A_464 = arith.constant 4 : i32
        %shift_left3A_465 = vector.broadcast %shift_left3A_464 : i32 to vector<16xi32>
        %shift_left3A_466 = arith.shli %get3A_463, %shift_left3A_465 : vector<16xi32>
        %add3A_467 = arith.constant -1030 : i32
        %add3A_468 = arith.addi %add3A_290, %add3A_467 : i32
        %get3A_469 = arith.index_cast %add3A_468 : i32 to index
        %get3A_470 = tpu.vector_load %arg6[%get3A_469] {strides = array<i32>} : memref<10320xi32, #tpu.memory_space<vmem>>, vector<16xi32>,
        %add3A_471 = arith.addi %shift_left3A_295, %shift_left3A_466 : vector<16xi32>
        %add3A_472 = arith.addi %add3A_471, %get3A_470 : vector<16xi32>
        %add3A_473 = arith.constant 57344 : i32
        %add3A_474 = vector.broadcast %add3A_473 : i32 to vector<16xi32>
        %add3A_475 = arith.addi %add3A_472, %add3A_474 : vector<16xi32>
        %gather3A_476 = tpu.vector_load_idx %arg7[%add3A_475] : memref<98304xi32, #tpu.memory_space<vmem>>[vector<16xi32>], vector<16xi32>,
        %add3A_477 = arith.addi %add3A_454, %gather3A_476 : vector<16xi32>
        %add3A_478 = arith.constant 4096 : i32
        %add3A_479 = vector.broadcast %add3A_478 : i32 to vector<16xi32>
        %add3A_480 = arith.addi %add3A_475, %add3A_479 : vector<16xi32>
        %gather3A_481 = tpu.vector_load_idx %arg7[%add3A_480] : memref<98304xi32, #tpu.memory_space<vmem>>[vector<16xi32>], vector<16xi32>,
        %add3A_482 = arith.addi %add3A_459, %gather3A_481 : vector<16xi32>
        %add3A_483 = arith.constant 518 : i32
        %add3A_484 = arith.addi %add3A_290, %add3A_483 : i32
        %get3A_485 = arith.index_cast %add3A_484 : i32 to index
        %get3A_486 = tpu.vector_load %arg6[%get3A_485] {strides = array<i32>} : memref<10320xi32, #tpu.memory_space<vmem>>, vector<16xi32>,
        %shift_left3A_487 = arith.constant 4 : i32
        %shift_left3A_488 = vector.broadcast %shift_left3A_487 : i32 to vector<16xi32>
        %shift_left3A_489 = arith.shli %get3A_486, %shift_left3A_488 : vector<16xi32>
        %add3A_490 = arith.constant 1033 : i32
        %add3A_491 = arith.addi %add3A_290, %add3A_490 : i32
        %get3A_492 = arith.index_cast %add3A_491 : i32 to index
        %get3A_493 = tpu.vector_load %arg6[%get3A_492] {strides = array<i32>} : memref<10320xi32, #tpu.memory_space<vmem>>, vector<16xi32>,
        %add3A_494 = arith.addi %shift_left3A_295, %shift_left3A_489 : vector<16xi32>
        %add3A_495 = arith.addi %add3A_494, %get3A_493 : vector<16xi32>
        %add3A_496 = arith.constant 65536 : i32
        %add3A_497 = vector.broadcast %add3A_496 : i32 to vector<16xi32>
        %add3A_498 = arith.addi %add3A_495, %add3A_497 : vector<16xi32>
        %gather3A_499 = tpu.vector_load_idx %arg7[%add3A_498] : memref<98304xi32, #tpu.memory_space<vmem>>[vector<16xi32>], vector<16xi32>,
        %add3A_500 = arith.addi %add3A_477, %gather3A_499 : vector<16xi32>
        %add3A_501 = arith.constant 4096 : i32
        %add3A_502 = vector.broadcast %add3A_501 : i32 to vector<16xi32>
        %add3A_503 = arith.addi %add3A_498, %add3A_502 : vector<16xi32>
        %gather3A_504 = tpu.vector_load_idx %arg7[%add3A_503] : memref<98304xi32, #tpu.memory_space<vmem>>[vector<16xi32>], vector<16xi32>,
        %add3A_505 = arith.addi %add3A_482, %gather3A_504 : vector<16xi32>
        %add3A_506 = arith.constant 1031 : i32
        %add3A_507 = arith.addi %add3A_290, %add3A_506 : i32
        %get3A_508 = arith.index_cast %add3A_507 : i32 to index
        %get3A_509 = tpu.vector_load %arg6[%get3A_508] {strides = array<i32>} : memref<10320xi32, #tpu.memory_space<vmem>>, vector<16xi32>,
        %shift_left3A_510 = arith.constant 4 : i32
        %shift_left3A_511 = vector.broadcast %shift_left3A_510 : i32 to vector<16xi32>
        %shift_left3A_512 = arith.shli %get3A_509, %shift_left3A_511 : vector<16xi32>
        %add3A_513 = arith.constant 514 : i32
        %add3A_514 = arith.addi %add3A_290, %add3A_513 : i32
        %get3A_515 = arith.index_cast %add3A_514 : i32 to index
        %get3A_516 = tpu.vector_load %arg6[%get3A_515] {strides = array<i32>} : memref<10320xi32, #tpu.memory_space<vmem>>, vector<16xi32>,
        %add3A_517 = arith.addi %shift_left3A_295, %shift_left3A_512 : vector<16xi32>
        %add3A_518 = arith.addi %add3A_517, %get3A_516 : vector<16xi32>
        %add3A_519 = arith.constant 73728 : i32
        %add3A_520 = vector.broadcast %add3A_519 : i32 to vector<16xi32>
        %add3A_521 = arith.addi %add3A_518, %add3A_520 : vector<16xi32>
        %gather3A_522 = tpu.vector_load_idx %arg7[%add3A_521] : memref<98304xi32, #tpu.memory_space<vmem>>[vector<16xi32>], vector<16xi32>,
        %add3A_523 = arith.addi %add3A_500, %gather3A_522 : vector<16xi32>
        %add3A_524 = arith.constant 4096 : i32
        %add3A_525 = vector.broadcast %add3A_524 : i32 to vector<16xi32>
        %add3A_526 = arith.addi %add3A_521, %add3A_525 : vector<16xi32>
        %gather3A_527 = tpu.vector_load_idx %arg7[%add3A_526] : memref<98304xi32, #tpu.memory_space<vmem>>[vector<16xi32>], vector<16xi32>,
        %add3A_528 = arith.addi %add3A_505, %gather3A_527 : vector<16xi32>
        %add3A_529 = arith.constant -518 : i32
        %add3A_530 = arith.addi %add3A_290, %add3A_529 : i32
        %get3A_531 = arith.index_cast %add3A_530 : i32 to index
        %get3A_532 = tpu.vector_load %arg6[%get3A_531] {strides = array<i32>} : memref<10320xi32, #tpu.memory_space<vmem>>, vector<16xi32>,
        %shift_left3A_533 = arith.constant 4 : i32
        %shift_left3A_534 = vector.broadcast %shift_left3A_533 : i32 to vector<16xi32>
        %shift_left3A_535 = arith.shli %get3A_532, %shift_left3A_534 : vector<16xi32>
        %add3A_536 = arith.constant -1033 : i32
        %add3A_537 = arith.addi %add3A_290, %add3A_536 : i32
        %get3A_538 = arith.index_cast %add3A_537 : i32 to index
        %get3A_539 = tpu.vector_load %arg6[%get3A_538] {strides = array<i32>} : memref<10320xi32, #tpu.memory_space<vmem>>, vector<16xi32>,
        %add3A_540 = arith.addi %shift_left3A_295, %shift_left3A_535 : vector<16xi32>
        %add3A_541 = arith.addi %add3A_540, %get3A_539 : vector<16xi32>
        %add3A_542 = arith.constant 81920 : i32
        %add3A_543 = vector.broadcast %add3A_542 : i32 to vector<16xi32>
        %add3A_544 = arith.addi %add3A_541, %add3A_543 : vector<16xi32>
        %gather3A_545 = tpu.vector_load_idx %arg7[%add3A_544] : memref<98304xi32, #tpu.memory_space<vmem>>[vector<16xi32>], vector<16xi32>,
        %add3A_546 = arith.addi %add3A_523, %gather3A_545 : vector<16xi32>
        %add3A_547 = arith.constant 4096 : i32
        %add3A_548 = vector.broadcast %add3A_547 : i32 to vector<16xi32>
        %add3A_549 = arith.addi %add3A_544, %add3A_548 : vector<16xi32>
        %gather3A_550 = tpu.vector_load_idx %arg7[%add3A_549] : memref<98304xi32, #tpu.memory_space<vmem>>[vector<16xi32>], vector<16xi32>,
        %add3A_551 = arith.addi %add3A_528, %gather3A_550 : vector<16xi32>
        %add3A_552 = arith.constant -1031 : i32
        %add3A_553 = arith.addi %add3A_290, %add3A_552 : i32
        %get3A_554 = arith.index_cast %add3A_553 : i32 to index
        %get3A_555 = tpu.vector_load %arg6[%get3A_554] {strides = array<i32>} : memref<10320xi32, #tpu.memory_space<vmem>>, vector<16xi32>,
        %shift_left3A_556 = arith.constant 4 : i32
        %shift_left3A_557 = vector.broadcast %shift_left3A_556 : i32 to vector<16xi32>
        %shift_left3A_558 = arith.shli %get3A_555, %shift_left3A_557 : vector<16xi32>
        %add3A_559 = arith.constant -514 : i32
        %add3A_560 = arith.addi %add3A_290, %add3A_559 : i32
        %get3A_561 = arith.index_cast %add3A_560 : i32 to index
        %get3A_562 = tpu.vector_load %arg6[%get3A_561] {strides = array<i32>} : memref<10320xi32, #tpu.memory_space<vmem>>, vector<16xi32>,
        %add3A_563 = arith.addi %shift_left3A_295, %shift_left3A_558 : vector<16xi32>
        %add3A_564 = arith.addi %add3A_563, %get3A_562 : vector<16xi32>
        %add3A_565 = arith.constant 90112 : i32
        %add3A_566 = vector.broadcast %add3A_565 : i32 to vector<16xi32>
        %add3A_567 = arith.addi %add3A_564, %add3A_566 : vector<16xi32>
        %gather3A_568 = tpu.vector_load_idx %arg7[%add3A_567] : memref<98304xi32, #tpu.memory_space<vmem>>[vector<16xi32>], vector<16xi32>,
        %add3A_569 = arith.addi %add3A_546, %gather3A_568 : vector<16xi32>
        %add3A_570 = arith.constant 4096 : i32
        %add3A_571 = vector.broadcast %add3A_570 : i32 to vector<16xi32>
        %add3A_572 = arith.addi %add3A_567, %add3A_571 : vector<16xi32>
        %gather3A_573 = tpu.vector_load_idx %arg7[%add3A_572] : memref<98304xi32, #tpu.memory_space<vmem>>[vector<16xi32>], vector<16xi32>,
        %add3A_574 = arith.addi %add3A_551, %gather3A_573 : vector<16xi32>
        %broadcast_in_dim3A_575 = arith.constant 0 : i32
        %broadcast_in_dim3A_576 = vector.broadcast %broadcast_in_dim3A_575 : i32 to vector<16xi32>
        %mul3A_577 = arith.constant 2 : i32
        %mul3A_578 = arith.muli %mul3A_577, %scan3A_273 : i32
        %add3A_579 = vector.broadcast %mul3A_578 : i32 to vector<16xi32>
        %add3A_580 = arith.addi %broadcast_in_dim3A_576, %add3A_579 : vector<16xi32>
        %mul3A_581 = arith.constant 2 : i32
        %mul3A_582 = arith.muli %mul3A_581, %mul3A_283 : i32
        %add3A_583 = vector.broadcast %mul3A_582 : i32 to vector<16xi32>
        %add3A_584 = arith.addi %add3A_583, %mul3A_114 : vector<16xi32>
        %and3A = arith.constant 65535 : i32
        %and3A_585 = vector.broadcast %and3A : i32 to vector<16xi32>
        %and3A_586 = arith.andi %add3A_569, %and3A_585 : vector<16xi32>
        %convert_element_type3A = arith.sitofp %and3A_586 : vector<16xi32> to vector<16xf32>
        %sub3A_587 = vector.broadcast %scan3A_190 : f32 to vector<16xf32>
        %sub3A_588 = arith.subf %convert_element_type3A, %sub3A_587 : vector<16xf32>
        %mul3A_589 = vector.broadcast %scan3A_191 : f32 to vector<16xf32>
        %mul3A_590 = arith.mulf %sub3A_588, %mul3A_589 : vector<16xf32>
        tpu.vector_store_idx %arg8[%add3A_580, %add3A_584], %mul3A_590 : memref<4x1024xf32, #tpu.memory_space<vmem>>[vector<16xi32>, vector<16xi32>], vector<16xf32>,
        %add3A_591 = arith.constant 1 : i32
        %add3A_592 = vector.broadcast %add3A_591 : i32 to vector<16xi32>
        %add3A_593 = arith.addi %add3A_584, %add3A_592 : vector<16xi32>
        %shift_right_logical3A = arith.constant 16 : i32
        %shift_right_logical3A_594 = vector.broadcast %shift_right_logical3A : i32 to vector<16xi32>
        %shift_right_logical3A_595 = arith.shrui %add3A_569, %shift_right_logical3A_594 : vector<16xi32>
        %convert_element_type3A_596 = arith.sitofp %shift_right_logical3A_595 : vector<16xi32> to vector<16xf32>
        %sub3A_597 = vector.broadcast %scan3A_190 : f32 to vector<16xf32>
        %sub3A_598 = arith.subf %convert_element_type3A_596, %sub3A_597 : vector<16xf32>
        %mul3A_599 = vector.broadcast %scan3A_191 : f32 to vector<16xf32>
        %mul3A_600 = arith.mulf %sub3A_598, %mul3A_599 : vector<16xf32>
        tpu.vector_store_idx %arg8[%add3A_580, %add3A_593], %mul3A_600 : memref<4x1024xf32, #tpu.memory_space<vmem>>[vector<16xi32>, vector<16xi32>], vector<16xf32>,
        %add3A_601 = arith.constant 1 : i32
        %add3A_602 = vector.broadcast %add3A_601 : i32 to vector<16xi32>
        %add3A_603 = arith.addi %add3A_580, %add3A_602 : vector<16xi32>
        %and3A_604 = arith.constant 65535 : i32
        %and3A_605 = vector.broadcast %and3A_604 : i32 to vector<16xi32>
        %and3A_606 = arith.andi %add3A_574, %and3A_605 : vector<16xi32>
        %convert_element_type3A_607 = arith.sitofp %and3A_606 : vector<16xi32> to vector<16xf32>
        %sub3A_608 = vector.broadcast %scan3A_190 : f32 to vector<16xf32>
        %sub3A_609 = arith.subf %convert_element_type3A_607, %sub3A_608 : vector<16xf32>
        %mul3A_610 = vector.broadcast %scan3A_191 : f32 to vector<16xf32>
        %mul3A_611 = arith.mulf %sub3A_609, %mul3A_610 : vector<16xf32>
        tpu.vector_store_idx %arg8[%add3A_603, %add3A_584], %mul3A_611 : memref<4x1024xf32, #tpu.memory_space<vmem>>[vector<16xi32>, vector<16xi32>], vector<16xf32>,
        %add3A_612 = arith.constant 1 : i32
        %add3A_613 = vector.broadcast %add3A_612 : i32 to vector<16xi32>
        %add3A_614 = arith.addi %add3A_580, %add3A_613 : vector<16xi32>
        %add3A_615 = arith.constant 1 : i32
        %add3A_616 = vector.broadcast %add3A_615 : i32 to vector<16xi32>
        %add3A_617 = arith.addi %add3A_584, %add3A_616 : vector<16xi32>
        %shift_right_logical3A_618 = arith.constant 16 : i32
        %shift_right_logical3A_619 = vector.broadcast %shift_right_logical3A_618 : i32 to vector<16xi32>
        %shift_right_logical3A_620 = arith.shrui %add3A_574, %shift_right_logical3A_619 : vector<16xi32>
        %convert_element_type3A_621 = arith.sitofp %shift_right_logical3A_620 : vector<16xi32> to vector<16xf32>
        %sub3A_622 = vector.broadcast %scan3A_190 : f32 to vector<16xf32>
        %sub3A_623 = arith.subf %convert_element_type3A_621, %sub3A_622 : vector<16xf32>
        %mul3A_624 = vector.broadcast %scan3A_191 : f32 to vector<16xf32>
        %mul3A_625 = arith.mulf %sub3A_623, %mul3A_624 : vector<16xf32>
        tpu.vector_store_idx %arg8[%add3A_614, %add3A_617], %mul3A_625 : memref<4x1024xf32, #tpu.memory_space<vmem>>[vector<16xi32>, vector<16xi32>], vector<16xf32>,
      }
      %scan3A_280 = arith.constant 32 : i32
    }
    %scan3A_196 = arith.constant 2 : i32
    %mul3A_197 = arith.constant 32 : i32
    %mul3A_198 = arith.muli %add3A, %mul3A_197 : i32
    %add3A_199 = arith.constant 16 : i32
    %add3A_200 = arith.addi %mul3A_198, %add3A_199 : i32
    %dma_start3A_201 = arith.constant 0 : i32
    %dma_start3A_202 = tpu.memref_slice %arg4[%add3A_200, %dma_start3A_201] : memref<1024x1024xf32, #tpu.memory_space<hbm>> -> memref<4x1024xf32, #tpu.memory_space<hbm>>
    %dma_start3A_203 = arith.constant 0 : i32
    %dma_start3A_204 = tpu.memref_slice %arg4[%add3A_200, %dma_start3A_203] : memref<1024x1024xf32, #tpu.memory_space<hbm>> -> memref<4x1024xf32, #tpu.memory_space<hbm>>
    tpu.enqueue_dma source(%arg8 : memref<4x1024xf32, #tpu.memory_space<vmem>>) target(%dma_start3A_204 : memref<4x1024xf32, #tpu.memory_space<hbm>>) target_semaphore(%arg11 : memref<!tpu.dma_semaphore, #tpu.memory_space<semaphore_mem>>)
    %dma_wait3A_205 = arith.constant 0 : i32
    %dma_wait3A_206 = tpu.memref_slice %arg4[%add3A_180, %dma_wait3A_205] : memref<1024x1024xf32, #tpu.memory_space<hbm>> -> memref<4x1024xf32, #tpu.memory_space<hbm>>
    %dma_wait3A_207 = arith.constant 0 : i32
    %dma_wait3A_208 = tpu.memref_slice %arg4[%add3A_180, %dma_wait3A_207] : memref<1024x1024xf32, #tpu.memory_space<hbm>> -> memref<4x1024xf32, #tpu.memory_space<hbm>>
    tpu.wait_dma2 semaphore(%arg12 : memref<!tpu.dma_semaphore, #tpu.memory_space<semaphore_mem>>) src(%arg9 : memref<4x1024xf32, #tpu.memory_space<vmem>>) dst(%dma_wait3A_208 : memref<4x1024xf32, #tpu.memory_space<hbm>>)
    %scan3A_209 = arith.constant 0 : i32
    %scan3A_210 = arith.constant 2.457600e+04 : f32
    %scan3A_211 = arith.constant 0.333333343 : f32
    %scan3A_212 = arith.constant 0 : i32
    %scan3A_213 = arith.constant 2 : i32
    %scan3A_214 = arith.addi %scan3A_212, %scan3A_213 : i32
    %scan3A_215 = arith.constant 1 : i32
    scf.for %scan3A_273 = %scan3A_212 to %scan3A_214 step %scan3A_215  : i32 {
      %add3A_274 = arith.constant 10 : i32
      %add3A_275 = arith.addi %add3A_274, %scan3A_273 : i32
      %scan3A_276 = arith.constant 0 : i32
      %scan3A_277 = arith.constant 32 : i32
      %scan3A_278 = arith.addi %scan3A_276, %scan3A_277 : i32
      %scan3A_279 = arith.constant 1 : i32
      scf.for %scan3A_281 = %scan3A_276 to %scan3A_278 step %scan3A_279  : i32 {
        %mul3A_282 = arith.constant 16 : i32
        %mul3A_283 = arith.muli %scan3A_281, %mul3A_282 : i32
        %add3A_284 = arith.constant 2 : i32
        %add3A_285 = arith.addi %add3A_275, %add3A_284 : i32
        %mul3A_286 = arith.constant 516 : i32
        %mul3A_287 = arith.muli %add3A_285, %mul3A_286 : i32
        %add3A_288 = arith.addi %mul3A_287, %mul3A_283 : i32
        %add3A_289 = arith.constant 2 : i32
        %add3A_290 = arith.addi %add3A_288, %add3A_289 : i32
        %add3A_291 = arith.constant 0 : i32
        %add3A_292 = arith.addi %add3A_290, %add3A_291 : i32
        %get3A = arith.index_cast %add3A_292 : i32 to index
        %get3A_293 = tpu.vector_load %arg6[%get3A] {strides = array<i32>} : memref<10320xi32, #tpu.memory_space<vmem>>, vector<16xi32>,
        %shift_left3A = arith.constant 8 : i32
        %shift_left3A_294 = vector.broadcast %shift_left3A : i32 to vector<16xi32>
        %shift_left3A_295 = arith.shli %get3A_293, %shift_left3A_294 : vector<16xi32>
        %broadcast_in_dim3A = arith.constant 0 : i32
        %broadcast_in_dim3A_296 = vector.broadcast %broadcast_in_dim3A : i32 to vector<16xi32>
        %broadcast_in_dim3A_297 = arith.constant 0 : i32
        %broadcast_in_dim3A_298 = vector.broadcast %broadcast_in_dim3A_297 : i32 to vector<16xi32>
        %add3A_299 = arith.constant 1 : i32
        %add3A_300 = arith.addi %add3A_290, %add3A_299 : i32
        %get3A_301 = arith.index_cast %add3A_300 : i32 to index
        %get3A_302 = tpu.vector_load %arg6[%get3A_301] {strides = array<i32>} : memref<10320xi32, #tpu.memory_space<vmem>>, vector<16xi32>,
        %shift_left3A_303 = arith.constant 4 : i32
        %shift_left3A_304 = vector.broadcast %shift_left3A_303 : i32 to vector<16xi32>
        %shift_left3A_305 = arith.shli %get3A_302, %shift_left3A_304 : vector<16xi32>
        %add3A_306 = arith.constant 2 : i32
        %add3A_307 = arith.addi %add3A_290, %add3A_306 : i32
        %get3A_308 = arith.index_cast %add3A_307 : i32 to index
        %get3A_309 = tpu.vector_load %arg6[%get3A_308] {strides = array<i32>} : memref<10320xi32, #tpu.memory_space<vmem>>, vector<16xi32>,
        %add3A_310 = arith.addi %shift_left3A_295, %shift_left3A_305 : vector<16xi32>
        %add3A_311 = arith.addi %add3A_310, %get3A_309 : vector<16xi32>
        %add3A_312 = arith.constant 0 : i32
        %add3A_313 = vector.broadcast %add3A_312 : i32 to vector<16xi32>
        %add3A_314 = arith.addi %add3A_311, %add3A_313 : vector<16xi32>
        %gather3A_315 = tpu.vector_load_idx %arg7[%add3A_314] : memref<98304xi32, #tpu.memory_space<vmem>>[vector<16xi32>], vector<16xi32>,
        %add3A_316 = arith.addi %broadcast_in_dim3A_296, %gather3A_315 : vector<16xi32>
        %add3A_317 = arith.constant 4096 : i32
        %add3A_318 = vector.broadcast %add3A_317 : i32 to vector<16xi32>
        %add3A_319 = arith.addi %add3A_314, %add3A_318 : vector<16xi32>
        %gather3A_320 = tpu.vector_load_idx %arg7[%add3A_319] : memref<98304xi32, #tpu.memory_space<vmem>>[vector<16xi32>], vector<16xi32>,
        %add3A_321 = arith.addi %broadcast_in_dim3A_298, %gather3A_320 : vector<16xi32>
        %add3A_322 = arith.constant 516 : i32
        %add3A_323 = arith.addi %add3A_290, %add3A_322 : i32
        %get3A_324 = arith.index_cast %add3A_323 : i32 to index
        %get3A_325 = tpu.vector_load %arg6[%get3A_324] {strides = array<i32>} : memref<10320xi32, #tpu.memory_space<vmem>>, vector<16xi32>,
        %shift_left3A_326 = arith.constant 4 : i32
        %shift_left3A_327 = vector.broadcast %shift_left3A_326 : i32 to vector<16xi32>
        %shift_left3A_328 = arith.shli %get3A_325, %shift_left3A_327 : vector<16xi32>
        %add3A_329 = arith.constant 1032 : i32
        %add3A_330 = arith.addi %add3A_290, %add3A_329 : i32
        %get3A_331 = arith.index_cast %add3A_330 : i32 to index
        %get3A_332 = tpu.vector_load %arg6[%get3A_331] {strides = array<i32>} : memref<10320xi32, #tpu.memory_space<vmem>>, vector<16xi32>,
        %add3A_333 = arith.addi %shift_left3A_295, %shift_left3A_328 : vector<16xi32>
        %add3A_334 = arith.addi %add3A_333, %get3A_332 : vector<16xi32>
        %add3A_335 = arith.constant 8192 : i32
        %add3A_336 = vector.broadcast %add3A_335 : i32 to vector<16xi32>
        %add3A_337 = arith.addi %add3A_334, %add3A_336 : vector<16xi32>
        %gather3A_338 = tpu.vector_load_idx %arg7[%add3A_337] : memref<98304xi32, #tpu.memory_space<vmem>>[vector<16xi32>], vector<16xi32>,
        %add3A_339 = arith.addi %add3A_316, %gather3A_338 : vector<16xi32>
        %add3A_340 = arith.constant 4096 : i32
        %add3A_341 = vector.broadcast %add3A_340 : i32 to vector<16xi32>
        %add3A_342 = arith.addi %add3A_337, %add3A_341 : vector<16xi32>
        %gather3A_343 = tpu.vector_load_idx %arg7[%add3A_342] : memref<98304xi32, #tpu.memory_space<vmem>>[vector<16xi32>], vector<16xi32>,
        %add3A_344 = arith.addi %add3A_321, %gather3A_343 : vector<16xi32>
        %add3A_345 = arith.constant -1 : i32
        %add3A_346 = arith.addi %add3A_290, %add3A_345 : i32
        %get3A_347 = arith.index_cast %add3A_346 : i32 to index
        %get3A_348 = tpu.vector_load %arg6[%get3A_347] {strides = array<i32>} : memref<10320xi32, #tpu.memory_space<vmem>>, vector<16xi32>,
        %shift_left3A_349 = arith.constant 4 : i32
        %shift_left3A_350 = vector.broadcast %shift_left3A_349 : i32 to vector<16xi32>
        %shift_left3A_351 = arith.shli %get3A_348, %shift_left3A_350 : vector<16xi32>
        %add3A_352 = arith.constant -2 : i32
        %add3A_353 = arith.addi %add3A_290, %add3A_352 : i32
        %get3A_354 = arith.index_cast %add3A_353 : i32 to index
        %get3A_355 = tpu.vector_load %arg6[%get3A_354] {strides = array<i32>} : memref<10320xi32, #tpu.memory_space<vmem>>, vector<16xi32>,
        %add3A_356 = arith.addi %shift_left3A_295, %shift_left3A_351 : vector<16xi32>
        %add3A_357 = arith.addi %add3A_356, %get3A_355 : vector<16xi32>
        %add3A_358 = arith.constant 16384 : i32
        %add3A_359 = vector.broadcast %add3A_358 : i32 to vector<16xi32>
        %add3A_360 = arith.addi %add3A_357, %add3A_359 : vector<16xi32>
        %gather3A_361 = tpu.vector_load_idx %arg7[%add3A_360] : memref<98304xi32, #tpu.memory_space<vmem>>[vector<16xi32>], vector<16xi32>,
        %add3A_362 = arith.addi %add3A_339, %gather3A_361 : vector<16xi32>
        %add3A_363 = arith.constant 4096 : i32
        %add3A_364 = vector.broadcast %add3A_363 : i32 to vector<16xi32>
        %add3A_365 = arith.addi %add3A_360, %add3A_364 : vector<16xi32>
        %gather3A_366 = tpu.vector_load_idx %arg7[%add3A_365] : memref<98304xi32, #tpu.memory_space<vmem>>[vector<16xi32>], vector<16xi32>,
        %add3A_367 = arith.addi %add3A_344, %gather3A_366 : vector<16xi32>
        %add3A_368 = arith.constant -516 : i32
        %add3A_369 = arith.addi %add3A_290, %add3A_368 : i32
        %get3A_370 = arith.index_cast %add3A_369 : i32 to index
        %get3A_371 = tpu.vector_load %arg6[%get3A_370] {strides = array<i32>} : memref<10320xi32, #tpu.memory_space<vmem>>, vector<16xi32>,
        %shift_left3A_372 = arith.constant 4 : i32
        %shift_left3A_373 = vector.broadcast %shift_left3A_372 : i32 to vector<16xi32>
        %shift_left3A_374 = arith.shli %get3A_371, %shift_left3A_373 : vector<16xi32>
        %add3A_375 = arith.constant -1032 : i32
        %add3A_376 = arith.addi %add3A_290, %add3A_375 : i32
        %get3A_377 = arith.index_cast %add3A_376 : i32 to index
        %get3A_378 = tpu.vector_load %arg6[%get3A_377] {strides = array<i32>} : memref<10320xi32, #tpu.memory_space<vmem>>, vector<16xi32>,
        %add3A_379 = arith.addi %shift_left3A_295, %shift_left3A_374 : vector<16xi32>
        %add3A_380 = arith.addi %add3A_379, %get3A_378 : vector<16xi32>
        %add3A_381 = arith.constant 24576 : i32
        %add3A_382 = vector.broadcast %add3A_381 : i32 to vector<16xi32>
        %add3A_383 = arith.addi %add3A_380, %add3A_382 : vector<16xi32>
        %gather3A_384 = tpu.vector_load_idx %arg7[%add3A_383] : memref<98304xi32, #tpu.memory_space<vmem>>[vector<16xi32>], vector<16xi32>,
        %add3A_385 = arith.addi %add3A_362, %gather3A_384 : vector<16xi32>
        %add3A_386 = arith.constant 4096 : i32
        %add3A_387 = vector.broadcast %add3A_386 : i32 to vector<16xi32>
        %add3A_388 = arith.addi %add3A_383, %add3A_387 : vector<16xi32>
        %gather3A_389 = tpu.vector_load_idx %arg7[%add3A_388] : memref<98304xi32, #tpu.memory_space<vmem>>[vector<16xi32>], vector<16xi32>,
        %add3A_390 = arith.addi %add3A_367, %gather3A_389 : vector<16xi32>
        %add3A_391 = arith.constant 517 : i32
        %add3A_392 = arith.addi %add3A_290, %add3A_391 : i32
        %get3A_393 = arith.index_cast %add3A_392 : i32 to index
        %get3A_394 = tpu.vector_load %arg6[%get3A_393] {strides = array<i32>} : memref<10320xi32, #tpu.memory_space<vmem>>, vector<16xi32>,
        %shift_left3A_395 = arith.constant 4 : i32
        %shift_left3A_396 = vector.broadcast %shift_left3A_395 : i32 to vector<16xi32>
        %shift_left3A_397 = arith.shli %get3A_394, %shift_left3A_396 : vector<16xi32>
        %add3A_398 = arith.constant 1034 : i32
        %add3A_399 = arith.addi %add3A_290, %add3A_398 : i32
        %get3A_400 = arith.index_cast %add3A_399 : i32 to index
        %get3A_401 = tpu.vector_load %arg6[%get3A_400] {strides = array<i32>} : memref<10320xi32, #tpu.memory_space<vmem>>, vector<16xi32>,
        %add3A_402 = arith.addi %shift_left3A_295, %shift_left3A_397 : vector<16xi32>
        %add3A_403 = arith.addi %add3A_402, %get3A_401 : vector<16xi32>
        %add3A_404 = arith.constant 32768 : i32
        %add3A_405 = vector.broadcast %add3A_404 : i32 to vector<16xi32>
        %add3A_406 = arith.addi %add3A_403, %add3A_405 : vector<16xi32>
        %gather3A_407 = tpu.vector_load_idx %arg7[%add3A_406] : memref<98304xi32, #tpu.memory_space<vmem>>[vector<16xi32>], vector<16xi32>,
        %add3A_408 = arith.addi %add3A_385, %gather3A_407 : vector<16xi32>
        %add3A_409 = arith.constant 4096 : i32
        %add3A_410 = vector.broadcast %add3A_409 : i32 to vector<16xi32>
        %add3A_411 = arith.addi %add3A_406, %add3A_410 : vector<16xi32>
        %gather3A_412 = tpu.vector_load_idx %arg7[%add3A_411] : memref<98304xi32, #tpu.memory_space<vmem>>[vector<16xi32>], vector<16xi32>,
        %add3A_413 = arith.addi %add3A_390, %gather3A_412 : vector<16xi32>
        %add3A_414 = arith.constant 515 : i32
        %add3A_415 = arith.addi %add3A_290, %add3A_414 : i32
        %get3A_416 = arith.index_cast %add3A_415 : i32 to index
        %get3A_417 = tpu.vector_load %arg6[%get3A_416] {strides = array<i32>} : memref<10320xi32, #tpu.memory_space<vmem>>, vector<16xi32>,
        %shift_left3A_418 = arith.constant 4 : i32
        %shift_left3A_419 = vector.broadcast %shift_left3A_418 : i32 to vector<16xi32>
        %shift_left3A_420 = arith.shli %get3A_417, %shift_left3A_419 : vector<16xi32>
        %add3A_421 = arith.constant 1030 : i32
        %add3A_422 = arith.addi %add3A_290, %add3A_421 : i32
        %get3A_423 = arith.index_cast %add3A_422 : i32 to index
        %get3A_424 = tpu.vector_load %arg6[%get3A_423] {strides = array<i32>} : memref<10320xi32, #tpu.memory_space<vmem>>, vector<16xi32>,
        %add3A_425 = arith.addi %shift_left3A_295, %shift_left3A_420 : vector<16xi32>
        %add3A_426 = arith.addi %add3A_425, %get3A_424 : vector<16xi32>
        %add3A_427 = arith.constant 40960 : i32
        %add3A_428 = vector.broadcast %add3A_427 : i32 to vector<16xi32>
        %add3A_429 = arith.addi %add3A_426, %add3A_428 : vector<16xi32>
        %gather3A_430 = tpu.vector_load_idx %arg7[%add3A_429] : memref<98304xi32, #tpu.memory_space<vmem>>[vector<16xi32>], vector<16xi32>,
        %add3A_431 = arith.addi %add3A_408, %gather3A_430 : vector<16xi32>
        %add3A_432 = arith.constant 4096 : i32
        %add3A_433 = vector.broadcast %add3A_432 : i32 to vector<16xi32>
        %add3A_434 = arith.addi %add3A_429, %add3A_433 : vector<16xi32>
        %gather3A_435 = tpu.vector_load_idx %arg7[%add3A_434] : memref<98304xi32, #tpu.memory_space<vmem>>[vector<16xi32>], vector<16xi32>,
        %add3A_436 = arith.addi %add3A_413, %gather3A_435 : vector<16xi32>
        %add3A_437 = arith.constant -517 : i32
        %add3A_438 = arith.addi %add3A_290, %add3A_437 : i32
        %get3A_439 = arith.index_cast %add3A_438 : i32 to index
        %get3A_440 = tpu.vector_load %arg6[%get3A_439] {strides = array<i32>} : memref<10320xi32, #tpu.memory_space<vmem>>, vector<16xi32>,
        %shift_left3A_441 = arith.constant 4 : i32
        %shift_left3A_442 = vector.broadcast %shift_left3A_441 : i32 to vector<16xi32>
        %shift_left3A_443 = arith.shli %get3A_440, %shift_left3A_442 : vector<16xi32>
        %add3A_444 = arith.constant -1034 : i32
        %add3A_445 = arith.addi %add3A_290, %add3A_444 : i32
        %get3A_446 = arith.index_cast %add3A_445 : i32 to index
        %get3A_447 = tpu.vector_load %arg6[%get3A_446] {strides = array<i32>} : memref<10320xi32, #tpu.memory_space<vmem>>, vector<16xi32>,
        %add3A_448 = arith.addi %shift_left3A_295, %shift_left3A_443 : vector<16xi32>
        %add3A_449 = arith.addi %add3A_448, %get3A_447 : vector<16xi32>
        %add3A_450 = arith.constant 49152 : i32
        %add3A_451 = vector.broadcast %add3A_450 : i32 to vector<16xi32>
        %add3A_452 = arith.addi %add3A_449, %add3A_451 : vector<16xi32>
        %gather3A_453 = tpu.vector_load_idx %arg7[%add3A_452] : memref<98304xi32, #tpu.memory_space<vmem>>[vector<16xi32>], vector<16xi32>,
        %add3A_454 = arith.addi %add3A_431, %gather3A_453 : vector<16xi32>
        %add3A_455 = arith.constant 4096 : i32
        %add3A_456 = vector.broadcast %add3A_455 : i32 to vector<16xi32>
        %add3A_457 = arith.addi %add3A_452, %add3A_456 : vector<16xi32>
        %gather3A_458 = tpu.vector_load_idx %arg7[%add3A_457] : memref<98304xi32, #tpu.memory_space<vmem>>[vector<16xi32>], vector<16xi32>,
        %add3A_459 = arith.addi %add3A_436, %gather3A_458 : vector<16xi32>
        %add3A_460 = arith.constant -515 : i32
        %add3A_461 = arith.addi %add3A_290, %add3A_460 : i32
        %get3A_462 = arith.index_cast %add3A_461 : i32 to index
        %get3A_463 = tpu.vector_load %arg6[%get3A_462] {strides = array<i32>} : memref<10320xi32, #tpu.memory_space<vmem>>, vector<16xi32>,
        %shift_left3A_464 = arith.constant 4 : i32
        %shift_left3A_465 = vector.broadcast %shift_left3A_464 : i32 to vector<16xi32>
        %shift_left3A_466 = arith.shli %get3A_463, %shift_left3A_465 : vector<16xi32>
        %add3A_467 = arith.constant -1030 : i32
        %add3A_468 = arith.addi %add3A_290, %add3A_467 : i32
        %get3A_469 = arith.index_cast %add3A_468 : i32 to index
        %get3A_470 = tpu.vector_load %arg6[%get3A_469] {strides = array<i32>} : memref<10320xi32, #tpu.memory_space<vmem>>, vector<16xi32>,
        %add3A_471 = arith.addi %shift_left3A_295, %shift_left3A_466 : vector<16xi32>
        %add3A_472 = arith.addi %add3A_471, %get3A_470 : vector<16xi32>
        %add3A_473 = arith.constant 57344 : i32
        %add3A_474 = vector.broadcast %add3A_473 : i32 to vector<16xi32>
        %add3A_475 = arith.addi %add3A_472, %add3A_474 : vector<16xi32>
        %gather3A_476 = tpu.vector_load_idx %arg7[%add3A_475] : memref<98304xi32, #tpu.memory_space<vmem>>[vector<16xi32>], vector<16xi32>,
        %add3A_477 = arith.addi %add3A_454, %gather3A_476 : vector<16xi32>
        %add3A_478 = arith.constant 4096 : i32
        %add3A_479 = vector.broadcast %add3A_478 : i32 to vector<16xi32>
        %add3A_480 = arith.addi %add3A_475, %add3A_479 : vector<16xi32>
        %gather3A_481 = tpu.vector_load_idx %arg7[%add3A_480] : memref<98304xi32, #tpu.memory_space<vmem>>[vector<16xi32>], vector<16xi32>,
        %add3A_482 = arith.addi %add3A_459, %gather3A_481 : vector<16xi32>
        %add3A_483 = arith.constant 518 : i32
        %add3A_484 = arith.addi %add3A_290, %add3A_483 : i32
        %get3A_485 = arith.index_cast %add3A_484 : i32 to index
        %get3A_486 = tpu.vector_load %arg6[%get3A_485] {strides = array<i32>} : memref<10320xi32, #tpu.memory_space<vmem>>, vector<16xi32>,
        %shift_left3A_487 = arith.constant 4 : i32
        %shift_left3A_488 = vector.broadcast %shift_left3A_487 : i32 to vector<16xi32>
        %shift_left3A_489 = arith.shli %get3A_486, %shift_left3A_488 : vector<16xi32>
        %add3A_490 = arith.constant 1033 : i32
        %add3A_491 = arith.addi %add3A_290, %add3A_490 : i32
        %get3A_492 = arith.index_cast %add3A_491 : i32 to index
        %get3A_493 = tpu.vector_load %arg6[%get3A_492] {strides = array<i32>} : memref<10320xi32, #tpu.memory_space<vmem>>, vector<16xi32>,
        %add3A_494 = arith.addi %shift_left3A_295, %shift_left3A_489 : vector<16xi32>
        %add3A_495 = arith.addi %add3A_494, %get3A_493 : vector<16xi32>
        %add3A_496 = arith.constant 65536 : i32
        %add3A_497 = vector.broadcast %add3A_496 : i32 to vector<16xi32>
        %add3A_498 = arith.addi %add3A_495, %add3A_497 : vector<16xi32>
        %gather3A_499 = tpu.vector_load_idx %arg7[%add3A_498] : memref<98304xi32, #tpu.memory_space<vmem>>[vector<16xi32>], vector<16xi32>,
        %add3A_500 = arith.addi %add3A_477, %gather3A_499 : vector<16xi32>
        %add3A_501 = arith.constant 4096 : i32
        %add3A_502 = vector.broadcast %add3A_501 : i32 to vector<16xi32>
        %add3A_503 = arith.addi %add3A_498, %add3A_502 : vector<16xi32>
        %gather3A_504 = tpu.vector_load_idx %arg7[%add3A_503] : memref<98304xi32, #tpu.memory_space<vmem>>[vector<16xi32>], vector<16xi32>,
        %add3A_505 = arith.addi %add3A_482, %gather3A_504 : vector<16xi32>
        %add3A_506 = arith.constant 1031 : i32
        %add3A_507 = arith.addi %add3A_290, %add3A_506 : i32
        %get3A_508 = arith.index_cast %add3A_507 : i32 to index
        %get3A_509 = tpu.vector_load %arg6[%get3A_508] {strides = array<i32>} : memref<10320xi32, #tpu.memory_space<vmem>>, vector<16xi32>,
        %shift_left3A_510 = arith.constant 4 : i32
        %shift_left3A_511 = vector.broadcast %shift_left3A_510 : i32 to vector<16xi32>
        %shift_left3A_512 = arith.shli %get3A_509, %shift_left3A_511 : vector<16xi32>
        %add3A_513 = arith.constant 514 : i32
        %add3A_514 = arith.addi %add3A_290, %add3A_513 : i32
        %get3A_515 = arith.index_cast %add3A_514 : i32 to index
        %get3A_516 = tpu.vector_load %arg6[%get3A_515] {strides = array<i32>} : memref<10320xi32, #tpu.memory_space<vmem>>, vector<16xi32>,
        %add3A_517 = arith.addi %shift_left3A_295, %shift_left3A_512 : vector<16xi32>
        %add3A_518 = arith.addi %add3A_517, %get3A_516 : vector<16xi32>
        %add3A_519 = arith.constant 73728 : i32
        %add3A_520 = vector.broadcast %add3A_519 : i32 to vector<16xi32>
        %add3A_521 = arith.addi %add3A_518, %add3A_520 : vector<16xi32>
        %gather3A_522 = tpu.vector_load_idx %arg7[%add3A_521] : memref<98304xi32, #tpu.memory_space<vmem>>[vector<16xi32>], vector<16xi32>,
        %add3A_523 = arith.addi %add3A_500, %gather3A_522 : vector<16xi32>
        %add3A_524 = arith.constant 4096 : i32
        %add3A_525 = vector.broadcast %add3A_524 : i32 to vector<16xi32>
        %add3A_526 = arith.addi %add3A_521, %add3A_525 : vector<16xi32>
        %gather3A_527 = tpu.vector_load_idx %arg7[%add3A_526] : memref<98304xi32, #tpu.memory_space<vmem>>[vector<16xi32>], vector<16xi32>,
        %add3A_528 = arith.addi %add3A_505, %gather3A_527 : vector<16xi32>
        %add3A_529 = arith.constant -518 : i32
        %add3A_530 = arith.addi %add3A_290, %add3A_529 : i32
        %get3A_531 = arith.index_cast %add3A_530 : i32 to index
        %get3A_532 = tpu.vector_load %arg6[%get3A_531] {strides = array<i32>} : memref<10320xi32, #tpu.memory_space<vmem>>, vector<16xi32>,
        %shift_left3A_533 = arith.constant 4 : i32
        %shift_left3A_534 = vector.broadcast %shift_left3A_533 : i32 to vector<16xi32>
        %shift_left3A_535 = arith.shli %get3A_532, %shift_left3A_534 : vector<16xi32>
        %add3A_536 = arith.constant -1033 : i32
        %add3A_537 = arith.addi %add3A_290, %add3A_536 : i32
        %get3A_538 = arith.index_cast %add3A_537 : i32 to index
        %get3A_539 = tpu.vector_load %arg6[%get3A_538] {strides = array<i32>} : memref<10320xi32, #tpu.memory_space<vmem>>, vector<16xi32>,
        %add3A_540 = arith.addi %shift_left3A_295, %shift_left3A_535 : vector<16xi32>
        %add3A_541 = arith.addi %add3A_540, %get3A_539 : vector<16xi32>
        %add3A_542 = arith.constant 81920 : i32
        %add3A_543 = vector.broadcast %add3A_542 : i32 to vector<16xi32>
        %add3A_544 = arith.addi %add3A_541, %add3A_543 : vector<16xi32>
        %gather3A_545 = tpu.vector_load_idx %arg7[%add3A_544] : memref<98304xi32, #tpu.memory_space<vmem>>[vector<16xi32>], vector<16xi32>,
        %add3A_546 = arith.addi %add3A_523, %gather3A_545 : vector<16xi32>
        %add3A_547 = arith.constant 4096 : i32
        %add3A_548 = vector.broadcast %add3A_547 : i32 to vector<16xi32>
        %add3A_549 = arith.addi %add3A_544, %add3A_548 : vector<16xi32>
        %gather3A_550 = tpu.vector_load_idx %arg7[%add3A_549] : memref<98304xi32, #tpu.memory_space<vmem>>[vector<16xi32>], vector<16xi32>,
        %add3A_551 = arith.addi %add3A_528, %gather3A_550 : vector<16xi32>
        %add3A_552 = arith.constant -1031 : i32
        %add3A_553 = arith.addi %add3A_290, %add3A_552 : i32
        %get3A_554 = arith.index_cast %add3A_553 : i32 to index
        %get3A_555 = tpu.vector_load %arg6[%get3A_554] {strides = array<i32>} : memref<10320xi32, #tpu.memory_space<vmem>>, vector<16xi32>,
        %shift_left3A_556 = arith.constant 4 : i32
        %shift_left3A_557 = vector.broadcast %shift_left3A_556 : i32 to vector<16xi32>
        %shift_left3A_558 = arith.shli %get3A_555, %shift_left3A_557 : vector<16xi32>
        %add3A_559 = arith.constant -514 : i32
        %add3A_560 = arith.addi %add3A_290, %add3A_559 : i32
        %get3A_561 = arith.index_cast %add3A_560 : i32 to index
        %get3A_562 = tpu.vector_load %arg6[%get3A_561] {strides = array<i32>} : memref<10320xi32, #tpu.memory_space<vmem>>, vector<16xi32>,
        %add3A_563 = arith.addi %shift_left3A_295, %shift_left3A_558 : vector<16xi32>
        %add3A_564 = arith.addi %add3A_563, %get3A_562 : vector<16xi32>
        %add3A_565 = arith.constant 90112 : i32
        %add3A_566 = vector.broadcast %add3A_565 : i32 to vector<16xi32>
        %add3A_567 = arith.addi %add3A_564, %add3A_566 : vector<16xi32>
        %gather3A_568 = tpu.vector_load_idx %arg7[%add3A_567] : memref<98304xi32, #tpu.memory_space<vmem>>[vector<16xi32>], vector<16xi32>,
        %add3A_569 = arith.addi %add3A_546, %gather3A_568 : vector<16xi32>
        %add3A_570 = arith.constant 4096 : i32
        %add3A_571 = vector.broadcast %add3A_570 : i32 to vector<16xi32>
        %add3A_572 = arith.addi %add3A_567, %add3A_571 : vector<16xi32>
        %gather3A_573 = tpu.vector_load_idx %arg7[%add3A_572] : memref<98304xi32, #tpu.memory_space<vmem>>[vector<16xi32>], vector<16xi32>,
        %add3A_574 = arith.addi %add3A_551, %gather3A_573 : vector<16xi32>
        %broadcast_in_dim3A_575 = arith.constant 0 : i32
        %broadcast_in_dim3A_576 = vector.broadcast %broadcast_in_dim3A_575 : i32 to vector<16xi32>
        %mul3A_577 = arith.constant 2 : i32
        %mul3A_578 = arith.muli %mul3A_577, %scan3A_273 : i32
        %add3A_579 = vector.broadcast %mul3A_578 : i32 to vector<16xi32>
        %add3A_580 = arith.addi %broadcast_in_dim3A_576, %add3A_579 : vector<16xi32>
        %mul3A_581 = arith.constant 2 : i32
        %mul3A_582 = arith.muli %mul3A_581, %mul3A_283 : i32
        %add3A_583 = vector.broadcast %mul3A_582 : i32 to vector<16xi32>
        %add3A_584 = arith.addi %add3A_583, %mul3A_114 : vector<16xi32>
        %and3A = arith.constant 65535 : i32
        %and3A_585 = vector.broadcast %and3A : i32 to vector<16xi32>
        %and3A_586 = arith.andi %add3A_569, %and3A_585 : vector<16xi32>
        %convert_element_type3A = arith.sitofp %and3A_586 : vector<16xi32> to vector<16xf32>
        %sub3A_587 = vector.broadcast %scan3A_210 : f32 to vector<16xf32>
        %sub3A_588 = arith.subf %convert_element_type3A, %sub3A_587 : vector<16xf32>
        %mul3A_589 = vector.broadcast %scan3A_211 : f32 to vector<16xf32>
        %mul3A_590 = arith.mulf %sub3A_588, %mul3A_589 : vector<16xf32>
        tpu.vector_store_idx %arg9[%add3A_580, %add3A_584], %mul3A_590 : memref<4x1024xf32, #tpu.memory_space<vmem>>[vector<16xi32>, vector<16xi32>], vector<16xf32>,
        %add3A_591 = arith.constant 1 : i32
        %add3A_592 = vector.broadcast %add3A_591 : i32 to vector<16xi32>
        %add3A_593 = arith.addi %add3A_584, %add3A_592 : vector<16xi32>
        %shift_right_logical3A = arith.constant 16 : i32
        %shift_right_logical3A_594 = vector.broadcast %shift_right_logical3A : i32 to vector<16xi32>
        %shift_right_logical3A_595 = arith.shrui %add3A_569, %shift_right_logical3A_594 : vector<16xi32>
        %convert_element_type3A_596 = arith.sitofp %shift_right_logical3A_595 : vector<16xi32> to vector<16xf32>
        %sub3A_597 = vector.broadcast %scan3A_210 : f32 to vector<16xf32>
        %sub3A_598 = arith.subf %convert_element_type3A_596, %sub3A_597 : vector<16xf32>
        %mul3A_599 = vector.broadcast %scan3A_211 : f32 to vector<16xf32>
        %mul3A_600 = arith.mulf %sub3A_598, %mul3A_599 : vector<16xf32>
        tpu.vector_store_idx %arg9[%add3A_580, %add3A_593], %mul3A_600 : memref<4x1024xf32, #tpu.memory_space<vmem>>[vector<16xi32>, vector<16xi32>], vector<16xf32>,
        %add3A_601 = arith.constant 1 : i32
        %add3A_602 = vector.broadcast %add3A_601 : i32 to vector<16xi32>
        %add3A_603 = arith.addi %add3A_580, %add3A_602 : vector<16xi32>
        %and3A_604 = arith.constant 65535 : i32
        %and3A_605 = vector.broadcast %and3A_604 : i32 to vector<16xi32>
        %and3A_606 = arith.andi %add3A_574, %and3A_605 : vector<16xi32>
        %convert_element_type3A_607 = arith.sitofp %and3A_606 : vector<16xi32> to vector<16xf32>
        %sub3A_608 = vector.broadcast %scan3A_210 : f32 to vector<16xf32>
        %sub3A_609 = arith.subf %convert_element_type3A_607, %sub3A_608 : vector<16xf32>
        %mul3A_610 = vector.broadcast %scan3A_211 : f32 to vector<16xf32>
        %mul3A_611 = arith.mulf %sub3A_609, %mul3A_610 : vector<16xf32>
        tpu.vector_store_idx %arg9[%add3A_603, %add3A_584], %mul3A_611 : memref<4x1024xf32, #tpu.memory_space<vmem>>[vector<16xi32>, vector<16xi32>], vector<16xf32>,
        %add3A_612 = arith.constant 1 : i32
        %add3A_613 = vector.broadcast %add3A_612 : i32 to vector<16xi32>
        %add3A_614 = arith.addi %add3A_580, %add3A_613 : vector<16xi32>
        %add3A_615 = arith.constant 1 : i32
        %add3A_616 = vector.broadcast %add3A_615 : i32 to vector<16xi32>
        %add3A_617 = arith.addi %add3A_584, %add3A_616 : vector<16xi32>
        %shift_right_logical3A_618 = arith.constant 16 : i32
        %shift_right_logical3A_619 = vector.broadcast %shift_right_logical3A_618 : i32 to vector<16xi32>
        %shift_right_logical3A_620 = arith.shrui %add3A_574, %shift_right_logical3A_619 : vector<16xi32>
        %convert_element_type3A_621 = arith.sitofp %shift_right_logical3A_620 : vector<16xi32> to vector<16xf32>
        %sub3A_622 = vector.broadcast %scan3A_210 : f32 to vector<16xf32>
        %sub3A_623 = arith.subf %convert_element_type3A_621, %sub3A_622 : vector<16xf32>
        %mul3A_624 = vector.broadcast %scan3A_211 : f32 to vector<16xf32>
        %mul3A_625 = arith.mulf %sub3A_623, %mul3A_624 : vector<16xf32>
        tpu.vector_store_idx %arg9[%add3A_614, %add3A_617], %mul3A_625 : memref<4x1024xf32, #tpu.memory_space<vmem>>[vector<16xi32>, vector<16xi32>], vector<16xf32>,
      }
      %scan3A_280 = arith.constant 32 : i32
    }
    %scan3A_216 = arith.constant 2 : i32
    %mul3A_217 = arith.constant 32 : i32
    %mul3A_218 = arith.muli %add3A, %mul3A_217 : i32
    %add3A_219 = arith.constant 20 : i32
    %add3A_220 = arith.addi %mul3A_218, %add3A_219 : i32
    %dma_start3A_221 = arith.constant 0 : i32
    %dma_start3A_222 = tpu.memref_slice %arg4[%add3A_220, %dma_start3A_221] : memref<1024x1024xf32, #tpu.memory_space<hbm>> -> memref<4x1024xf32, #tpu.memory_space<hbm>>
    %dma_start3A_223 = arith.constant 0 : i32
    %dma_start3A_224 = tpu.memref_slice %arg4[%add3A_220, %dma_start3A_223] : memref<1024x1024xf32, #tpu.memory_space<hbm>> -> memref<4x1024xf32, #tpu.memory_space<hbm>>
    tpu.enqueue_dma source(%arg9 : memref<4x1024xf32, #tpu.memory_space<vmem>>) target(%dma_start3A_224 : memref<4x1024xf32, #tpu.memory_space<hbm>>) target_semaphore(%arg12 : memref<!tpu.dma_semaphore, #tpu.memory_space<semaphore_mem>>)
    %dma_wait3A_225 = arith.constant 0 : i32
    %dma_wait3A_226 = tpu.memref_slice %arg4[%add3A_200, %dma_wait3A_225] : memref<1024x1024xf32, #tpu.memory_space<hbm>> -> memref<4x1024xf32, #tpu.memory_space<hbm>>
    %dma_wait3A_227 = arith.constant 0 : i32
    %dma_wait3A_228 = tpu.memref_slice %arg4[%add3A_200, %dma_wait3A_227] : memref<1024x1024xf32, #tpu.memory_space<hbm>> -> memref<4x1024xf32, #tpu.memory_space<hbm>>
    tpu.wait_dma2 semaphore(%arg11 : memref<!tpu.dma_semaphore, #tpu.memory_space<semaphore_mem>>) src(%arg8 : memref<4x1024xf32, #tpu.memory_space<vmem>>) dst(%dma_wait3A_228 : memref<4x1024xf32, #tpu.memory_space<hbm>>)
    %scan3A_229 = arith.constant 0 : i32
    %scan3A_230 = arith.constant 2.457600e+04 : f32
    %scan3A_231 = arith.constant 0.333333343 : f32
    %scan3A_232 = arith.constant 0 : i32
    %scan3A_233 = arith.constant 2 : i32
    %scan3A_234 = arith.addi %scan3A_232, %scan3A_233 : i32
    %scan3A_235 = arith.constant 1 : i32
    scf.for %scan3A_273 = %scan3A_232 to %scan3A_234 step %scan3A_235  : i32 {
      %add3A_274 = arith.constant 12 : i32
      %add3A_275 = arith.addi %add3A_274, %scan3A_273 : i32
      %scan3A_276 = arith.constant 0 : i32
      %scan3A_277 = arith.constant 32 : i32
      %scan3A_278 = arith.addi %scan3A_276, %scan3A_277 : i32
      %scan3A_279 = arith.constant 1 : i32
      scf.for %scan3A_281 = %scan3A_276 to %scan3A_278 step %scan3A_279  : i32 {
        %mul3A_282 = arith.constant 16 : i32
        %mul3A_283 = arith.muli %scan3A_281, %mul3A_282 : i32
        %add3A_284 = arith.constant 2 : i32
        %add3A_285 = arith.addi %add3A_275, %add3A_284 : i32
        %mul3A_286 = arith.constant 516 : i32
        %mul3A_287 = arith.muli %add3A_285, %mul3A_286 : i32
        %add3A_288 = arith.addi %mul3A_287, %mul3A_283 : i32
        %add3A_289 = arith.constant 2 : i32
        %add3A_290 = arith.addi %add3A_288, %add3A_289 : i32
        %add3A_291 = arith.constant 0 : i32
        %add3A_292 = arith.addi %add3A_290, %add3A_291 : i32
        %get3A = arith.index_cast %add3A_292 : i32 to index
        %get3A_293 = tpu.vector_load %arg6[%get3A] {strides = array<i32>} : memref<10320xi32, #tpu.memory_space<vmem>>, vector<16xi32>,
        %shift_left3A = arith.constant 8 : i32
        %shift_left3A_294 = vector.broadcast %shift_left3A : i32 to vector<16xi32>
        %shift_left3A_295 = arith.shli %get3A_293, %shift_left3A_294 : vector<16xi32>
        %broadcast_in_dim3A = arith.constant 0 : i32
        %broadcast_in_dim3A_296 = vector.broadcast %broadcast_in_dim3A : i32 to vector<16xi32>
        %broadcast_in_dim3A_297 = arith.constant 0 : i32
        %broadcast_in_dim3A_298 = vector.broadcast %broadcast_in_dim3A_297 : i32 to vector<16xi32>
        %add3A_299 = arith.constant 1 : i32
        %add3A_300 = arith.addi %add3A_290, %add3A_299 : i32
        %get3A_301 = arith.index_cast %add3A_300 : i32 to index
        %get3A_302 = tpu.vector_load %arg6[%get3A_301] {strides = array<i32>} : memref<10320xi32, #tpu.memory_space<vmem>>, vector<16xi32>,
        %shift_left3A_303 = arith.constant 4 : i32
        %shift_left3A_304 = vector.broadcast %shift_left3A_303 : i32 to vector<16xi32>
        %shift_left3A_305 = arith.shli %get3A_302, %shift_left3A_304 : vector<16xi32>
        %add3A_306 = arith.constant 2 : i32
        %add3A_307 = arith.addi %add3A_290, %add3A_306 : i32
        %get3A_308 = arith.index_cast %add3A_307 : i32 to index
        %get3A_309 = tpu.vector_load %arg6[%get3A_308] {strides = array<i32>} : memref<10320xi32, #tpu.memory_space<vmem>>, vector<16xi32>,
        %add3A_310 = arith.addi %shift_left3A_295, %shift_left3A_305 : vector<16xi32>
        %add3A_311 = arith.addi %add3A_310, %get3A_309 : vector<16xi32>
        %add3A_312 = arith.constant 0 : i32
        %add3A_313 = vector.broadcast %add3A_312 : i32 to vector<16xi32>
        %add3A_314 = arith.addi %add3A_311, %add3A_313 : vector<16xi32>
        %gather3A_315 = tpu.vector_load_idx %arg7[%add3A_314] : memref<98304xi32, #tpu.memory_space<vmem>>[vector<16xi32>], vector<16xi32>,
        %add3A_316 = arith.addi %broadcast_in_dim3A_296, %gather3A_315 : vector<16xi32>
        %add3A_317 = arith.constant 4096 : i32
        %add3A_318 = vector.broadcast %add3A_317 : i32 to vector<16xi32>
        %add3A_319 = arith.addi %add3A_314, %add3A_318 : vector<16xi32>
        %gather3A_320 = tpu.vector_load_idx %arg7[%add3A_319] : memref<98304xi32, #tpu.memory_space<vmem>>[vector<16xi32>], vector<16xi32>,
        %add3A_321 = arith.addi %broadcast_in_dim3A_298, %gather3A_320 : vector<16xi32>
        %add3A_322 = arith.constant 516 : i32
        %add3A_323 = arith.addi %add3A_290, %add3A_322 : i32
        %get3A_324 = arith.index_cast %add3A_323 : i32 to index
        %get3A_325 = tpu.vector_load %arg6[%get3A_324] {strides = array<i32>} : memref<10320xi32, #tpu.memory_space<vmem>>, vector<16xi32>,
        %shift_left3A_326 = arith.constant 4 : i32
        %shift_left3A_327 = vector.broadcast %shift_left3A_326 : i32 to vector<16xi32>
        %shift_left3A_328 = arith.shli %get3A_325, %shift_left3A_327 : vector<16xi32>
        %add3A_329 = arith.constant 1032 : i32
        %add3A_330 = arith.addi %add3A_290, %add3A_329 : i32
        %get3A_331 = arith.index_cast %add3A_330 : i32 to index
        %get3A_332 = tpu.vector_load %arg6[%get3A_331] {strides = array<i32>} : memref<10320xi32, #tpu.memory_space<vmem>>, vector<16xi32>,
        %add3A_333 = arith.addi %shift_left3A_295, %shift_left3A_328 : vector<16xi32>
        %add3A_334 = arith.addi %add3A_333, %get3A_332 : vector<16xi32>
        %add3A_335 = arith.constant 8192 : i32
        %add3A_336 = vector.broadcast %add3A_335 : i32 to vector<16xi32>
        %add3A_337 = arith.addi %add3A_334, %add3A_336 : vector<16xi32>
        %gather3A_338 = tpu.vector_load_idx %arg7[%add3A_337] : memref<98304xi32, #tpu.memory_space<vmem>>[vector<16xi32>], vector<16xi32>,
        %add3A_339 = arith.addi %add3A_316, %gather3A_338 : vector<16xi32>
        %add3A_340 = arith.constant 4096 : i32
        %add3A_341 = vector.broadcast %add3A_340 : i32 to vector<16xi32>
        %add3A_342 = arith.addi %add3A_337, %add3A_341 : vector<16xi32>
        %gather3A_343 = tpu.vector_load_idx %arg7[%add3A_342] : memref<98304xi32, #tpu.memory_space<vmem>>[vector<16xi32>], vector<16xi32>,
        %add3A_344 = arith.addi %add3A_321, %gather3A_343 : vector<16xi32>
        %add3A_345 = arith.constant -1 : i32
        %add3A_346 = arith.addi %add3A_290, %add3A_345 : i32
        %get3A_347 = arith.index_cast %add3A_346 : i32 to index
        %get3A_348 = tpu.vector_load %arg6[%get3A_347] {strides = array<i32>} : memref<10320xi32, #tpu.memory_space<vmem>>, vector<16xi32>,
        %shift_left3A_349 = arith.constant 4 : i32
        %shift_left3A_350 = vector.broadcast %shift_left3A_349 : i32 to vector<16xi32>
        %shift_left3A_351 = arith.shli %get3A_348, %shift_left3A_350 : vector<16xi32>
        %add3A_352 = arith.constant -2 : i32
        %add3A_353 = arith.addi %add3A_290, %add3A_352 : i32
        %get3A_354 = arith.index_cast %add3A_353 : i32 to index
        %get3A_355 = tpu.vector_load %arg6[%get3A_354] {strides = array<i32>} : memref<10320xi32, #tpu.memory_space<vmem>>, vector<16xi32>,
        %add3A_356 = arith.addi %shift_left3A_295, %shift_left3A_351 : vector<16xi32>
        %add3A_357 = arith.addi %add3A_356, %get3A_355 : vector<16xi32>
        %add3A_358 = arith.constant 16384 : i32
        %add3A_359 = vector.broadcast %add3A_358 : i32 to vector<16xi32>
        %add3A_360 = arith.addi %add3A_357, %add3A_359 : vector<16xi32>
        %gather3A_361 = tpu.vector_load_idx %arg7[%add3A_360] : memref<98304xi32, #tpu.memory_space<vmem>>[vector<16xi32>], vector<16xi32>,
        %add3A_362 = arith.addi %add3A_339, %gather3A_361 : vector<16xi32>
        %add3A_363 = arith.constant 4096 : i32
        %add3A_364 = vector.broadcast %add3A_363 : i32 to vector<16xi32>
        %add3A_365 = arith.addi %add3A_360, %add3A_364 : vector<16xi32>
        %gather3A_366 = tpu.vector_load_idx %arg7[%add3A_365] : memref<98304xi32, #tpu.memory_space<vmem>>[vector<16xi32>], vector<16xi32>,
        %add3A_367 = arith.addi %add3A_344, %gather3A_366 : vector<16xi32>
        %add3A_368 = arith.constant -516 : i32
        %add3A_369 = arith.addi %add3A_290, %add3A_368 : i32
        %get3A_370 = arith.index_cast %add3A_369 : i32 to index
        %get3A_371 = tpu.vector_load %arg6[%get3A_370] {strides = array<i32>} : memref<10320xi32, #tpu.memory_space<vmem>>, vector<16xi32>,
        %shift_left3A_372 = arith.constant 4 : i32
        %shift_left3A_373 = vector.broadcast %shift_left3A_372 : i32 to vector<16xi32>
        %shift_left3A_374 = arith.shli %get3A_371, %shift_left3A_373 : vector<16xi32>
        %add3A_375 = arith.constant -1032 : i32
        %add3A_376 = arith.addi %add3A_290, %add3A_375 : i32
        %get3A_377 = arith.index_cast %add3A_376 : i32 to index
        %get3A_378 = tpu.vector_load %arg6[%get3A_377] {strides = array<i32>} : memref<10320xi32, #tpu.memory_space<vmem>>, vector<16xi32>,
        %add3A_379 = arith.addi %shift_left3A_295, %shift_left3A_374 : vector<16xi32>
        %add3A_380 = arith.addi %add3A_379, %get3A_378 : vector<16xi32>
        %add3A_381 = arith.constant 24576 : i32
        %add3A_382 = vector.broadcast %add3A_381 : i32 to vector<16xi32>
        %add3A_383 = arith.addi %add3A_380, %add3A_382 : vector<16xi32>
        %gather3A_384 = tpu.vector_load_idx %arg7[%add3A_383] : memref<98304xi32, #tpu.memory_space<vmem>>[vector<16xi32>], vector<16xi32>,
        %add3A_385 = arith.addi %add3A_362, %gather3A_384 : vector<16xi32>
        %add3A_386 = arith.constant 4096 : i32
        %add3A_387 = vector.broadcast %add3A_386 : i32 to vector<16xi32>
        %add3A_388 = arith.addi %add3A_383, %add3A_387 : vector<16xi32>
        %gather3A_389 = tpu.vector_load_idx %arg7[%add3A_388] : memref<98304xi32, #tpu.memory_space<vmem>>[vector<16xi32>], vector<16xi32>,
        %add3A_390 = arith.addi %add3A_367, %gather3A_389 : vector<16xi32>
        %add3A_391 = arith.constant 517 : i32
        %add3A_392 = arith.addi %add3A_290, %add3A_391 : i32
        %get3A_393 = arith.index_cast %add3A_392 : i32 to index
        %get3A_394 = tpu.vector_load %arg6[%get3A_393] {strides = array<i32>} : memref<10320xi32, #tpu.memory_space<vmem>>, vector<16xi32>,
        %shift_left3A_395 = arith.constant 4 : i32
        %shift_left3A_396 = vector.broadcast %shift_left3A_395 : i32 to vector<16xi32>
        %shift_left3A_397 = arith.shli %get3A_394, %shift_left3A_396 : vector<16xi32>
        %add3A_398 = arith.constant 1034 : i32
        %add3A_399 = arith.addi %add3A_290, %add3A_398 : i32
        %get3A_400 = arith.index_cast %add3A_399 : i32 to index
        %get3A_401 = tpu.vector_load %arg6[%get3A_400] {strides = array<i32>} : memref<10320xi32, #tpu.memory_space<vmem>>, vector<16xi32>,
        %add3A_402 = arith.addi %shift_left3A_295, %shift_left3A_397 : vector<16xi32>
        %add3A_403 = arith.addi %add3A_402, %get3A_401 : vector<16xi32>
        %add3A_404 = arith.constant 32768 : i32
        %add3A_405 = vector.broadcast %add3A_404 : i32 to vector<16xi32>
        %add3A_406 = arith.addi %add3A_403, %add3A_405 : vector<16xi32>
        %gather3A_407 = tpu.vector_load_idx %arg7[%add3A_406] : memref<98304xi32, #tpu.memory_space<vmem>>[vector<16xi32>], vector<16xi32>,
        %add3A_408 = arith.addi %add3A_385, %gather3A_407 : vector<16xi32>
        %add3A_409 = arith.constant 4096 : i32
        %add3A_410 = vector.broadcast %add3A_409 : i32 to vector<16xi32>
        %add3A_411 = arith.addi %add3A_406, %add3A_410 : vector<16xi32>
        %gather3A_412 = tpu.vector_load_idx %arg7[%add3A_411] : memref<98304xi32, #tpu.memory_space<vmem>>[vector<16xi32>], vector<16xi32>,
        %add3A_413 = arith.addi %add3A_390, %gather3A_412 : vector<16xi32>
        %add3A_414 = arith.constant 515 : i32
        %add3A_415 = arith.addi %add3A_290, %add3A_414 : i32
        %get3A_416 = arith.index_cast %add3A_415 : i32 to index
        %get3A_417 = tpu.vector_load %arg6[%get3A_416] {strides = array<i32>} : memref<10320xi32, #tpu.memory_space<vmem>>, vector<16xi32>,
        %shift_left3A_418 = arith.constant 4 : i32
        %shift_left3A_419 = vector.broadcast %shift_left3A_418 : i32 to vector<16xi32>
        %shift_left3A_420 = arith.shli %get3A_417, %shift_left3A_419 : vector<16xi32>
        %add3A_421 = arith.constant 1030 : i32
        %add3A_422 = arith.addi %add3A_290, %add3A_421 : i32
        %get3A_423 = arith.index_cast %add3A_422 : i32 to index
        %get3A_424 = tpu.vector_load %arg6[%get3A_423] {strides = array<i32>} : memref<10320xi32, #tpu.memory_space<vmem>>, vector<16xi32>,
        %add3A_425 = arith.addi %shift_left3A_295, %shift_left3A_420 : vector<16xi32>
        %add3A_426 = arith.addi %add3A_425, %get3A_424 : vector<16xi32>
        %add3A_427 = arith.constant 40960 : i32
        %add3A_428 = vector.broadcast %add3A_427 : i32 to vector<16xi32>
        %add3A_429 = arith.addi %add3A_426, %add3A_428 : vector<16xi32>
        %gather3A_430 = tpu.vector_load_idx %arg7[%add3A_429] : memref<98304xi32, #tpu.memory_space<vmem>>[vector<16xi32>], vector<16xi32>,
        %add3A_431 = arith.addi %add3A_408, %gather3A_430 : vector<16xi32>
        %add3A_432 = arith.constant 4096 : i32
        %add3A_433 = vector.broadcast %add3A_432 : i32 to vector<16xi32>
        %add3A_434 = arith.addi %add3A_429, %add3A_433 : vector<16xi32>
        %gather3A_435 = tpu.vector_load_idx %arg7[%add3A_434] : memref<98304xi32, #tpu.memory_space<vmem>>[vector<16xi32>], vector<16xi32>,
        %add3A_436 = arith.addi %add3A_413, %gather3A_435 : vector<16xi32>
        %add3A_437 = arith.constant -517 : i32
        %add3A_438 = arith.addi %add3A_290, %add3A_437 : i32
        %get3A_439 = arith.index_cast %add3A_438 : i32 to index
        %get3A_440 = tpu.vector_load %arg6[%get3A_439] {strides = array<i32>} : memref<10320xi32, #tpu.memory_space<vmem>>, vector<16xi32>,
        %shift_left3A_441 = arith.constant 4 : i32
        %shift_left3A_442 = vector.broadcast %shift_left3A_441 : i32 to vector<16xi32>
        %shift_left3A_443 = arith.shli %get3A_440, %shift_left3A_442 : vector<16xi32>
        %add3A_444 = arith.constant -1034 : i32
        %add3A_445 = arith.addi %add3A_290, %add3A_444 : i32
        %get3A_446 = arith.index_cast %add3A_445 : i32 to index
        %get3A_447 = tpu.vector_load %arg6[%get3A_446] {strides = array<i32>} : memref<10320xi32, #tpu.memory_space<vmem>>, vector<16xi32>,
        %add3A_448 = arith.addi %shift_left3A_295, %shift_left3A_443 : vector<16xi32>
        %add3A_449 = arith.addi %add3A_448, %get3A_447 : vector<16xi32>
        %add3A_450 = arith.constant 49152 : i32
        %add3A_451 = vector.broadcast %add3A_450 : i32 to vector<16xi32>
        %add3A_452 = arith.addi %add3A_449, %add3A_451 : vector<16xi32>
        %gather3A_453 = tpu.vector_load_idx %arg7[%add3A_452] : memref<98304xi32, #tpu.memory_space<vmem>>[vector<16xi32>], vector<16xi32>,
        %add3A_454 = arith.addi %add3A_431, %gather3A_453 : vector<16xi32>
        %add3A_455 = arith.constant 4096 : i32
        %add3A_456 = vector.broadcast %add3A_455 : i32 to vector<16xi32>
        %add3A_457 = arith.addi %add3A_452, %add3A_456 : vector<16xi32>
        %gather3A_458 = tpu.vector_load_idx %arg7[%add3A_457] : memref<98304xi32, #tpu.memory_space<vmem>>[vector<16xi32>], vector<16xi32>,
        %add3A_459 = arith.addi %add3A_436, %gather3A_458 : vector<16xi32>
        %add3A_460 = arith.constant -515 : i32
        %add3A_461 = arith.addi %add3A_290, %add3A_460 : i32
        %get3A_462 = arith.index_cast %add3A_461 : i32 to index
        %get3A_463 = tpu.vector_load %arg6[%get3A_462] {strides = array<i32>} : memref<10320xi32, #tpu.memory_space<vmem>>, vector<16xi32>,
        %shift_left3A_464 = arith.constant 4 : i32
        %shift_left3A_465 = vector.broadcast %shift_left3A_464 : i32 to vector<16xi32>
        %shift_left3A_466 = arith.shli %get3A_463, %shift_left3A_465 : vector<16xi32>
        %add3A_467 = arith.constant -1030 : i32
        %add3A_468 = arith.addi %add3A_290, %add3A_467 : i32
        %get3A_469 = arith.index_cast %add3A_468 : i32 to index
        %get3A_470 = tpu.vector_load %arg6[%get3A_469] {strides = array<i32>} : memref<10320xi32, #tpu.memory_space<vmem>>, vector<16xi32>,
        %add3A_471 = arith.addi %shift_left3A_295, %shift_left3A_466 : vector<16xi32>
        %add3A_472 = arith.addi %add3A_471, %get3A_470 : vector<16xi32>
        %add3A_473 = arith.constant 57344 : i32
        %add3A_474 = vector.broadcast %add3A_473 : i32 to vector<16xi32>
        %add3A_475 = arith.addi %add3A_472, %add3A_474 : vector<16xi32>
        %gather3A_476 = tpu.vector_load_idx %arg7[%add3A_475] : memref<98304xi32, #tpu.memory_space<vmem>>[vector<16xi32>], vector<16xi32>,
        %add3A_477 = arith.addi %add3A_454, %gather3A_476 : vector<16xi32>
        %add3A_478 = arith.constant 4096 : i32
        %add3A_479 = vector.broadcast %add3A_478 : i32 to vector<16xi32>
        %add3A_480 = arith.addi %add3A_475, %add3A_479 : vector<16xi32>
        %gather3A_481 = tpu.vector_load_idx %arg7[%add3A_480] : memref<98304xi32, #tpu.memory_space<vmem>>[vector<16xi32>], vector<16xi32>,
        %add3A_482 = arith.addi %add3A_459, %gather3A_481 : vector<16xi32>
        %add3A_483 = arith.constant 518 : i32
        %add3A_484 = arith.addi %add3A_290, %add3A_483 : i32
        %get3A_485 = arith.index_cast %add3A_484 : i32 to index
        %get3A_486 = tpu.vector_load %arg6[%get3A_485] {strides = array<i32>} : memref<10320xi32, #tpu.memory_space<vmem>>, vector<16xi32>,
        %shift_left3A_487 = arith.constant 4 : i32
        %shift_left3A_488 = vector.broadcast %shift_left3A_487 : i32 to vector<16xi32>
        %shift_left3A_489 = arith.shli %get3A_486, %shift_left3A_488 : vector<16xi32>
        %add3A_490 = arith.constant 1033 : i32
        %add3A_491 = arith.addi %add3A_290, %add3A_490 : i32
        %get3A_492 = arith.index_cast %add3A_491 : i32 to index
        %get3A_493 = tpu.vector_load %arg6[%get3A_492] {strides = array<i32>} : memref<10320xi32, #tpu.memory_space<vmem>>, vector<16xi32>,
        %add3A_494 = arith.addi %shift_left3A_295, %shift_left3A_489 : vector<16xi32>
        %add3A_495 = arith.addi %add3A_494, %get3A_493 : vector<16xi32>
        %add3A_496 = arith.constant 65536 : i32
        %add3A_497 = vector.broadcast %add3A_496 : i32 to vector<16xi32>
        %add3A_498 = arith.addi %add3A_495, %add3A_497 : vector<16xi32>
        %gather3A_499 = tpu.vector_load_idx %arg7[%add3A_498] : memref<98304xi32, #tpu.memory_space<vmem>>[vector<16xi32>], vector<16xi32>,
        %add3A_500 = arith.addi %add3A_477, %gather3A_499 : vector<16xi32>
        %add3A_501 = arith.constant 4096 : i32
        %add3A_502 = vector.broadcast %add3A_501 : i32 to vector<16xi32>
        %add3A_503 = arith.addi %add3A_498, %add3A_502 : vector<16xi32>
        %gather3A_504 = tpu.vector_load_idx %arg7[%add3A_503] : memref<98304xi32, #tpu.memory_space<vmem>>[vector<16xi32>], vector<16xi32>,
        %add3A_505 = arith.addi %add3A_482, %gather3A_504 : vector<16xi32>
        %add3A_506 = arith.constant 1031 : i32
        %add3A_507 = arith.addi %add3A_290, %add3A_506 : i32
        %get3A_508 = arith.index_cast %add3A_507 : i32 to index
        %get3A_509 = tpu.vector_load %arg6[%get3A_508] {strides = array<i32>} : memref<10320xi32, #tpu.memory_space<vmem>>, vector<16xi32>,
        %shift_left3A_510 = arith.constant 4 : i32
        %shift_left3A_511 = vector.broadcast %shift_left3A_510 : i32 to vector<16xi32>
        %shift_left3A_512 = arith.shli %get3A_509, %shift_left3A_511 : vector<16xi32>
        %add3A_513 = arith.constant 514 : i32
        %add3A_514 = arith.addi %add3A_290, %add3A_513 : i32
        %get3A_515 = arith.index_cast %add3A_514 : i32 to index
        %get3A_516 = tpu.vector_load %arg6[%get3A_515] {strides = array<i32>} : memref<10320xi32, #tpu.memory_space<vmem>>, vector<16xi32>,
        %add3A_517 = arith.addi %shift_left3A_295, %shift_left3A_512 : vector<16xi32>
        %add3A_518 = arith.addi %add3A_517, %get3A_516 : vector<16xi32>
        %add3A_519 = arith.constant 73728 : i32
        %add3A_520 = vector.broadcast %add3A_519 : i32 to vector<16xi32>
        %add3A_521 = arith.addi %add3A_518, %add3A_520 : vector<16xi32>
        %gather3A_522 = tpu.vector_load_idx %arg7[%add3A_521] : memref<98304xi32, #tpu.memory_space<vmem>>[vector<16xi32>], vector<16xi32>,
        %add3A_523 = arith.addi %add3A_500, %gather3A_522 : vector<16xi32>
        %add3A_524 = arith.constant 4096 : i32
        %add3A_525 = vector.broadcast %add3A_524 : i32 to vector<16xi32>
        %add3A_526 = arith.addi %add3A_521, %add3A_525 : vector<16xi32>
        %gather3A_527 = tpu.vector_load_idx %arg7[%add3A_526] : memref<98304xi32, #tpu.memory_space<vmem>>[vector<16xi32>], vector<16xi32>,
        %add3A_528 = arith.addi %add3A_505, %gather3A_527 : vector<16xi32>
        %add3A_529 = arith.constant -518 : i32
        %add3A_530 = arith.addi %add3A_290, %add3A_529 : i32
        %get3A_531 = arith.index_cast %add3A_530 : i32 to index
        %get3A_532 = tpu.vector_load %arg6[%get3A_531] {strides = array<i32>} : memref<10320xi32, #tpu.memory_space<vmem>>, vector<16xi32>,
        %shift_left3A_533 = arith.constant 4 : i32
        %shift_left3A_534 = vector.broadcast %shift_left3A_533 : i32 to vector<16xi32>
        %shift_left3A_535 = arith.shli %get3A_532, %shift_left3A_534 : vector<16xi32>
        %add3A_536 = arith.constant -1033 : i32
        %add3A_537 = arith.addi %add3A_290, %add3A_536 : i32
        %get3A_538 = arith.index_cast %add3A_537 : i32 to index
        %get3A_539 = tpu.vector_load %arg6[%get3A_538] {strides = array<i32>} : memref<10320xi32, #tpu.memory_space<vmem>>, vector<16xi32>,
        %add3A_540 = arith.addi %shift_left3A_295, %shift_left3A_535 : vector<16xi32>
        %add3A_541 = arith.addi %add3A_540, %get3A_539 : vector<16xi32>
        %add3A_542 = arith.constant 81920 : i32
        %add3A_543 = vector.broadcast %add3A_542 : i32 to vector<16xi32>
        %add3A_544 = arith.addi %add3A_541, %add3A_543 : vector<16xi32>
        %gather3A_545 = tpu.vector_load_idx %arg7[%add3A_544] : memref<98304xi32, #tpu.memory_space<vmem>>[vector<16xi32>], vector<16xi32>,
        %add3A_546 = arith.addi %add3A_523, %gather3A_545 : vector<16xi32>
        %add3A_547 = arith.constant 4096 : i32
        %add3A_548 = vector.broadcast %add3A_547 : i32 to vector<16xi32>
        %add3A_549 = arith.addi %add3A_544, %add3A_548 : vector<16xi32>
        %gather3A_550 = tpu.vector_load_idx %arg7[%add3A_549] : memref<98304xi32, #tpu.memory_space<vmem>>[vector<16xi32>], vector<16xi32>,
        %add3A_551 = arith.addi %add3A_528, %gather3A_550 : vector<16xi32>
        %add3A_552 = arith.constant -1031 : i32
        %add3A_553 = arith.addi %add3A_290, %add3A_552 : i32
        %get3A_554 = arith.index_cast %add3A_553 : i32 to index
        %get3A_555 = tpu.vector_load %arg6[%get3A_554] {strides = array<i32>} : memref<10320xi32, #tpu.memory_space<vmem>>, vector<16xi32>,
        %shift_left3A_556 = arith.constant 4 : i32
        %shift_left3A_557 = vector.broadcast %shift_left3A_556 : i32 to vector<16xi32>
        %shift_left3A_558 = arith.shli %get3A_555, %shift_left3A_557 : vector<16xi32>
        %add3A_559 = arith.constant -514 : i32
        %add3A_560 = arith.addi %add3A_290, %add3A_559 : i32
        %get3A_561 = arith.index_cast %add3A_560 : i32 to index
        %get3A_562 = tpu.vector_load %arg6[%get3A_561] {strides = array<i32>} : memref<10320xi32, #tpu.memory_space<vmem>>, vector<16xi32>,
        %add3A_563 = arith.addi %shift_left3A_295, %shift_left3A_558 : vector<16xi32>
        %add3A_564 = arith.addi %add3A_563, %get3A_562 : vector<16xi32>
        %add3A_565 = arith.constant 90112 : i32
        %add3A_566 = vector.broadcast %add3A_565 : i32 to vector<16xi32>
        %add3A_567 = arith.addi %add3A_564, %add3A_566 : vector<16xi32>
        %gather3A_568 = tpu.vector_load_idx %arg7[%add3A_567] : memref<98304xi32, #tpu.memory_space<vmem>>[vector<16xi32>], vector<16xi32>,
        %add3A_569 = arith.addi %add3A_546, %gather3A_568 : vector<16xi32>
        %add3A_570 = arith.constant 4096 : i32
        %add3A_571 = vector.broadcast %add3A_570 : i32 to vector<16xi32>
        %add3A_572 = arith.addi %add3A_567, %add3A_571 : vector<16xi32>
        %gather3A_573 = tpu.vector_load_idx %arg7[%add3A_572] : memref<98304xi32, #tpu.memory_space<vmem>>[vector<16xi32>], vector<16xi32>,
        %add3A_574 = arith.addi %add3A_551, %gather3A_573 : vector<16xi32>
        %broadcast_in_dim3A_575 = arith.constant 0 : i32
        %broadcast_in_dim3A_576 = vector.broadcast %broadcast_in_dim3A_575 : i32 to vector<16xi32>
        %mul3A_577 = arith.constant 2 : i32
        %mul3A_578 = arith.muli %mul3A_577, %scan3A_273 : i32
        %add3A_579 = vector.broadcast %mul3A_578 : i32 to vector<16xi32>
        %add3A_580 = arith.addi %broadcast_in_dim3A_576, %add3A_579 : vector<16xi32>
        %mul3A_581 = arith.constant 2 : i32
        %mul3A_582 = arith.muli %mul3A_581, %mul3A_283 : i32
        %add3A_583 = vector.broadcast %mul3A_582 : i32 to vector<16xi32>
        %add3A_584 = arith.addi %add3A_583, %mul3A_114 : vector<16xi32>
        %and3A = arith.constant 65535 : i32
        %and3A_585 = vector.broadcast %and3A : i32 to vector<16xi32>
        %and3A_586 = arith.andi %add3A_569, %and3A_585 : vector<16xi32>
        %convert_element_type3A = arith.sitofp %and3A_586 : vector<16xi32> to vector<16xf32>
        %sub3A_587 = vector.broadcast %scan3A_230 : f32 to vector<16xf32>
        %sub3A_588 = arith.subf %convert_element_type3A, %sub3A_587 : vector<16xf32>
        %mul3A_589 = vector.broadcast %scan3A_231 : f32 to vector<16xf32>
        %mul3A_590 = arith.mulf %sub3A_588, %mul3A_589 : vector<16xf32>
        tpu.vector_store_idx %arg8[%add3A_580, %add3A_584], %mul3A_590 : memref<4x1024xf32, #tpu.memory_space<vmem>>[vector<16xi32>, vector<16xi32>], vector<16xf32>,
        %add3A_591 = arith.constant 1 : i32
        %add3A_592 = vector.broadcast %add3A_591 : i32 to vector<16xi32>
        %add3A_593 = arith.addi %add3A_584, %add3A_592 : vector<16xi32>
        %shift_right_logical3A = arith.constant 16 : i32
        %shift_right_logical3A_594 = vector.broadcast %shift_right_logical3A : i32 to vector<16xi32>
        %shift_right_logical3A_595 = arith.shrui %add3A_569, %shift_right_logical3A_594 : vector<16xi32>
        %convert_element_type3A_596 = arith.sitofp %shift_right_logical3A_595 : vector<16xi32> to vector<16xf32>
        %sub3A_597 = vector.broadcast %scan3A_230 : f32 to vector<16xf32>
        %sub3A_598 = arith.subf %convert_element_type3A_596, %sub3A_597 : vector<16xf32>
        %mul3A_599 = vector.broadcast %scan3A_231 : f32 to vector<16xf32>
        %mul3A_600 = arith.mulf %sub3A_598, %mul3A_599 : vector<16xf32>
        tpu.vector_store_idx %arg8[%add3A_580, %add3A_593], %mul3A_600 : memref<4x1024xf32, #tpu.memory_space<vmem>>[vector<16xi32>, vector<16xi32>], vector<16xf32>,
        %add3A_601 = arith.constant 1 : i32
        %add3A_602 = vector.broadcast %add3A_601 : i32 to vector<16xi32>
        %add3A_603 = arith.addi %add3A_580, %add3A_602 : vector<16xi32>
        %and3A_604 = arith.constant 65535 : i32
        %and3A_605 = vector.broadcast %and3A_604 : i32 to vector<16xi32>
        %and3A_606 = arith.andi %add3A_574, %and3A_605 : vector<16xi32>
        %convert_element_type3A_607 = arith.sitofp %and3A_606 : vector<16xi32> to vector<16xf32>
        %sub3A_608 = vector.broadcast %scan3A_230 : f32 to vector<16xf32>
        %sub3A_609 = arith.subf %convert_element_type3A_607, %sub3A_608 : vector<16xf32>
        %mul3A_610 = vector.broadcast %scan3A_231 : f32 to vector<16xf32>
        %mul3A_611 = arith.mulf %sub3A_609, %mul3A_610 : vector<16xf32>
        tpu.vector_store_idx %arg8[%add3A_603, %add3A_584], %mul3A_611 : memref<4x1024xf32, #tpu.memory_space<vmem>>[vector<16xi32>, vector<16xi32>], vector<16xf32>,
        %add3A_612 = arith.constant 1 : i32
        %add3A_613 = vector.broadcast %add3A_612 : i32 to vector<16xi32>
        %add3A_614 = arith.addi %add3A_580, %add3A_613 : vector<16xi32>
        %add3A_615 = arith.constant 1 : i32
        %add3A_616 = vector.broadcast %add3A_615 : i32 to vector<16xi32>
        %add3A_617 = arith.addi %add3A_584, %add3A_616 : vector<16xi32>
        %shift_right_logical3A_618 = arith.constant 16 : i32
        %shift_right_logical3A_619 = vector.broadcast %shift_right_logical3A_618 : i32 to vector<16xi32>
        %shift_right_logical3A_620 = arith.shrui %add3A_574, %shift_right_logical3A_619 : vector<16xi32>
        %convert_element_type3A_621 = arith.sitofp %shift_right_logical3A_620 : vector<16xi32> to vector<16xf32>
        %sub3A_622 = vector.broadcast %scan3A_230 : f32 to vector<16xf32>
        %sub3A_623 = arith.subf %convert_element_type3A_621, %sub3A_622 : vector<16xf32>
        %mul3A_624 = vector.broadcast %scan3A_231 : f32 to vector<16xf32>
        %mul3A_625 = arith.mulf %sub3A_623, %mul3A_624 : vector<16xf32>
        tpu.vector_store_idx %arg8[%add3A_614, %add3A_617], %mul3A_625 : memref<4x1024xf32, #tpu.memory_space<vmem>>[vector<16xi32>, vector<16xi32>], vector<16xf32>,
      }
      %scan3A_280 = arith.constant 32 : i32
    }
    %scan3A_236 = arith.constant 2 : i32
    %mul3A_237 = arith.constant 32 : i32
    %mul3A_238 = arith.muli %add3A, %mul3A_237 : i32
    %add3A_239 = arith.constant 24 : i32
    %add3A_240 = arith.addi %mul3A_238, %add3A_239 : i32
    %dma_start3A_241 = arith.constant 0 : i32
    %dma_start3A_242 = tpu.memref_slice %arg4[%add3A_240, %dma_start3A_241] : memref<1024x1024xf32, #tpu.memory_space<hbm>> -> memref<4x1024xf32, #tpu.memory_space<hbm>>
    %dma_start3A_243 = arith.constant 0 : i32
    %dma_start3A_244 = tpu.memref_slice %arg4[%add3A_240, %dma_start3A_243] : memref<1024x1024xf32, #tpu.memory_space<hbm>> -> memref<4x1024xf32, #tpu.memory_space<hbm>>
    tpu.enqueue_dma source(%arg8 : memref<4x1024xf32, #tpu.memory_space<vmem>>) target(%dma_start3A_244 : memref<4x1024xf32, #tpu.memory_space<hbm>>) target_semaphore(%arg11 : memref<!tpu.dma_semaphore, #tpu.memory_space<semaphore_mem>>)
    %dma_wait3A_245 = arith.constant 0 : i32
    %dma_wait3A_246 = tpu.memref_slice %arg4[%add3A_220, %dma_wait3A_245] : memref<1024x1024xf32, #tpu.memory_space<hbm>> -> memref<4x1024xf32, #tpu.memory_space<hbm>>
    %dma_wait3A_247 = arith.constant 0 : i32
    %dma_wait3A_248 = tpu.memref_slice %arg4[%add3A_220, %dma_wait3A_247] : memref<1024x1024xf32, #tpu.memory_space<hbm>> -> memref<4x1024xf32, #tpu.memory_space<hbm>>
    tpu.wait_dma2 semaphore(%arg12 : memref<!tpu.dma_semaphore, #tpu.memory_space<semaphore_mem>>) src(%arg9 : memref<4x1024xf32, #tpu.memory_space<vmem>>) dst(%dma_wait3A_248 : memref<4x1024xf32, #tpu.memory_space<hbm>>)
    %scan3A_249 = arith.constant 0 : i32
    %scan3A_250 = arith.constant 2.457600e+04 : f32
    %scan3A_251 = arith.constant 0.333333343 : f32
    %scan3A_252 = arith.constant 0 : i32
    %scan3A_253 = arith.constant 2 : i32
    %scan3A_254 = arith.addi %scan3A_252, %scan3A_253 : i32
    %scan3A_255 = arith.constant 1 : i32
    scf.for %scan3A_273 = %scan3A_252 to %scan3A_254 step %scan3A_255  : i32 {
      %add3A_274 = arith.constant 14 : i32
      %add3A_275 = arith.addi %add3A_274, %scan3A_273 : i32
      %scan3A_276 = arith.constant 0 : i32
      %scan3A_277 = arith.constant 32 : i32
      %scan3A_278 = arith.addi %scan3A_276, %scan3A_277 : i32
      %scan3A_279 = arith.constant 1 : i32
      scf.for %scan3A_281 = %scan3A_276 to %scan3A_278 step %scan3A_279  : i32 {
        %mul3A_282 = arith.constant 16 : i32
        %mul3A_283 = arith.muli %scan3A_281, %mul3A_282 : i32
        %add3A_284 = arith.constant 2 : i32
        %add3A_285 = arith.addi %add3A_275, %add3A_284 : i32
        %mul3A_286 = arith.constant 516 : i32
        %mul3A_287 = arith.muli %add3A_285, %mul3A_286 : i32
        %add3A_288 = arith.addi %mul3A_287, %mul3A_283 : i32
        %add3A_289 = arith.constant 2 : i32
        %add3A_290 = arith.addi %add3A_288, %add3A_289 : i32
        %add3A_291 = arith.constant 0 : i32
        %add3A_292 = arith.addi %add3A_290, %add3A_291 : i32
        %get3A = arith.index_cast %add3A_292 : i32 to index
        %get3A_293 = tpu.vector_load %arg6[%get3A] {strides = array<i32>} : memref<10320xi32, #tpu.memory_space<vmem>>, vector<16xi32>,
        %shift_left3A = arith.constant 8 : i32
        %shift_left3A_294 = vector.broadcast %shift_left3A : i32 to vector<16xi32>
        %shift_left3A_295 = arith.shli %get3A_293, %shift_left3A_294 : vector<16xi32>
        %broadcast_in_dim3A = arith.constant 0 : i32
        %broadcast_in_dim3A_296 = vector.broadcast %broadcast_in_dim3A : i32 to vector<16xi32>
        %broadcast_in_dim3A_297 = arith.constant 0 : i32
        %broadcast_in_dim3A_298 = vector.broadcast %broadcast_in_dim3A_297 : i32 to vector<16xi32>
        %add3A_299 = arith.constant 1 : i32
        %add3A_300 = arith.addi %add3A_290, %add3A_299 : i32
        %get3A_301 = arith.index_cast %add3A_300 : i32 to index
        %get3A_302 = tpu.vector_load %arg6[%get3A_301] {strides = array<i32>} : memref<10320xi32, #tpu.memory_space<vmem>>, vector<16xi32>,
        %shift_left3A_303 = arith.constant 4 : i32
        %shift_left3A_304 = vector.broadcast %shift_left3A_303 : i32 to vector<16xi32>
        %shift_left3A_305 = arith.shli %get3A_302, %shift_left3A_304 : vector<16xi32>
        %add3A_306 = arith.constant 2 : i32
        %add3A_307 = arith.addi %add3A_290, %add3A_306 : i32
        %get3A_308 = arith.index_cast %add3A_307 : i32 to index
        %get3A_309 = tpu.vector_load %arg6[%get3A_308] {strides = array<i32>} : memref<10320xi32, #tpu.memory_space<vmem>>, vector<16xi32>,
        %add3A_310 = arith.addi %shift_left3A_295, %shift_left3A_305 : vector<16xi32>
        %add3A_311 = arith.addi %add3A_310, %get3A_309 : vector<16xi32>
        %add3A_312 = arith.constant 0 : i32
        %add3A_313 = vector.broadcast %add3A_312 : i32 to vector<16xi32>
        %add3A_314 = arith.addi %add3A_311, %add3A_313 : vector<16xi32>
        %gather3A_315 = tpu.vector_load_idx %arg7[%add3A_314] : memref<98304xi32, #tpu.memory_space<vmem>>[vector<16xi32>], vector<16xi32>,
        %add3A_316 = arith.addi %broadcast_in_dim3A_296, %gather3A_315 : vector<16xi32>
        %add3A_317 = arith.constant 4096 : i32
        %add3A_318 = vector.broadcast %add3A_317 : i32 to vector<16xi32>
        %add3A_319 = arith.addi %add3A_314, %add3A_318 : vector<16xi32>
        %gather3A_320 = tpu.vector_load_idx %arg7[%add3A_319] : memref<98304xi32, #tpu.memory_space<vmem>>[vector<16xi32>], vector<16xi32>,
        %add3A_321 = arith.addi %broadcast_in_dim3A_298, %gather3A_320 : vector<16xi32>
        %add3A_322 = arith.constant 516 : i32
        %add3A_323 = arith.addi %add3A_290, %add3A_322 : i32
        %get3A_324 = arith.index_cast %add3A_323 : i32 to index
        %get3A_325 = tpu.vector_load %arg6[%get3A_324] {strides = array<i32>} : memref<10320xi32, #tpu.memory_space<vmem>>, vector<16xi32>,
        %shift_left3A_326 = arith.constant 4 : i32
        %shift_left3A_327 = vector.broadcast %shift_left3A_326 : i32 to vector<16xi32>
        %shift_left3A_328 = arith.shli %get3A_325, %shift_left3A_327 : vector<16xi32>
        %add3A_329 = arith.constant 1032 : i32
        %add3A_330 = arith.addi %add3A_290, %add3A_329 : i32
        %get3A_331 = arith.index_cast %add3A_330 : i32 to index
        %get3A_332 = tpu.vector_load %arg6[%get3A_331] {strides = array<i32>} : memref<10320xi32, #tpu.memory_space<vmem>>, vector<16xi32>,
        %add3A_333 = arith.addi %shift_left3A_295, %shift_left3A_328 : vector<16xi32>
        %add3A_334 = arith.addi %add3A_333, %get3A_332 : vector<16xi32>
        %add3A_335 = arith.constant 8192 : i32
        %add3A_336 = vector.broadcast %add3A_335 : i32 to vector<16xi32>
        %add3A_337 = arith.addi %add3A_334, %add3A_336 : vector<16xi32>
        %gather3A_338 = tpu.vector_load_idx %arg7[%add3A_337] : memref<98304xi32, #tpu.memory_space<vmem>>[vector<16xi32>], vector<16xi32>,
        %add3A_339 = arith.addi %add3A_316, %gather3A_338 : vector<16xi32>
        %add3A_340 = arith.constant 4096 : i32
        %add3A_341 = vector.broadcast %add3A_340 : i32 to vector<16xi32>
        %add3A_342 = arith.addi %add3A_337, %add3A_341 : vector<16xi32>
        %gather3A_343 = tpu.vector_load_idx %arg7[%add3A_342] : memref<98304xi32, #tpu.memory_space<vmem>>[vector<16xi32>], vector<16xi32>,
        %add3A_344 = arith.addi %add3A_321, %gather3A_343 : vector<16xi32>
        %add3A_345 = arith.constant -1 : i32
        %add3A_346 = arith.addi %add3A_290, %add3A_345 : i32
        %get3A_347 = arith.index_cast %add3A_346 : i32 to index
        %get3A_348 = tpu.vector_load %arg6[%get3A_347] {strides = array<i32>} : memref<10320xi32, #tpu.memory_space<vmem>>, vector<16xi32>,
        %shift_left3A_349 = arith.constant 4 : i32
        %shift_left3A_350 = vector.broadcast %shift_left3A_349 : i32 to vector<16xi32>
        %shift_left3A_351 = arith.shli %get3A_348, %shift_left3A_350 : vector<16xi32>
        %add3A_352 = arith.constant -2 : i32
        %add3A_353 = arith.addi %add3A_290, %add3A_352 : i32
        %get3A_354 = arith.index_cast %add3A_353 : i32 to index
        %get3A_355 = tpu.vector_load %arg6[%get3A_354] {strides = array<i32>} : memref<10320xi32, #tpu.memory_space<vmem>>, vector<16xi32>,
        %add3A_356 = arith.addi %shift_left3A_295, %shift_left3A_351 : vector<16xi32>
        %add3A_357 = arith.addi %add3A_356, %get3A_355 : vector<16xi32>
        %add3A_358 = arith.constant 16384 : i32
        %add3A_359 = vector.broadcast %add3A_358 : i32 to vector<16xi32>
        %add3A_360 = arith.addi %add3A_357, %add3A_359 : vector<16xi32>
        %gather3A_361 = tpu.vector_load_idx %arg7[%add3A_360] : memref<98304xi32, #tpu.memory_space<vmem>>[vector<16xi32>], vector<16xi32>,
        %add3A_362 = arith.addi %add3A_339, %gather3A_361 : vector<16xi32>
        %add3A_363 = arith.constant 4096 : i32
        %add3A_364 = vector.broadcast %add3A_363 : i32 to vector<16xi32>
        %add3A_365 = arith.addi %add3A_360, %add3A_364 : vector<16xi32>
        %gather3A_366 = tpu.vector_load_idx %arg7[%add3A_365] : memref<98304xi32, #tpu.memory_space<vmem>>[vector<16xi32>], vector<16xi32>,
        %add3A_367 = arith.addi %add3A_344, %gather3A_366 : vector<16xi32>
        %add3A_368 = arith.constant -516 : i32
        %add3A_369 = arith.addi %add3A_290, %add3A_368 : i32
        %get3A_370 = arith.index_cast %add3A_369 : i32 to index
        %get3A_371 = tpu.vector_load %arg6[%get3A_370] {strides = array<i32>} : memref<10320xi32, #tpu.memory_space<vmem>>, vector<16xi32>,
        %shift_left3A_372 = arith.constant 4 : i32
        %shift_left3A_373 = vector.broadcast %shift_left3A_372 : i32 to vector<16xi32>
        %shift_left3A_374 = arith.shli %get3A_371, %shift_left3A_373 : vector<16xi32>
        %add3A_375 = arith.constant -1032 : i32
        %add3A_376 = arith.addi %add3A_290, %add3A_375 : i32
        %get3A_377 = arith.index_cast %add3A_376 : i32 to index
        %get3A_378 = tpu.vector_load %arg6[%get3A_377] {strides = array<i32>} : memref<10320xi32, #tpu.memory_space<vmem>>, vector<16xi32>,
        %add3A_379 = arith.addi %shift_left3A_295, %shift_left3A_374 : vector<16xi32>
        %add3A_380 = arith.addi %add3A_379, %get3A_378 : vector<16xi32>
        %add3A_381 = arith.constant 24576 : i32
        %add3A_382 = vector.broadcast %add3A_381 : i32 to vector<16xi32>
        %add3A_383 = arith.addi %add3A_380, %add3A_382 : vector<16xi32>
        %gather3A_384 = tpu.vector_load_idx %arg7[%add3A_383] : memref<98304xi32, #tpu.memory_space<vmem>>[vector<16xi32>], vector<16xi32>,
        %add3A_385 = arith.addi %add3A_362, %gather3A_384 : vector<16xi32>
        %add3A_386 = arith.constant 4096 : i32
        %add3A_387 = vector.broadcast %add3A_386 : i32 to vector<16xi32>
        %add3A_388 = arith.addi %add3A_383, %add3A_387 : vector<16xi32>
        %gather3A_389 = tpu.vector_load_idx %arg7[%add3A_388] : memref<98304xi32, #tpu.memory_space<vmem>>[vector<16xi32>], vector<16xi32>,
        %add3A_390 = arith.addi %add3A_367, %gather3A_389 : vector<16xi32>
        %add3A_391 = arith.constant 517 : i32
        %add3A_392 = arith.addi %add3A_290, %add3A_391 : i32
        %get3A_393 = arith.index_cast %add3A_392 : i32 to index
        %get3A_394 = tpu.vector_load %arg6[%get3A_393] {strides = array<i32>} : memref<10320xi32, #tpu.memory_space<vmem>>, vector<16xi32>,
        %shift_left3A_395 = arith.constant 4 : i32
        %shift_left3A_396 = vector.broadcast %shift_left3A_395 : i32 to vector<16xi32>
        %shift_left3A_397 = arith.shli %get3A_394, %shift_left3A_396 : vector<16xi32>
        %add3A_398 = arith.constant 1034 : i32
        %add3A_399 = arith.addi %add3A_290, %add3A_398 : i32
        %get3A_400 = arith.index_cast %add3A_399 : i32 to index
        %get3A_401 = tpu.vector_load %arg6[%get3A_400] {strides = array<i32>} : memref<10320xi32, #tpu.memory_space<vmem>>, vector<16xi32>,
        %add3A_402 = arith.addi %shift_left3A_295, %shift_left3A_397 : vector<16xi32>
        %add3A_403 = arith.addi %add3A_402, %get3A_401 : vector<16xi32>
        %add3A_404 = arith.constant 32768 : i32
        %add3A_405 = vector.broadcast %add3A_404 : i32 to vector<16xi32>
        %add3A_406 = arith.addi %add3A_403, %add3A_405 : vector<16xi32>
        %gather3A_407 = tpu.vector_load_idx %arg7[%add3A_406] : memref<98304xi32, #tpu.memory_space<vmem>>[vector<16xi32>], vector<16xi32>,
        %add3A_408 = arith.addi %add3A_385, %gather3A_407 : vector<16xi32>
        %add3A_409 = arith.constant 4096 : i32
        %add3A_410 = vector.broadcast %add3A_409 : i32 to vector<16xi32>
        %add3A_411 = arith.addi %add3A_406, %add3A_410 : vector<16xi32>
        %gather3A_412 = tpu.vector_load_idx %arg7[%add3A_411] : memref<98304xi32, #tpu.memory_space<vmem>>[vector<16xi32>], vector<16xi32>,
        %add3A_413 = arith.addi %add3A_390, %gather3A_412 : vector<16xi32>
        %add3A_414 = arith.constant 515 : i32
        %add3A_415 = arith.addi %add3A_290, %add3A_414 : i32
        %get3A_416 = arith.index_cast %add3A_415 : i32 to index
        %get3A_417 = tpu.vector_load %arg6[%get3A_416] {strides = array<i32>} : memref<10320xi32, #tpu.memory_space<vmem>>, vector<16xi32>,
        %shift_left3A_418 = arith.constant 4 : i32
        %shift_left3A_419 = vector.broadcast %shift_left3A_418 : i32 to vector<16xi32>
        %shift_left3A_420 = arith.shli %get3A_417, %shift_left3A_419 : vector<16xi32>
        %add3A_421 = arith.constant 1030 : i32
        %add3A_422 = arith.addi %add3A_290, %add3A_421 : i32
        %get3A_423 = arith.index_cast %add3A_422 : i32 to index
        %get3A_424 = tpu.vector_load %arg6[%get3A_423] {strides = array<i32>} : memref<10320xi32, #tpu.memory_space<vmem>>, vector<16xi32>,
        %add3A_425 = arith.addi %shift_left3A_295, %shift_left3A_420 : vector<16xi32>
        %add3A_426 = arith.addi %add3A_425, %get3A_424 : vector<16xi32>
        %add3A_427 = arith.constant 40960 : i32
        %add3A_428 = vector.broadcast %add3A_427 : i32 to vector<16xi32>
        %add3A_429 = arith.addi %add3A_426, %add3A_428 : vector<16xi32>
        %gather3A_430 = tpu.vector_load_idx %arg7[%add3A_429] : memref<98304xi32, #tpu.memory_space<vmem>>[vector<16xi32>], vector<16xi32>,
        %add3A_431 = arith.addi %add3A_408, %gather3A_430 : vector<16xi32>
        %add3A_432 = arith.constant 4096 : i32
        %add3A_433 = vector.broadcast %add3A_432 : i32 to vector<16xi32>
        %add3A_434 = arith.addi %add3A_429, %add3A_433 : vector<16xi32>
        %gather3A_435 = tpu.vector_load_idx %arg7[%add3A_434] : memref<98304xi32, #tpu.memory_space<vmem>>[vector<16xi32>], vector<16xi32>,
        %add3A_436 = arith.addi %add3A_413, %gather3A_435 : vector<16xi32>
        %add3A_437 = arith.constant -517 : i32
        %add3A_438 = arith.addi %add3A_290, %add3A_437 : i32
        %get3A_439 = arith.index_cast %add3A_438 : i32 to index
        %get3A_440 = tpu.vector_load %arg6[%get3A_439] {strides = array<i32>} : memref<10320xi32, #tpu.memory_space<vmem>>, vector<16xi32>,
        %shift_left3A_441 = arith.constant 4 : i32
        %shift_left3A_442 = vector.broadcast %shift_left3A_441 : i32 to vector<16xi32>
        %shift_left3A_443 = arith.shli %get3A_440, %shift_left3A_442 : vector<16xi32>
        %add3A_444 = arith.constant -1034 : i32
        %add3A_445 = arith.addi %add3A_290, %add3A_444 : i32
        %get3A_446 = arith.index_cast %add3A_445 : i32 to index
        %get3A_447 = tpu.vector_load %arg6[%get3A_446] {strides = array<i32>} : memref<10320xi32, #tpu.memory_space<vmem>>, vector<16xi32>,
        %add3A_448 = arith.addi %shift_left3A_295, %shift_left3A_443 : vector<16xi32>
        %add3A_449 = arith.addi %add3A_448, %get3A_447 : vector<16xi32>
        %add3A_450 = arith.constant 49152 : i32
        %add3A_451 = vector.broadcast %add3A_450 : i32 to vector<16xi32>
        %add3A_452 = arith.addi %add3A_449, %add3A_451 : vector<16xi32>
        %gather3A_453 = tpu.vector_load_idx %arg7[%add3A_452] : memref<98304xi32, #tpu.memory_space<vmem>>[vector<16xi32>], vector<16xi32>,
        %add3A_454 = arith.addi %add3A_431, %gather3A_453 : vector<16xi32>
        %add3A_455 = arith.constant 4096 : i32
        %add3A_456 = vector.broadcast %add3A_455 : i32 to vector<16xi32>
        %add3A_457 = arith.addi %add3A_452, %add3A_456 : vector<16xi32>
        %gather3A_458 = tpu.vector_load_idx %arg7[%add3A_457] : memref<98304xi32, #tpu.memory_space<vmem>>[vector<16xi32>], vector<16xi32>,
        %add3A_459 = arith.addi %add3A_436, %gather3A_458 : vector<16xi32>
        %add3A_460 = arith.constant -515 : i32
        %add3A_461 = arith.addi %add3A_290, %add3A_460 : i32
        %get3A_462 = arith.index_cast %add3A_461 : i32 to index
        %get3A_463 = tpu.vector_load %arg6[%get3A_462] {strides = array<i32>} : memref<10320xi32, #tpu.memory_space<vmem>>, vector<16xi32>,
        %shift_left3A_464 = arith.constant 4 : i32
        %shift_left3A_465 = vector.broadcast %shift_left3A_464 : i32 to vector<16xi32>
        %shift_left3A_466 = arith.shli %get3A_463, %shift_left3A_465 : vector<16xi32>
        %add3A_467 = arith.constant -1030 : i32
        %add3A_468 = arith.addi %add3A_290, %add3A_467 : i32
        %get3A_469 = arith.index_cast %add3A_468 : i32 to index
        %get3A_470 = tpu.vector_load %arg6[%get3A_469] {strides = array<i32>} : memref<10320xi32, #tpu.memory_space<vmem>>, vector<16xi32>,
        %add3A_471 = arith.addi %shift_left3A_295, %shift_left3A_466 : vector<16xi32>
        %add3A_472 = arith.addi %add3A_471, %get3A_470 : vector<16xi32>
        %add3A_473 = arith.constant 57344 : i32
        %add3A_474 = vector.broadcast %add3A_473 : i32 to vector<16xi32>
        %add3A_475 = arith.addi %add3A_472, %add3A_474 : vector<16xi32>
        %gather3A_476 = tpu.vector_load_idx %arg7[%add3A_475] : memref<98304xi32, #tpu.memory_space<vmem>>[vector<16xi32>], vector<16xi32>,
        %add3A_477 = arith.addi %add3A_454, %gather3A_476 : vector<16xi32>
        %add3A_478 = arith.constant 4096 : i32
        %add3A_479 = vector.broadcast %add3A_478 : i32 to vector<16xi32>
        %add3A_480 = arith.addi %add3A_475, %add3A_479 : vector<16xi32>
        %gather3A_481 = tpu.vector_load_idx %arg7[%add3A_480] : memref<98304xi32, #tpu.memory_space<vmem>>[vector<16xi32>], vector<16xi32>,
        %add3A_482 = arith.addi %add3A_459, %gather3A_481 : vector<16xi32>
        %add3A_483 = arith.constant 518 : i32
        %add3A_484 = arith.addi %add3A_290, %add3A_483 : i32
        %get3A_485 = arith.index_cast %add3A_484 : i32 to index
        %get3A_486 = tpu.vector_load %arg6[%get3A_485] {strides = array<i32>} : memref<10320xi32, #tpu.memory_space<vmem>>, vector<16xi32>,
        %shift_left3A_487 = arith.constant 4 : i32
        %shift_left3A_488 = vector.broadcast %shift_left3A_487 : i32 to vector<16xi32>
        %shift_left3A_489 = arith.shli %get3A_486, %shift_left3A_488 : vector<16xi32>
        %add3A_490 = arith.constant 1033 : i32
        %add3A_491 = arith.addi %add3A_290, %add3A_490 : i32
        %get3A_492 = arith.index_cast %add3A_491 : i32 to index
        %get3A_493 = tpu.vector_load %arg6[%get3A_492] {strides = array<i32>} : memref<10320xi32, #tpu.memory_space<vmem>>, vector<16xi32>,
        %add3A_494 = arith.addi %shift_left3A_295, %shift_left3A_489 : vector<16xi32>
        %add3A_495 = arith.addi %add3A_494, %get3A_493 : vector<16xi32>
        %add3A_496 = arith.constant 65536 : i32
        %add3A_497 = vector.broadcast %add3A_496 : i32 to vector<16xi32>
        %add3A_498 = arith.addi %add3A_495, %add3A_497 : vector<16xi32>
        %gather3A_499 = tpu.vector_load_idx %arg7[%add3A_498] : memref<98304xi32, #tpu.memory_space<vmem>>[vector<16xi32>], vector<16xi32>,
        %add3A_500 = arith.addi %add3A_477, %gather3A_499 : vector<16xi32>
        %add3A_501 = arith.constant 4096 : i32
        %add3A_502 = vector.broadcast %add3A_501 : i32 to vector<16xi32>
        %add3A_503 = arith.addi %add3A_498, %add3A_502 : vector<16xi32>
        %gather3A_504 = tpu.vector_load_idx %arg7[%add3A_503] : memref<98304xi32, #tpu.memory_space<vmem>>[vector<16xi32>], vector<16xi32>,
        %add3A_505 = arith.addi %add3A_482, %gather3A_504 : vector<16xi32>
        %add3A_506 = arith.constant 1031 : i32
        %add3A_507 = arith.addi %add3A_290, %add3A_506 : i32
        %get3A_508 = arith.index_cast %add3A_507 : i32 to index
        %get3A_509 = tpu.vector_load %arg6[%get3A_508] {strides = array<i32>} : memref<10320xi32, #tpu.memory_space<vmem>>, vector<16xi32>,
        %shift_left3A_510 = arith.constant 4 : i32
        %shift_left3A_511 = vector.broadcast %shift_left3A_510 : i32 to vector<16xi32>
        %shift_left3A_512 = arith.shli %get3A_509, %shift_left3A_511 : vector<16xi32>
        %add3A_513 = arith.constant 514 : i32
        %add3A_514 = arith.addi %add3A_290, %add3A_513 : i32
        %get3A_515 = arith.index_cast %add3A_514 : i32 to index
        %get3A_516 = tpu.vector_load %arg6[%get3A_515] {strides = array<i32>} : memref<10320xi32, #tpu.memory_space<vmem>>, vector<16xi32>,
        %add3A_517 = arith.addi %shift_left3A_295, %shift_left3A_512 : vector<16xi32>
        %add3A_518 = arith.addi %add3A_517, %get3A_516 : vector<16xi32>
        %add3A_519 = arith.constant 73728 : i32
        %add3A_520 = vector.broadcast %add3A_519 : i32 to vector<16xi32>
        %add3A_521 = arith.addi %add3A_518, %add3A_520 : vector<16xi32>
        %gather3A_522 = tpu.vector_load_idx %arg7[%add3A_521] : memref<98304xi32, #tpu.memory_space<vmem>>[vector<16xi32>], vector<16xi32>,
        %add3A_523 = arith.addi %add3A_500, %gather3A_522 : vector<16xi32>
        %add3A_524 = arith.constant 4096 : i32
        %add3A_525 = vector.broadcast %add3A_524 : i32 to vector<16xi32>
        %add3A_526 = arith.addi %add3A_521, %add3A_525 : vector<16xi32>
        %gather3A_527 = tpu.vector_load_idx %arg7[%add3A_526] : memref<98304xi32, #tpu.memory_space<vmem>>[vector<16xi32>], vector<16xi32>,
        %add3A_528 = arith.addi %add3A_505, %gather3A_527 : vector<16xi32>
        %add3A_529 = arith.constant -518 : i32
        %add3A_530 = arith.addi %add3A_290, %add3A_529 : i32
        %get3A_531 = arith.index_cast %add3A_530 : i32 to index
        %get3A_532 = tpu.vector_load %arg6[%get3A_531] {strides = array<i32>} : memref<10320xi32, #tpu.memory_space<vmem>>, vector<16xi32>,
        %shift_left3A_533 = arith.constant 4 : i32
        %shift_left3A_534 = vector.broadcast %shift_left3A_533 : i32 to vector<16xi32>
        %shift_left3A_535 = arith.shli %get3A_532, %shift_left3A_534 : vector<16xi32>
        %add3A_536 = arith.constant -1033 : i32
        %add3A_537 = arith.addi %add3A_290, %add3A_536 : i32
        %get3A_538 = arith.index_cast %add3A_537 : i32 to index
        %get3A_539 = tpu.vector_load %arg6[%get3A_538] {strides = array<i32>} : memref<10320xi32, #tpu.memory_space<vmem>>, vector<16xi32>,
        %add3A_540 = arith.addi %shift_left3A_295, %shift_left3A_535 : vector<16xi32>
        %add3A_541 = arith.addi %add3A_540, %get3A_539 : vector<16xi32>
        %add3A_542 = arith.constant 81920 : i32
        %add3A_543 = vector.broadcast %add3A_542 : i32 to vector<16xi32>
        %add3A_544 = arith.addi %add3A_541, %add3A_543 : vector<16xi32>
        %gather3A_545 = tpu.vector_load_idx %arg7[%add3A_544] : memref<98304xi32, #tpu.memory_space<vmem>>[vector<16xi32>], vector<16xi32>,
        %add3A_546 = arith.addi %add3A_523, %gather3A_545 : vector<16xi32>
        %add3A_547 = arith.constant 4096 : i32
        %add3A_548 = vector.broadcast %add3A_547 : i32 to vector<16xi32>
        %add3A_549 = arith.addi %add3A_544, %add3A_548 : vector<16xi32>
        %gather3A_550 = tpu.vector_load_idx %arg7[%add3A_549] : memref<98304xi32, #tpu.memory_space<vmem>>[vector<16xi32>], vector<16xi32>,
        %add3A_551 = arith.addi %add3A_528, %gather3A_550 : vector<16xi32>
        %add3A_552 = arith.constant -1031 : i32
        %add3A_553 = arith.addi %add3A_290, %add3A_552 : i32
        %get3A_554 = arith.index_cast %add3A_553 : i32 to index
        %get3A_555 = tpu.vector_load %arg6[%get3A_554] {strides = array<i32>} : memref<10320xi32, #tpu.memory_space<vmem>>, vector<16xi32>,
        %shift_left3A_556 = arith.constant 4 : i32
        %shift_left3A_557 = vector.broadcast %shift_left3A_556 : i32 to vector<16xi32>
        %shift_left3A_558 = arith.shli %get3A_555, %shift_left3A_557 : vector<16xi32>
        %add3A_559 = arith.constant -514 : i32
        %add3A_560 = arith.addi %add3A_290, %add3A_559 : i32
        %get3A_561 = arith.index_cast %add3A_560 : i32 to index
        %get3A_562 = tpu.vector_load %arg6[%get3A_561] {strides = array<i32>} : memref<10320xi32, #tpu.memory_space<vmem>>, vector<16xi32>,
        %add3A_563 = arith.addi %shift_left3A_295, %shift_left3A_558 : vector<16xi32>
        %add3A_564 = arith.addi %add3A_563, %get3A_562 : vector<16xi32>
        %add3A_565 = arith.constant 90112 : i32
        %add3A_566 = vector.broadcast %add3A_565 : i32 to vector<16xi32>
        %add3A_567 = arith.addi %add3A_564, %add3A_566 : vector<16xi32>
        %gather3A_568 = tpu.vector_load_idx %arg7[%add3A_567] : memref<98304xi32, #tpu.memory_space<vmem>>[vector<16xi32>], vector<16xi32>,
        %add3A_569 = arith.addi %add3A_546, %gather3A_568 : vector<16xi32>
        %add3A_570 = arith.constant 4096 : i32
        %add3A_571 = vector.broadcast %add3A_570 : i32 to vector<16xi32>
        %add3A_572 = arith.addi %add3A_567, %add3A_571 : vector<16xi32>
        %gather3A_573 = tpu.vector_load_idx %arg7[%add3A_572] : memref<98304xi32, #tpu.memory_space<vmem>>[vector<16xi32>], vector<16xi32>,
        %add3A_574 = arith.addi %add3A_551, %gather3A_573 : vector<16xi32>
        %broadcast_in_dim3A_575 = arith.constant 0 : i32
        %broadcast_in_dim3A_576 = vector.broadcast %broadcast_in_dim3A_575 : i32 to vector<16xi32>
        %mul3A_577 = arith.constant 2 : i32
        %mul3A_578 = arith.muli %mul3A_577, %scan3A_273 : i32
        %add3A_579 = vector.broadcast %mul3A_578 : i32 to vector<16xi32>
        %add3A_580 = arith.addi %broadcast_in_dim3A_576, %add3A_579 : vector<16xi32>
        %mul3A_581 = arith.constant 2 : i32
        %mul3A_582 = arith.muli %mul3A_581, %mul3A_283 : i32
        %add3A_583 = vector.broadcast %mul3A_582 : i32 to vector<16xi32>
        %add3A_584 = arith.addi %add3A_583, %mul3A_114 : vector<16xi32>
        %and3A = arith.constant 65535 : i32
        %and3A_585 = vector.broadcast %and3A : i32 to vector<16xi32>
        %and3A_586 = arith.andi %add3A_569, %and3A_585 : vector<16xi32>
        %convert_element_type3A = arith.sitofp %and3A_586 : vector<16xi32> to vector<16xf32>
        %sub3A_587 = vector.broadcast %scan3A_250 : f32 to vector<16xf32>
        %sub3A_588 = arith.subf %convert_element_type3A, %sub3A_587 : vector<16xf32>
        %mul3A_589 = vector.broadcast %scan3A_251 : f32 to vector<16xf32>
        %mul3A_590 = arith.mulf %sub3A_588, %mul3A_589 : vector<16xf32>
        tpu.vector_store_idx %arg9[%add3A_580, %add3A_584], %mul3A_590 : memref<4x1024xf32, #tpu.memory_space<vmem>>[vector<16xi32>, vector<16xi32>], vector<16xf32>,
        %add3A_591 = arith.constant 1 : i32
        %add3A_592 = vector.broadcast %add3A_591 : i32 to vector<16xi32>
        %add3A_593 = arith.addi %add3A_584, %add3A_592 : vector<16xi32>
        %shift_right_logical3A = arith.constant 16 : i32
        %shift_right_logical3A_594 = vector.broadcast %shift_right_logical3A : i32 to vector<16xi32>
        %shift_right_logical3A_595 = arith.shrui %add3A_569, %shift_right_logical3A_594 : vector<16xi32>
        %convert_element_type3A_596 = arith.sitofp %shift_right_logical3A_595 : vector<16xi32> to vector<16xf32>
        %sub3A_597 = vector.broadcast %scan3A_250 : f32 to vector<16xf32>
        %sub3A_598 = arith.subf %convert_element_type3A_596, %sub3A_597 : vector<16xf32>
        %mul3A_599 = vector.broadcast %scan3A_251 : f32 to vector<16xf32>
        %mul3A_600 = arith.mulf %sub3A_598, %mul3A_599 : vector<16xf32>
        tpu.vector_store_idx %arg9[%add3A_580, %add3A_593], %mul3A_600 : memref<4x1024xf32, #tpu.memory_space<vmem>>[vector<16xi32>, vector<16xi32>], vector<16xf32>,
        %add3A_601 = arith.constant 1 : i32
        %add3A_602 = vector.broadcast %add3A_601 : i32 to vector<16xi32>
        %add3A_603 = arith.addi %add3A_580, %add3A_602 : vector<16xi32>
        %and3A_604 = arith.constant 65535 : i32
        %and3A_605 = vector.broadcast %and3A_604 : i32 to vector<16xi32>
        %and3A_606 = arith.andi %add3A_574, %and3A_605 : vector<16xi32>
        %convert_element_type3A_607 = arith.sitofp %and3A_606 : vector<16xi32> to vector<16xf32>
        %sub3A_608 = vector.broadcast %scan3A_250 : f32 to vector<16xf32>
        %sub3A_609 = arith.subf %convert_element_type3A_607, %sub3A_608 : vector<16xf32>
        %mul3A_610 = vector.broadcast %scan3A_251 : f32 to vector<16xf32>
        %mul3A_611 = arith.mulf %sub3A_609, %mul3A_610 : vector<16xf32>
        tpu.vector_store_idx %arg9[%add3A_603, %add3A_584], %mul3A_611 : memref<4x1024xf32, #tpu.memory_space<vmem>>[vector<16xi32>, vector<16xi32>], vector<16xf32>,
        %add3A_612 = arith.constant 1 : i32
        %add3A_613 = vector.broadcast %add3A_612 : i32 to vector<16xi32>
        %add3A_614 = arith.addi %add3A_580, %add3A_613 : vector<16xi32>
        %add3A_615 = arith.constant 1 : i32
        %add3A_616 = vector.broadcast %add3A_615 : i32 to vector<16xi32>
        %add3A_617 = arith.addi %add3A_584, %add3A_616 : vector<16xi32>
        %shift_right_logical3A_618 = arith.constant 16 : i32
        %shift_right_logical3A_619 = vector.broadcast %shift_right_logical3A_618 : i32 to vector<16xi32>
        %shift_right_logical3A_620 = arith.shrui %add3A_574, %shift_right_logical3A_619 : vector<16xi32>
        %convert_element_type3A_621 = arith.sitofp %shift_right_logical3A_620 : vector<16xi32> to vector<16xf32>
        %sub3A_622 = vector.broadcast %scan3A_250 : f32 to vector<16xf32>
        %sub3A_623 = arith.subf %convert_element_type3A_621, %sub3A_622 : vector<16xf32>
        %mul3A_624 = vector.broadcast %scan3A_251 : f32 to vector<16xf32>
        %mul3A_625 = arith.mulf %sub3A_623, %mul3A_624 : vector<16xf32>
        tpu.vector_store_idx %arg9[%add3A_614, %add3A_617], %mul3A_625 : memref<4x1024xf32, #tpu.memory_space<vmem>>[vector<16xi32>, vector<16xi32>], vector<16xf32>,
      }
      %scan3A_280 = arith.constant 32 : i32
    }
    %scan3A_256 = arith.constant 2 : i32
    %mul3A_257 = arith.constant 32 : i32
    %mul3A_258 = arith.muli %add3A, %mul3A_257 : i32
    %add3A_259 = arith.constant 28 : i32
    %add3A_260 = arith.addi %mul3A_258, %add3A_259 : i32
    %dma_start3A_261 = arith.constant 0 : i32
    %dma_start3A_262 = tpu.memref_slice %arg4[%add3A_260, %dma_start3A_261] : memref<1024x1024xf32, #tpu.memory_space<hbm>> -> memref<4x1024xf32, #tpu.memory_space<hbm>>
    %dma_start3A_263 = arith.constant 0 : i32
    %dma_start3A_264 = tpu.memref_slice %arg4[%add3A_260, %dma_start3A_263] : memref<1024x1024xf32, #tpu.memory_space<hbm>> -> memref<4x1024xf32, #tpu.memory_space<hbm>>
    tpu.enqueue_dma source(%arg9 : memref<4x1024xf32, #tpu.memory_space<vmem>>) target(%dma_start3A_264 : memref<4x1024xf32, #tpu.memory_space<hbm>>) target_semaphore(%arg12 : memref<!tpu.dma_semaphore, #tpu.memory_space<semaphore_mem>>)
    %dma_wait3A_265 = arith.constant 0 : i32
    %dma_wait3A_266 = tpu.memref_slice %arg4[%add3A_240, %dma_wait3A_265] : memref<1024x1024xf32, #tpu.memory_space<hbm>> -> memref<4x1024xf32, #tpu.memory_space<hbm>>
    %dma_wait3A_267 = arith.constant 0 : i32
    %dma_wait3A_268 = tpu.memref_slice %arg4[%add3A_240, %dma_wait3A_267] : memref<1024x1024xf32, #tpu.memory_space<hbm>> -> memref<4x1024xf32, #tpu.memory_space<hbm>>
    tpu.wait_dma2 semaphore(%arg11 : memref<!tpu.dma_semaphore, #tpu.memory_space<semaphore_mem>>) src(%arg8 : memref<4x1024xf32, #tpu.memory_space<vmem>>) dst(%dma_wait3A_268 : memref<4x1024xf32, #tpu.memory_space<hbm>>)
    %dma_wait3A_269 = arith.constant 0 : i32
    %dma_wait3A_270 = tpu.memref_slice %arg4[%add3A_260, %dma_wait3A_269] : memref<1024x1024xf32, #tpu.memory_space<hbm>> -> memref<4x1024xf32, #tpu.memory_space<hbm>>
    %dma_wait3A_271 = arith.constant 0 : i32
    %dma_wait3A_272 = tpu.memref_slice %arg4[%add3A_260, %dma_wait3A_271] : memref<1024x1024xf32, #tpu.memory_space<hbm>> -> memref<4x1024xf32, #tpu.memory_space<hbm>>
    tpu.wait_dma2 semaphore(%arg12 : memref<!tpu.dma_semaphore, #tpu.memory_space<semaphore_mem>>) src(%arg9 : memref<4x1024xf32, #tpu.memory_space<vmem>>) dst(%dma_wait3A_272 : memref<4x1024xf32, #tpu.memory_space<hbm>>)
    return
  }
}

</mosaic_0001>

<sc_bundles>
// kernel: kernel.3.cloned.1.call-start
scs
__scs_entry_jumppad:
0x0: {  	(pc) =	sbr.rel $0x88, $3  }
0x1: {  	(tag) =	ssettag $0x0;
	lr =	simm.s32 $0x1  }
0x2: {  	[smem:$0x3F9F] =	sst lr;
	_ =	strace $0xD0000000  }
0x3: {  	_ = 	snop  }
0x4: {  	_ = 	snop  }
0x5: {  	_ = 	snop  }
0x6: {  	_ = 	snop  }
0x7: {  	_ = 	snop  }
__scs_overlays_trampoline_lowered:
0x8: {  	[smem:$0x3FAE] =	sst s0  }
0x9: {  	[smem:$0x3FAF] =	sst s1  }
0xa: {  	[smem:$0x3FB0] =	sst s2  }
0xb: {  	[smem:$0x3FB1] =	sst s3  }
0xc: {  	[smem:$0x3FB2] =	sst s4  }
0xd: {  	[smem:$0x3FB3] =	sst s5  }
0xe: {  	[smem:$0x3FB4] =	sst s6  }
0xf: {  	[smem:$0x3FB5] =	sst s7  }
0x10: {  	[smem:$0x3FB6] =	sst s8  }
0x11: {  	[smem:$0x3FB7] =	sst s9;
	s0 =	simm.s32 @!p0 $0x0  }
0x12: {  	s1 =	sld [smem:$0x3F9D];
	s0 =	simm.s32 @p0 $0x1  }
0x13: {  	[smem:$0x3FB8] =	sst s0;
	s0 =	simm.s32 @!p1 $0x0  }
0x14: {  	s2 =	sld [smem:$0x3F9C];
	s0 =	simm.s32 @p1 $0x1  }
0x15: {  	[smem:$0x3FB9] =	sst s0;
	s0 =	simm.s32 @!p2 $0x0  }
0x16: {  	s3 =	sld [smem:$0x3FDB];
	s0 =	simm.s32 @p2 $0x1  }
0x17: {  	s4 =	simm.s32 $0x1BF5;
	[smem:$0x3FBB] =	sst s0  }
0x18: {  	s0 =	sld [smem:$0x3F9E];
	_ =	swait.ge [sflag:s4], $0x0  }
0x19: {  	s7 =	sld [smem:$0x3F9F]  }
0x1a: {  	s8 =	sadd.s32 $0xFFFFE003, lr  }
0x1b: {  	s9 =	sadd.s32 $0xFFFFFEF7, lr;
	s5 =	simm.s32 $0xFFFFFFFF;
	p2 =	slt.u32 s8, $0xFFFFF086  }
0x1c: {  	p1 =	slt.u32 s9, $0xF7A;
	s5 =	simm.s32 @!p2 $0x0  }
0x1d: {  	s5 =	simm.s32 @p1 $0x1;
	p0 =	seq.s32 s7, s2  }
0x1e: {  	s7 =	smul.u32 @!p0 $0xF7A, s2;
	p2 =	seq.s32 @!p0 s5, $0x0  }
0x1f: {  	s9 =	smul.u32 $0xF7A, s1;
	s8 =	simm.s32 @!p0 $0x1BF5;
	p2 =	por !p2, p0  }
0x20: {  	[sflag:s8] =	ssyncset.s32 @!p0 $0xFFFFF086;
	s6 =	sadd.s32 @!p0 s3, s7;
	s7 =	simm.s32 @!p0 $0x108  }
0x21: {  	s3 =	sadd.s32 s3, s9;
	s6 =	sadd.s32 @!p0 $0x88, s6;
	s7 =	simm.s32 @p2 $0x1082  }
0x22: {  	[simem:s7], [sflag:s8] =	dma.local @!p0 [hbm:s6], $0xF7A  }
0x23: {  	s9 =	sor.u32 $0xD0000000, s2;
	s6 =	simm.s32 $0x108;
	_ =	swait.ge @!p0 [sflag:s8], $0x0  }
0x24: {  	s3 =	sadd.s32 $0x88, s3;
	s6 =	simm.s32 @!p1 $0x1082;
	[sflag:s4] =	ssyncset.s32 $0xFFFFF086  }
0x25: {  	[simem:s6], [sflag:s4] =	dma.local [hbm:s3], $0xF7A  }
0x26: {  	[smem:$0x3F9F] =	sst s1;
	(tag) =	ssettag s2;
	_ =	strace s9  }
0x27: {  	s1 =	sld [smem:$0x3FAF]  }
0x28: {  	s2 =	sld [smem:$0x3FB0]  }
0x29: {  	s4 =	sld [smem:$0x3FB2]  }
0x2a: {  	p0 =	seq.s32 s5, $0x0;
	s5 =	sld [smem:$0x3FB3]  }
0x2b: {  	s6 =	sld [smem:$0x3FB4]  }
0x2c: {  	s7 =	sld [smem:$0x3FB5]  }
0x2d: {  	s3 =	simm.s32 $0x108;
	s8 =	sld [smem:$0x3FB6]  }
0x2e: {  	s3 =	simm.s32 @!p0 $0x1082;
	s9 =	sld [smem:$0x3FB7]  }
0x2f: {  	lr =	sadd.s32 s0, s3;
	s0 =	sld [smem:$0x3FAE]  }
0x30: {  	s3 =	sld [smem:$0x3FB1]  }
0x31: {  	[smem:$0x3FBA] =	sst s10  }
0x32: {  	s10 =	sld [smem:$0x3FB8];
	_ =	sdelay $0x3  }
0x33: {  	p0 =	seq.s32 s10, $0x1;
	s10 =	sld [smem:$0x3FBA];
	_ =	sdelay $0x3  }
0x34: {  	[smem:$0x3FBA] =	sst s10  }
0x35: {  	s10 =	sld [smem:$0x3FB9];
	_ =	sdelay $0x3  }
0x36: {  	p1 =	seq.s32 s10, $0x1;
	s10 =	sld [smem:$0x3FBA];
	_ =	sdelay $0x3  }
0x37: {  	[smem:$0x3FBA] =	sst s10  }
0x38: {  	s10 =	sld [smem:$0x3FBB]  }
0x39: {  	_ = 	snop;
	(pc) =	sbr.ind lr, $3  }
0x3a: {  	_ = 	snop  }
0x3b: {  	_ = 	snop  }
0x3c: {  	p2 =	seq.s32 s10, $0x1;
	s10 =	sld [smem:$0x3FBA]  }
0x3d: {  	_ =	shalt  }
0x3e: {  	_ =	shalt  }
0x3f: {  	_ =	shalt  }
0x40: {  	_ =	shalt  }
0x41: {  	_ =	shalt  }
0x42: {  	_ =	shalt  }
0x43: {  	_ =	shalt  }
0x44: {  	_ =	shalt  }
0x45: {  	_ =	shalt  }
0x46: {  	_ =	shalt  }
0x47: {  	_ =	shalt  }
0x48: {  	_ =	shalt  }
0x49: {  	_ =	shalt  }
0x4a: {  	_ =	shalt  }
0x4b: {  	_ =	shalt  }
0x4c: {  	_ =	shalt  }
0x4d: {  	_ =	shalt  }
0x4e: {  	_ =	shalt  }
0x4f: {  	_ =	shalt  }
0x50: {  	_ =	shalt  }
0x51: {  	_ =	shalt  }
0x52: {  	_ =	shalt  }
0x53: {  	_ =	shalt  }
0x54: {  	_ =	shalt  }
0x55: {  	_ =	shalt  }
0x56: {  	_ =	shalt  }
0x57: {  	_ =	shalt  }
0x58: {  	_ =	shalt  }
0x59: {  	_ =	shalt  }
0x5a: {  	_ =	shalt  }
0x5b: {  	_ =	shalt  }
0x5c: {  	_ =	shalt  }
0x5d: {  	_ =	shalt  }
0x5e: {  	_ =	shalt  }
0x5f: {  	_ =	shalt  }
0x60: {  	_ =	shalt  }
0x61: {  	_ =	shalt  }
0x62: {  	_ =	shalt  }
0x63: {  	_ =	shalt  }
0x64: {  	_ =	shalt  }
0x65: {  	_ =	shalt  }
0x66: {  	_ =	shalt  }
0x67: {  	_ =	shalt  }
0x68: {  	_ =	shalt  }
0x69: {  	_ =	shalt  }
0x6a: {  	_ =	shalt  }
0x6b: {  	_ =	shalt  }
0x6c: {  	_ =	shalt  }
0x6d: {  	_ =	shalt  }
0x6e: {  	_ =	shalt  }
0x6f: {  	_ =	shalt  }
0x70: {  	_ =	shalt  }
0x71: {  	_ =	shalt  }
0x72: {  	_ =	shalt  }
0x73: {  	_ =	shalt  }
0x74: {  	_ =	shalt  }
0x75: {  	_ =	shalt  }
0x76: {  	_ =	shalt  }
0x77: {  	_ =	shalt  }
0x78: {  	_ =	shalt  }
0x79: {  	_ =	shalt  }
0x7a: {  	_ =	shalt  }
0x7b: {  	_ =	shalt  }
0x7c: {  	_ =	shalt  }
0x7d: {  	_ =	shalt  }
0x7e: {  	_ =	shalt  }
0x7f: {  	_ =	shalt  }
0x80: {  	_ =	shalt  }
0x81: {  	_ =	shalt  }
0x82: {  	_ =	shalt  }
0x83: {  	_ =	shalt  }
0x84: {  	_ =	shalt  }
0x85: {  	_ =	shalt  }
0x86: {  	_ =	shalt  }
0x87: {  	_ =	shalt  }
.Lfunc_end0:
.L_simem_size_0:
called_computation_lowered:
.L_overlay_start_0:
0x88: {  	s2 =	sld [smem:$0x3FD9]  }
0x89: {  	s3 =	sld [smem:$0x3FFE];
	_ =	sdelay $0x1  }
0x8a: {  	s1 =	srdreg.scid  }
0x8b: {  	s0 =	sand.u32 $0x1, s1  }
0x8c: {  	s17 =	sshll.u32 s0, $0xA;
	s2 =	sadd.s32 s3, s2  }
0x8d: {  	s2 =	sadd.s32 s2, s17  }
0x8e: {  	[smem:$0x3FC6] =	sst s2  }
0x8f: {  	_ = 	snop  }
0x90: {  	s2 =	sld [smem:$0x3FD0];
	(tm) =	ssettm $0x1  }
0x91: {  	s18 =	sld [smem:$0x3FFB];
	_ =	sdelay $0x3  }
0x92: {  	_ =	strace s18  }
0x93: {  	s3 =	sld [smem:$0x3FFC];
	_ =	sdelay $0x3  }
0x94: {  	_ =	strace s3  }
0x95: {  	s3 =	sld [smem:$0x3FFD];
	_ =	sdelay $0x3  }
0x96: {  	_ =	strace s3  }
0x97: {  	_ =	strace $0x8FFFFFFF  }
0x98: {  	s19 =	sld [smem:$0x3FDB];
	_ =	sdelay $0x1  }
0x99: {  	s4 =	simm.s32 $_scs_section_size  }
0x9a: {  	s5 =	simm.s32 $_size__tile_overlayer_lowered;
	s6 =	simm.s32 $_tile_overlayer_lowered  }
0x9b: {  	s22 =	simm.s32 $0x1BFF;
	s21 =	sshll.u32 s6, $0x1;
	s3 =	sadd.s32 s4, s19  }
0x9c: {  	s7 =	simm.s32 $0x0;
	s20 =	sshll.u32 s5, $0x1;
	s5 =	sadd.s32 s21, s3  }
0x9d: {  	[timem:s7], [sflag:s22] =	dma.local [hbm:s5], s20  }
0x9e: {  	_ =	swait.ge [sflag:s22], s20  }
0x9f: {  	s4 =	ssub.s32 $0x0, s20;
	[sflag:s22] =	ssyncset.done $0x0  }
0xa0: {  	[sflag:s22] =	ssyncadd.s32 s4;
	_ =	sdelay $0x1  }
0xa1: {  	s23 =	simm.s32 $0x1B8B  }
0xa2: {  	_ =	swait.ge [sflag:s23], $0x1  }
0xa3: {  	[sflag:s23] =	ssyncset.done $0x0  }
0xa4: {  	s25 =	simm.s32 $0x1B8E;
	s24 =	sld [smem:$0x3FFE];
	[sflag:s23] =	ssyncadd.s32 $0xFFFFFFFF  }
0xa5: {  	s26 =	simm.s32 $execute0_lowered;
	[smem:$0x3FD2] =	sst s25  }
0xa6: {  	s5 =	sshll.u32 s26, $0x1;
	_ =	strace $0x80000046;
	[dreg:$0x1] =	wrdreg $0xFFFFFFFF  }
0xa7: {  	s28 =	simm.s32 $_size_execute0_lowered;
	s3 =	sadd.s32 s3, s5;
	[dreg:$0x0] =	wrdreg $0x0  }
0xa8: {  	s5 =	sshll.u32 s28, $0x1;
	[dreg:$0x2] =	wrdreg s3  }
0xa9: {  	[dreg:$0x3] =	wrdreg s5  }
0xaa: {  	[dreg:$0x4] =	wrdreg $0xC0  }
0xab: {  	_ =	task [dreg:s7], $0x5FFFF  }
0xac: {  	[dreg:$0x1] =	wrdreg $0xFFFFFFFF  }
0xad: {  	[dreg:$0x0] =	wrdreg $0x60  }
0xae: {  	[dreg:$0x2] =	wrdreg s24  }
0xaf: {  	[dreg:$0x3] =	wrdreg s2  }
0xb0: {  	[dreg:$0x4] =	wrdreg $0x9  }
0xb1: {  	_ =	task.clear_ibuf [dreg:s7], $0x5FFFF;
	_ =	strace $0x90000046  }
0xb2: {  	s29 =	simm.s32 $0x9;
	_ =	strace $0x80000048  }
0xb3: {  	_ =	swait.ge [sflag:s29], $0x1  }
0xb4: {  	[sflag:s29] =	ssyncadd.s32 $0xFFFFFFFF  }
0xb5: {  	_ =	strace $0x90000048  }
0xb6: {  	_ =	sfence  }
0xb7: {  	s30 =	sld [smem:$0x0];
	_ =	sdelay $0x2  }
0xb8: {  	s31 =	sshll.u32 s1, $0xD;
	s1 =	sshrl.u32 s1, $0x2  }
0xb9: {  	s3 =	sand.u32 $0x4000, s31;
	s1 =	sadd.s32 s1, s30  }
0xba: {  	s0 =	sor.u32 s3, s0;
	s1 =	sshll.u32 s1, $0x11  }
0xbb: {  	s0 =	sor.u32 s1, s0  }
0xbc: {  	s0 =	sadd.s32 $0x8F2B, s0  }
0xbd: {  	[sflag:s0] =	ssyncadd.remote.s32 $0x1  }
0xbe: {  	_ =	sfence.sel $0xFFFF  }
0xbf: {  	[dreg:$0x0] =	wrdreg $0xFFFFFFFF;
	(pc) =	sbr.abs _section_cstart, $3  }
0xc0: {  	[dreg:$0x1] =	wrdreg $0xFFFFFFFF  }
0xc1: {  	_ =	task.clear_ibuf [dreg:s7], $0x2FFFF;
	_ =	strace $0x9FFFFFFF  }
0xc2: {  	(tm) =	ssettm $0x7FFFFFFF  }
0xc3: {  	_ =	shalt  }
tec
execute0_lowered:
.L_overlay_start_1:
0x0: {  	(tag) =	ssettag $0x1  }
0x1: {  	s0 =	srdreg.scid;
	s3 =	rddreg [dreg:$0x0]  }
0x2: {  	s7 =	stileid.u32;
	s6 =	rddreg [dreg:$0x1]  }
0x3: {  	s5 =	simm.s32 $0x0;
	s17 =	simm.s32 $0x5080;
	s18 =	simm.s32 $0x4  }
0x4: {  	s19 =	simm.s32 $0x2800;
	s20 =	simm.s32 $0x1;
	s21 =	simm.s32 $0x1D080  }
0x5: {  	s22 =	simm.s32 $0x200;
	s23 =	simm.s32 $0x400;
	s28 =	simm.s32 $0x0  }
0x6: {  	v11 =	vlaneseq.u32;
	s0 =	sand.u32 $0x1, s0;
	s1 =	sshll.u32 s7, $0x1;
	[smem:$0x7FF] =	sst s5  }
0x7: {  	s26 =	sshll.u32 s7, $0x5;
	v5 =	vmul.u32 $0x204, v11;
	s1 =	sor.u32 s0, s1;
	_ =	strace $0x80000047  }
0x8: {  	s25 =	ssub.s32 $0x2, s0;
	s0 =	sshll.u32 s0, $0x4;
	s2 =	sshll.u32 s1, $0x4  }
0x9: {  	v2 =	vadd.s32 $0x4, v11;
	s29 =	sshrl.u32 s25, $0x1;
	s1 =	sshll.u32 s1, $0xC;
	v9 =	vor.u32 $0x1, v5;
	s2 =	sadd.s32 $0xFFFFFFFE, s2  }
0xa: {  	s0 =	sor.u32 s26, s0;
	v10 =	vadd.s32 $0x202, v5;
	v12 =	vadd.s32 $0x203, v5;
	s26 =	simm.s32 $0x3;
	s6 =	sadd.s32 s6, s1;
	v0 =	vadd.s32 s2, v11  }
0xb: {  	v13 =	vadd.s32 $0x810, v5;
	s16 =	ssub.s32 $0x2, s0;
	p0 =	sgt.s32 s2, $0x0;
	s4 =	smov.u32 s2;
	v2 =	vadd.s32 s2, v2;
	v1 =	vsub.s32 $0x0, v0  }
0xc: {  	s2 =	ssub.s32 s25, s29;
	s31 =	sadd.s32 $0x40, s6;
	s4 =	simm.s32 @!p0 $0x0;
	v3 =	vsub.s32 $0x0, v2;
	v0 =	vmin.u32 v0, v1;
	v1 =	vimm.s32 $0x1FF  }
0xd: {  	v14 =	vadd.s32 $0x811, v5;
	s8 =	sadd.s32 $0x400, s6;
	s10 =	sadd.s32 $0x800, s6;
	s9 =	smin.u32 s4, $0x1EC;
	v2 =	vmin.u32 v2, v3;
	v0 =	vsub.s32 v1, v0  }
0xe: {  	v15 =	vadd.s32 $0xA12, v5;
	s11 =	sadd.s32 $0x840, s6;
	s12 =	sadd.s32 $0xC00, s6;
	s4 =	sshll.u32 s9, $0x6;
	v1 =	vsub.s32 v1, v2;
	v4 =	vsub.s32 $0x0, v0  }
0xf: {  	s13 =	sadd.s32 $0xC40, s6;
	v11 =	vmul.u32 $0x2, v11;
	s24 =	sadd.s32 s4, s3;
	s4 =	sadd.s32 $0xFFFFFFFE, s0;
	v2 =	vsub.s32 $0x0, v1;
	v0 =	vmin.u32 v0, v4  }
0x10: {  	v16 =	vadd.s32 $0xA13, v5;
	s25 =	simm.s32 $0x2;
	p0 =	sgt.s32 s4, $0x0;
	s1 =	smov.u32 s4;
	v1 =	vmin.u32 v1, v2;
	v0 =	vadd.s32 s9, v0  }
0x11: {  	[dreg:$0x5] =	wrdreg s31;
	v17 =	vor.u32 $0x1, v11;
	s3 =	sadd.s32 $0xA00, s3;
	s1 =	simm.s32 @!p0 $0x0;
	v4 =	vadd.s32 s9, v1;
	v3 =	vshll.u32 v0, $0x9  }
0x12: {  	s14 =	smax.u32 s2, $0x1;
	[dreg:$0x3] =	wrdreg s3;
	s1 =	smin.u32 s1, $0x1EC;
	v8 =	vshll.u32 v4, $0x9;
	v0 =	vsub.s32 $0x3FE02, v3;
	v1 =	vsub.s32 $0x3FE01, v3  }
0x13: {  	s30 =	sadd.s32 $0x3A00, s24;
	s24 =	simm.s32 $0x1E080;
	v2 =	vsub.s32 $0x3FFFE, v3;
	s1 =	sshll.u32 s1, $0x9;
	v3 =	vsub.s32 $0x3FFFD, v3;
	v4 =	vsub.s32 $0x3FE02, v8  }
0x14: {  	[dreg:$0x4] =	wrdreg s30;
	s9 =	sadd.s32 $0x440, s6;
	v6 =	vsub.s32 $0x3FE01, v8;
	v7 =	vsub.s32 $0x3FFFE, v8;
	v8 =	vsub.s32 $0x3FFFD, v8;
	s15 =	ssub.s32 $0x0, s1  }
.LBB2_1:
0x15: {  	s0 =	simm.s32 $0x0;
	s1 =	rddreg [dreg:$0x3]  }
0x16: {  	[tilespmem:s17], [sflag:$0x1] =	stream.linear.gather [hbm4b:s1+s0], $0x18000, $0x38;
	[tilespmem:$0x1F080] =	vst v63  }
0x17: {  	s7 =	rddreg [dreg:$0x4]  }
0x18: {  	[tilespmem:s0], [sflag:$0x4] =	stream.linear.gather [hbm4b:s7+s0], $0x2800, $0x38;
	[tilespmem:$0x1F080] =	vst v63  }
0x19: {  	_ =	swait.ge [sflag:s18], $0x2800  }
0x1a: {  	s2 =	simm.s32 $0x2802;
	s29 =	smov.u32 s16;
	[sflag:s18] =	ssyncset.done $0x0  }
0x1b: {  	s30 =	smov.u32 s4;
	s31 =	simm.s32 $0x0;
	[sflag:s18] =	ssyncadd.s32 $0xFFFFD800  }
.LBB2_2:
0x1c: {  	p0 =	sgt.s32 s30, s29;
	s0 =	smov.u32 s29  }
0x1d: {  	s0 =	smov.u32 @p0 s30  }
0x1e: {  	s1 =	sadd.s32 $0xFFFFFE01, s0;
	s0 =	ssub.s32 $0x1FF, s0  }
0x1f: {  	p0 =	sgt.s32 s1, s0  }
0x20: {  	s0 =	smov.u32 @p0 s1  }
0x21: {  	s0 =	sshll.u32 s0, $0x9  }
0x22: {  	s0 =	ssub.s32 s15, s0  }
0x23: {  	s7 =	simm.s32 $0x0;
	s3 =	sadd.s32 $0x0, s0  }
0x24: {  	s1 =	sand.u32 $0x70, s7;
	s3 =	sand.u32 $0xFFFFFF80, s3  }
0x25: {  	s1 =	sor.u32 s1, s3  }
0x26: {  	v18 =	vld [tilespmem:s1+$0x3FE00];
	_ =	sdelay $0x2  }
0x27: {  	s5 =	simm.s32 $0x10;
	s7 =	sadd.s32 $0x10, s0  }
0x28: {  	s3 =	sand.u32 $0xFFFFFF80, s7;
	s1 =	sand.u32 $0x70, s5  }
0x29: {  	s1 =	sor.u32 s1, s3;
	[tilespmem:s2+$0x0] =	vst v18  }
0x2a: {  	s3 =	simm.s32 $0x20;
	v18 =	vld [tilespmem:s1+$0x3FE00];
	s1 =	smov.u32 s2  }
.LBB2_3:
0x2b: {  	p0 =	sne.s32 s3, $0x1F0  }
.Ltmp0:
0x2c: {  	_ = 	snop;
	(pc) =	sbr.rel @p0 .LBB2_3-.Ltmp0, $4  }
0x2d: {  	s5 =	sadd.s32 s3, s0;
	s7 =	smov.u32 s3  }
0x2e: {  	s1 =	sadd.s32 $0x10, s1;
	s5 =	sand.u32 $0xFFFFFF80, s5;
	s7 =	sand.u32 $0x70, s7  }
0x2f: {  	s5 =	sor.u32 s7, s5;
	[tilespmem:s1+$0x0] =	vst v18  }
0x30: {  	s3 =	sadd.s32 $0x10, s3;
	v18 =	vld [tilespmem:s5+$0x3FE00]  }
0x31: {  	s31 =	sadd.s32 $0x1, s31  }
0x32: {  	p0 =	sne.s32 s31, $0x14  }
.Ltmp1:
0x33: {  	_ = 	snop;
	(pc) =	sbr.rel @p0 .LBB2_2-.Ltmp1, $3  }
0x34: {  	_ =	sdelay $0x1  }
0x35: {  	s0 =	sadd.s32 $0x10, s1  }
0x36: {  	s2 =	sadd.s32 $0x204, s2;
	s30 =	sadd.s32 $0x1, s30;
	s29 =	sadd.s32 $0xFFFFFFFF, s29;
	[tilespmem:s0+$0x0] =	vst v18  }
0x37: {  	_ =	sdelay $0x2  }
0x38: {  	s1 =	simm.s32 $0x0  }
0x39: {  	v18 =	vld.idx.msk [tilespmem:v0+s1+$0x0], $0xffff;
	_ =	sdelay $0x4  }
0x3a: {  	[tilespmem:v5+s19+$0x0] =	vst.idx.msk $0xffff, v18  }
0x3b: {  	v18 =	vld.idx.msk [tilespmem:v1+s1+$0x0], $0xffff;
	_ =	sdelay $0x4  }
0x3c: {  	[tilespmem:v9+s19+$0x0] =	vst.idx.msk $0xffff, v18  }
0x3d: {  	v18 =	vld.idx.msk [tilespmem:v2+s1+$0x0], $0xffff;
	_ =	sdelay $0x4  }
0x3e: {  	[tilespmem:v10+s19+$0x0] =	vst.idx.msk $0xffff, v18  }
0x3f: {  	v18 =	vld.idx.msk [tilespmem:v3+s1+$0x0], $0xffff;
	_ =	sdelay $0x4  }
0x40: {  	[tilespmem:v12+s19+$0x0] =	vst.idx.msk $0xffff, v18  }
0x41: {  	v18 =	vld.idx.msk [tilespmem:v4+s1+$0x0], $0xffff;
	_ =	sdelay $0x4  }
0x42: {  	[tilespmem:v13+s19+$0x0] =	vst.idx.msk $0xffff, v18  }
0x43: {  	v18 =	vld.idx.msk [tilespmem:v6+s1+$0x0], $0xffff;
	_ =	sdelay $0x4  }
0x44: {  	[tilespmem:v14+s19+$0x0] =	vst.idx.msk $0xffff, v18  }
0x45: {  	v18 =	vld.idx.msk [tilespmem:v7+s1+$0x0], $0xffff;
	_ =	sdelay $0x4  }
0x46: {  	[tilespmem:v15+s19+$0x0] =	vst.idx.msk $0xffff, v18  }
0x47: {  	v18 =	vld.idx.msk [tilespmem:v8+s1+$0x0], $0xffff;
	_ =	sdelay $0x4  }
0x48: {  	[tilespmem:v16+s19+$0x0] =	vst.idx.msk $0xffff, v18  }
0x49: {  	_ =	swait.ge [sflag:s20], $0x18000  }
0x4a: {  	[sflag:s20] =	ssyncset.done $0x0  }
0x4b: {  	p1 =	por $0x1, $0x1;
	[sflag:s20] =	ssyncadd.s32 $0xFFFE8000  }
.LBB2_6:
0x4c: {  	s0 =	smul.u32 $0x810, s1;
	_ =	sdelay $0x1  }
0x4d: {  	s0 =	sshra.s32 s0, $0x2  }
0x4e: {  	s29 =	sadd.s32 $0x2C0A, s0  }
0x4f: {  	v18 =	vld [tilespmem:s29+$0x206]  }
0x50: {  	v19 =	vld [tilespmem:s29+$0x406]  }
0x51: {  	v20 =	vld [tilespmem:s29+$0x203]  }
0x52: {  	v21 =	vld [tilespmem:s29+$0x408]  }
0x53: {  	v22 =	vld [tilespmem:s29+$0xFFFFFDFB]  }
0x54: {  	v23 =	vld [tilespmem:s29+$0x205]  }
0x55: {  	v26 =	vld [tilespmem:s29+$0xFFFFFDFA]  }
0x56: {  	v24 =	vld [tilespmem:s29+$0x204]  }
0x57: {  	v25 =	vld [tilespmem:s29+$0x0]  }
0x58: {  	v27 =	vld [tilespmem:s29+$0xFFFFFFFF]  }
0x59: {  	v28 =	vld [tilespmem:s29+$0x1]  }
0x5a: {  	v29 =	vld [tilespmem:s29+$0x409]  }
0x5b: {  	s5 =	smul.u32 $0x204, s1;
	v30 =	vld [tilespmem:s29+$0x2]  }
0x5c: {  	v31 =	vld [tilespmem:s29+$0xFFFFFDFC]  }
0x5d: {  	s30 =	sadd.s32 $0x408, s5;
	v32 =	vld [tilespmem:s29+$0xFFFFFFFE]  }
0x5e: {  	s0 =	sand.u32 $0x1FFC, s30;
	v33 =	vld [tilespmem:s29+$0xFFFFFBF9]  }
0x5f: {  	v34 =	vld [tilespmem:s0+$0x2600]  }
0x60: {  	v37 =	vld [tilespmem:s29+$0xFFFFFBF7];
	v36 =	vshll.u32 v25, $0x8;
	v18 =	vshll.u32 v18, $0x4  }
0x61: {  	v54 =	vld [tilespmem:s29+$0xFFFFFBF8];
	v24 =	vshll.u32 v24, $0x4;
	v28 =	vshll.u32 v28, $0x4;
	v18 =	vadd.s32 v36, v18  }
0x62: {  	v38 =	vld [tilespmem:s29+$0xFFFFFDFD];
	v20 =	vshll.u32 v20, $0x4;
	v28 =	vadd.s32 v36, v28;
	v29 =	vadd.s32 v29, v18  }
0x63: {  	v39 =	vld [tilespmem:s29+$0x40A];
	v20 =	vadd.s32 v36, v20;
	v18 =	vadd.s32 v36, v24;
	v24 =	vadd.s32 $0x10000, v29  }
0x64: {  	s7 =	sshll.u32 s1, $0x1;
	v40 =	vld [tilespmem:s29+$0x407];
	v19 =	vadd.s32 v19, v20;
	v18 =	vadd.s32 v21, v18;
	v21 =	vadd.s32 v30, v28  }
0x65: {  	v35 =	vmov s7;
	v55 =	vld [tilespmem:s29+$0x202];
	v42 =	vadd.s32 $0xA000, v19  }
0x66: {  	v25 =	vshll.u32 v35, $0x7;
	v30 =	vld [tilespmem:s29+$0xFFFFFBF6];
	v28 =	vshll.u32 v31, $0x4;
	v31 =	vadd.s32 $0x3000, v18  }
0x67: {  	v23 =	vshll.u32 v23, $0x4;
	v41 =	vadd.s32 $0x2000, v18;
	v20 =	vadd.s32 v36, v28;
	v28 =	vld [tilespmem:s29+$0xFFFFFBFA]  }
0x68: {  	v18 =	vbroadcast v25, $0x0;
	v48 =	vadd.s32 $0x1000, v21;
	v25 =	vadd.s32 v54, v20;
	v20 =	vld.idx.msk [tilespmem:v24+s17+$0x0], $0xffff  }
0x69: {  	v27 =	vshll.u32 v27, $0x4;
	v23 =	vadd.s32 v36, v23;
	v43 =	vadd.s32 $0x6000, v25;
	v44 =	vld.idx.msk [tilespmem:v21+s17+$0x0], $0xffff  }
0x6a: {  	v39 =	vadd.s32 v39, v23;
	v56 =	vadd.s32 $0x7000, v25;
	v24 =	vadd.s32 v36, v27;
	v23 =	vld.idx.msk [tilespmem:v42+s17+$0x0], $0xffff  }
0x6b: {  	v27 =	vadd.s32 $0xB000, v19;
	v32 =	vadd.s32 v32, v24;
	v25 =	vld.idx.msk [tilespmem:v31+s17+$0x0], $0xffff  }
0x6c: {  	v58 =	vshll.u32 v22, $0x4;
	v19 =	vshll.u32 v38, $0x4;
	v41 =	vld.idx.msk [tilespmem:v41+s17+$0x0], $0xffff;
	v31 =	vadd.s32 $0x4000, v32  }
0x6d: {  	v22 =	vshll.u32 v33, $0x4;
	v50 =	vadd.s32 $0x9000, v39;
	v19 =	vadd.s32 v36, v19;
	v38 =	vld.idx.msk [tilespmem:v48+s17+$0x0], $0xffff  }
0x6e: {  	v26 =	vshll.u32 v26, $0x4;
	v46 =	vadd.s32 $0x8000, v39;
	v45 =	vadd.s32 v28, v19;
	v28 =	vld.idx.msk [tilespmem:v43+s17+$0x0], $0xffff  }
0x6f: {  	v61 =	vshll.u32 v40, $0x4;
	v59 =	vadd.s32 v36, v26;
	v47 =	vadd.s32 $0x11000, v29;
	v29 =	vld.idx.msk [tilespmem:v56+s17+$0x0], $0xffff  }
0x70: {  	v22 =	vadd.s32 v36, v22;
	v63 =	vadd.s32 v37, v59;
	v60 =	vadd.s32 $0x5000, v32;
	v24 =	vld.idx.msk [tilespmem:v27+s17+$0x0], $0xffff  }
0x71: {  	v39 =	vadd.s32 $0x14000, v63;
	v57 =	vadd.s32 $0xF000, v45;
	v27 =	vadd.s32 v36, v58;
	v49 =	vld.idx.msk [tilespmem:v31+s17+$0x0], $0xffff  }
0x72: {  	v21 =	vadd.s32 v34, v22;
	v32 =	vadd.s32 v36, v61;
	v36 =	vld.idx.msk [tilespmem:v50+s17+$0x0], $0xffff;
	v27 =	vadd.s32 v30, v27  }
0x73: {  	v22 =	vadd.s32 $0x16000, v21;
	v21 =	vadd.s32 $0x17000, v21;
	v31 =	vld.idx.msk [tilespmem:v46+s17+$0x0], $0xffff;
	v33 =	vadd.s32 $0xD000, v27  }
0x74: {  	v19 =	vor.u32 $0x80, v18;
	v62 =	vadd.s32 v55, v32;
	v30 =	vadd.s32 $0xC000, v27;
	v27 =	vld.idx.msk [tilespmem:v47+s17+$0x0], $0xffff  }
0x75: {  	v34 =	vadd.s32 $0xE000, v45;
	v37 =	vadd.s32 $0x13000, v62;
	v41 =	vadd.s32 v44, v41;
	v40 =	vld.idx.msk [tilespmem:v60+s17+$0x0], $0xffff  }
0x76: {  	p0 =	por p1, p1;
	s1 =	simm.s32 $0x20;
	s31 =	simm.s32 $0x0;
	v32 =	vadd.s32 $0x15000, v63;
	v35 =	vadd.s32 $0x12000, v62;
	v26 =	vld.idx.msk [tilespmem:v57+s17+$0x0], $0xffff;
	v41 =	vadd.s32 v49, v41  }
.LBB2_7:
0x77: {  	p1 =	sne.s32 s1, $0x3E0;
	v39 =	vld.idx.msk [tilespmem:v39+s17+$0x0], $0xffff;
	s29 =	sadd.s32 $0x10, s29;
	s30 =	sadd.s32 $0x10, s30  }
0x78: {  	s0 =	smov.u32 s1;
	s1 =	sadd.s32 $0x20, s1;
	v33 =	vld.idx.msk [tilespmem:v33+s17+$0x0], $0xffff  }
0x79: {  	v42 =	vmov s31;
	v30 =	vld.idx.msk [tilespmem:v30+s17+$0x0], $0xffff  }
0x7a: {  	v42 =	vshll.u32 v42, $0x2;
	v37 =	vld.idx.msk [tilespmem:v37+s17+$0x0], $0xffff  }
0x7b: {  	v28 =	vadd.s32 v28, v41;
	v25 =	vadd.s32 v38, v25;
	v38 =	vor.u32 s31, v11;
	v34 =	vld.idx.msk [tilespmem:v34+s17+$0x0], $0xffff  }
0x7c: {  	v38 =	vand.u32 $0x7E, v38;
	v25 =	vadd.s32 v40, v25;
	v40 =	vor.u32 s31, v17;
	s31 =	smov.u32 s0;
	v35 =	vld.idx.msk [tilespmem:v35+s17+$0x0], $0xffff  }
0x7d: {  	v25 =	vadd.s32 v29, v25;
	v40 =	vand.u32 $0x7F, v40;
	v29 =	vld.idx.msk [tilespmem:v32+s17+$0x0], $0xffff;
	v32 =	vand.u32 $0xE00, v42  }
0x7e: {  	v28 =	vadd.s32 v31, v28;
	v25 =	vadd.s32 v36, v25;
	v22 =	vld.idx.msk [tilespmem:v22+s17+$0x0], $0xffff;
	v31 =	vor.u32 v18, v32  }
0x7f: {  	v23 =	vadd.s32 v23, v28;
	v24 =	vadd.s32 v24, v25;
	v21 =	vld.idx.msk [tilespmem:v21+s17+$0x0], $0xffff;
	v25 =	vor.u32 v40, v31  }
0x80: {  	v23 =	vadd.s32 v30, v23;
	v28 =	vor.u32 v19, v32;
	v24 =	vadd.s32 v33, v24  }
0x81: {  	v30 =	vor.u32 v38, v31;
	v31 =	vor.u32 v28, v38;
	v23 =	vadd.s32 v34, v23  }
0x82: {  	v24 =	vadd.s32 v26, v24;
	v20 =	vadd.s32 v20, v23  }
0x83: {  	v23 =	vadd.s32 v27, v24;
	v24 =	vor.u32 v28, v40;
	v20 =	vadd.s32 v35, v20  }
0x84: {  	v23 =	vadd.s32 v37, v23;
	v20 =	vadd.s32 v39, v20  }
0x85: {  	v23 =	vadd.s32 v29, v23;
	v20 =	vadd.s32 v22, v20  }
0x86: {  	v21 =	vadd.s32 v21, v23;
	v22 =	vand.u32 $0xFFFF, v20;
	v20 =	vshrl.u32 v20, $0x10  }
0x87: {  	v23 =	vand.u32 $0xFFFF, v21;
	v22 =	vcvt.s32.f32 v22;
	v20 =	vcvt.s32.f32 v20  }
0x88: {  	v21 =	vshrl.u32 v21, $0x10;
	v23 =	vcvt.s32.f32 v23  }
0x89: {  	v21 =	vcvt.s32.f32 v21;
	v22 =	vadd.f32 $-2.457600000e+04, v22;
	v20 =	vadd.f32 $-2.457600000e+04, v20  }
0x8a: {  	v23 =	vadd.f32 $-2.457600000e+04, v23  }
0x8b: {  	v21 =	vadd.f32 $-2.457600000e+04, v21;
	v22 =	vmul.f32 $3.333333430e-01, v22  }
0x8c: {  	v20 =	vmul.f32 $3.333333430e-01, v20  }
0x8d: {  	[tilespmem:v30+s21+$0x0] =	vst.idx.msk $0xffff, v22;
	v22 =	vmul.f32 $3.333333430e-01, v23  }
0x8e: {  	[tilespmem:v25+s21+$0x0] =	vst.idx.msk $0xffff, v20;
	v20 =	vmul.f32 $3.333333430e-01, v21  }
0x8f: {  	[tilespmem:v31+s21+$0x0] =	vst.idx.msk $0xffff, v22  }
0x90: {  	[tilespmem:v24+s21+$0x0] =	vst.idx.msk $0xffff, v20  }
0x91: {  	v20 =	vld [tilespmem:s29+$0x206]  }
0x92: {  	v21 =	vld [tilespmem:s29+$0x406]  }
0x93: {  	v22 =	vld [tilespmem:s29+$0x203]  }
0x94: {  	v23 =	vld [tilespmem:s29+$0x408]  }
0x95: {  	v24 =	vld [tilespmem:s29+$0xFFFFFDFB]  }
0x96: {  	v25 =	vld [tilespmem:s29+$0x205]  }
0x97: {  	v26 =	vld [tilespmem:s29+$0xFFFFFDFA]  }
0x98: {  	v27 =	vld [tilespmem:s29+$0x204]  }
0x99: {  	v28 =	vld [tilespmem:s29+$0x0]  }
0x9a: {  	v29 =	vld [tilespmem:s29+$0xFFFFFFFF];
	v24 =	vshll.u32 v24, $0x4  }
0x9b: {  	v22 =	vshll.u32 v22, $0x4;
	v30 =	vld [tilespmem:s29+$0x1]  }
0x9c: {  	v31 =	vld [tilespmem:s29+$0x409]  }
0x9d: {  	v32 =	vld [tilespmem:s29+$0x2]  }
0x9e: {  	v25 =	vshll.u32 v25, $0x4;
	v33 =	vld [tilespmem:s29+$0xFFFFFDFC]  }
0x9f: {  	v26 =	vshll.u32 v26, $0x4;
	v27 =	vshll.u32 v27, $0x4;
	v34 =	vld [tilespmem:s29+$0xFFFFFFFE]  }
0xa0: {  	s0 =	sand.u32 $0x1FFC, s30;
	v20 =	vshll.u32 v20, $0x4;
	v28 =	vshll.u32 v28, $0x8;
	v30 =	vshll.u32 v30, $0x4;
	v35 =	vld [tilespmem:s29+$0xFFFFFBF9]  }
0xa1: {  	v22 =	vadd.s32 v28, v22;
	v20 =	vadd.s32 v28, v20;
	v26 =	vadd.s32 v28, v26;
	v36 =	vld [tilespmem:s0+$0x2600]  }
0xa2: {  	v27 =	vadd.s32 v28, v27;
	v29 =	vshll.u32 v29, $0x4;
	v31 =	vadd.s32 v31, v20;
	v37 =	vld [tilespmem:s29+$0xFFFFFBF7]  }
0xa3: {  	v20 =	vadd.s32 v23, v27;
	v23 =	vshll.u32 v33, $0x4;
	v27 =	vld [tilespmem:s29+$0xFFFFFBF8];
	v33 =	vadd.s32 $0x10000, v31  }
0xa4: {  	v29 =	vadd.s32 v28, v29;
	v38 =	vadd.s32 v21, v22;
	v30 =	vadd.s32 v28, v30;
	v39 =	vld [tilespmem:s29+$0xFFFFFDFD]  }
0xa5: {  	v40 =	vadd.s32 $0xA000, v38;
	v29 =	vadd.s32 v34, v29;
	v34 =	vld [tilespmem:s29+$0x40A];
	v21 =	vshll.u32 v35, $0x4  }
0xa6: {  	v32 =	vadd.s32 v32, v30;
	v30 =	vadd.s32 $0x3000, v20;
	v35 =	vld [tilespmem:s29+$0xFFFFFBF6];
	v21 =	vadd.s32 v28, v21  }
0xa7: {  	v41 =	vadd.s32 $0x2000, v20;
	v20 =	vadd.s32 v28, v23;
	v23 =	vld [tilespmem:s29+$0x407];
	v21 =	vadd.s32 v36, v21  }
0xa8: {  	v20 =	vadd.s32 v27, v20;
	v27 =	vld [tilespmem:s29+$0xFFFFFBFA];
	v22 =	vadd.s32 $0x16000, v21;
	v21 =	vadd.s32 $0x17000, v21  }
0xa9: {  	v36 =	vadd.s32 $0x6000, v20;
	v42 =	vadd.s32 $0x7000, v20;
	v20 =	vadd.s32 v28, v25;
	v43 =	vld [tilespmem:s29+$0x202]  }
0xaa: {  	v24 =	vadd.s32 v28, v24;
	v38 =	vadd.s32 $0xB000, v38;
	v44 =	vadd.s32 v34, v20;
	v20 =	vld.idx.msk [tilespmem:v33+s17+$0x0], $0xffff  }
0xab: {  	v34 =	vshll.u32 v39, $0x4;
	v45 =	vld.idx.msk [tilespmem:v32+s17+$0x0], $0xffff;
	v46 =	vadd.s32 $0x8000, v44;
	v24 =	vadd.s32 v35, v24  }
0xac: {  	v25 =	vld.idx.msk [tilespmem:v30+s17+$0x0], $0xffff;
	v30 =	vadd.s32 $0xC000, v24;
	v33 =	vadd.s32 $0xD000, v24;
	v24 =	vadd.s32 v28, v34  }
0xad: {  	v47 =	vadd.s32 $0x4000, v29;
	v41 =	vld.idx.msk [tilespmem:v41+s17+$0x0], $0xffff;
	v24 =	vadd.s32 v27, v24;
	v27 =	vshll.u32 v23, $0x4  }
0xae: {  	v23 =	vld.idx.msk [tilespmem:v40+s17+$0x0], $0xffff;
	v34 =	vadd.s32 $0xE000, v24;
	v40 =	vadd.s32 $0xF000, v24;
	v24 =	vadd.s32 v28, v27  }
0xaf: {  	v27 =	vadd.s32 $0x11000, v31;
	v28 =	vld.idx.msk [tilespmem:v36+s17+$0x0], $0xffff;
	v31 =	vadd.s32 v43, v24  }
0xb0: {  	v26 =	vadd.s32 v37, v26;
	v36 =	vadd.s32 $0x1000, v32;
	v43 =	vadd.s32 $0x5000, v29;
	v24 =	vld.idx.msk [tilespmem:v38+s17+$0x0], $0xffff  }
0xb1: {  	v39 =	vadd.s32 $0x14000, v26;
	v32 =	vadd.s32 $0x15000, v26;
	v35 =	vadd.s32 $0x12000, v31;
	v29 =	vld.idx.msk [tilespmem:v42+s17+$0x0], $0xffff  }
0xb2: {  	v44 =	vadd.s32 $0x9000, v44;
	v37 =	vadd.s32 $0x13000, v31;
	v42 =	vld.idx.msk [tilespmem:v47+s17+$0x0], $0xffff  }
0xb3: {  	v26 =	vld.idx.msk [tilespmem:v40+s17+$0x0], $0xffff  }
.Ltmp2:
0xb4: {  	v31 =	vld.idx.msk [tilespmem:v46+s17+$0x0], $0xffff;
	(pc) =	sbr.rel @p1 .LBB2_7-.Ltmp2, $4  }
0xb5: {  	v27 =	vld.idx.msk [tilespmem:v27+s17+$0x0], $0xffff  }
0xb6: {  	v38 =	vld.idx.msk [tilespmem:v36+s17+$0x0], $0xffff  }
0xb7: {  	v40 =	vadd.s32 v45, v41;
	v36 =	vld.idx.msk [tilespmem:v44+s17+$0x0], $0xffff  }
0xb8: {  	v41 =	vadd.s32 v42, v40;
	v40 =	vld.idx.msk [tilespmem:v43+s17+$0x0], $0xffff  }
0xb9: {  	_ =	sdelay $0x3  }
0xba: {  	v39 =	vld.idx.msk [tilespmem:v39+s17+$0x0], $0xffff  }
0xbb: {  	v30 =	vld.idx.msk [tilespmem:v30+s17+$0x0], $0xffff  }
0xbc: {  	v34 =	vld.idx.msk [tilespmem:v34+s17+$0x0], $0xffff  }
0xbd: {  	v33 =	vld.idx.msk [tilespmem:v33+s17+$0x0], $0xffff;
	v42 =	vmov s31;
	v28 =	vadd.s32 v28, v41;
	v25 =	vadd.s32 v38, v25  }
0xbe: {  	v35 =	vld.idx.msk [tilespmem:v35+s17+$0x0], $0xffff;
	v51 =	vor.u32 s31, v11;
	v28 =	vadd.s32 v31, v28;
	v25 =	vadd.s32 v40, v25  }
0xbf: {  	v50 =	vld.idx.msk [tilespmem:v37+s17+$0x0], $0xffff;
	v53 =	vor.u32 s31, v17;
	v23 =	vadd.s32 v23, v28;
	v25 =	vadd.s32 v29, v25  }
0xc0: {  	v22 =	vld.idx.msk [tilespmem:v22+s17+$0x0], $0xffff;
	v49 =	vshll.u32 v42, $0x2;
	v23 =	vadd.s32 v30, v23;
	v25 =	vadd.s32 v36, v25  }
0xc1: {  	v54 =	vld.idx.msk [tilespmem:v32+s17+$0x0], $0xffff;
	v52 =	vand.u32 $0x7E, v51;
	v23 =	vadd.s32 v34, v23;
	v24 =	vadd.s32 v24, v25  }
0xc2: {  	v21 =	vld.idx.msk [tilespmem:v21+s17+$0x0], $0xffff;
	v56 =	vand.u32 $0x7F, v53;
	v20 =	vadd.s32 v20, v23;
	v24 =	vadd.s32 v33, v24  }
0xc3: {  	v55 =	vand.u32 $0xE00, v49;
	v20 =	vadd.s32 v35, v20;
	v24 =	vadd.s32 v26, v24  }
0xc4: {  	v18 =	vor.u32 v18, v55;
	v20 =	vadd.s32 v39, v20;
	v24 =	vadd.s32 v27, v24  }
0xc5: {  	v19 =	vor.u32 v19, v55;
	v20 =	vadd.s32 v22, v20;
	v24 =	vadd.s32 v50, v24  }
0xc6: {  	v57 =	vor.u32 v56, v18;
	v59 =	vand.u32 $0xFFFF, v20;
	v58 =	vadd.s32 v54, v24  }
0xc7: {  	v20 =	vshrl.u32 v20, $0x10;
	v60 =	vcvt.s32.f32 v59;
	v21 =	vadd.s32 v21, v58  }
0xc8: {  	v18 =	vor.u32 v52, v18;
	v20 =	vcvt.s32.f32 v20;
	v61 =	vand.u32 $0xFFFF, v21  }
0xc9: {  	v21 =	vshrl.u32 v21, $0x10;
	v22 =	vadd.f32 $-2.457600000e+04, v60;
	v24 =	vcvt.s32.f32 v61  }
0xca: {  	v25 =	vor.u32 v19, v52;
	v20 =	vadd.f32 $-2.457600000e+04, v20;
	v21 =	vcvt.s32.f32 v21  }
0xcb: {  	v19 =	vor.u32 v19, v56;
	v22 =	vmul.f32 $3.333333430e-01, v22;
	v62 =	vadd.f32 $-2.457600000e+04, v24  }
.Ltmp3:
0xcc: {  	v20 =	vmul.f32 $3.333333430e-01, v20;
	v21 =	vadd.f32 $-2.457600000e+04, v21;
	(pc) =	sbr.rel @p0 .LBB2_6-.Ltmp3, $4  }
0xcd: {  	[tilespmem:v18+s21+$0x0] =	vst.idx.msk $0xffff, v22;
	v18 =	vmul.f32 $3.333333430e-01, v62  }
0xce: {  	[tilespmem:v57+s21+$0x0] =	vst.idx.msk $0xffff, v20;
	v63 =	vmul.f32 $3.333333430e-01, v21  }
0xcf: {  	[tilespmem:v25+s21+$0x0] =	vst.idx.msk $0xffff, v18  }
0xd0: {  	s1 =	simm.s32 $0x1;
	p1 =	por $0x0, $0x0;
	[tilespmem:v19+s21+$0x0] =	vst.idx.msk $0xffff, v63  }
0xd1: {  	[hbm4b:s6+s22] =	stream.strided.scatter [tilespmem:s21], [sflag:$0x2], $0x1000, s23, s22, $0x38;
	[tilespmem:$0x1F080] =	vst v63  }
0xd2: {  	s0 =	simm.s32 $0x0;
	p1 =	por $0x1, $0x1  }
.LBB2_10:
0xd3: {  	s1 =	smul.u32 $0x810, s0;
	_ =	sdelay $0x1  }
0xd4: {  	s1 =	sshra.s32 s1, $0x2  }
0xd5: {  	s29 =	sadd.s32 $0x2E0E, s1  }
0xd6: {  	v18 =	vld [tilespmem:s29+$0x40A]  }
0xd7: {  	v19 =	vld [tilespmem:s29+$0x60A]  }
0xd8: {  	v20 =	vld [tilespmem:s29+$0x407]  }
0xd9: {  	v21 =	vld [tilespmem:s29+$0x60C]  }
0xda: {  	v22 =	vld [tilespmem:s29+$0xFFFFFFFF]  }
0xdb: {  	v23 =	vld [tilespmem:s29+$0x409]  }
0xdc: {  	v26 =	vld [tilespmem:s29+$0xFFFFFFFE]  }
0xdd: {  	v24 =	vld [tilespmem:s29+$0x408]  }
0xde: {  	v25 =	vld [tilespmem:s29+$0x204]  }
0xdf: {  	v27 =	vld [tilespmem:s29+$0x203]  }
0xe0: {  	v28 =	vld [tilespmem:s29+$0x205]  }
0xe1: {  	v29 =	vld [tilespmem:s29+$0x60D]  }
0xe2: {  	s5 =	smul.u32 $0x204, s0;
	v30 =	vld [tilespmem:s29+$0x206]  }
0xe3: {  	v31 =	vld [tilespmem:s29+$0x0]  }
0xe4: {  	s30 =	sadd.s32 $0x810, s5;
	v32 =	vld [tilespmem:s29+$0x202]  }
0xe5: {  	s1 =	sand.u32 $0x1FFC, s30;
	v33 =	vld [tilespmem:s29+$0xFFFFFDFD]  }
0xe6: {  	v34 =	vld [tilespmem:s1+$0x2600]  }
0xe7: {  	v37 =	vld [tilespmem:s29+$0xFFFFFDFB];
	v36 =	vshll.u32 v25, $0x8;
	v18 =	vshll.u32 v18, $0x4  }
0xe8: {  	v54 =	vld [tilespmem:s29+$0xFFFFFDFC];
	v24 =	vshll.u32 v24, $0x4;
	v28 =	vshll.u32 v28, $0x4;
	v18 =	vadd.s32 v36, v18  }
0xe9: {  	v38 =	vld [tilespmem:s29+$0x1];
	v20 =	vshll.u32 v20, $0x4;
	v28 =	vadd.s32 v36, v28;
	v29 =	vadd.s32 v29, v18  }
0xea: {  	v39 =	vld [tilespmem:s29+$0x60E];
	v20 =	vadd.s32 v36, v20;
	v18 =	vadd.s32 v36, v24;
	v24 =	vadd.s32 $0x10000, v29  }
0xeb: {  	s7 =	sshll.u32 s0, $0x1;
	v40 =	vld [tilespmem:s29+$0x60B];
	v19 =	vadd.s32 v19, v20;
	v18 =	vadd.s32 v21, v18;
	v21 =	vadd.s32 v30, v28  }
0xec: {  	v35 =	vmov s7;
	v55 =	vld [tilespmem:s29+$0x406];
	v42 =	vadd.s32 $0xA000, v19  }
0xed: {  	v25 =	vshll.u32 v35, $0x7;
	v30 =	vld [tilespmem:s29+$0xFFFFFDFA];
	v28 =	vshll.u32 v31, $0x4;
	v31 =	vadd.s32 $0x3000, v18  }
0xee: {  	v23 =	vshll.u32 v23, $0x4;
	v41 =	vadd.s32 $0x2000, v18;
	v20 =	vadd.s32 v36, v28;
	v28 =	vld [tilespmem:s29+$0xFFFFFDFE]  }
0xef: {  	v18 =	vbroadcast v25, $0x0;
	v48 =	vadd.s32 $0x1000, v21;
	v25 =	vadd.s32 v54, v20;
	v20 =	vld.idx.msk [tilespmem:v24+s17+$0x0], $0xffff  }
0xf0: {  	v27 =	vshll.u32 v27, $0x4;
	v23 =	vadd.s32 v36, v23;
	v43 =	vadd.s32 $0x6000, v25;
	v44 =	vld.idx.msk [tilespmem:v21+s17+$0x0], $0xffff  }
0xf1: {  	v39 =	vadd.s32 v39, v23;
	v56 =	vadd.s32 $0x7000, v25;
	v24 =	vadd.s32 v36, v27;
	v23 =	vld.idx.msk [tilespmem:v42+s17+$0x0], $0xffff  }
0xf2: {  	v27 =	vadd.s32 $0xB000, v19;
	v32 =	vadd.s32 v32, v24;
	v25 =	vld.idx.msk [tilespmem:v31+s17+$0x0], $0xffff  }
0xf3: {  	v58 =	vshll.u32 v22, $0x4;
	v19 =	vshll.u32 v38, $0x4;
	v41 =	vld.idx.msk [tilespmem:v41+s17+$0x0], $0xffff;
	v31 =	vadd.s32 $0x4000, v32  }
0xf4: {  	v22 =	vshll.u32 v33, $0x4;
	v50 =	vadd.s32 $0x9000, v39;
	v19 =	vadd.s32 v36, v19;
	v38 =	vld.idx.msk [tilespmem:v48+s17+$0x0], $0xffff  }
0xf5: {  	v26 =	vshll.u32 v26, $0x4;
	v46 =	vadd.s32 $0x8000, v39;
	v45 =	vadd.s32 v28, v19;
	v28 =	vld.idx.msk [tilespmem:v43+s17+$0x0], $0xffff  }
0xf6: {  	v61 =	vshll.u32 v40, $0x4;
	v59 =	vadd.s32 v36, v26;
	v47 =	vadd.s32 $0x11000, v29;
	v29 =	vld.idx.msk [tilespmem:v56+s17+$0x0], $0xffff  }
0xf7: {  	v22 =	vadd.s32 v36, v22;
	v63 =	vadd.s32 v37, v59;
	v60 =	vadd.s32 $0x5000, v32;
	v24 =	vld.idx.msk [tilespmem:v27+s17+$0x0], $0xffff  }
0xf8: {  	v39 =	vadd.s32 $0x14000, v63;
	v57 =	vadd.s32 $0xF000, v45;
	v27 =	vadd.s32 v36, v58;
	v49 =	vld.idx.msk [tilespmem:v31+s17+$0x0], $0xffff  }
0xf9: {  	v21 =	vadd.s32 v34, v22;
	v32 =	vadd.s32 v36, v61;
	v36 =	vld.idx.msk [tilespmem:v50+s17+$0x0], $0xffff;
	v27 =	vadd.s32 v30, v27  }
0xfa: {  	v22 =	vadd.s32 $0x16000, v21;
	v21 =	vadd.s32 $0x17000, v21;
	v31 =	vld.idx.msk [tilespmem:v46+s17+$0x0], $0xffff;
	v33 =	vadd.s32 $0xD000, v27  }
0xfb: {  	v19 =	vor.u32 $0x80, v18;
	v62 =	vadd.s32 v55, v32;
	v30 =	vadd.s32 $0xC000, v27;
	v27 =	vld.idx.msk [tilespmem:v47+s17+$0x0], $0xffff  }
0xfc: {  	v34 =	vadd.s32 $0xE000, v45;
	v37 =	vadd.s32 $0x13000, v62;
	v41 =	vadd.s32 v44, v41;
	v40 =	vld.idx.msk [tilespmem:v60+s17+$0x0], $0xffff  }
0xfd: {  	p0 =	por p1, p1;
	s31 =	simm.s32 $0x0;
	s1 =	simm.s32 $0x20;
	v32 =	vadd.s32 $0x15000, v63;
	v35 =	vadd.s32 $0x12000, v62;
	v26 =	vld.idx.msk [tilespmem:v57+s17+$0x0], $0xffff;
	v41 =	vadd.s32 v49, v41  }
.LBB2_11:
0xfe: {  	p1 =	sne.s32 s1, $0x3E0;
	v39 =	vld.idx.msk [tilespmem:v39+s17+$0x0], $0xffff;
	s30 =	sadd.s32 $0x10, s30;
	s29 =	sadd.s32 $0x10, s29  }
0xff: {  	s0 =	smov.u32 s1;
	s1 =	sadd.s32 $0x20, s1;
	v33 =	vld.idx.msk [tilespmem:v33+s17+$0x0], $0xffff  }
0x100: {  	v42 =	vmov s31;
	v30 =	vld.idx.msk [tilespmem:v30+s17+$0x0], $0xffff  }
0x101: {  	v42 =	vshll.u32 v42, $0x2;
	v37 =	vld.idx.msk [tilespmem:v37+s17+$0x0], $0xffff  }
0x102: {  	v28 =	vadd.s32 v28, v41;
	v25 =	vadd.s32 v38, v25;
	v38 =	vor.u32 s31, v11;
	v34 =	vld.idx.msk [tilespmem:v34+s17+$0x0], $0xffff  }
0x103: {  	v38 =	vand.u32 $0x7E, v38;
	v25 =	vadd.s32 v40, v25;
	v40 =	vor.u32 s31, v17;
	s31 =	smov.u32 s0;
	v35 =	vld.idx.msk [tilespmem:v35+s17+$0x0], $0xffff  }
0x104: {  	v25 =	vadd.s32 v29, v25;
	v40 =	vand.u32 $0x7F, v40;
	v29 =	vld.idx.msk [tilespmem:v32+s17+$0x0], $0xffff;
	v32 =	vand.u32 $0xE00, v42  }
0x105: {  	v28 =	vadd.s32 v31, v28;
	v25 =	vadd.s32 v36, v25;
	v22 =	vld.idx.msk [tilespmem:v22+s17+$0x0], $0xffff;
	v31 =	vor.u32 v18, v32  }
0x106: {  	v23 =	vadd.s32 v23, v28;
	v24 =	vadd.s32 v24, v25;
	v21 =	vld.idx.msk [tilespmem:v21+s17+$0x0], $0xffff;
	v25 =	vor.u32 v40, v31  }
0x107: {  	v23 =	vadd.s32 v30, v23;
	v28 =	vor.u32 v19, v32;
	v24 =	vadd.s32 v33, v24  }
0x108: {  	v30 =	vor.u32 v38, v31;
	v31 =	vor.u32 v28, v38;
	v23 =	vadd.s32 v34, v23  }
0x109: {  	v24 =	vadd.s32 v26, v24;
	v20 =	vadd.s32 v20, v23  }
0x10a: {  	v23 =	vadd.s32 v27, v24;
	v24 =	vor.u32 v28, v40;
	v20 =	vadd.s32 v35, v20  }
0x10b: {  	v23 =	vadd.s32 v37, v23;
	v20 =	vadd.s32 v39, v20  }
0x10c: {  	v23 =	vadd.s32 v29, v23;
	v20 =	vadd.s32 v22, v20  }
0x10d: {  	v21 =	vadd.s32 v21, v23;
	v22 =	vand.u32 $0xFFFF, v20;
	v20 =	vshrl.u32 v20, $0x10  }
0x10e: {  	v23 =	vand.u32 $0xFFFF, v21;
	v22 =	vcvt.s32.f32 v22;
	v20 =	vcvt.s32.f32 v20  }
0x10f: {  	v21 =	vshrl.u32 v21, $0x10;
	v23 =	vcvt.s32.f32 v23  }
0x110: {  	v21 =	vcvt.s32.f32 v21;
	v22 =	vadd.f32 $-2.457600000e+04, v22;
	v20 =	vadd.f32 $-2.457600000e+04, v20  }
0x111: {  	v23 =	vadd.f32 $-2.457600000e+04, v23  }
0x112: {  	v21 =	vadd.f32 $-2.457600000e+04, v21;
	v22 =	vmul.f32 $3.333333430e-01, v22  }
0x113: {  	v20 =	vmul.f32 $3.333333430e-01, v20  }
0x114: {  	[tilespmem:v30+s24+$0x0] =	vst.idx.msk $0xffff, v22;
	v22 =	vmul.f32 $3.333333430e-01, v23  }
0x115: {  	[tilespmem:v25+s24+$0x0] =	vst.idx.msk $0xffff, v20;
	v20 =	vmul.f32 $3.333333430e-01, v21  }
0x116: {  	[tilespmem:v31+s24+$0x0] =	vst.idx.msk $0xffff, v22  }
0x117: {  	[tilespmem:v24+s24+$0x0] =	vst.idx.msk $0xffff, v20  }
0x118: {  	v20 =	vld [tilespmem:s29+$0x40A]  }
0x119: {  	v21 =	vld [tilespmem:s29+$0x60A]  }
0x11a: {  	v22 =	vld [tilespmem:s29+$0x407]  }
0x11b: {  	v23 =	vld [tilespmem:s29+$0x60C]  }
0x11c: {  	v24 =	vld [tilespmem:s29+$0xFFFFFFFF]  }
0x11d: {  	v25 =	vld [tilespmem:s29+$0x409]  }
0x11e: {  	v26 =	vld [tilespmem:s29+$0xFFFFFFFE]  }
0x11f: {  	v27 =	vld [tilespmem:s29+$0x408]  }
0x120: {  	v28 =	vld [tilespmem:s29+$0x204]  }
0x121: {  	v29 =	vld [tilespmem:s29+$0x203];
	v24 =	vshll.u32 v24, $0x4  }
0x122: {  	v22 =	vshll.u32 v22, $0x4;
	v30 =	vld [tilespmem:s29+$0x205]  }
0x123: {  	v31 =	vld [tilespmem:s29+$0x60D]  }
0x124: {  	v32 =	vld [tilespmem:s29+$0x206]  }
0x125: {  	v25 =	vshll.u32 v25, $0x4;
	v33 =	vld [tilespmem:s29+$0x0]  }
0x126: {  	v26 =	vshll.u32 v26, $0x4;
	v27 =	vshll.u32 v27, $0x4;
	v34 =	vld [tilespmem:s29+$0x202]  }
0x127: {  	s0 =	sand.u32 $0x1FFC, s30;
	v20 =	vshll.u32 v20, $0x4;
	v28 =	vshll.u32 v28, $0x8;
	v30 =	vshll.u32 v30, $0x4;
	v35 =	vld [tilespmem:s29+$0xFFFFFDFD]  }
0x128: {  	v22 =	vadd.s32 v28, v22;
	v20 =	vadd.s32 v28, v20;
	v26 =	vadd.s32 v28, v26;
	v36 =	vld [tilespmem:s0+$0x2600]  }
0x129: {  	v27 =	vadd.s32 v28, v27;
	v29 =	vshll.u32 v29, $0x4;
	v31 =	vadd.s32 v31, v20;
	v37 =	vld [tilespmem:s29+$0xFFFFFDFB]  }
0x12a: {  	v20 =	vadd.s32 v23, v27;
	v23 =	vshll.u32 v33, $0x4;
	v27 =	vld [tilespmem:s29+$0xFFFFFDFC];
	v33 =	vadd.s32 $0x10000, v31  }
0x12b: {  	v29 =	vadd.s32 v28, v29;
	v38 =	vadd.s32 v21, v22;
	v30 =	vadd.s32 v28, v30;
	v39 =	vld [tilespmem:s29+$0x1]  }
0x12c: {  	v40 =	vadd.s32 $0xA000, v38;
	v29 =	vadd.s32 v34, v29;
	v34 =	vld [tilespmem:s29+$0x60E];
	v21 =	vshll.u32 v35, $0x4  }
0x12d: {  	v32 =	vadd.s32 v32, v30;
	v30 =	vadd.s32 $0x3000, v20;
	v35 =	vld [tilespmem:s29+$0xFFFFFDFA];
	v21 =	vadd.s32 v28, v21  }
0x12e: {  	v41 =	vadd.s32 $0x2000, v20;
	v20 =	vadd.s32 v28, v23;
	v23 =	vld [tilespmem:s29+$0x60B];
	v21 =	vadd.s32 v36, v21  }
0x12f: {  	v20 =	vadd.s32 v27, v20;
	v27 =	vld [tilespmem:s29+$0xFFFFFDFE];
	v22 =	vadd.s32 $0x16000, v21;
	v21 =	vadd.s32 $0x17000, v21  }
0x130: {  	v36 =	vadd.s32 $0x6000, v20;
	v42 =	vadd.s32 $0x7000, v20;
	v20 =	vadd.s32 v28, v25;
	v43 =	vld [tilespmem:s29+$0x406]  }
0x131: {  	v24 =	vadd.s32 v28, v24;
	v38 =	vadd.s32 $0xB000, v38;
	v44 =	vadd.s32 v34, v20;
	v20 =	vld.idx.msk [tilespmem:v33+s17+$0x0], $0xffff  }
0x132: {  	v34 =	vshll.u32 v39, $0x4;
	v45 =	vld.idx.msk [tilespmem:v32+s17+$0x0], $0xffff;
	v46 =	vadd.s32 $0x8000, v44;
	v24 =	vadd.s32 v35, v24  }
0x133: {  	v25 =	vld.idx.msk [tilespmem:v30+s17+$0x0], $0xffff;
	v30 =	vadd.s32 $0xC000, v24;
	v33 =	vadd.s32 $0xD000, v24;
	v24 =	vadd.s32 v28, v34  }
0x134: {  	v47 =	vadd.s32 $0x4000, v29;
	v41 =	vld.idx.msk [tilespmem:v41+s17+$0x0], $0xffff;
	v24 =	vadd.s32 v27, v24;
	v27 =	vshll.u32 v23, $0x4  }
0x135: {  	v23 =	vld.idx.msk [tilespmem:v40+s17+$0x0], $0xffff;
	v34 =	vadd.s32 $0xE000, v24;
	v40 =	vadd.s32 $0xF000, v24;
	v24 =	vadd.s32 v28, v27  }
0x136: {  	v27 =	vadd.s32 $0x11000, v31;
	v28 =	vld.idx.msk [tilespmem:v36+s17+$0x0], $0xffff;
	v31 =	vadd.s32 v43, v24  }
0x137: {  	v26 =	vadd.s32 v37, v26;
	v36 =	vadd.s32 $0x1000, v32;
	v43 =	vadd.s32 $0x5000, v29;
	v24 =	vld.idx.msk [tilespmem:v38+s17+$0x0], $0xffff  }
0x138: {  	v39 =	vadd.s32 $0x14000, v26;
	v32 =	vadd.s32 $0x15000, v26;
	v35 =	vadd.s32 $0x12000, v31;
	v29 =	vld.idx.msk [tilespmem:v42+s17+$0x0], $0xffff  }
0x139: {  	v44 =	vadd.s32 $0x9000, v44;
	v37 =	vadd.s32 $0x13000, v31;
	v42 =	vld.idx.msk [tilespmem:v47+s17+$0x0], $0xffff  }
0x13a: {  	v26 =	vld.idx.msk [tilespmem:v40+s17+$0x0], $0xffff  }
.Ltmp4:
0x13b: {  	v31 =	vld.idx.msk [tilespmem:v46+s17+$0x0], $0xffff;
	(pc) =	sbr.rel @p1 .LBB2_11-.Ltmp4, $4  }
0x13c: {  	v27 =	vld.idx.msk [tilespmem:v27+s17+$0x0], $0xffff  }
0x13d: {  	v38 =	vld.idx.msk [tilespmem:v36+s17+$0x0], $0xffff  }
0x13e: {  	v40 =	vadd.s32 v45, v41;
	v36 =	vld.idx.msk [tilespmem:v44+s17+$0x0], $0xffff  }
0x13f: {  	v41 =	vadd.s32 v42, v40;
	v40 =	vld.idx.msk [tilespmem:v43+s17+$0x0], $0xffff  }
0x140: {  	_ =	sdelay $0x3  }
0x141: {  	v39 =	vld.idx.msk [tilespmem:v39+s17+$0x0], $0xffff  }
0x142: {  	v30 =	vld.idx.msk [tilespmem:v30+s17+$0x0], $0xffff  }
0x143: {  	v34 =	vld.idx.msk [tilespmem:v34+s17+$0x0], $0xffff  }
0x144: {  	v33 =	vld.idx.msk [tilespmem:v33+s17+$0x0], $0xffff;
	v42 =	vmov s31;
	v28 =	vadd.s32 v28, v41;
	v25 =	vadd.s32 v38, v25  }
0x145: {  	v35 =	vld.idx.msk [tilespmem:v35+s17+$0x0], $0xffff;
	v51 =	vor.u32 s31, v11;
	v28 =	vadd.s32 v31, v28;
	v25 =	vadd.s32 v40, v25  }
0x146: {  	v50 =	vld.idx.msk [tilespmem:v37+s17+$0x0], $0xffff;
	v53 =	vor.u32 s31, v17;
	v23 =	vadd.s32 v23, v28;
	v25 =	vadd.s32 v29, v25  }
0x147: {  	v22 =	vld.idx.msk [tilespmem:v22+s17+$0x0], $0xffff;
	v49 =	vshll.u32 v42, $0x2;
	v23 =	vadd.s32 v30, v23;
	v25 =	vadd.s32 v36, v25  }
0x148: {  	v54 =	vld.idx.msk [tilespmem:v32+s17+$0x0], $0xffff;
	v52 =	vand.u32 $0x7E, v51;
	v23 =	vadd.s32 v34, v23;
	v24 =	vadd.s32 v24, v25  }
0x149: {  	v21 =	vld.idx.msk [tilespmem:v21+s17+$0x0], $0xffff;
	v56 =	vand.u32 $0x7F, v53;
	v20 =	vadd.s32 v20, v23;
	v24 =	vadd.s32 v33, v24  }
0x14a: {  	v55 =	vand.u32 $0xE00, v49;
	v20 =	vadd.s32 v35, v20;
	v24 =	vadd.s32 v26, v24  }
0x14b: {  	v18 =	vor.u32 v18, v55;
	v20 =	vadd.s32 v39, v20;
	v24 =	vadd.s32 v27, v24  }
0x14c: {  	v19 =	vor.u32 v19, v55;
	v20 =	vadd.s32 v22, v20;
	v24 =	vadd.s32 v50, v24  }
0x14d: {  	v57 =	vor.u32 v56, v18;
	v59 =	vand.u32 $0xFFFF, v20;
	v58 =	vadd.s32 v54, v24  }
0x14e: {  	v20 =	vshrl.u32 v20, $0x10;
	v60 =	vcvt.s32.f32 v59;
	v21 =	vadd.s32 v21, v58  }
0x14f: {  	v18 =	vor.u32 v52, v18;
	v20 =	vcvt.s32.f32 v20;
	v61 =	vand.u32 $0xFFFF, v21  }
0x150: {  	v21 =	vshrl.u32 v21, $0x10;
	v22 =	vadd.f32 $-2.457600000e+04, v60;
	v24 =	vcvt.s32.f32 v61  }
0x151: {  	v25 =	vor.u32 v19, v52;
	v20 =	vadd.f32 $-2.457600000e+04, v20;
	v21 =	vcvt.s32.f32 v21  }
0x152: {  	v19 =	vor.u32 v19, v56;
	v22 =	vmul.f32 $3.333333430e-01, v22;
	v62 =	vadd.f32 $-2.457600000e+04, v24  }
.Ltmp5:
0x153: {  	v20 =	vmul.f32 $3.333333430e-01, v20;
	v21 =	vadd.f32 $-2.457600000e+04, v21;
	(pc) =	sbr.rel @p0 .LBB2_10-.Ltmp5, $4  }
0x154: {  	[tilespmem:v18+s24+$0x0] =	vst.idx.msk $0xffff, v22;
	v18 =	vmul.f32 $3.333333430e-01, v62  }
0x155: {  	[tilespmem:v57+s24+$0x0] =	vst.idx.msk $0xffff, v20;
	v63 =	vmul.f32 $3.333333430e-01, v21  }
0x156: {  	[tilespmem:v25+s24+$0x0] =	vst.idx.msk $0xffff, v18  }
0x157: {  	s0 =	simm.s32 $0x1;
	p1 =	por $0x0, $0x0;
	[tilespmem:v19+s24+$0x0] =	vst.idx.msk $0xffff, v63  }
0x158: {  	s0 =	rddreg [dreg:$0x5]  }
0x159: {  	[hbm4b:s0+s22] =	stream.strided.scatter [tilespmem:s24], [sflag:$0x3], $0x1000, s23, s22, $0x38;
	[tilespmem:$0x1F080] =	vst v63  }
0x15a: {  	_ =	swait.ge [sflag:s25], $0x1000  }
0x15b: {  	[sflag:s25] =	ssyncset.done $0x0  }
0x15c: {  	p1 =	por $0x1, $0x1;
	s0 =	simm.s32 $0x0;
	[sflag:s25] =	ssyncadd.s32 $0xFFFFF000  }
.LBB2_14:
0x15d: {  	s1 =	smul.u32 $0x810, s0;
	_ =	sdelay $0x1  }
0x15e: {  	s1 =	sshra.s32 s1, $0x2  }
0x15f: {  	s29 =	sadd.s32 $0x3824, s1  }
0x160: {  	v18 =	vld [tilespmem:s29+$0xFFFFFDFC]  }
0x161: {  	v19 =	vld [tilespmem:s29+$0xFFFFFFFC]  }
0x162: {  	v20 =	vld [tilespmem:s29+$0xFFFFFDF9]  }
0x163: {  	v21 =	vld [tilespmem:s29+$0xFFFFFFFE]  }
0x164: {  	v22 =	vld [tilespmem:s29+$0xFFFFF9F1]  }
0x165: {  	v23 =	vld [tilespmem:s29+$0xFFFFFDFB]  }
0x166: {  	v26 =	vld [tilespmem:s29+$0xFFFFF9F0]  }
0x167: {  	v24 =	vld [tilespmem:s29+$0xFFFFFDFA]  }
0x168: {  	v25 =	vld [tilespmem:s29+$0xFFFFFBF6]  }
0x169: {  	v27 =	vld [tilespmem:s29+$0xFFFFFBF5]  }
0x16a: {  	v28 =	vld [tilespmem:s29+$0xFFFFFBF7]  }
0x16b: {  	v29 =	vld [tilespmem:s29+$0xFFFFFFFF]  }
0x16c: {  	s5 =	smul.u32 $0x204, s0;
	v30 =	vld [tilespmem:s29+$0xFFFFFBF8]  }
0x16d: {  	v31 =	vld [tilespmem:s29+$0xFFFFF9F2]  }
0x16e: {  	s30 =	sadd.s32 $0xC18, s5;
	v32 =	vld [tilespmem:s29+$0xFFFFFBF4]  }
0x16f: {  	s1 =	sand.u32 $0x3FFC, s30;
	v33 =	vld [tilespmem:s29+$0xFFFFF7EF]  }
0x170: {  	v34 =	vld [tilespmem:s1+$0x2600]  }
0x171: {  	v37 =	vld [tilespmem:s29+$0xFFFFF7ED];
	v36 =	vshll.u32 v25, $0x8;
	v18 =	vshll.u32 v18, $0x4  }
0x172: {  	v54 =	vld [tilespmem:s29+$0xFFFFF7EE];
	v24 =	vshll.u32 v24, $0x4;
	v28 =	vshll.u32 v28, $0x4;
	v18 =	vadd.s32 v36, v18  }
0x173: {  	v38 =	vld [tilespmem:s29+$0xFFFFF9F3];
	v20 =	vshll.u32 v20, $0x4;
	v28 =	vadd.s32 v36, v28;
	v29 =	vadd.s32 v29, v18  }
0x174: {  	v39 =	vld [tilespmem:s29+$0x0];
	v20 =	vadd.s32 v36, v20;
	v18 =	vadd.s32 v36, v24;
	v24 =	vadd.s32 $0x10000, v29  }
0x175: {  	s7 =	sshll.u32 s0, $0x1;
	v40 =	vld [tilespmem:s29+$0xFFFFFFFD];
	v19 =	vadd.s32 v19, v20;
	v18 =	vadd.s32 v21, v18;
	v21 =	vadd.s32 v30, v28  }
0x176: {  	v35 =	vmov s7;
	v55 =	vld [tilespmem:s29+$0xFFFFFDF8];
	v42 =	vadd.s32 $0xA000, v19  }
0x177: {  	v25 =	vshll.u32 v35, $0x7;
	v30 =	vld [tilespmem:s29+$0xFFFFF7EC];
	v28 =	vshll.u32 v31, $0x4;
	v31 =	vadd.s32 $0x3000, v18  }
0x178: {  	v23 =	vshll.u32 v23, $0x4;
	v41 =	vadd.s32 $0x2000, v18;
	v20 =	vadd.s32 v36, v28;
	v28 =	vld [tilespmem:s29+$0xFFFFF7F0]  }
0x179: {  	v18 =	vbroadcast v25, $0x0;
	v48 =	vadd.s32 $0x1000, v21;
	v25 =	vadd.s32 v54, v20;
	v20 =	vld.idx.msk [tilespmem:v24+s17+$0x0], $0xffff  }
0x17a: {  	v27 =	vshll.u32 v27, $0x4;
	v23 =	vadd.s32 v36, v23;
	v43 =	vadd.s32 $0x6000, v25;
	v44 =	vld.idx.msk [tilespmem:v21+s17+$0x0], $0xffff  }
0x17b: {  	v39 =	vadd.s32 v39, v23;
	v56 =	vadd.s32 $0x7000, v25;
	v24 =	vadd.s32 v36, v27;
	v23 =	vld.idx.msk [tilespmem:v42+s17+$0x0], $0xffff  }
0x17c: {  	v27 =	vadd.s32 $0xB000, v19;
	v32 =	vadd.s32 v32, v24;
	v25 =	vld.idx.msk [tilespmem:v31+s17+$0x0], $0xffff  }
0x17d: {  	v58 =	vshll.u32 v22, $0x4;
	v19 =	vshll.u32 v38, $0x4;
	v41 =	vld.idx.msk [tilespmem:v41+s17+$0x0], $0xffff;
	v31 =	vadd.s32 $0x4000, v32  }
0x17e: {  	v22 =	vshll.u32 v33, $0x4;
	v50 =	vadd.s32 $0x9000, v39;
	v19 =	vadd.s32 v36, v19;
	v38 =	vld.idx.msk [tilespmem:v48+s17+$0x0], $0xffff  }
0x17f: {  	v26 =	vshll.u32 v26, $0x4;
	v46 =	vadd.s32 $0x8000, v39;
	v45 =	vadd.s32 v28, v19;
	v28 =	vld.idx.msk [tilespmem:v43+s17+$0x0], $0xffff  }
0x180: {  	v61 =	vshll.u32 v40, $0x4;
	v59 =	vadd.s32 v36, v26;
	v47 =	vadd.s32 $0x11000, v29;
	v29 =	vld.idx.msk [tilespmem:v56+s17+$0x0], $0xffff  }
0x181: {  	v22 =	vadd.s32 v36, v22;
	v63 =	vadd.s32 v37, v59;
	v60 =	vadd.s32 $0x5000, v32;
	v24 =	vld.idx.msk [tilespmem:v27+s17+$0x0], $0xffff  }
0x182: {  	v39 =	vadd.s32 $0x14000, v63;
	v57 =	vadd.s32 $0xF000, v45;
	v27 =	vadd.s32 v36, v58;
	v49 =	vld.idx.msk [tilespmem:v31+s17+$0x0], $0xffff  }
0x183: {  	v21 =	vadd.s32 v34, v22;
	v32 =	vadd.s32 v36, v61;
	v36 =	vld.idx.msk [tilespmem:v50+s17+$0x0], $0xffff;
	v27 =	vadd.s32 v30, v27  }
0x184: {  	v22 =	vadd.s32 $0x16000, v21;
	v21 =	vadd.s32 $0x17000, v21;
	v31 =	vld.idx.msk [tilespmem:v46+s17+$0x0], $0xffff;
	v33 =	vadd.s32 $0xD000, v27  }
0x185: {  	v19 =	vor.u32 $0x80, v18;
	v62 =	vadd.s32 v55, v32;
	v30 =	vadd.s32 $0xC000, v27;
	v27 =	vld.idx.msk [tilespmem:v47+s17+$0x0], $0xffff  }
0x186: {  	v34 =	vadd.s32 $0xE000, v45;
	v37 =	vadd.s32 $0x13000, v62;
	v41 =	vadd.s32 v44, v41;
	v40 =	vld.idx.msk [tilespmem:v60+s17+$0x0], $0xffff  }
0x187: {  	p0 =	por p1, p1;
	s31 =	simm.s32 $0x0;
	s1 =	simm.s32 $0x20;
	v32 =	vadd.s32 $0x15000, v63;
	v35 =	vadd.s32 $0x12000, v62;
	v26 =	vld.idx.msk [tilespmem:v57+s17+$0x0], $0xffff;
	v41 =	vadd.s32 v49, v41  }
.LBB2_15:
0x188: {  	p1 =	sne.s32 s1, $0x3E0;
	v39 =	vld.idx.msk [tilespmem:v39+s17+$0x0], $0xffff;
	s30 =	sadd.s32 $0x10, s30;
	s29 =	sadd.s32 $0x10, s29  }
0x189: {  	s0 =	smov.u32 s1;
	s1 =	sadd.s32 $0x20, s1;
	v33 =	vld.idx.msk [tilespmem:v33+s17+$0x0], $0xffff  }
0x18a: {  	v42 =	vmov s31;
	v30 =	vld.idx.msk [tilespmem:v30+s17+$0x0], $0xffff  }
0x18b: {  	v42 =	vshll.u32 v42, $0x2;
	v37 =	vld.idx.msk [tilespmem:v37+s17+$0x0], $0xffff  }
0x18c: {  	v28 =	vadd.s32 v28, v41;
	v25 =	vadd.s32 v38, v25;
	v38 =	vor.u32 s31, v11;
	v34 =	vld.idx.msk [tilespmem:v34+s17+$0x0], $0xffff  }
0x18d: {  	v38 =	vand.u32 $0x7E, v38;
	v25 =	vadd.s32 v40, v25;
	v40 =	vor.u32 s31, v17;
	s31 =	smov.u32 s0;
	v35 =	vld.idx.msk [tilespmem:v35+s17+$0x0], $0xffff  }
0x18e: {  	v25 =	vadd.s32 v29, v25;
	v40 =	vand.u32 $0x7F, v40;
	v29 =	vld.idx.msk [tilespmem:v32+s17+$0x0], $0xffff;
	v32 =	vand.u32 $0xE00, v42  }
0x18f: {  	v28 =	vadd.s32 v31, v28;
	v25 =	vadd.s32 v36, v25;
	v22 =	vld.idx.msk [tilespmem:v22+s17+$0x0], $0xffff;
	v31 =	vor.u32 v18, v32  }
0x190: {  	v23 =	vadd.s32 v23, v28;
	v24 =	vadd.s32 v24, v25;
	v21 =	vld.idx.msk [tilespmem:v21+s17+$0x0], $0xffff;
	v25 =	vor.u32 v40, v31  }
0x191: {  	v23 =	vadd.s32 v30, v23;
	v28 =	vor.u32 v19, v32;
	v24 =	vadd.s32 v33, v24  }
0x192: {  	v30 =	vor.u32 v38, v31;
	v31 =	vor.u32 v28, v38;
	v23 =	vadd.s32 v34, v23  }
0x193: {  	v24 =	vadd.s32 v26, v24;
	v20 =	vadd.s32 v20, v23  }
0x194: {  	v23 =	vadd.s32 v27, v24;
	v24 =	vor.u32 v28, v40;
	v20 =	vadd.s32 v35, v20  }
0x195: {  	v23 =	vadd.s32 v37, v23;
	v20 =	vadd.s32 v39, v20  }
0x196: {  	v23 =	vadd.s32 v29, v23;
	v20 =	vadd.s32 v22, v20  }
0x197: {  	v21 =	vadd.s32 v21, v23;
	v22 =	vand.u32 $0xFFFF, v20;
	v20 =	vshrl.u32 v20, $0x10  }
0x198: {  	v23 =	vand.u32 $0xFFFF, v21;
	v22 =	vcvt.s32.f32 v22;
	v20 =	vcvt.s32.f32 v20  }
0x199: {  	v21 =	vshrl.u32 v21, $0x10;
	v23 =	vcvt.s32.f32 v23  }
0x19a: {  	v21 =	vcvt.s32.f32 v21;
	v22 =	vadd.f32 $-2.457600000e+04, v22;
	v20 =	vadd.f32 $-2.457600000e+04, v20  }
0x19b: {  	v23 =	vadd.f32 $-2.457600000e+04, v23  }
0x19c: {  	v21 =	vadd.f32 $-2.457600000e+04, v21;
	v22 =	vmul.f32 $3.333333430e-01, v22  }
0x19d: {  	v20 =	vmul.f32 $3.333333430e-01, v20  }
0x19e: {  	[tilespmem:v30+s21+$0x0] =	vst.idx.msk $0xffff, v22;
	v22 =	vmul.f32 $3.333333430e-01, v23  }
0x19f: {  	[tilespmem:v25+s21+$0x0] =	vst.idx.msk $0xffff, v20;
	v20 =	vmul.f32 $3.333333430e-01, v21  }
0x1a0: {  	[tilespmem:v31+s21+$0x0] =	vst.idx.msk $0xffff, v22  }
0x1a1: {  	[tilespmem:v24+s21+$0x0] =	vst.idx.msk $0xffff, v20  }
0x1a2: {  	v20 =	vld [tilespmem:s29+$0xFFFFFDFC]  }
0x1a3: {  	v21 =	vld [tilespmem:s29+$0xFFFFFFFC]  }
0x1a4: {  	v22 =	vld [tilespmem:s29+$0xFFFFFDF9]  }
0x1a5: {  	v23 =	vld [tilespmem:s29+$0xFFFFFFFE]  }
0x1a6: {  	v24 =	vld [tilespmem:s29+$0xFFFFF9F1]  }
0x1a7: {  	v25 =	vld [tilespmem:s29+$0xFFFFFDFB]  }
0x1a8: {  	v26 =	vld [tilespmem:s29+$0xFFFFF9F0]  }
0x1a9: {  	v27 =	vld [tilespmem:s29+$0xFFFFFDFA]  }
0x1aa: {  	v28 =	vld [tilespmem:s29+$0xFFFFFBF6]  }
0x1ab: {  	v29 =	vld [tilespmem:s29+$0xFFFFFBF5];
	v24 =	vshll.u32 v24, $0x4  }
0x1ac: {  	v22 =	vshll.u32 v22, $0x4;
	v30 =	vld [tilespmem:s29+$0xFFFFFBF7]  }
0x1ad: {  	v31 =	vld [tilespmem:s29+$0xFFFFFFFF]  }
0x1ae: {  	v32 =	vld [tilespmem:s29+$0xFFFFFBF8]  }
0x1af: {  	v25 =	vshll.u32 v25, $0x4;
	v33 =	vld [tilespmem:s29+$0xFFFFF9F2]  }
0x1b0: {  	v26 =	vshll.u32 v26, $0x4;
	v27 =	vshll.u32 v27, $0x4;
	v34 =	vld [tilespmem:s29+$0xFFFFFBF4]  }
0x1b1: {  	s0 =	sand.u32 $0x3FFC, s30;
	v20 =	vshll.u32 v20, $0x4;
	v28 =	vshll.u32 v28, $0x8;
	v30 =	vshll.u32 v30, $0x4;
	v35 =	vld [tilespmem:s29+$0xFFFFF7EF]  }
0x1b2: {  	v22 =	vadd.s32 v28, v22;
	v20 =	vadd.s32 v28, v20;
	v26 =	vadd.s32 v28, v26;
	v36 =	vld [tilespmem:s0+$0x2600]  }
0x1b3: {  	v27 =	vadd.s32 v28, v27;
	v29 =	vshll.u32 v29, $0x4;
	v31 =	vadd.s32 v31, v20;
	v37 =	vld [tilespmem:s29+$0xFFFFF7ED]  }
0x1b4: {  	v20 =	vadd.s32 v23, v27;
	v23 =	vshll.u32 v33, $0x4;
	v27 =	vld [tilespmem:s29+$0xFFFFF7EE];
	v33 =	vadd.s32 $0x10000, v31  }
0x1b5: {  	v29 =	vadd.s32 v28, v29;
	v38 =	vadd.s32 v21, v22;
	v30 =	vadd.s32 v28, v30;
	v39 =	vld [tilespmem:s29+$0xFFFFF9F3]  }
0x1b6: {  	v40 =	vadd.s32 $0xA000, v38;
	v29 =	vadd.s32 v34, v29;
	v34 =	vld [tilespmem:s29+$0x0];
	v21 =	vshll.u32 v35, $0x4  }
0x1b7: {  	v32 =	vadd.s32 v32, v30;
	v30 =	vadd.s32 $0x3000, v20;
	v35 =	vld [tilespmem:s29+$0xFFFFF7EC];
	v21 =	vadd.s32 v28, v21  }
0x1b8: {  	v41 =	vadd.s32 $0x2000, v20;
	v20 =	vadd.s32 v28, v23;
	v23 =	vld [tilespmem:s29+$0xFFFFFFFD];
	v21 =	vadd.s32 v36, v21  }
0x1b9: {  	v20 =	vadd.s32 v27, v20;
	v27 =	vld [tilespmem:s29+$0xFFFFF7F0];
	v22 =	vadd.s32 $0x16000, v21;
	v21 =	vadd.s32 $0x17000, v21  }
0x1ba: {  	v36 =	vadd.s32 $0x6000, v20;
	v42 =	vadd.s32 $0x7000, v20;
	v20 =	vadd.s32 v28, v25;
	v43 =	vld [tilespmem:s29+$0xFFFFFDF8]  }
0x1bb: {  	v24 =	vadd.s32 v28, v24;
	v38 =	vadd.s32 $0xB000, v38;
	v44 =	vadd.s32 v34, v20;
	v20 =	vld.idx.msk [tilespmem:v33+s17+$0x0], $0xffff  }
0x1bc: {  	v34 =	vshll.u32 v39, $0x4;
	v45 =	vld.idx.msk [tilespmem:v32+s17+$0x0], $0xffff;
	v46 =	vadd.s32 $0x8000, v44;
	v24 =	vadd.s32 v35, v24  }
0x1bd: {  	v25 =	vld.idx.msk [tilespmem:v30+s17+$0x0], $0xffff;
	v30 =	vadd.s32 $0xC000, v24;
	v33 =	vadd.s32 $0xD000, v24;
	v24 =	vadd.s32 v28, v34  }
0x1be: {  	v47 =	vadd.s32 $0x4000, v29;
	v41 =	vld.idx.msk [tilespmem:v41+s17+$0x0], $0xffff;
	v24 =	vadd.s32 v27, v24;
	v27 =	vshll.u32 v23, $0x4  }
0x1bf: {  	v23 =	vld.idx.msk [tilespmem:v40+s17+$0x0], $0xffff;
	v34 =	vadd.s32 $0xE000, v24;
	v40 =	vadd.s32 $0xF000, v24;
	v24 =	vadd.s32 v28, v27  }
0x1c0: {  	v27 =	vadd.s32 $0x11000, v31;
	v28 =	vld.idx.msk [tilespmem:v36+s17+$0x0], $0xffff;
	v31 =	vadd.s32 v43, v24  }
0x1c1: {  	v26 =	vadd.s32 v37, v26;
	v36 =	vadd.s32 $0x1000, v32;
	v43 =	vadd.s32 $0x5000, v29;
	v24 =	vld.idx.msk [tilespmem:v38+s17+$0x0], $0xffff  }
0x1c2: {  	v39 =	vadd.s32 $0x14000, v26;
	v32 =	vadd.s32 $0x15000, v26;
	v35 =	vadd.s32 $0x12000, v31;
	v29 =	vld.idx.msk [tilespmem:v42+s17+$0x0], $0xffff  }
0x1c3: {  	v44 =	vadd.s32 $0x9000, v44;
	v37 =	vadd.s32 $0x13000, v31;
	v42 =	vld.idx.msk [tilespmem:v47+s17+$0x0], $0xffff  }
0x1c4: {  	v26 =	vld.idx.msk [tilespmem:v40+s17+$0x0], $0xffff  }
.Ltmp6:
0x1c5: {  	v31 =	vld.idx.msk [tilespmem:v46+s17+$0x0], $0xffff;
	(pc) =	sbr.rel @p1 .LBB2_15-.Ltmp6, $4  }
0x1c6: {  	v27 =	vld.idx.msk [tilespmem:v27+s17+$0x0], $0xffff  }
0x1c7: {  	v38 =	vld.idx.msk [tilespmem:v36+s17+$0x0], $0xffff  }
0x1c8: {  	v40 =	vadd.s32 v45, v41;
	v36 =	vld.idx.msk [tilespmem:v44+s17+$0x0], $0xffff  }
0x1c9: {  	v41 =	vadd.s32 v42, v40;
	v40 =	vld.idx.msk [tilespmem:v43+s17+$0x0], $0xffff  }
0x1ca: {  	_ =	sdelay $0x3  }
0x1cb: {  	v39 =	vld.idx.msk [tilespmem:v39+s17+$0x0], $0xffff  }
0x1cc: {  	v30 =	vld.idx.msk [tilespmem:v30+s17+$0x0], $0xffff  }
0x1cd: {  	v34 =	vld.idx.msk [tilespmem:v34+s17+$0x0], $0xffff  }
0x1ce: {  	v33 =	vld.idx.msk [tilespmem:v33+s17+$0x0], $0xffff;
	v42 =	vmov s31;
	v28 =	vadd.s32 v28, v41;
	v25 =	vadd.s32 v38, v25  }
0x1cf: {  	v35 =	vld.idx.msk [tilespmem:v35+s17+$0x0], $0xffff;
	v51 =	vor.u32 s31, v11;
	v28 =	vadd.s32 v31, v28;
	v25 =	vadd.s32 v40, v25  }
0x1d0: {  	v50 =	vld.idx.msk [tilespmem:v37+s17+$0x0], $0xffff;
	v53 =	vor.u32 s31, v17;
	v23 =	vadd.s32 v23, v28;
	v25 =	vadd.s32 v29, v25  }
0x1d1: {  	v22 =	vld.idx.msk [tilespmem:v22+s17+$0x0], $0xffff;
	v49 =	vshll.u32 v42, $0x2;
	v23 =	vadd.s32 v30, v23;
	v25 =	vadd.s32 v36, v25  }
0x1d2: {  	v54 =	vld.idx.msk [tilespmem:v32+s17+$0x0], $0xffff;
	v52 =	vand.u32 $0x7E, v51;
	v23 =	vadd.s32 v34, v23;
	v24 =	vadd.s32 v24, v25  }
0x1d3: {  	v21 =	vld.idx.msk [tilespmem:v21+s17+$0x0], $0xffff;
	v56 =	vand.u32 $0x7F, v53;
	v20 =	vadd.s32 v20, v23;
	v24 =	vadd.s32 v33, v24  }
0x1d4: {  	v55 =	vand.u32 $0xE00, v49;
	v20 =	vadd.s32 v35, v20;
	v24 =	vadd.s32 v26, v24  }
0x1d5: {  	v18 =	vor.u32 v18, v55;
	v20 =	vadd.s32 v39, v20;
	v24 =	vadd.s32 v27, v24  }
0x1d6: {  	v19 =	vor.u32 v19, v55;
	v20 =	vadd.s32 v22, v20;
	v24 =	vadd.s32 v50, v24  }
0x1d7: {  	v57 =	vor.u32 v56, v18;
	v59 =	vand.u32 $0xFFFF, v20;
	v58 =	vadd.s32 v54, v24  }
0x1d8: {  	v20 =	vshrl.u32 v20, $0x10;
	v60 =	vcvt.s32.f32 v59;
	v21 =	vadd.s32 v21, v58  }
0x1d9: {  	v18 =	vor.u32 v52, v18;
	v20 =	vcvt.s32.f32 v20;
	v61 =	vand.u32 $0xFFFF, v21  }
0x1da: {  	v21 =	vshrl.u32 v21, $0x10;
	v22 =	vadd.f32 $-2.457600000e+04, v60;
	v24 =	vcvt.s32.f32 v61  }
0x1db: {  	v25 =	vor.u32 v19, v52;
	v20 =	vadd.f32 $-2.457600000e+04, v20;
	v21 =	vcvt.s32.f32 v21  }
0x1dc: {  	v19 =	vor.u32 v19, v56;
	v22 =	vmul.f32 $3.333333430e-01, v22;
	v62 =	vadd.f32 $-2.457600000e+04, v24  }
.Ltmp7:
0x1dd: {  	v20 =	vmul.f32 $3.333333430e-01, v20;
	v21 =	vadd.f32 $-2.457600000e+04, v21;
	(pc) =	sbr.rel @p0 .LBB2_14-.Ltmp7, $4  }
0x1de: {  	[tilespmem:v18+s21+$0x0] =	vst.idx.msk $0xffff, v22;
	v18 =	vmul.f32 $3.333333430e-01, v62  }
0x1df: {  	[tilespmem:v57+s21+$0x0] =	vst.idx.msk $0xffff, v20;
	v63 =	vmul.f32 $3.333333430e-01, v21  }
0x1e0: {  	[tilespmem:v25+s21+$0x0] =	vst.idx.msk $0xffff, v18  }
0x1e1: {  	s0 =	simm.s32 $0x1;
	p1 =	por $0x0, $0x0;
	[tilespmem:v19+s21+$0x0] =	vst.idx.msk $0xffff, v63  }
0x1e2: {  	[hbm4b:s8+s22] =	stream.strided.scatter [tilespmem:s21], [sflag:$0x2], $0x1000, s23, s22, $0x38;
	[tilespmem:$0x1F080] =	vst v63  }
0x1e3: {  	_ =	swait.ge [sflag:s26], $0x1000  }
0x1e4: {  	[sflag:s26] =	ssyncset.done $0x0  }
0x1e5: {  	s0 =	simm.s32 $0x0;
	p1 =	por $0x1, $0x1;
	[sflag:s26] =	ssyncadd.s32 $0xFFFFF000  }
.LBB2_18:
0x1e6: {  	s1 =	smul.u32 $0x810, s0;
	_ =	sdelay $0x1  }
0x1e7: {  	s1 =	sshra.s32 s1, $0x2  }
0x1e8: {  	s29 =	sadd.s32 $0x3C2C, s1  }
0x1e9: {  	v18 =	vld [tilespmem:s29+$0xFFFFFDFC]  }
0x1ea: {  	v19 =	vld [tilespmem:s29+$0xFFFFFFFC]  }
0x1eb: {  	v20 =	vld [tilespmem:s29+$0xFFFFFDF9]  }
0x1ec: {  	v21 =	vld [tilespmem:s29+$0xFFFFFFFE]  }
0x1ed: {  	v22 =	vld [tilespmem:s29+$0xFFFFF9F1]  }
0x1ee: {  	v23 =	vld [tilespmem:s29+$0xFFFFFDFB]  }
0x1ef: {  	v26 =	vld [tilespmem:s29+$0xFFFFF9F0]  }
0x1f0: {  	v24 =	vld [tilespmem:s29+$0xFFFFFDFA]  }
0x1f1: {  	v25 =	vld [tilespmem:s29+$0xFFFFFBF6]  }
0x1f2: {  	v27 =	vld [tilespmem:s29+$0xFFFFFBF5]  }
0x1f3: {  	v28 =	vld [tilespmem:s29+$0xFFFFFBF7]  }
0x1f4: {  	v29 =	vld [tilespmem:s29+$0xFFFFFFFF]  }
0x1f5: {  	s5 =	smul.u32 $0x204, s0;
	v30 =	vld [tilespmem:s29+$0xFFFFFBF8]  }
0x1f6: {  	v31 =	vld [tilespmem:s29+$0xFFFFF9F2]  }
0x1f7: {  	s30 =	sadd.s32 $0x1020, s5;
	v32 =	vld [tilespmem:s29+$0xFFFFFBF4]  }
0x1f8: {  	s1 =	sand.u32 $0x1FFC, s30;
	v33 =	vld [tilespmem:s29+$0xFFFFF7EF]  }
0x1f9: {  	v34 =	vld [tilespmem:s1+$0x2600]  }
0x1fa: {  	v37 =	vld [tilespmem:s29+$0xFFFFF7ED];
	v36 =	vshll.u32 v25, $0x8;
	v18 =	vshll.u32 v18, $0x4  }
0x1fb: {  	v54 =	vld [tilespmem:s29+$0xFFFFF7EE];
	v24 =	vshll.u32 v24, $0x4;
	v28 =	vshll.u32 v28, $0x4;
	v18 =	vadd.s32 v36, v18  }
0x1fc: {  	v38 =	vld [tilespmem:s29+$0xFFFFF9F3];
	v20 =	vshll.u32 v20, $0x4;
	v28 =	vadd.s32 v36, v28;
	v29 =	vadd.s32 v29, v18  }
0x1fd: {  	v39 =	vld [tilespmem:s29+$0x0];
	v20 =	vadd.s32 v36, v20;
	v18 =	vadd.s32 v36, v24;
	v24 =	vadd.s32 $0x10000, v29  }
0x1fe: {  	s7 =	sshll.u32 s0, $0x1;
	v40 =	vld [tilespmem:s29+$0xFFFFFFFD];
	v19 =	vadd.s32 v19, v20;
	v18 =	vadd.s32 v21, v18;
	v21 =	vadd.s32 v30, v28  }
0x1ff: {  	v35 =	vmov s7;
	v55 =	vld [tilespmem:s29+$0xFFFFFDF8];
	v42 =	vadd.s32 $0xA000, v19  }
0x200: {  	v25 =	vshll.u32 v35, $0x7;
	v30 =	vld [tilespmem:s29+$0xFFFFF7EC];
	v28 =	vshll.u32 v31, $0x4;
	v31 =	vadd.s32 $0x3000, v18  }
0x201: {  	v23 =	vshll.u32 v23, $0x4;
	v41 =	vadd.s32 $0x2000, v18;
	v20 =	vadd.s32 v36, v28;
	v28 =	vld [tilespmem:s29+$0xFFFFF7F0]  }
0x202: {  	v18 =	vbroadcast v25, $0x0;
	v48 =	vadd.s32 $0x1000, v21;
	v25 =	vadd.s32 v54, v20;
	v20 =	vld.idx.msk [tilespmem:v24+s17+$0x0], $0xffff  }
0x203: {  	v27 =	vshll.u32 v27, $0x4;
	v23 =	vadd.s32 v36, v23;
	v43 =	vadd.s32 $0x6000, v25;
	v44 =	vld.idx.msk [tilespmem:v21+s17+$0x0], $0xffff  }
0x204: {  	v39 =	vadd.s32 v39, v23;
	v56 =	vadd.s32 $0x7000, v25;
	v24 =	vadd.s32 v36, v27;
	v23 =	vld.idx.msk [tilespmem:v42+s17+$0x0], $0xffff  }
0x205: {  	v27 =	vadd.s32 $0xB000, v19;
	v32 =	vadd.s32 v32, v24;
	v25 =	vld.idx.msk [tilespmem:v31+s17+$0x0], $0xffff  }
0x206: {  	v58 =	vshll.u32 v22, $0x4;
	v19 =	vshll.u32 v38, $0x4;
	v41 =	vld.idx.msk [tilespmem:v41+s17+$0x0], $0xffff;
	v31 =	vadd.s32 $0x4000, v32  }
0x207: {  	v22 =	vshll.u32 v33, $0x4;
	v50 =	vadd.s32 $0x9000, v39;
	v19 =	vadd.s32 v36, v19;
	v38 =	vld.idx.msk [tilespmem:v48+s17+$0x0], $0xffff  }
0x208: {  	v26 =	vshll.u32 v26, $0x4;
	v46 =	vadd.s32 $0x8000, v39;
	v45 =	vadd.s32 v28, v19;
	v28 =	vld.idx.msk [tilespmem:v43+s17+$0x0], $0xffff  }
0x209: {  	v61 =	vshll.u32 v40, $0x4;
	v59 =	vadd.s32 v36, v26;
	v47 =	vadd.s32 $0x11000, v29;
	v29 =	vld.idx.msk [tilespmem:v56+s17+$0x0], $0xffff  }
0x20a: {  	v22 =	vadd.s32 v36, v22;
	v63 =	vadd.s32 v37, v59;
	v60 =	vadd.s32 $0x5000, v32;
	v24 =	vld.idx.msk [tilespmem:v27+s17+$0x0], $0xffff  }
0x20b: {  	v39 =	vadd.s32 $0x14000, v63;
	v57 =	vadd.s32 $0xF000, v45;
	v27 =	vadd.s32 v36, v58;
	v49 =	vld.idx.msk [tilespmem:v31+s17+$0x0], $0xffff  }
0x20c: {  	v21 =	vadd.s32 v34, v22;
	v32 =	vadd.s32 v36, v61;
	v36 =	vld.idx.msk [tilespmem:v50+s17+$0x0], $0xffff;
	v27 =	vadd.s32 v30, v27  }
0x20d: {  	v22 =	vadd.s32 $0x16000, v21;
	v21 =	vadd.s32 $0x17000, v21;
	v31 =	vld.idx.msk [tilespmem:v46+s17+$0x0], $0xffff;
	v33 =	vadd.s32 $0xD000, v27  }
0x20e: {  	v19 =	vor.u32 $0x80, v18;
	v62 =	vadd.s32 v55, v32;
	v30 =	vadd.s32 $0xC000, v27;
	v27 =	vld.idx.msk [tilespmem:v47+s17+$0x0], $0xffff  }
0x20f: {  	v34 =	vadd.s32 $0xE000, v45;
	v37 =	vadd.s32 $0x13000, v62;
	v41 =	vadd.s32 v44, v41;
	v40 =	vld.idx.msk [tilespmem:v60+s17+$0x0], $0xffff  }
0x210: {  	p0 =	por p1, p1;
	s31 =	simm.s32 $0x0;
	s1 =	simm.s32 $0x20;
	v32 =	vadd.s32 $0x15000, v63;
	v35 =	vadd.s32 $0x12000, v62;
	v26 =	vld.idx.msk [tilespmem:v57+s17+$0x0], $0xffff;
	v41 =	vadd.s32 v49, v41  }
.LBB2_19:
0x211: {  	p1 =	sne.s32 s1, $0x3E0;
	v39 =	vld.idx.msk [tilespmem:v39+s17+$0x0], $0xffff;
	s30 =	sadd.s32 $0x10, s30;
	s29 =	sadd.s32 $0x10, s29  }
0x212: {  	s0 =	smov.u32 s1;
	s1 =	sadd.s32 $0x20, s1;
	v33 =	vld.idx.msk [tilespmem:v33+s17+$0x0], $0xffff  }
0x213: {  	v42 =	vmov s31;
	v30 =	vld.idx.msk [tilespmem:v30+s17+$0x0], $0xffff  }
0x214: {  	v42 =	vshll.u32 v42, $0x2;
	v37 =	vld.idx.msk [tilespmem:v37+s17+$0x0], $0xffff  }
0x215: {  	v28 =	vadd.s32 v28, v41;
	v25 =	vadd.s32 v38, v25;
	v38 =	vor.u32 s31, v11;
	v34 =	vld.idx.msk [tilespmem:v34+s17+$0x0], $0xffff  }
0x216: {  	v38 =	vand.u32 $0x7E, v38;
	v25 =	vadd.s32 v40, v25;
	v40 =	vor.u32 s31, v17;
	s31 =	smov.u32 s0;
	v35 =	vld.idx.msk [tilespmem:v35+s17+$0x0], $0xffff  }
0x217: {  	v25 =	vadd.s32 v29, v25;
	v40 =	vand.u32 $0x7F, v40;
	v29 =	vld.idx.msk [tilespmem:v32+s17+$0x0], $0xffff;
	v32 =	vand.u32 $0xE00, v42  }
0x218: {  	v28 =	vadd.s32 v31, v28;
	v25 =	vadd.s32 v36, v25;
	v22 =	vld.idx.msk [tilespmem:v22+s17+$0x0], $0xffff;
	v31 =	vor.u32 v18, v32  }
0x219: {  	v23 =	vadd.s32 v23, v28;
	v24 =	vadd.s32 v24, v25;
	v21 =	vld.idx.msk [tilespmem:v21+s17+$0x0], $0xffff;
	v25 =	vor.u32 v40, v31  }
0x21a: {  	v23 =	vadd.s32 v30, v23;
	v28 =	vor.u32 v19, v32;
	v24 =	vadd.s32 v33, v24  }
0x21b: {  	v30 =	vor.u32 v38, v31;
	v31 =	vor.u32 v28, v38;
	v23 =	vadd.s32 v34, v23  }
0x21c: {  	v24 =	vadd.s32 v26, v24;
	v20 =	vadd.s32 v20, v23  }
0x21d: {  	v23 =	vadd.s32 v27, v24;
	v24 =	vor.u32 v28, v40;
	v20 =	vadd.s32 v35, v20  }
0x21e: {  	v23 =	vadd.s32 v37, v23;
	v20 =	vadd.s32 v39, v20  }
0x21f: {  	v23 =	vadd.s32 v29, v23;
	v20 =	vadd.s32 v22, v20  }
0x220: {  	v21 =	vadd.s32 v21, v23;
	v22 =	vand.u32 $0xFFFF, v20;
	v20 =	vshrl.u32 v20, $0x10  }
0x221: {  	v23 =	vand.u32 $0xFFFF, v21;
	v22 =	vcvt.s32.f32 v22;
	v20 =	vcvt.s32.f32 v20  }
0x222: {  	v21 =	vshrl.u32 v21, $0x10;
	v23 =	vcvt.s32.f32 v23  }
0x223: {  	v21 =	vcvt.s32.f32 v21;
	v22 =	vadd.f32 $-2.457600000e+04, v22;
	v20 =	vadd.f32 $-2.457600000e+04, v20  }
0x224: {  	v23 =	vadd.f32 $-2.457600000e+04, v23  }
0x225: {  	v21 =	vadd.f32 $-2.457600000e+04, v21;
	v22 =	vmul.f32 $3.333333430e-01, v22  }
0x226: {  	v20 =	vmul.f32 $3.333333430e-01, v20  }
0x227: {  	[tilespmem:v30+s24+$0x0] =	vst.idx.msk $0xffff, v22;
	v22 =	vmul.f32 $3.333333430e-01, v23  }
0x228: {  	[tilespmem:v25+s24+$0x0] =	vst.idx.msk $0xffff, v20;
	v20 =	vmul.f32 $3.333333430e-01, v21  }
0x229: {  	[tilespmem:v31+s24+$0x0] =	vst.idx.msk $0xffff, v22  }
0x22a: {  	[tilespmem:v24+s24+$0x0] =	vst.idx.msk $0xffff, v20  }
0x22b: {  	v20 =	vld [tilespmem:s29+$0xFFFFFDFC]  }
0x22c: {  	v21 =	vld [tilespmem:s29+$0xFFFFFFFC]  }
0x22d: {  	v22 =	vld [tilespmem:s29+$0xFFFFFDF9]  }
0x22e: {  	v23 =	vld [tilespmem:s29+$0xFFFFFFFE]  }
0x22f: {  	v24 =	vld [tilespmem:s29+$0xFFFFF9F1]  }
0x230: {  	v25 =	vld [tilespmem:s29+$0xFFFFFDFB]  }
0x231: {  	v26 =	vld [tilespmem:s29+$0xFFFFF9F0]  }
0x232: {  	v27 =	vld [tilespmem:s29+$0xFFFFFDFA]  }
0x233: {  	v28 =	vld [tilespmem:s29+$0xFFFFFBF6]  }
0x234: {  	v29 =	vld [tilespmem:s29+$0xFFFFFBF5];
	v24 =	vshll.u32 v24, $0x4  }
0x235: {  	v22 =	vshll.u32 v22, $0x4;
	v30 =	vld [tilespmem:s29+$0xFFFFFBF7]  }
0x236: {  	v31 =	vld [tilespmem:s29+$0xFFFFFFFF]  }
0x237: {  	v32 =	vld [tilespmem:s29+$0xFFFFFBF8]  }
0x238: {  	v25 =	vshll.u32 v25, $0x4;
	v33 =	vld [tilespmem:s29+$0xFFFFF9F2]  }
0x239: {  	v26 =	vshll.u32 v26, $0x4;
	v27 =	vshll.u32 v27, $0x4;
	v34 =	vld [tilespmem:s29+$0xFFFFFBF4]  }
0x23a: {  	s0 =	sand.u32 $0x1FFC, s30;
	v20 =	vshll.u32 v20, $0x4;
	v28 =	vshll.u32 v28, $0x8;
	v30 =	vshll.u32 v30, $0x4;
	v35 =	vld [tilespmem:s29+$0xFFFFF7EF]  }
0x23b: {  	v22 =	vadd.s32 v28, v22;
	v20 =	vadd.s32 v28, v20;
	v26 =	vadd.s32 v28, v26;
	v36 =	vld [tilespmem:s0+$0x2600]  }
0x23c: {  	v27 =	vadd.s32 v28, v27;
	v29 =	vshll.u32 v29, $0x4;
	v31 =	vadd.s32 v31, v20;
	v37 =	vld [tilespmem:s29+$0xFFFFF7ED]  }
0x23d: {  	v20 =	vadd.s32 v23, v27;
	v23 =	vshll.u32 v33, $0x4;
	v27 =	vld [tilespmem:s29+$0xFFFFF7EE];
	v33 =	vadd.s32 $0x10000, v31  }
0x23e: {  	v29 =	vadd.s32 v28, v29;
	v38 =	vadd.s32 v21, v22;
	v30 =	vadd.s32 v28, v30;
	v39 =	vld [tilespmem:s29+$0xFFFFF9F3]  }
0x23f: {  	v40 =	vadd.s32 $0xA000, v38;
	v29 =	vadd.s32 v34, v29;
	v34 =	vld [tilespmem:s29+$0x0];
	v21 =	vshll.u32 v35, $0x4  }
0x240: {  	v32 =	vadd.s32 v32, v30;
	v30 =	vadd.s32 $0x3000, v20;
	v35 =	vld [tilespmem:s29+$0xFFFFF7EC];
	v21 =	vadd.s32 v28, v21  }
0x241: {  	v41 =	vadd.s32 $0x2000, v20;
	v20 =	vadd.s32 v28, v23;
	v23 =	vld [tilespmem:s29+$0xFFFFFFFD];
	v21 =	vadd.s32 v36, v21  }
0x242: {  	v20 =	vadd.s32 v27, v20;
	v27 =	vld [tilespmem:s29+$0xFFFFF7F0];
	v22 =	vadd.s32 $0x16000, v21;
	v21 =	vadd.s32 $0x17000, v21  }
0x243: {  	v36 =	vadd.s32 $0x6000, v20;
	v42 =	vadd.s32 $0x7000, v20;
	v20 =	vadd.s32 v28, v25;
	v43 =	vld [tilespmem:s29+$0xFFFFFDF8]  }
0x244: {  	v24 =	vadd.s32 v28, v24;
	v38 =	vadd.s32 $0xB000, v38;
	v44 =	vadd.s32 v34, v20;
	v20 =	vld.idx.msk [tilespmem:v33+s17+$0x0], $0xffff  }
0x245: {  	v34 =	vshll.u32 v39, $0x4;
	v45 =	vld.idx.msk [tilespmem:v32+s17+$0x0], $0xffff;
	v46 =	vadd.s32 $0x8000, v44;
	v24 =	vadd.s32 v35, v24  }
0x246: {  	v25 =	vld.idx.msk [tilespmem:v30+s17+$0x0], $0xffff;
	v30 =	vadd.s32 $0xC000, v24;
	v33 =	vadd.s32 $0xD000, v24;
	v24 =	vadd.s32 v28, v34  }
0x247: {  	v47 =	vadd.s32 $0x4000, v29;
	v41 =	vld.idx.msk [tilespmem:v41+s17+$0x0], $0xffff;
	v24 =	vadd.s32 v27, v24;
	v27 =	vshll.u32 v23, $0x4  }
0x248: {  	v23 =	vld.idx.msk [tilespmem:v40+s17+$0x0], $0xffff;
	v34 =	vadd.s32 $0xE000, v24;
	v40 =	vadd.s32 $0xF000, v24;
	v24 =	vadd.s32 v28, v27  }
0x249: {  	v27 =	vadd.s32 $0x11000, v31;
	v28 =	vld.idx.msk [tilespmem:v36+s17+$0x0], $0xffff;
	v31 =	vadd.s32 v43, v24  }
0x24a: {  	v26 =	vadd.s32 v37, v26;
	v36 =	vadd.s32 $0x1000, v32;
	v43 =	vadd.s32 $0x5000, v29;
	v24 =	vld.idx.msk [tilespmem:v38+s17+$0x0], $0xffff  }
0x24b: {  	v39 =	vadd.s32 $0x14000, v26;
	v32 =	vadd.s32 $0x15000, v26;
	v35 =	vadd.s32 $0x12000, v31;
	v29 =	vld.idx.msk [tilespmem:v42+s17+$0x0], $0xffff  }
0x24c: {  	v44 =	vadd.s32 $0x9000, v44;
	v37 =	vadd.s32 $0x13000, v31;
	v42 =	vld.idx.msk [tilespmem:v47+s17+$0x0], $0xffff  }
0x24d: {  	v26 =	vld.idx.msk [tilespmem:v40+s17+$0x0], $0xffff  }
.Ltmp8:
0x24e: {  	v31 =	vld.idx.msk [tilespmem:v46+s17+$0x0], $0xffff;
	(pc) =	sbr.rel @p1 .LBB2_19-.Ltmp8, $4  }
0x24f: {  	v27 =	vld.idx.msk [tilespmem:v27+s17+$0x0], $0xffff  }
0x250: {  	v38 =	vld.idx.msk [tilespmem:v36+s17+$0x0], $0xffff  }
0x251: {  	v40 =	vadd.s32 v45, v41;
	v36 =	vld.idx.msk [tilespmem:v44+s17+$0x0], $0xffff  }
0x252: {  	v41 =	vadd.s32 v42, v40;
	v40 =	vld.idx.msk [tilespmem:v43+s17+$0x0], $0xffff  }
0x253: {  	_ =	sdelay $0x3  }
0x254: {  	v39 =	vld.idx.msk [tilespmem:v39+s17+$0x0], $0xffff  }
0x255: {  	v30 =	vld.idx.msk [tilespmem:v30+s17+$0x0], $0xffff  }
0x256: {  	v34 =	vld.idx.msk [tilespmem:v34+s17+$0x0], $0xffff  }
0x257: {  	v33 =	vld.idx.msk [tilespmem:v33+s17+$0x0], $0xffff;
	v42 =	vmov s31;
	v28 =	vadd.s32 v28, v41;
	v25 =	vadd.s32 v38, v25  }
0x258: {  	v35 =	vld.idx.msk [tilespmem:v35+s17+$0x0], $0xffff;
	v51 =	vor.u32 s31, v11;
	v28 =	vadd.s32 v31, v28;
	v25 =	vadd.s32 v40, v25  }
0x259: {  	v50 =	vld.idx.msk [tilespmem:v37+s17+$0x0], $0xffff;
	v53 =	vor.u32 s31, v17;
	v23 =	vadd.s32 v23, v28;
	v25 =	vadd.s32 v29, v25  }
0x25a: {  	v22 =	vld.idx.msk [tilespmem:v22+s17+$0x0], $0xffff;
	v49 =	vshll.u32 v42, $0x2;
	v23 =	vadd.s32 v30, v23;
	v25 =	vadd.s32 v36, v25  }
0x25b: {  	v54 =	vld.idx.msk [tilespmem:v32+s17+$0x0], $0xffff;
	v52 =	vand.u32 $0x7E, v51;
	v23 =	vadd.s32 v34, v23;
	v24 =	vadd.s32 v24, v25  }
0x25c: {  	v21 =	vld.idx.msk [tilespmem:v21+s17+$0x0], $0xffff;
	v56 =	vand.u32 $0x7F, v53;
	v20 =	vadd.s32 v20, v23;
	v24 =	vadd.s32 v33, v24  }
0x25d: {  	v55 =	vand.u32 $0xE00, v49;
	v20 =	vadd.s32 v35, v20;
	v24 =	vadd.s32 v26, v24  }
0x25e: {  	v18 =	vor.u32 v18, v55;
	v20 =	vadd.s32 v39, v20;
	v24 =	vadd.s32 v27, v24  }
0x25f: {  	v19 =	vor.u32 v19, v55;
	v20 =	vadd.s32 v22, v20;
	v24 =	vadd.s32 v50, v24  }
0x260: {  	v57 =	vor.u32 v56, v18;
	v59 =	vand.u32 $0xFFFF, v20;
	v58 =	vadd.s32 v54, v24  }
0x261: {  	v20 =	vshrl.u32 v20, $0x10;
	v60 =	vcvt.s32.f32 v59;
	v21 =	vadd.s32 v21, v58  }
0x262: {  	v18 =	vor.u32 v52, v18;
	v20 =	vcvt.s32.f32 v20;
	v61 =	vand.u32 $0xFFFF, v21  }
0x263: {  	v21 =	vshrl.u32 v21, $0x10;
	v22 =	vadd.f32 $-2.457600000e+04, v60;
	v24 =	vcvt.s32.f32 v61  }
0x264: {  	v25 =	vor.u32 v19, v52;
	v20 =	vadd.f32 $-2.457600000e+04, v20;
	v21 =	vcvt.s32.f32 v21  }
0x265: {  	v19 =	vor.u32 v19, v56;
	v22 =	vmul.f32 $3.333333430e-01, v22;
	v62 =	vadd.f32 $-2.457600000e+04, v24  }
.Ltmp9:
0x266: {  	v20 =	vmul.f32 $3.333333430e-01, v20;
	v21 =	vadd.f32 $-2.457600000e+04, v21;
	(pc) =	sbr.rel @p0 .LBB2_18-.Ltmp9, $4  }
0x267: {  	[tilespmem:v18+s24+$0x0] =	vst.idx.msk $0xffff, v22;
	v18 =	vmul.f32 $3.333333430e-01, v62  }
0x268: {  	[tilespmem:v57+s24+$0x0] =	vst.idx.msk $0xffff, v20;
	v63 =	vmul.f32 $3.333333430e-01, v21  }
0x269: {  	[tilespmem:v25+s24+$0x0] =	vst.idx.msk $0xffff, v18  }
0x26a: {  	s0 =	simm.s32 $0x1;
	p1 =	por $0x0, $0x0;
	[tilespmem:v19+s24+$0x0] =	vst.idx.msk $0xffff, v63  }
0x26b: {  	[hbm4b:s9+s22] =	stream.strided.scatter [tilespmem:s24], [sflag:$0x3], $0x1000, s23, s22, $0x38;
	[tilespmem:$0x1F080] =	vst v63  }
0x26c: {  	_ =	swait.ge [sflag:s25], $0x1000  }
0x26d: {  	[sflag:s25] =	ssyncset.done $0x0  }
0x26e: {  	s0 =	simm.s32 $0x0;
	p1 =	por $0x1, $0x1;
	[sflag:s25] =	ssyncadd.s32 $0xFFFFF000  }
.LBB2_22:
0x26f: {  	s1 =	smul.u32 $0x810, s0;
	_ =	sdelay $0x1  }
0x270: {  	s1 =	sshra.s32 s1, $0x2  }
0x271: {  	s29 =	sadd.s32 $0x4034, s1  }
0x272: {  	v18 =	vld [tilespmem:s29+$0xFFFFFDFC]  }
0x273: {  	v19 =	vld [tilespmem:s29+$0xFFFFFFFC]  }
0x274: {  	v20 =	vld [tilespmem:s29+$0xFFFFFDF9]  }
0x275: {  	v21 =	vld [tilespmem:s29+$0xFFFFFFFE]  }
0x276: {  	v22 =	vld [tilespmem:s29+$0xFFFFF9F1]  }
0x277: {  	v23 =	vld [tilespmem:s29+$0xFFFFFDFB]  }
0x278: {  	v26 =	vld [tilespmem:s29+$0xFFFFF9F0]  }
0x279: {  	v24 =	vld [tilespmem:s29+$0xFFFFFDFA]  }
0x27a: {  	v25 =	vld [tilespmem:s29+$0xFFFFFBF6]  }
0x27b: {  	v27 =	vld [tilespmem:s29+$0xFFFFFBF5]  }
0x27c: {  	v28 =	vld [tilespmem:s29+$0xFFFFFBF7]  }
0x27d: {  	v29 =	vld [tilespmem:s29+$0xFFFFFFFF]  }
0x27e: {  	s5 =	smul.u32 $0x204, s0;
	v30 =	vld [tilespmem:s29+$0xFFFFFBF8]  }
0x27f: {  	v31 =	vld [tilespmem:s29+$0xFFFFF9F2]  }
0x280: {  	s30 =	sadd.s32 $0x1428, s5;
	v32 =	vld [tilespmem:s29+$0xFFFFFBF4]  }
0x281: {  	s1 =	sand.u32 $0x3FFC, s30;
	v33 =	vld [tilespmem:s29+$0xFFFFF7EF]  }
0x282: {  	v34 =	vld [tilespmem:s1+$0x2600]  }
0x283: {  	v37 =	vld [tilespmem:s29+$0xFFFFF7ED];
	v36 =	vshll.u32 v25, $0x8;
	v18 =	vshll.u32 v18, $0x4  }
0x284: {  	v54 =	vld [tilespmem:s29+$0xFFFFF7EE];
	v24 =	vshll.u32 v24, $0x4;
	v28 =	vshll.u32 v28, $0x4;
	v18 =	vadd.s32 v36, v18  }
0x285: {  	v38 =	vld [tilespmem:s29+$0xFFFFF9F3];
	v20 =	vshll.u32 v20, $0x4;
	v28 =	vadd.s32 v36, v28;
	v29 =	vadd.s32 v29, v18  }
0x286: {  	v39 =	vld [tilespmem:s29+$0x0];
	v20 =	vadd.s32 v36, v20;
	v18 =	vadd.s32 v36, v24;
	v24 =	vadd.s32 $0x10000, v29  }
0x287: {  	s7 =	sshll.u32 s0, $0x1;
	v40 =	vld [tilespmem:s29+$0xFFFFFFFD];
	v19 =	vadd.s32 v19, v20;
	v18 =	vadd.s32 v21, v18;
	v21 =	vadd.s32 v30, v28  }
0x288: {  	v35 =	vmov s7;
	v55 =	vld [tilespmem:s29+$0xFFFFFDF8];
	v42 =	vadd.s32 $0xA000, v19  }
0x289: {  	v25 =	vshll.u32 v35, $0x7;
	v30 =	vld [tilespmem:s29+$0xFFFFF7EC];
	v28 =	vshll.u32 v31, $0x4;
	v31 =	vadd.s32 $0x3000, v18  }
0x28a: {  	v23 =	vshll.u32 v23, $0x4;
	v41 =	vadd.s32 $0x2000, v18;
	v20 =	vadd.s32 v36, v28;
	v28 =	vld [tilespmem:s29+$0xFFFFF7F0]  }
0x28b: {  	v18 =	vbroadcast v25, $0x0;
	v48 =	vadd.s32 $0x1000, v21;
	v25 =	vadd.s32 v54, v20;
	v20 =	vld.idx.msk [tilespmem:v24+s17+$0x0], $0xffff  }
0x28c: {  	v27 =	vshll.u32 v27, $0x4;
	v23 =	vadd.s32 v36, v23;
	v43 =	vadd.s32 $0x6000, v25;
	v44 =	vld.idx.msk [tilespmem:v21+s17+$0x0], $0xffff  }
0x28d: {  	v39 =	vadd.s32 v39, v23;
	v56 =	vadd.s32 $0x7000, v25;
	v24 =	vadd.s32 v36, v27;
	v23 =	vld.idx.msk [tilespmem:v42+s17+$0x0], $0xffff  }
0x28e: {  	v27 =	vadd.s32 $0xB000, v19;
	v32 =	vadd.s32 v32, v24;
	v25 =	vld.idx.msk [tilespmem:v31+s17+$0x0], $0xffff  }
0x28f: {  	v58 =	vshll.u32 v22, $0x4;
	v19 =	vshll.u32 v38, $0x4;
	v41 =	vld.idx.msk [tilespmem:v41+s17+$0x0], $0xffff;
	v31 =	vadd.s32 $0x4000, v32  }
0x290: {  	v22 =	vshll.u32 v33, $0x4;
	v50 =	vadd.s32 $0x9000, v39;
	v19 =	vadd.s32 v36, v19;
	v38 =	vld.idx.msk [tilespmem:v48+s17+$0x0], $0xffff  }
0x291: {  	v26 =	vshll.u32 v26, $0x4;
	v46 =	vadd.s32 $0x8000, v39;
	v45 =	vadd.s32 v28, v19;
	v28 =	vld.idx.msk [tilespmem:v43+s17+$0x0], $0xffff  }
0x292: {  	v61 =	vshll.u32 v40, $0x4;
	v59 =	vadd.s32 v36, v26;
	v47 =	vadd.s32 $0x11000, v29;
	v29 =	vld.idx.msk [tilespmem:v56+s17+$0x0], $0xffff  }
0x293: {  	v22 =	vadd.s32 v36, v22;
	v63 =	vadd.s32 v37, v59;
	v60 =	vadd.s32 $0x5000, v32;
	v24 =	vld.idx.msk [tilespmem:v27+s17+$0x0], $0xffff  }
0x294: {  	v39 =	vadd.s32 $0x14000, v63;
	v57 =	vadd.s32 $0xF000, v45;
	v27 =	vadd.s32 v36, v58;
	v49 =	vld.idx.msk [tilespmem:v31+s17+$0x0], $0xffff  }
0x295: {  	v21 =	vadd.s32 v34, v22;
	v32 =	vadd.s32 v36, v61;
	v36 =	vld.idx.msk [tilespmem:v50+s17+$0x0], $0xffff;
	v27 =	vadd.s32 v30, v27  }
0x296: {  	v22 =	vadd.s32 $0x16000, v21;
	v21 =	vadd.s32 $0x17000, v21;
	v31 =	vld.idx.msk [tilespmem:v46+s17+$0x0], $0xffff;
	v33 =	vadd.s32 $0xD000, v27  }
0x297: {  	v19 =	vor.u32 $0x80, v18;
	v62 =	vadd.s32 v55, v32;
	v30 =	vadd.s32 $0xC000, v27;
	v27 =	vld.idx.msk [tilespmem:v47+s17+$0x0], $0xffff  }
0x298: {  	v34 =	vadd.s32 $0xE000, v45;
	v37 =	vadd.s32 $0x13000, v62;
	v41 =	vadd.s32 v44, v41;
	v40 =	vld.idx.msk [tilespmem:v60+s17+$0x0], $0xffff  }
0x299: {  	p0 =	por p1, p1;
	s31 =	simm.s32 $0x0;
	s1 =	simm.s32 $0x20;
	v32 =	vadd.s32 $0x15000, v63;
	v35 =	vadd.s32 $0x12000, v62;
	v26 =	vld.idx.msk [tilespmem:v57+s17+$0x0], $0xffff;
	v41 =	vadd.s32 v49, v41  }
.LBB2_23:
0x29a: {  	p1 =	sne.s32 s1, $0x3E0;
	v39 =	vld.idx.msk [tilespmem:v39+s17+$0x0], $0xffff;
	s30 =	sadd.s32 $0x10, s30;
	s29 =	sadd.s32 $0x10, s29  }
0x29b: {  	s0 =	smov.u32 s1;
	s1 =	sadd.s32 $0x20, s1;
	v33 =	vld.idx.msk [tilespmem:v33+s17+$0x0], $0xffff  }
0x29c: {  	v42 =	vmov s31;
	v30 =	vld.idx.msk [tilespmem:v30+s17+$0x0], $0xffff  }
0x29d: {  	v42 =	vshll.u32 v42, $0x2;
	v37 =	vld.idx.msk [tilespmem:v37+s17+$0x0], $0xffff  }
0x29e: {  	v28 =	vadd.s32 v28, v41;
	v25 =	vadd.s32 v38, v25;
	v38 =	vor.u32 s31, v11;
	v34 =	vld.idx.msk [tilespmem:v34+s17+$0x0], $0xffff  }
0x29f: {  	v38 =	vand.u32 $0x7E, v38;
	v25 =	vadd.s32 v40, v25;
	v40 =	vor.u32 s31, v17;
	s31 =	smov.u32 s0;
	v35 =	vld.idx.msk [tilespmem:v35+s17+$0x0], $0xffff  }
0x2a0: {  	v25 =	vadd.s32 v29, v25;
	v40 =	vand.u32 $0x7F, v40;
	v29 =	vld.idx.msk [tilespmem:v32+s17+$0x0], $0xffff;
	v32 =	vand.u32 $0xE00, v42  }
0x2a1: {  	v28 =	vadd.s32 v31, v28;
	v25 =	vadd.s32 v36, v25;
	v22 =	vld.idx.msk [tilespmem:v22+s17+$0x0], $0xffff;
	v31 =	vor.u32 v18, v32  }
0x2a2: {  	v23 =	vadd.s32 v23, v28;
	v24 =	vadd.s32 v24, v25;
	v21 =	vld.idx.msk [tilespmem:v21+s17+$0x0], $0xffff;
	v25 =	vor.u32 v40, v31  }
0x2a3: {  	v23 =	vadd.s32 v30, v23;
	v28 =	vor.u32 v19, v32;
	v24 =	vadd.s32 v33, v24  }
0x2a4: {  	v30 =	vor.u32 v38, v31;
	v31 =	vor.u32 v28, v38;
	v23 =	vadd.s32 v34, v23  }
0x2a5: {  	v24 =	vadd.s32 v26, v24;
	v20 =	vadd.s32 v20, v23  }
0x2a6: {  	v23 =	vadd.s32 v27, v24;
	v24 =	vor.u32 v28, v40;
	v20 =	vadd.s32 v35, v20  }
0x2a7: {  	v23 =	vadd.s32 v37, v23;
	v20 =	vadd.s32 v39, v20  }
0x2a8: {  	v23 =	vadd.s32 v29, v23;
	v20 =	vadd.s32 v22, v20  }
0x2a9: {  	v21 =	vadd.s32 v21, v23;
	v22 =	vand.u32 $0xFFFF, v20;
	v20 =	vshrl.u32 v20, $0x10  }
0x2aa: {  	v23 =	vand.u32 $0xFFFF, v21;
	v22 =	vcvt.s32.f32 v22;
	v20 =	vcvt.s32.f32 v20  }
0x2ab: {  	v21 =	vshrl.u32 v21, $0x10;
	v23 =	vcvt.s32.f32 v23  }
0x2ac: {  	v21 =	vcvt.s32.f32 v21;
	v22 =	vadd.f32 $-2.457600000e+04, v22;
	v20 =	vadd.f32 $-2.457600000e+04, v20  }
0x2ad: {  	v23 =	vadd.f32 $-2.457600000e+04, v23  }
0x2ae: {  	v21 =	vadd.f32 $-2.457600000e+04, v21;
	v22 =	vmul.f32 $3.333333430e-01, v22  }
0x2af: {  	v20 =	vmul.f32 $3.333333430e-01, v20  }
0x2b0: {  	[tilespmem:v30+s21+$0x0] =	vst.idx.msk $0xffff, v22;
	v22 =	vmul.f32 $3.333333430e-01, v23  }
0x2b1: {  	[tilespmem:v25+s21+$0x0] =	vst.idx.msk $0xffff, v20;
	v20 =	vmul.f32 $3.333333430e-01, v21  }
0x2b2: {  	[tilespmem:v31+s21+$0x0] =	vst.idx.msk $0xffff, v22  }
0x2b3: {  	[tilespmem:v24+s21+$0x0] =	vst.idx.msk $0xffff, v20  }
0x2b4: {  	v20 =	vld [tilespmem:s29+$0xFFFFFDFC]  }
0x2b5: {  	v21 =	vld [tilespmem:s29+$0xFFFFFFFC]  }
0x2b6: {  	v22 =	vld [tilespmem:s29+$0xFFFFFDF9]  }
0x2b7: {  	v23 =	vld [tilespmem:s29+$0xFFFFFFFE]  }
0x2b8: {  	v24 =	vld [tilespmem:s29+$0xFFFFF9F1]  }
0x2b9: {  	v25 =	vld [tilespmem:s29+$0xFFFFFDFB]  }
0x2ba: {  	v26 =	vld [tilespmem:s29+$0xFFFFF9F0]  }
0x2bb: {  	v27 =	vld [tilespmem:s29+$0xFFFFFDFA]  }
0x2bc: {  	v28 =	vld [tilespmem:s29+$0xFFFFFBF6]  }
0x2bd: {  	v29 =	vld [tilespmem:s29+$0xFFFFFBF5];
	v24 =	vshll.u32 v24, $0x4  }
0x2be: {  	v22 =	vshll.u32 v22, $0x4;
	v30 =	vld [tilespmem:s29+$0xFFFFFBF7]  }
0x2bf: {  	v31 =	vld [tilespmem:s29+$0xFFFFFFFF]  }
0x2c0: {  	v32 =	vld [tilespmem:s29+$0xFFFFFBF8]  }
0x2c1: {  	v25 =	vshll.u32 v25, $0x4;
	v33 =	vld [tilespmem:s29+$0xFFFFF9F2]  }
0x2c2: {  	v26 =	vshll.u32 v26, $0x4;
	v27 =	vshll.u32 v27, $0x4;
	v34 =	vld [tilespmem:s29+$0xFFFFFBF4]  }
0x2c3: {  	s0 =	sand.u32 $0x3FFC, s30;
	v20 =	vshll.u32 v20, $0x4;
	v28 =	vshll.u32 v28, $0x8;
	v30 =	vshll.u32 v30, $0x4;
	v35 =	vld [tilespmem:s29+$0xFFFFF7EF]  }
0x2c4: {  	v22 =	vadd.s32 v28, v22;
	v20 =	vadd.s32 v28, v20;
	v26 =	vadd.s32 v28, v26;
	v36 =	vld [tilespmem:s0+$0x2600]  }
0x2c5: {  	v27 =	vadd.s32 v28, v27;
	v29 =	vshll.u32 v29, $0x4;
	v31 =	vadd.s32 v31, v20;
	v37 =	vld [tilespmem:s29+$0xFFFFF7ED]  }
0x2c6: {  	v20 =	vadd.s32 v23, v27;
	v23 =	vshll.u32 v33, $0x4;
	v27 =	vld [tilespmem:s29+$0xFFFFF7EE];
	v33 =	vadd.s32 $0x10000, v31  }
0x2c7: {  	v29 =	vadd.s32 v28, v29;
	v38 =	vadd.s32 v21, v22;
	v30 =	vadd.s32 v28, v30;
	v39 =	vld [tilespmem:s29+$0xFFFFF9F3]  }
0x2c8: {  	v40 =	vadd.s32 $0xA000, v38;
	v29 =	vadd.s32 v34, v29;
	v34 =	vld [tilespmem:s29+$0x0];
	v21 =	vshll.u32 v35, $0x4  }
0x2c9: {  	v32 =	vadd.s32 v32, v30;
	v30 =	vadd.s32 $0x3000, v20;
	v35 =	vld [tilespmem:s29+$0xFFFFF7EC];
	v21 =	vadd.s32 v28, v21  }
0x2ca: {  	v41 =	vadd.s32 $0x2000, v20;
	v20 =	vadd.s32 v28, v23;
	v23 =	vld [tilespmem:s29+$0xFFFFFFFD];
	v21 =	vadd.s32 v36, v21  }
0x2cb: {  	v20 =	vadd.s32 v27, v20;
	v27 =	vld [tilespmem:s29+$0xFFFFF7F0];
	v22 =	vadd.s32 $0x16000, v21;
	v21 =	vadd.s32 $0x17000, v21  }
0x2cc: {  	v36 =	vadd.s32 $0x6000, v20;
	v42 =	vadd.s32 $0x7000, v20;
	v20 =	vadd.s32 v28, v25;
	v43 =	vld [tilespmem:s29+$0xFFFFFDF8]  }
0x2cd: {  	v24 =	vadd.s32 v28, v24;
	v38 =	vadd.s32 $0xB000, v38;
	v44 =	vadd.s32 v34, v20;
	v20 =	vld.idx.msk [tilespmem:v33+s17+$0x0], $0xffff  }
0x2ce: {  	v34 =	vshll.u32 v39, $0x4;
	v45 =	vld.idx.msk [tilespmem:v32+s17+$0x0], $0xffff;
	v46 =	vadd.s32 $0x8000, v44;
	v24 =	vadd.s32 v35, v24  }
0x2cf: {  	v25 =	vld.idx.msk [tilespmem:v30+s17+$0x0], $0xffff;
	v30 =	vadd.s32 $0xC000, v24;
	v33 =	vadd.s32 $0xD000, v24;
	v24 =	vadd.s32 v28, v34  }
0x2d0: {  	v47 =	vadd.s32 $0x4000, v29;
	v41 =	vld.idx.msk [tilespmem:v41+s17+$0x0], $0xffff;
	v24 =	vadd.s32 v27, v24;
	v27 =	vshll.u32 v23, $0x4  }
0x2d1: {  	v23 =	vld.idx.msk [tilespmem:v40+s17+$0x0], $0xffff;
	v34 =	vadd.s32 $0xE000, v24;
	v40 =	vadd.s32 $0xF000, v24;
	v24 =	vadd.s32 v28, v27  }
0x2d2: {  	v27 =	vadd.s32 $0x11000, v31;
	v28 =	vld.idx.msk [tilespmem:v36+s17+$0x0], $0xffff;
	v31 =	vadd.s32 v43, v24  }
0x2d3: {  	v26 =	vadd.s32 v37, v26;
	v36 =	vadd.s32 $0x1000, v32;
	v43 =	vadd.s32 $0x5000, v29;
	v24 =	vld.idx.msk [tilespmem:v38+s17+$0x0], $0xffff  }
0x2d4: {  	v39 =	vadd.s32 $0x14000, v26;
	v32 =	vadd.s32 $0x15000, v26;
	v35 =	vadd.s32 $0x12000, v31;
	v29 =	vld.idx.msk [tilespmem:v42+s17+$0x0], $0xffff  }
0x2d5: {  	v44 =	vadd.s32 $0x9000, v44;
	v37 =	vadd.s32 $0x13000, v31;
	v42 =	vld.idx.msk [tilespmem:v47+s17+$0x0], $0xffff  }
0x2d6: {  	v26 =	vld.idx.msk [tilespmem:v40+s17+$0x0], $0xffff  }
.Ltmp10:
0x2d7: {  	v31 =	vld.idx.msk [tilespmem:v46+s17+$0x0], $0xffff;
	(pc) =	sbr.rel @p1 .LBB2_23-.Ltmp10, $4  }
0x2d8: {  	v27 =	vld.idx.msk [tilespmem:v27+s17+$0x0], $0xffff  }
0x2d9: {  	v38 =	vld.idx.msk [tilespmem:v36+s17+$0x0], $0xffff  }
0x2da: {  	v40 =	vadd.s32 v45, v41;
	v36 =	vld.idx.msk [tilespmem:v44+s17+$0x0], $0xffff  }
0x2db: {  	v41 =	vadd.s32 v42, v40;
	v40 =	vld.idx.msk [tilespmem:v43+s17+$0x0], $0xffff  }
0x2dc: {  	_ =	sdelay $0x3  }
0x2dd: {  	v39 =	vld.idx.msk [tilespmem:v39+s17+$0x0], $0xffff  }
0x2de: {  	v30 =	vld.idx.msk [tilespmem:v30+s17+$0x0], $0xffff  }
0x2df: {  	v34 =	vld.idx.msk [tilespmem:v34+s17+$0x0], $0xffff  }
0x2e0: {  	v33 =	vld.idx.msk [tilespmem:v33+s17+$0x0], $0xffff;
	v42 =	vmov s31;
	v28 =	vadd.s32 v28, v41;
	v25 =	vadd.s32 v38, v25  }
0x2e1: {  	v35 =	vld.idx.msk [tilespmem:v35+s17+$0x0], $0xffff;
	v51 =	vor.u32 s31, v11;
	v28 =	vadd.s32 v31, v28;
	v25 =	vadd.s32 v40, v25  }
0x2e2: {  	v50 =	vld.idx.msk [tilespmem:v37+s17+$0x0], $0xffff;
	v53 =	vor.u32 s31, v17;
	v23 =	vadd.s32 v23, v28;
	v25 =	vadd.s32 v29, v25  }
0x2e3: {  	v22 =	vld.idx.msk [tilespmem:v22+s17+$0x0], $0xffff;
	v49 =	vshll.u32 v42, $0x2;
	v23 =	vadd.s32 v30, v23;
	v25 =	vadd.s32 v36, v25  }
0x2e4: {  	v54 =	vld.idx.msk [tilespmem:v32+s17+$0x0], $0xffff;
	v52 =	vand.u32 $0x7E, v51;
	v23 =	vadd.s32 v34, v23;
	v24 =	vadd.s32 v24, v25  }
0x2e5: {  	v21 =	vld.idx.msk [tilespmem:v21+s17+$0x0], $0xffff;
	v56 =	vand.u32 $0x7F, v53;
	v20 =	vadd.s32 v20, v23;
	v24 =	vadd.s32 v33, v24  }
0x2e6: {  	v55 =	vand.u32 $0xE00, v49;
	v20 =	vadd.s32 v35, v20;
	v24 =	vadd.s32 v26, v24  }
0x2e7: {  	v18 =	vor.u32 v18, v55;
	v20 =	vadd.s32 v39, v20;
	v24 =	vadd.s32 v27, v24  }
0x2e8: {  	v19 =	vor.u32 v19, v55;
	v20 =	vadd.s32 v22, v20;
	v24 =	vadd.s32 v50, v24  }
0x2e9: {  	v57 =	vor.u32 v56, v18;
	v59 =	vand.u32 $0xFFFF, v20;
	v58 =	vadd.s32 v54, v24  }
0x2ea: {  	v20 =	vshrl.u32 v20, $0x10;
	v60 =	vcvt.s32.f32 v59;
	v21 =	vadd.s32 v21, v58  }
0x2eb: {  	v18 =	vor.u32 v52, v18;
	v20 =	vcvt.s32.f32 v20;
	v61 =	vand.u32 $0xFFFF, v21  }
0x2ec: {  	v21 =	vshrl.u32 v21, $0x10;
	v22 =	vadd.f32 $-2.457600000e+04, v60;
	v24 =	vcvt.s32.f32 v61  }
0x2ed: {  	v25 =	vor.u32 v19, v52;
	v20 =	vadd.f32 $-2.457600000e+04, v20;
	v21 =	vcvt.s32.f32 v21  }
0x2ee: {  	v19 =	vor.u32 v19, v56;
	v22 =	vmul.f32 $3.333333430e-01, v22;
	v62 =	vadd.f32 $-2.457600000e+04, v24  }
.Ltmp11:
0x2ef: {  	v20 =	vmul.f32 $3.333333430e-01, v20;
	v21 =	vadd.f32 $-2.457600000e+04, v21;
	(pc) =	sbr.rel @p0 .LBB2_22-.Ltmp11, $4  }
0x2f0: {  	[tilespmem:v18+s21+$0x0] =	vst.idx.msk $0xffff, v22;
	v18 =	vmul.f32 $3.333333430e-01, v62  }
0x2f1: {  	[tilespmem:v57+s21+$0x0] =	vst.idx.msk $0xffff, v20;
	v63 =	vmul.f32 $3.333333430e-01, v21  }
0x2f2: {  	[tilespmem:v25+s21+$0x0] =	vst.idx.msk $0xffff, v18  }
0x2f3: {  	s0 =	simm.s32 $0x1;
	p1 =	por $0x0, $0x0;
	[tilespmem:v19+s21+$0x0] =	vst.idx.msk $0xffff, v63  }
0x2f4: {  	[hbm4b:s10+s22] =	stream.strided.scatter [tilespmem:s21], [sflag:$0x2], $0x1000, s23, s22, $0x38;
	[tilespmem:$0x1F080] =	vst v63  }
0x2f5: {  	_ =	swait.ge [sflag:s26], $0x1000  }
0x2f6: {  	[sflag:s26] =	ssyncset.done $0x0  }
0x2f7: {  	s0 =	simm.s32 $0x0;
	p1 =	por $0x1, $0x1;
	[sflag:s26] =	ssyncadd.s32 $0xFFFFF000  }
.LBB2_26:
0x2f8: {  	s1 =	smul.u32 $0x810, s0;
	_ =	sdelay $0x1  }
0x2f9: {  	s1 =	sshra.s32 s1, $0x2  }
0x2fa: {  	s29 =	sadd.s32 $0x443C, s1  }
0x2fb: {  	v18 =	vld [tilespmem:s29+$0xFFFFFDFC]  }
0x2fc: {  	v19 =	vld [tilespmem:s29+$0xFFFFFFFC]  }
0x2fd: {  	v20 =	vld [tilespmem:s29+$0xFFFFFDF9]  }
0x2fe: {  	v21 =	vld [tilespmem:s29+$0xFFFFFFFE]  }
0x2ff: {  	v22 =	vld [tilespmem:s29+$0xFFFFF9F1]  }
0x300: {  	v23 =	vld [tilespmem:s29+$0xFFFFFDFB]  }
0x301: {  	v26 =	vld [tilespmem:s29+$0xFFFFF9F0]  }
0x302: {  	v24 =	vld [tilespmem:s29+$0xFFFFFDFA]  }
0x303: {  	v25 =	vld [tilespmem:s29+$0xFFFFFBF6]  }
0x304: {  	v27 =	vld [tilespmem:s29+$0xFFFFFBF5]  }
0x305: {  	v28 =	vld [tilespmem:s29+$0xFFFFFBF7]  }
0x306: {  	v29 =	vld [tilespmem:s29+$0xFFFFFFFF]  }
0x307: {  	s5 =	smul.u32 $0x204, s0;
	v30 =	vld [tilespmem:s29+$0xFFFFFBF8]  }
0x308: {  	v31 =	vld [tilespmem:s29+$0xFFFFF9F2]  }
0x309: {  	s30 =	sadd.s32 $0x1830, s5;
	v32 =	vld [tilespmem:s29+$0xFFFFFBF4]  }
0x30a: {  	s1 =	sand.u32 $0x3FFC, s30;
	v33 =	vld [tilespmem:s29+$0xFFFFF7EF]  }
0x30b: {  	v34 =	vld [tilespmem:s1+$0x2600]  }
0x30c: {  	v37 =	vld [tilespmem:s29+$0xFFFFF7ED];
	v36 =	vshll.u32 v25, $0x8;
	v18 =	vshll.u32 v18, $0x4  }
0x30d: {  	v54 =	vld [tilespmem:s29+$0xFFFFF7EE];
	v24 =	vshll.u32 v24, $0x4;
	v28 =	vshll.u32 v28, $0x4;
	v18 =	vadd.s32 v36, v18  }
0x30e: {  	v38 =	vld [tilespmem:s29+$0xFFFFF9F3];
	v20 =	vshll.u32 v20, $0x4;
	v28 =	vadd.s32 v36, v28;
	v29 =	vadd.s32 v29, v18  }
0x30f: {  	v39 =	vld [tilespmem:s29+$0x0];
	v20 =	vadd.s32 v36, v20;
	v18 =	vadd.s32 v36, v24;
	v24 =	vadd.s32 $0x10000, v29  }
0x310: {  	s7 =	sshll.u32 s0, $0x1;
	v40 =	vld [tilespmem:s29+$0xFFFFFFFD];
	v19 =	vadd.s32 v19, v20;
	v18 =	vadd.s32 v21, v18;
	v21 =	vadd.s32 v30, v28  }
0x311: {  	v35 =	vmov s7;
	v55 =	vld [tilespmem:s29+$0xFFFFFDF8];
	v42 =	vadd.s32 $0xA000, v19  }
0x312: {  	v25 =	vshll.u32 v35, $0x7;
	v30 =	vld [tilespmem:s29+$0xFFFFF7EC];
	v28 =	vshll.u32 v31, $0x4;
	v31 =	vadd.s32 $0x3000, v18  }
0x313: {  	v23 =	vshll.u32 v23, $0x4;
	v41 =	vadd.s32 $0x2000, v18;
	v20 =	vadd.s32 v36, v28;
	v28 =	vld [tilespmem:s29+$0xFFFFF7F0]  }
0x314: {  	v18 =	vbroadcast v25, $0x0;
	v48 =	vadd.s32 $0x1000, v21;
	v25 =	vadd.s32 v54, v20;
	v20 =	vld.idx.msk [tilespmem:v24+s17+$0x0], $0xffff  }
0x315: {  	v27 =	vshll.u32 v27, $0x4;
	v23 =	vadd.s32 v36, v23;
	v43 =	vadd.s32 $0x6000, v25;
	v44 =	vld.idx.msk [tilespmem:v21+s17+$0x0], $0xffff  }
0x316: {  	v39 =	vadd.s32 v39, v23;
	v56 =	vadd.s32 $0x7000, v25;
	v24 =	vadd.s32 v36, v27;
	v23 =	vld.idx.msk [tilespmem:v42+s17+$0x0], $0xffff  }
0x317: {  	v27 =	vadd.s32 $0xB000, v19;
	v32 =	vadd.s32 v32, v24;
	v25 =	vld.idx.msk [tilespmem:v31+s17+$0x0], $0xffff  }
0x318: {  	v58 =	vshll.u32 v22, $0x4;
	v19 =	vshll.u32 v38, $0x4;
	v41 =	vld.idx.msk [tilespmem:v41+s17+$0x0], $0xffff;
	v31 =	vadd.s32 $0x4000, v32  }
0x319: {  	v22 =	vshll.u32 v33, $0x4;
	v50 =	vadd.s32 $0x9000, v39;
	v19 =	vadd.s32 v36, v19;
	v38 =	vld.idx.msk [tilespmem:v48+s17+$0x0], $0xffff  }
0x31a: {  	v26 =	vshll.u32 v26, $0x4;
	v46 =	vadd.s32 $0x8000, v39;
	v45 =	vadd.s32 v28, v19;
	v28 =	vld.idx.msk [tilespmem:v43+s17+$0x0], $0xffff  }
0x31b: {  	v61 =	vshll.u32 v40, $0x4;
	v59 =	vadd.s32 v36, v26;
	v47 =	vadd.s32 $0x11000, v29;
	v29 =	vld.idx.msk [tilespmem:v56+s17+$0x0], $0xffff  }
0x31c: {  	v22 =	vadd.s32 v36, v22;
	v63 =	vadd.s32 v37, v59;
	v60 =	vadd.s32 $0x5000, v32;
	v24 =	vld.idx.msk [tilespmem:v27+s17+$0x0], $0xffff  }
0x31d: {  	v39 =	vadd.s32 $0x14000, v63;
	v57 =	vadd.s32 $0xF000, v45;
	v27 =	vadd.s32 v36, v58;
	v49 =	vld.idx.msk [tilespmem:v31+s17+$0x0], $0xffff  }
0x31e: {  	v21 =	vadd.s32 v34, v22;
	v32 =	vadd.s32 v36, v61;
	v36 =	vld.idx.msk [tilespmem:v50+s17+$0x0], $0xffff;
	v27 =	vadd.s32 v30, v27  }
0x31f: {  	v22 =	vadd.s32 $0x16000, v21;
	v21 =	vadd.s32 $0x17000, v21;
	v31 =	vld.idx.msk [tilespmem:v46+s17+$0x0], $0xffff;
	v33 =	vadd.s32 $0xD000, v27  }
0x320: {  	v19 =	vor.u32 $0x80, v18;
	v62 =	vadd.s32 v55, v32;
	v30 =	vadd.s32 $0xC000, v27;
	v27 =	vld.idx.msk [tilespmem:v47+s17+$0x0], $0xffff  }
0x321: {  	v34 =	vadd.s32 $0xE000, v45;
	v37 =	vadd.s32 $0x13000, v62;
	v41 =	vadd.s32 v44, v41;
	v40 =	vld.idx.msk [tilespmem:v60+s17+$0x0], $0xffff  }
0x322: {  	p0 =	por p1, p1;
	s31 =	simm.s32 $0x0;
	s1 =	simm.s32 $0x20;
	v32 =	vadd.s32 $0x15000, v63;
	v35 =	vadd.s32 $0x12000, v62;
	v26 =	vld.idx.msk [tilespmem:v57+s17+$0x0], $0xffff;
	v41 =	vadd.s32 v49, v41  }
.LBB2_27:
0x323: {  	p1 =	sne.s32 s1, $0x3E0;
	v39 =	vld.idx.msk [tilespmem:v39+s17+$0x0], $0xffff;
	s30 =	sadd.s32 $0x10, s30;
	s29 =	sadd.s32 $0x10, s29  }
0x324: {  	s0 =	smov.u32 s1;
	s1 =	sadd.s32 $0x20, s1;
	v33 =	vld.idx.msk [tilespmem:v33+s17+$0x0], $0xffff  }
0x325: {  	v42 =	vmov s31;
	v30 =	vld.idx.msk [tilespmem:v30+s17+$0x0], $0xffff  }
0x326: {  	v42 =	vshll.u32 v42, $0x2;
	v37 =	vld.idx.msk [tilespmem:v37+s17+$0x0], $0xffff  }
0x327: {  	v28 =	vadd.s32 v28, v41;
	v25 =	vadd.s32 v38, v25;
	v38 =	vor.u32 s31, v11;
	v34 =	vld.idx.msk [tilespmem:v34+s17+$0x0], $0xffff  }
0x328: {  	v38 =	vand.u32 $0x7E, v38;
	v25 =	vadd.s32 v40, v25;
	v40 =	vor.u32 s31, v17;
	s31 =	smov.u32 s0;
	v35 =	vld.idx.msk [tilespmem:v35+s17+$0x0], $0xffff  }
0x329: {  	v25 =	vadd.s32 v29, v25;
	v40 =	vand.u32 $0x7F, v40;
	v29 =	vld.idx.msk [tilespmem:v32+s17+$0x0], $0xffff;
	v32 =	vand.u32 $0xE00, v42  }
0x32a: {  	v28 =	vadd.s32 v31, v28;
	v25 =	vadd.s32 v36, v25;
	v22 =	vld.idx.msk [tilespmem:v22+s17+$0x0], $0xffff;
	v31 =	vor.u32 v18, v32  }
0x32b: {  	v23 =	vadd.s32 v23, v28;
	v24 =	vadd.s32 v24, v25;
	v21 =	vld.idx.msk [tilespmem:v21+s17+$0x0], $0xffff;
	v25 =	vor.u32 v40, v31  }
0x32c: {  	v23 =	vadd.s32 v30, v23;
	v28 =	vor.u32 v19, v32;
	v24 =	vadd.s32 v33, v24  }
0x32d: {  	v30 =	vor.u32 v38, v31;
	v31 =	vor.u32 v28, v38;
	v23 =	vadd.s32 v34, v23  }
0x32e: {  	v24 =	vadd.s32 v26, v24;
	v20 =	vadd.s32 v20, v23  }
0x32f: {  	v23 =	vadd.s32 v27, v24;
	v24 =	vor.u32 v28, v40;
	v20 =	vadd.s32 v35, v20  }
0x330: {  	v23 =	vadd.s32 v37, v23;
	v20 =	vadd.s32 v39, v20  }
0x331: {  	v23 =	vadd.s32 v29, v23;
	v20 =	vadd.s32 v22, v20  }
0x332: {  	v21 =	vadd.s32 v21, v23;
	v22 =	vand.u32 $0xFFFF, v20;
	v20 =	vshrl.u32 v20, $0x10  }
0x333: {  	v23 =	vand.u32 $0xFFFF, v21;
	v22 =	vcvt.s32.f32 v22;
	v20 =	vcvt.s32.f32 v20  }
0x334: {  	v21 =	vshrl.u32 v21, $0x10;
	v23 =	vcvt.s32.f32 v23  }
0x335: {  	v21 =	vcvt.s32.f32 v21;
	v22 =	vadd.f32 $-2.457600000e+04, v22;
	v20 =	vadd.f32 $-2.457600000e+04, v20  }
0x336: {  	v23 =	vadd.f32 $-2.457600000e+04, v23  }
0x337: {  	v21 =	vadd.f32 $-2.457600000e+04, v21;
	v22 =	vmul.f32 $3.333333430e-01, v22  }
0x338: {  	v20 =	vmul.f32 $3.333333430e-01, v20  }
0x339: {  	[tilespmem:v30+s24+$0x0] =	vst.idx.msk $0xffff, v22;
	v22 =	vmul.f32 $3.333333430e-01, v23  }
0x33a: {  	[tilespmem:v25+s24+$0x0] =	vst.idx.msk $0xffff, v20;
	v20 =	vmul.f32 $3.333333430e-01, v21  }
0x33b: {  	[tilespmem:v31+s24+$0x0] =	vst.idx.msk $0xffff, v22  }
0x33c: {  	[tilespmem:v24+s24+$0x0] =	vst.idx.msk $0xffff, v20  }
0x33d: {  	v20 =	vld [tilespmem:s29+$0xFFFFFDFC]  }
0x33e: {  	v21 =	vld [tilespmem:s29+$0xFFFFFFFC]  }
0x33f: {  	v22 =	vld [tilespmem:s29+$0xFFFFFDF9]  }
0x340: {  	v23 =	vld [tilespmem:s29+$0xFFFFFFFE]  }
0x341: {  	v24 =	vld [tilespmem:s29+$0xFFFFF9F1]  }
0x342: {  	v25 =	vld [tilespmem:s29+$0xFFFFFDFB]  }
0x343: {  	v26 =	vld [tilespmem:s29+$0xFFFFF9F0]  }
0x344: {  	v27 =	vld [tilespmem:s29+$0xFFFFFDFA]  }
0x345: {  	v28 =	vld [tilespmem:s29+$0xFFFFFBF6]  }
0x346: {  	v29 =	vld [tilespmem:s29+$0xFFFFFBF5];
	v24 =	vshll.u32 v24, $0x4  }
0x347: {  	v22 =	vshll.u32 v22, $0x4;
	v30 =	vld [tilespmem:s29+$0xFFFFFBF7]  }
0x348: {  	v31 =	vld [tilespmem:s29+$0xFFFFFFFF]  }
0x349: {  	v32 =	vld [tilespmem:s29+$0xFFFFFBF8]  }
0x34a: {  	v25 =	vshll.u32 v25, $0x4;
	v33 =	vld [tilespmem:s29+$0xFFFFF9F2]  }
0x34b: {  	v26 =	vshll.u32 v26, $0x4;
	v27 =	vshll.u32 v27, $0x4;
	v34 =	vld [tilespmem:s29+$0xFFFFFBF4]  }
0x34c: {  	s0 =	sand.u32 $0x3FFC, s30;
	v20 =	vshll.u32 v20, $0x4;
	v28 =	vshll.u32 v28, $0x8;
	v30 =	vshll.u32 v30, $0x4;
	v35 =	vld [tilespmem:s29+$0xFFFFF7EF]  }
0x34d: {  	v22 =	vadd.s32 v28, v22;
	v20 =	vadd.s32 v28, v20;
	v26 =	vadd.s32 v28, v26;
	v36 =	vld [tilespmem:s0+$0x2600]  }
0x34e: {  	v27 =	vadd.s32 v28, v27;
	v29 =	vshll.u32 v29, $0x4;
	v31 =	vadd.s32 v31, v20;
	v37 =	vld [tilespmem:s29+$0xFFFFF7ED]  }
0x34f: {  	v20 =	vadd.s32 v23, v27;
	v23 =	vshll.u32 v33, $0x4;
	v27 =	vld [tilespmem:s29+$0xFFFFF7EE];
	v33 =	vadd.s32 $0x10000, v31  }
0x350: {  	v29 =	vadd.s32 v28, v29;
	v38 =	vadd.s32 v21, v22;
	v30 =	vadd.s32 v28, v30;
	v39 =	vld [tilespmem:s29+$0xFFFFF9F3]  }
0x351: {  	v40 =	vadd.s32 $0xA000, v38;
	v29 =	vadd.s32 v34, v29;
	v34 =	vld [tilespmem:s29+$0x0];
	v21 =	vshll.u32 v35, $0x4  }
0x352: {  	v32 =	vadd.s32 v32, v30;
	v30 =	vadd.s32 $0x3000, v20;
	v35 =	vld [tilespmem:s29+$0xFFFFF7EC];
	v21 =	vadd.s32 v28, v21  }
0x353: {  	v41 =	vadd.s32 $0x2000, v20;
	v20 =	vadd.s32 v28, v23;
	v23 =	vld [tilespmem:s29+$0xFFFFFFFD];
	v21 =	vadd.s32 v36, v21  }
0x354: {  	v20 =	vadd.s32 v27, v20;
	v27 =	vld [tilespmem:s29+$0xFFFFF7F0];
	v22 =	vadd.s32 $0x16000, v21;
	v21 =	vadd.s32 $0x17000, v21  }
0x355: {  	v36 =	vadd.s32 $0x6000, v20;
	v42 =	vadd.s32 $0x7000, v20;
	v20 =	vadd.s32 v28, v25;
	v43 =	vld [tilespmem:s29+$0xFFFFFDF8]  }
0x356: {  	v24 =	vadd.s32 v28, v24;
	v38 =	vadd.s32 $0xB000, v38;
	v44 =	vadd.s32 v34, v20;
	v20 =	vld.idx.msk [tilespmem:v33+s17+$0x0], $0xffff  }
0x357: {  	v34 =	vshll.u32 v39, $0x4;
	v45 =	vld.idx.msk [tilespmem:v32+s17+$0x0], $0xffff;
	v46 =	vadd.s32 $0x8000, v44;
	v24 =	vadd.s32 v35, v24  }
0x358: {  	v25 =	vld.idx.msk [tilespmem:v30+s17+$0x0], $0xffff;
	v30 =	vadd.s32 $0xC000, v24;
	v33 =	vadd.s32 $0xD000, v24;
	v24 =	vadd.s32 v28, v34  }
0x359: {  	v47 =	vadd.s32 $0x4000, v29;
	v41 =	vld.idx.msk [tilespmem:v41+s17+$0x0], $0xffff;
	v24 =	vadd.s32 v27, v24;
	v27 =	vshll.u32 v23, $0x4  }
0x35a: {  	v23 =	vld.idx.msk [tilespmem:v40+s17+$0x0], $0xffff;
	v34 =	vadd.s32 $0xE000, v24;
	v40 =	vadd.s32 $0xF000, v24;
	v24 =	vadd.s32 v28, v27  }
0x35b: {  	v27 =	vadd.s32 $0x11000, v31;
	v28 =	vld.idx.msk [tilespmem:v36+s17+$0x0], $0xffff;
	v31 =	vadd.s32 v43, v24  }
0x35c: {  	v26 =	vadd.s32 v37, v26;
	v36 =	vadd.s32 $0x1000, v32;
	v43 =	vadd.s32 $0x5000, v29;
	v24 =	vld.idx.msk [tilespmem:v38+s17+$0x0], $0xffff  }
0x35d: {  	v39 =	vadd.s32 $0x14000, v26;
	v32 =	vadd.s32 $0x15000, v26;
	v35 =	vadd.s32 $0x12000, v31;
	v29 =	vld.idx.msk [tilespmem:v42+s17+$0x0], $0xffff  }
0x35e: {  	v44 =	vadd.s32 $0x9000, v44;
	v37 =	vadd.s32 $0x13000, v31;
	v42 =	vld.idx.msk [tilespmem:v47+s17+$0x0], $0xffff  }
0x35f: {  	v26 =	vld.idx.msk [tilespmem:v40+s17+$0x0], $0xffff  }
.Ltmp12:
0x360: {  	v31 =	vld.idx.msk [tilespmem:v46+s17+$0x0], $0xffff;
	(pc) =	sbr.rel @p1 .LBB2_27-.Ltmp12, $4  }
0x361: {  	v27 =	vld.idx.msk [tilespmem:v27+s17+$0x0], $0xffff  }
0x362: {  	v38 =	vld.idx.msk [tilespmem:v36+s17+$0x0], $0xffff  }
0x363: {  	v40 =	vadd.s32 v45, v41;
	v36 =	vld.idx.msk [tilespmem:v44+s17+$0x0], $0xffff  }
0x364: {  	v41 =	vadd.s32 v42, v40;
	v40 =	vld.idx.msk [tilespmem:v43+s17+$0x0], $0xffff  }
0x365: {  	_ =	sdelay $0x3  }
0x366: {  	v39 =	vld.idx.msk [tilespmem:v39+s17+$0x0], $0xffff  }
0x367: {  	v30 =	vld.idx.msk [tilespmem:v30+s17+$0x0], $0xffff  }
0x368: {  	v34 =	vld.idx.msk [tilespmem:v34+s17+$0x0], $0xffff  }
0x369: {  	v33 =	vld.idx.msk [tilespmem:v33+s17+$0x0], $0xffff;
	v42 =	vmov s31;
	v28 =	vadd.s32 v28, v41;
	v25 =	vadd.s32 v38, v25  }
0x36a: {  	v35 =	vld.idx.msk [tilespmem:v35+s17+$0x0], $0xffff;
	v51 =	vor.u32 s31, v11;
	v28 =	vadd.s32 v31, v28;
	v25 =	vadd.s32 v40, v25  }
0x36b: {  	v50 =	vld.idx.msk [tilespmem:v37+s17+$0x0], $0xffff;
	v53 =	vor.u32 s31, v17;
	v23 =	vadd.s32 v23, v28;
	v25 =	vadd.s32 v29, v25  }
0x36c: {  	v22 =	vld.idx.msk [tilespmem:v22+s17+$0x0], $0xffff;
	v49 =	vshll.u32 v42, $0x2;
	v23 =	vadd.s32 v30, v23;
	v25 =	vadd.s32 v36, v25  }
0x36d: {  	v54 =	vld.idx.msk [tilespmem:v32+s17+$0x0], $0xffff;
	v52 =	vand.u32 $0x7E, v51;
	v23 =	vadd.s32 v34, v23;
	v24 =	vadd.s32 v24, v25  }
0x36e: {  	v21 =	vld.idx.msk [tilespmem:v21+s17+$0x0], $0xffff;
	v56 =	vand.u32 $0x7F, v53;
	v20 =	vadd.s32 v20, v23;
	v24 =	vadd.s32 v33, v24  }
0x36f: {  	v55 =	vand.u32 $0xE00, v49;
	v20 =	vadd.s32 v35, v20;
	v24 =	vadd.s32 v26, v24  }
0x370: {  	v18 =	vor.u32 v18, v55;
	v20 =	vadd.s32 v39, v20;
	v24 =	vadd.s32 v27, v24  }
0x371: {  	v19 =	vor.u32 v19, v55;
	v20 =	vadd.s32 v22, v20;
	v24 =	vadd.s32 v50, v24  }
0x372: {  	v57 =	vor.u32 v56, v18;
	v59 =	vand.u32 $0xFFFF, v20;
	v58 =	vadd.s32 v54, v24  }
0x373: {  	v20 =	vshrl.u32 v20, $0x10;
	v60 =	vcvt.s32.f32 v59;
	v21 =	vadd.s32 v21, v58  }
0x374: {  	v18 =	vor.u32 v52, v18;
	v20 =	vcvt.s32.f32 v20;
	v61 =	vand.u32 $0xFFFF, v21  }
0x375: {  	v21 =	vshrl.u32 v21, $0x10;
	v22 =	vadd.f32 $-2.457600000e+04, v60;
	v24 =	vcvt.s32.f32 v61  }
0x376: {  	v25 =	vor.u32 v19, v52;
	v20 =	vadd.f32 $-2.457600000e+04, v20;
	v21 =	vcvt.s32.f32 v21  }
0x377: {  	v19 =	vor.u32 v19, v56;
	v22 =	vmul.f32 $3.333333430e-01, v22;
	v62 =	vadd.f32 $-2.457600000e+04, v24  }
.Ltmp13:
0x378: {  	v20 =	vmul.f32 $3.333333430e-01, v20;
	v21 =	vadd.f32 $-2.457600000e+04, v21;
	(pc) =	sbr.rel @p0 .LBB2_26-.Ltmp13, $4  }
0x379: {  	[tilespmem:v18+s24+$0x0] =	vst.idx.msk $0xffff, v22;
	v18 =	vmul.f32 $3.333333430e-01, v62  }
0x37a: {  	[tilespmem:v57+s24+$0x0] =	vst.idx.msk $0xffff, v20;
	v63 =	vmul.f32 $3.333333430e-01, v21  }
0x37b: {  	[tilespmem:v25+s24+$0x0] =	vst.idx.msk $0xffff, v18  }
0x37c: {  	s0 =	simm.s32 $0x1;
	p1 =	por $0x0, $0x0;
	[tilespmem:v19+s24+$0x0] =	vst.idx.msk $0xffff, v63  }
0x37d: {  	[hbm4b:s11+s22] =	stream.strided.scatter [tilespmem:s24], [sflag:$0x3], $0x1000, s23, s22, $0x38;
	[tilespmem:$0x1F080] =	vst v63  }
0x37e: {  	_ =	swait.ge [sflag:s25], $0x1000  }
0x37f: {  	[sflag:s25] =	ssyncset.done $0x0  }
0x380: {  	s0 =	simm.s32 $0x0;
	p1 =	por $0x1, $0x1;
	[sflag:s25] =	ssyncadd.s32 $0xFFFFF000  }
.LBB2_30:
0x381: {  	s1 =	smul.u32 $0x810, s0;
	_ =	sdelay $0x1  }
0x382: {  	s1 =	sshra.s32 s1, $0x2  }
0x383: {  	s29 =	sadd.s32 $0x4844, s1  }
0x384: {  	v18 =	vld [tilespmem:s29+$0xFFFFFDFC]  }
0x385: {  	v19 =	vld [tilespmem:s29+$0xFFFFFFFC]  }
0x386: {  	v20 =	vld [tilespmem:s29+$0xFFFFFDF9]  }
0x387: {  	v21 =	vld [tilespmem:s29+$0xFFFFFFFE]  }
0x388: {  	v22 =	vld [tilespmem:s29+$0xFFFFF9F1]  }
0x389: {  	v23 =	vld [tilespmem:s29+$0xFFFFFDFB]  }
0x38a: {  	v26 =	vld [tilespmem:s29+$0xFFFFF9F0]  }
0x38b: {  	v24 =	vld [tilespmem:s29+$0xFFFFFDFA]  }
0x38c: {  	v25 =	vld [tilespmem:s29+$0xFFFFFBF6]  }
0x38d: {  	v27 =	vld [tilespmem:s29+$0xFFFFFBF5]  }
0x38e: {  	v28 =	vld [tilespmem:s29+$0xFFFFFBF7]  }
0x38f: {  	v29 =	vld [tilespmem:s29+$0xFFFFFFFF]  }
0x390: {  	s5 =	smul.u32 $0x204, s0;
	v30 =	vld [tilespmem:s29+$0xFFFFFBF8]  }
0x391: {  	v31 =	vld [tilespmem:s29+$0xFFFFF9F2]  }
0x392: {  	s30 =	sadd.s32 $0x1C38, s5;
	v32 =	vld [tilespmem:s29+$0xFFFFFBF4]  }
0x393: {  	s1 =	sand.u32 $0x7FFC, s30;
	v33 =	vld [tilespmem:s29+$0xFFFFF7EF]  }
0x394: {  	v34 =	vld [tilespmem:s1+$0x2600]  }
0x395: {  	v37 =	vld [tilespmem:s29+$0xFFFFF7ED];
	v36 =	vshll.u32 v25, $0x8;
	v18 =	vshll.u32 v18, $0x4  }
0x396: {  	v54 =	vld [tilespmem:s29+$0xFFFFF7EE];
	v24 =	vshll.u32 v24, $0x4;
	v28 =	vshll.u32 v28, $0x4;
	v18 =	vadd.s32 v36, v18  }
0x397: {  	v38 =	vld [tilespmem:s29+$0xFFFFF9F3];
	v20 =	vshll.u32 v20, $0x4;
	v28 =	vadd.s32 v36, v28;
	v29 =	vadd.s32 v29, v18  }
0x398: {  	v39 =	vld [tilespmem:s29+$0x0];
	v20 =	vadd.s32 v36, v20;
	v18 =	vadd.s32 v36, v24;
	v24 =	vadd.s32 $0x10000, v29  }
0x399: {  	s7 =	sshll.u32 s0, $0x1;
	v40 =	vld [tilespmem:s29+$0xFFFFFFFD];
	v19 =	vadd.s32 v19, v20;
	v18 =	vadd.s32 v21, v18;
	v21 =	vadd.s32 v30, v28  }
0x39a: {  	v35 =	vmov s7;
	v55 =	vld [tilespmem:s29+$0xFFFFFDF8];
	v42 =	vadd.s32 $0xA000, v19  }
0x39b: {  	v25 =	vshll.u32 v35, $0x7;
	v30 =	vld [tilespmem:s29+$0xFFFFF7EC];
	v28 =	vshll.u32 v31, $0x4;
	v31 =	vadd.s32 $0x3000, v18  }
0x39c: {  	v23 =	vshll.u32 v23, $0x4;
	v41 =	vadd.s32 $0x2000, v18;
	v20 =	vadd.s32 v36, v28;
	v28 =	vld [tilespmem:s29+$0xFFFFF7F0]  }
0x39d: {  	v18 =	vbroadcast v25, $0x0;
	v48 =	vadd.s32 $0x1000, v21;
	v25 =	vadd.s32 v54, v20;
	v20 =	vld.idx.msk [tilespmem:v24+s17+$0x0], $0xffff  }
0x39e: {  	v27 =	vshll.u32 v27, $0x4;
	v23 =	vadd.s32 v36, v23;
	v43 =	vadd.s32 $0x6000, v25;
	v44 =	vld.idx.msk [tilespmem:v21+s17+$0x0], $0xffff  }
0x39f: {  	v39 =	vadd.s32 v39, v23;
	v56 =	vadd.s32 $0x7000, v25;
	v24 =	vadd.s32 v36, v27;
	v23 =	vld.idx.msk [tilespmem:v42+s17+$0x0], $0xffff  }
0x3a0: {  	v27 =	vadd.s32 $0xB000, v19;
	v32 =	vadd.s32 v32, v24;
	v25 =	vld.idx.msk [tilespmem:v31+s17+$0x0], $0xffff  }
0x3a1: {  	v58 =	vshll.u32 v22, $0x4;
	v19 =	vshll.u32 v38, $0x4;
	v41 =	vld.idx.msk [tilespmem:v41+s17+$0x0], $0xffff;
	v31 =	vadd.s32 $0x4000, v32  }
0x3a2: {  	v22 =	vshll.u32 v33, $0x4;
	v50 =	vadd.s32 $0x9000, v39;
	v19 =	vadd.s32 v36, v19;
	v38 =	vld.idx.msk [tilespmem:v48+s17+$0x0], $0xffff  }
0x3a3: {  	v26 =	vshll.u32 v26, $0x4;
	v46 =	vadd.s32 $0x8000, v39;
	v45 =	vadd.s32 v28, v19;
	v28 =	vld.idx.msk [tilespmem:v43+s17+$0x0], $0xffff  }
0x3a4: {  	v61 =	vshll.u32 v40, $0x4;
	v59 =	vadd.s32 v36, v26;
	v47 =	vadd.s32 $0x11000, v29;
	v29 =	vld.idx.msk [tilespmem:v56+s17+$0x0], $0xffff  }
0x3a5: {  	v22 =	vadd.s32 v36, v22;
	v63 =	vadd.s32 v37, v59;
	v60 =	vadd.s32 $0x5000, v32;
	v24 =	vld.idx.msk [tilespmem:v27+s17+$0x0], $0xffff  }
0x3a6: {  	v39 =	vadd.s32 $0x14000, v63;
	v57 =	vadd.s32 $0xF000, v45;
	v27 =	vadd.s32 v36, v58;
	v49 =	vld.idx.msk [tilespmem:v31+s17+$0x0], $0xffff  }
0x3a7: {  	v21 =	vadd.s32 v34, v22;
	v32 =	vadd.s32 v36, v61;
	v36 =	vld.idx.msk [tilespmem:v50+s17+$0x0], $0xffff;
	v27 =	vadd.s32 v30, v27  }
0x3a8: {  	v22 =	vadd.s32 $0x16000, v21;
	v21 =	vadd.s32 $0x17000, v21;
	v31 =	vld.idx.msk [tilespmem:v46+s17+$0x0], $0xffff;
	v33 =	vadd.s32 $0xD000, v27  }
0x3a9: {  	v19 =	vor.u32 $0x80, v18;
	v62 =	vadd.s32 v55, v32;
	v30 =	vadd.s32 $0xC000, v27;
	v27 =	vld.idx.msk [tilespmem:v47+s17+$0x0], $0xffff  }
0x3aa: {  	v34 =	vadd.s32 $0xE000, v45;
	v37 =	vadd.s32 $0x13000, v62;
	v41 =	vadd.s32 v44, v41;
	v40 =	vld.idx.msk [tilespmem:v60+s17+$0x0], $0xffff  }
0x3ab: {  	p0 =	por p1, p1;
	s31 =	simm.s32 $0x0;
	s1 =	simm.s32 $0x20;
	v32 =	vadd.s32 $0x15000, v63;
	v35 =	vadd.s32 $0x12000, v62;
	v26 =	vld.idx.msk [tilespmem:v57+s17+$0x0], $0xffff;
	v41 =	vadd.s32 v49, v41  }
.LBB2_31:
0x3ac: {  	p1 =	sne.s32 s1, $0x3E0;
	v39 =	vld.idx.msk [tilespmem:v39+s17+$0x0], $0xffff;
	s30 =	sadd.s32 $0x10, s30;
	s29 =	sadd.s32 $0x10, s29  }
0x3ad: {  	s0 =	smov.u32 s1;
	s1 =	sadd.s32 $0x20, s1;
	v33 =	vld.idx.msk [tilespmem:v33+s17+$0x0], $0xffff  }
0x3ae: {  	v42 =	vmov s31;
	v30 =	vld.idx.msk [tilespmem:v30+s17+$0x0], $0xffff  }
0x3af: {  	v42 =	vshll.u32 v42, $0x2;
	v37 =	vld.idx.msk [tilespmem:v37+s17+$0x0], $0xffff  }
0x3b0: {  	v28 =	vadd.s32 v28, v41;
	v25 =	vadd.s32 v38, v25;
	v38 =	vor.u32 s31, v11;
	v34 =	vld.idx.msk [tilespmem:v34+s17+$0x0], $0xffff  }
0x3b1: {  	v38 =	vand.u32 $0x7E, v38;
	v25 =	vadd.s32 v40, v25;
	v40 =	vor.u32 s31, v17;
	s31 =	smov.u32 s0;
	v35 =	vld.idx.msk [tilespmem:v35+s17+$0x0], $0xffff  }
0x3b2: {  	v25 =	vadd.s32 v29, v25;
	v40 =	vand.u32 $0x7F, v40;
	v29 =	vld.idx.msk [tilespmem:v32+s17+$0x0], $0xffff;
	v32 =	vand.u32 $0xE00, v42  }
0x3b3: {  	v28 =	vadd.s32 v31, v28;
	v25 =	vadd.s32 v36, v25;
	v22 =	vld.idx.msk [tilespmem:v22+s17+$0x0], $0xffff;
	v31 =	vor.u32 v18, v32  }
0x3b4: {  	v23 =	vadd.s32 v23, v28;
	v24 =	vadd.s32 v24, v25;
	v21 =	vld.idx.msk [tilespmem:v21+s17+$0x0], $0xffff;
	v25 =	vor.u32 v40, v31  }
0x3b5: {  	v23 =	vadd.s32 v30, v23;
	v28 =	vor.u32 v19, v32;
	v24 =	vadd.s32 v33, v24  }
0x3b6: {  	v30 =	vor.u32 v38, v31;
	v31 =	vor.u32 v28, v38;
	v23 =	vadd.s32 v34, v23  }
0x3b7: {  	v24 =	vadd.s32 v26, v24;
	v20 =	vadd.s32 v20, v23  }
0x3b8: {  	v23 =	vadd.s32 v27, v24;
	v24 =	vor.u32 v28, v40;
	v20 =	vadd.s32 v35, v20  }
0x3b9: {  	v23 =	vadd.s32 v37, v23;
	v20 =	vadd.s32 v39, v20  }
0x3ba: {  	v23 =	vadd.s32 v29, v23;
	v20 =	vadd.s32 v22, v20  }
0x3bb: {  	v21 =	vadd.s32 v21, v23;
	v22 =	vand.u32 $0xFFFF, v20;
	v20 =	vshrl.u32 v20, $0x10  }
0x3bc: {  	v23 =	vand.u32 $0xFFFF, v21;
	v22 =	vcvt.s32.f32 v22;
	v20 =	vcvt.s32.f32 v20  }
0x3bd: {  	v21 =	vshrl.u32 v21, $0x10;
	v23 =	vcvt.s32.f32 v23  }
0x3be: {  	v21 =	vcvt.s32.f32 v21;
	v22 =	vadd.f32 $-2.457600000e+04, v22;
	v20 =	vadd.f32 $-2.457600000e+04, v20  }
0x3bf: {  	v23 =	vadd.f32 $-2.457600000e+04, v23  }
0x3c0: {  	v21 =	vadd.f32 $-2.457600000e+04, v21;
	v22 =	vmul.f32 $3.333333430e-01, v22  }
0x3c1: {  	v20 =	vmul.f32 $3.333333430e-01, v20  }
0x3c2: {  	[tilespmem:v30+s21+$0x0] =	vst.idx.msk $0xffff, v22;
	v22 =	vmul.f32 $3.333333430e-01, v23  }
0x3c3: {  	[tilespmem:v25+s21+$0x0] =	vst.idx.msk $0xffff, v20;
	v20 =	vmul.f32 $3.333333430e-01, v21  }
0x3c4: {  	[tilespmem:v31+s21+$0x0] =	vst.idx.msk $0xffff, v22  }
0x3c5: {  	[tilespmem:v24+s21+$0x0] =	vst.idx.msk $0xffff, v20  }
0x3c6: {  	v20 =	vld [tilespmem:s29+$0xFFFFFDFC]  }
0x3c7: {  	v21 =	vld [tilespmem:s29+$0xFFFFFFFC]  }
0x3c8: {  	v22 =	vld [tilespmem:s29+$0xFFFFFDF9]  }
0x3c9: {  	v23 =	vld [tilespmem:s29+$0xFFFFFFFE]  }
0x3ca: {  	v24 =	vld [tilespmem:s29+$0xFFFFF9F1]  }
0x3cb: {  	v25 =	vld [tilespmem:s29+$0xFFFFFDFB]  }
0x3cc: {  	v26 =	vld [tilespmem:s29+$0xFFFFF9F0]  }
0x3cd: {  	v27 =	vld [tilespmem:s29+$0xFFFFFDFA]  }
0x3ce: {  	v28 =	vld [tilespmem:s29+$0xFFFFFBF6]  }
0x3cf: {  	v29 =	vld [tilespmem:s29+$0xFFFFFBF5];
	v24 =	vshll.u32 v24, $0x4  }
0x3d0: {  	v22 =	vshll.u32 v22, $0x4;
	v30 =	vld [tilespmem:s29+$0xFFFFFBF7]  }
0x3d1: {  	v31 =	vld [tilespmem:s29+$0xFFFFFFFF]  }
0x3d2: {  	v32 =	vld [tilespmem:s29+$0xFFFFFBF8]  }
0x3d3: {  	v25 =	vshll.u32 v25, $0x4;
	v33 =	vld [tilespmem:s29+$0xFFFFF9F2]  }
0x3d4: {  	v26 =	vshll.u32 v26, $0x4;
	v27 =	vshll.u32 v27, $0x4;
	v34 =	vld [tilespmem:s29+$0xFFFFFBF4]  }
0x3d5: {  	s0 =	sand.u32 $0x7FFC, s30;
	v20 =	vshll.u32 v20, $0x4;
	v28 =	vshll.u32 v28, $0x8;
	v30 =	vshll.u32 v30, $0x4;
	v35 =	vld [tilespmem:s29+$0xFFFFF7EF]  }
0x3d6: {  	v22 =	vadd.s32 v28, v22;
	v20 =	vadd.s32 v28, v20;
	v26 =	vadd.s32 v28, v26;
	v36 =	vld [tilespmem:s0+$0x2600]  }
0x3d7: {  	v27 =	vadd.s32 v28, v27;
	v29 =	vshll.u32 v29, $0x4;
	v31 =	vadd.s32 v31, v20;
	v37 =	vld [tilespmem:s29+$0xFFFFF7ED]  }
0x3d8: {  	v20 =	vadd.s32 v23, v27;
	v23 =	vshll.u32 v33, $0x4;
	v27 =	vld [tilespmem:s29+$0xFFFFF7EE];
	v33 =	vadd.s32 $0x10000, v31  }
0x3d9: {  	v29 =	vadd.s32 v28, v29;
	v38 =	vadd.s32 v21, v22;
	v30 =	vadd.s32 v28, v30;
	v39 =	vld [tilespmem:s29+$0xFFFFF9F3]  }
0x3da: {  	v40 =	vadd.s32 $0xA000, v38;
	v29 =	vadd.s32 v34, v29;
	v34 =	vld [tilespmem:s29+$0x0];
	v21 =	vshll.u32 v35, $0x4  }
0x3db: {  	v32 =	vadd.s32 v32, v30;
	v30 =	vadd.s32 $0x3000, v20;
	v35 =	vld [tilespmem:s29+$0xFFFFF7EC];
	v21 =	vadd.s32 v28, v21  }
0x3dc: {  	v41 =	vadd.s32 $0x2000, v20;
	v20 =	vadd.s32 v28, v23;
	v23 =	vld [tilespmem:s29+$0xFFFFFFFD];
	v21 =	vadd.s32 v36, v21  }
0x3dd: {  	v20 =	vadd.s32 v27, v20;
	v27 =	vld [tilespmem:s29+$0xFFFFF7F0];
	v22 =	vadd.s32 $0x16000, v21;
	v21 =	vadd.s32 $0x17000, v21  }
0x3de: {  	v36 =	vadd.s32 $0x6000, v20;
	v42 =	vadd.s32 $0x7000, v20;
	v20 =	vadd.s32 v28, v25;
	v43 =	vld [tilespmem:s29+$0xFFFFFDF8]  }
0x3df: {  	v24 =	vadd.s32 v28, v24;
	v38 =	vadd.s32 $0xB000, v38;
	v44 =	vadd.s32 v34, v20;
	v20 =	vld.idx.msk [tilespmem:v33+s17+$0x0], $0xffff  }
0x3e0: {  	v34 =	vshll.u32 v39, $0x4;
	v45 =	vld.idx.msk [tilespmem:v32+s17+$0x0], $0xffff;
	v46 =	vadd.s32 $0x8000, v44;
	v24 =	vadd.s32 v35, v24  }
0x3e1: {  	v25 =	vld.idx.msk [tilespmem:v30+s17+$0x0], $0xffff;
	v30 =	vadd.s32 $0xC000, v24;
	v33 =	vadd.s32 $0xD000, v24;
	v24 =	vadd.s32 v28, v34  }
0x3e2: {  	v47 =	vadd.s32 $0x4000, v29;
	v41 =	vld.idx.msk [tilespmem:v41+s17+$0x0], $0xffff;
	v24 =	vadd.s32 v27, v24;
	v27 =	vshll.u32 v23, $0x4  }
0x3e3: {  	v23 =	vld.idx.msk [tilespmem:v40+s17+$0x0], $0xffff;
	v34 =	vadd.s32 $0xE000, v24;
	v40 =	vadd.s32 $0xF000, v24;
	v24 =	vadd.s32 v28, v27  }
0x3e4: {  	v27 =	vadd.s32 $0x11000, v31;
	v28 =	vld.idx.msk [tilespmem:v36+s17+$0x0], $0xffff;
	v31 =	vadd.s32 v43, v24  }
0x3e5: {  	v26 =	vadd.s32 v37, v26;
	v36 =	vadd.s32 $0x1000, v32;
	v43 =	vadd.s32 $0x5000, v29;
	v24 =	vld.idx.msk [tilespmem:v38+s17+$0x0], $0xffff  }
0x3e6: {  	v39 =	vadd.s32 $0x14000, v26;
	v32 =	vadd.s32 $0x15000, v26;
	v35 =	vadd.s32 $0x12000, v31;
	v29 =	vld.idx.msk [tilespmem:v42+s17+$0x0], $0xffff  }
0x3e7: {  	v44 =	vadd.s32 $0x9000, v44;
	v37 =	vadd.s32 $0x13000, v31;
	v42 =	vld.idx.msk [tilespmem:v47+s17+$0x0], $0xffff  }
0x3e8: {  	v26 =	vld.idx.msk [tilespmem:v40+s17+$0x0], $0xffff  }
.Ltmp14:
0x3e9: {  	v31 =	vld.idx.msk [tilespmem:v46+s17+$0x0], $0xffff;
	(pc) =	sbr.rel @p1 .LBB2_31-.Ltmp14, $4  }
0x3ea: {  	v27 =	vld.idx.msk [tilespmem:v27+s17+$0x0], $0xffff  }
0x3eb: {  	v38 =	vld.idx.msk [tilespmem:v36+s17+$0x0], $0xffff  }
0x3ec: {  	v40 =	vadd.s32 v45, v41;
	v36 =	vld.idx.msk [tilespmem:v44+s17+$0x0], $0xffff  }
0x3ed: {  	v41 =	vadd.s32 v42, v40;
	v40 =	vld.idx.msk [tilespmem:v43+s17+$0x0], $0xffff  }
0x3ee: {  	_ =	sdelay $0x3  }
0x3ef: {  	v39 =	vld.idx.msk [tilespmem:v39+s17+$0x0], $0xffff  }
0x3f0: {  	v30 =	vld.idx.msk [tilespmem:v30+s17+$0x0], $0xffff  }
0x3f1: {  	v34 =	vld.idx.msk [tilespmem:v34+s17+$0x0], $0xffff  }
0x3f2: {  	v33 =	vld.idx.msk [tilespmem:v33+s17+$0x0], $0xffff;
	v42 =	vmov s31;
	v28 =	vadd.s32 v28, v41;
	v25 =	vadd.s32 v38, v25  }
0x3f3: {  	v35 =	vld.idx.msk [tilespmem:v35+s17+$0x0], $0xffff;
	v51 =	vor.u32 s31, v11;
	v28 =	vadd.s32 v31, v28;
	v25 =	vadd.s32 v40, v25  }
0x3f4: {  	v50 =	vld.idx.msk [tilespmem:v37+s17+$0x0], $0xffff;
	v53 =	vor.u32 s31, v17;
	v23 =	vadd.s32 v23, v28;
	v25 =	vadd.s32 v29, v25  }
0x3f5: {  	v22 =	vld.idx.msk [tilespmem:v22+s17+$0x0], $0xffff;
	v49 =	vshll.u32 v42, $0x2;
	v23 =	vadd.s32 v30, v23;
	v25 =	vadd.s32 v36, v25  }
0x3f6: {  	v54 =	vld.idx.msk [tilespmem:v32+s17+$0x0], $0xffff;
	v52 =	vand.u32 $0x7E, v51;
	v23 =	vadd.s32 v34, v23;
	v24 =	vadd.s32 v24, v25  }
0x3f7: {  	v21 =	vld.idx.msk [tilespmem:v21+s17+$0x0], $0xffff;
	v56 =	vand.u32 $0x7F, v53;
	v20 =	vadd.s32 v20, v23;
	v24 =	vadd.s32 v33, v24  }
0x3f8: {  	v55 =	vand.u32 $0xE00, v49;
	v20 =	vadd.s32 v35, v20;
	v24 =	vadd.s32 v26, v24  }
0x3f9: {  	v18 =	vor.u32 v18, v55;
	v20 =	vadd.s32 v39, v20;
	v24 =	vadd.s32 v27, v24  }
0x3fa: {  	v19 =	vor.u32 v19, v55;
	v20 =	vadd.s32 v22, v20;
	v24 =	vadd.s32 v50, v24  }
0x3fb: {  	v57 =	vor.u32 v56, v18;
	v59 =	vand.u32 $0xFFFF, v20;
	v58 =	vadd.s32 v54, v24  }
0x3fc: {  	v20 =	vshrl.u32 v20, $0x10;
	v60 =	vcvt.s32.f32 v59;
	v21 =	vadd.s32 v21, v58  }
0x3fd: {  	v18 =	vor.u32 v52, v18;
	v20 =	vcvt.s32.f32 v20;
	v61 =	vand.u32 $0xFFFF, v21  }
0x3fe: {  	v21 =	vshrl.u32 v21, $0x10;
	v22 =	vadd.f32 $-2.457600000e+04, v60;
	v24 =	vcvt.s32.f32 v61  }
0x3ff: {  	v25 =	vor.u32 v19, v52;
	v20 =	vadd.f32 $-2.457600000e+04, v20;
	v21 =	vcvt.s32.f32 v21  }
0x400: {  	v19 =	vor.u32 v19, v56;
	v22 =	vmul.f32 $3.333333430e-01, v22;
	v62 =	vadd.f32 $-2.457600000e+04, v24  }
.Ltmp15:
0x401: {  	v20 =	vmul.f32 $3.333333430e-01, v20;
	v21 =	vadd.f32 $-2.457600000e+04, v21;
	(pc) =	sbr.rel @p0 .LBB2_30-.Ltmp15, $4  }
0x402: {  	[tilespmem:v18+s21+$0x0] =	vst.idx.msk $0xffff, v22;
	v18 =	vmul.f32 $3.333333430e-01, v62  }
0x403: {  	[tilespmem:v57+s21+$0x0] =	vst.idx.msk $0xffff, v20;
	v63 =	vmul.f32 $3.333333430e-01, v21  }
0x404: {  	[tilespmem:v25+s21+$0x0] =	vst.idx.msk $0xffff, v18  }
0x405: {  	s0 =	simm.s32 $0x1;
	p1 =	por $0x0, $0x0;
	[tilespmem:v19+s21+$0x0] =	vst.idx.msk $0xffff, v63  }
0x406: {  	[hbm4b:s12+s22] =	stream.strided.scatter [tilespmem:s21], [sflag:$0x2], $0x1000, s23, s22, $0x38;
	[tilespmem:$0x1F080] =	vst v63  }
0x407: {  	_ =	swait.ge [sflag:s26], $0x1000  }
0x408: {  	[sflag:s26] =	ssyncset.done $0x0  }
0x409: {  	s0 =	simm.s32 $0x0;
	p1 =	por $0x1, $0x1;
	[sflag:s26] =	ssyncadd.s32 $0xFFFFF000  }
.LBB2_34:
0x40a: {  	s1 =	smul.u32 $0x810, s0;
	_ =	sdelay $0x1  }
0x40b: {  	s1 =	sshra.s32 s1, $0x2  }
0x40c: {  	s29 =	sadd.s32 $0x4C4C, s1  }
0x40d: {  	v18 =	vld [tilespmem:s29+$0xFFFFFDFC]  }
0x40e: {  	v19 =	vld [tilespmem:s29+$0xFFFFFFFC]  }
0x40f: {  	v20 =	vld [tilespmem:s29+$0xFFFFFDF9]  }
0x410: {  	v21 =	vld [tilespmem:s29+$0xFFFFFFFE]  }
0x411: {  	v22 =	vld [tilespmem:s29+$0xFFFFF9F1]  }
0x412: {  	v23 =	vld [tilespmem:s29+$0xFFFFFDFB]  }
0x413: {  	v26 =	vld [tilespmem:s29+$0xFFFFF9F0]  }
0x414: {  	v24 =	vld [tilespmem:s29+$0xFFFFFDFA]  }
0x415: {  	v25 =	vld [tilespmem:s29+$0xFFFFFBF6]  }
0x416: {  	v27 =	vld [tilespmem:s29+$0xFFFFFBF5]  }
0x417: {  	v28 =	vld [tilespmem:s29+$0xFFFFFBF7]  }
0x418: {  	v29 =	vld [tilespmem:s29+$0xFFFFFFFF]  }
0x419: {  	s5 =	smul.u32 $0x204, s0;
	v30 =	vld [tilespmem:s29+$0xFFFFFBF8]  }
0x41a: {  	v31 =	vld [tilespmem:s29+$0xFFFFF9F2]  }
0x41b: {  	s30 =	sadd.s32 $0x2040, s5;
	v32 =	vld [tilespmem:s29+$0xFFFFFBF4]  }
0x41c: {  	s1 =	sand.u32 $0x2FFC, s30;
	v33 =	vld [tilespmem:s29+$0xFFFFF7EF]  }
0x41d: {  	v34 =	vld [tilespmem:s1+$0x2600]  }
0x41e: {  	v37 =	vld [tilespmem:s29+$0xFFFFF7ED];
	v36 =	vshll.u32 v25, $0x8;
	v18 =	vshll.u32 v18, $0x4  }
0x41f: {  	v54 =	vld [tilespmem:s29+$0xFFFFF7EE];
	v24 =	vshll.u32 v24, $0x4;
	v28 =	vshll.u32 v28, $0x4;
	v18 =	vadd.s32 v36, v18  }
0x420: {  	v38 =	vld [tilespmem:s29+$0xFFFFF9F3];
	v20 =	vshll.u32 v20, $0x4;
	v28 =	vadd.s32 v36, v28;
	v29 =	vadd.s32 v29, v18  }
0x421: {  	v39 =	vld [tilespmem:s29+$0x0];
	v20 =	vadd.s32 v36, v20;
	v18 =	vadd.s32 v36, v24;
	v24 =	vadd.s32 $0x10000, v29  }
0x422: {  	s7 =	sshll.u32 s0, $0x1;
	v40 =	vld [tilespmem:s29+$0xFFFFFFFD];
	v19 =	vadd.s32 v19, v20;
	v18 =	vadd.s32 v21, v18;
	v21 =	vadd.s32 v30, v28  }
0x423: {  	v35 =	vmov s7;
	v55 =	vld [tilespmem:s29+$0xFFFFFDF8];
	v42 =	vadd.s32 $0xA000, v19  }
0x424: {  	v25 =	vshll.u32 v35, $0x7;
	v30 =	vld [tilespmem:s29+$0xFFFFF7EC];
	v28 =	vshll.u32 v31, $0x4;
	v31 =	vadd.s32 $0x3000, v18  }
0x425: {  	v23 =	vshll.u32 v23, $0x4;
	v41 =	vadd.s32 $0x2000, v18;
	v20 =	vadd.s32 v36, v28;
	v28 =	vld [tilespmem:s29+$0xFFFFF7F0]  }
0x426: {  	v18 =	vbroadcast v25, $0x0;
	v48 =	vadd.s32 $0x1000, v21;
	v25 =	vadd.s32 v54, v20;
	v20 =	vld.idx.msk [tilespmem:v24+s17+$0x0], $0xffff  }
0x427: {  	v27 =	vshll.u32 v27, $0x4;
	v23 =	vadd.s32 v36, v23;
	v43 =	vadd.s32 $0x6000, v25;
	v44 =	vld.idx.msk [tilespmem:v21+s17+$0x0], $0xffff  }
0x428: {  	v39 =	vadd.s32 v39, v23;
	v56 =	vadd.s32 $0x7000, v25;
	v24 =	vadd.s32 v36, v27;
	v23 =	vld.idx.msk [tilespmem:v42+s17+$0x0], $0xffff  }
0x429: {  	v27 =	vadd.s32 $0xB000, v19;
	v32 =	vadd.s32 v32, v24;
	v25 =	vld.idx.msk [tilespmem:v31+s17+$0x0], $0xffff  }
0x42a: {  	v58 =	vshll.u32 v22, $0x4;
	v19 =	vshll.u32 v38, $0x4;
	v41 =	vld.idx.msk [tilespmem:v41+s17+$0x0], $0xffff;
	v31 =	vadd.s32 $0x4000, v32  }
0x42b: {  	v22 =	vshll.u32 v33, $0x4;
	v50 =	vadd.s32 $0x9000, v39;
	v19 =	vadd.s32 v36, v19;
	v38 =	vld.idx.msk [tilespmem:v48+s17+$0x0], $0xffff  }
0x42c: {  	v26 =	vshll.u32 v26, $0x4;
	v46 =	vadd.s32 $0x8000, v39;
	v45 =	vadd.s32 v28, v19;
	v28 =	vld.idx.msk [tilespmem:v43+s17+$0x0], $0xffff  }
0x42d: {  	v61 =	vshll.u32 v40, $0x4;
	v59 =	vadd.s32 v36, v26;
	v47 =	vadd.s32 $0x11000, v29;
	v29 =	vld.idx.msk [tilespmem:v56+s17+$0x0], $0xffff  }
0x42e: {  	v22 =	vadd.s32 v36, v22;
	v63 =	vadd.s32 v37, v59;
	v60 =	vadd.s32 $0x5000, v32;
	v24 =	vld.idx.msk [tilespmem:v27+s17+$0x0], $0xffff  }
0x42f: {  	v39 =	vadd.s32 $0x14000, v63;
	v57 =	vadd.s32 $0xF000, v45;
	v27 =	vadd.s32 v36, v58;
	v49 =	vld.idx.msk [tilespmem:v31+s17+$0x0], $0xffff  }
0x430: {  	v21 =	vadd.s32 v34, v22;
	v32 =	vadd.s32 v36, v61;
	v36 =	vld.idx.msk [tilespmem:v50+s17+$0x0], $0xffff;
	v27 =	vadd.s32 v30, v27  }
0x431: {  	v22 =	vadd.s32 $0x16000, v21;
	v21 =	vadd.s32 $0x17000, v21;
	v31 =	vld.idx.msk [tilespmem:v46+s17+$0x0], $0xffff;
	v33 =	vadd.s32 $0xD000, v27  }
0x432: {  	v19 =	vor.u32 $0x80, v18;
	v62 =	vadd.s32 v55, v32;
	v30 =	vadd.s32 $0xC000, v27;
	v27 =	vld.idx.msk [tilespmem:v47+s17+$0x0], $0xffff  }
0x433: {  	v34 =	vadd.s32 $0xE000, v45;
	v37 =	vadd.s32 $0x13000, v62;
	v41 =	vadd.s32 v44, v41;
	v40 =	vld.idx.msk [tilespmem:v60+s17+$0x0], $0xffff  }
0x434: {  	p0 =	por p1, p1;
	s31 =	simm.s32 $0x0;
	s1 =	simm.s32 $0x20;
	v32 =	vadd.s32 $0x15000, v63;
	v35 =	vadd.s32 $0x12000, v62;
	v26 =	vld.idx.msk [tilespmem:v57+s17+$0x0], $0xffff;
	v41 =	vadd.s32 v49, v41  }
.LBB2_35:
0x435: {  	p1 =	sne.s32 s1, $0x3E0;
	v39 =	vld.idx.msk [tilespmem:v39+s17+$0x0], $0xffff;
	s30 =	sadd.s32 $0x10, s30;
	s29 =	sadd.s32 $0x10, s29  }
0x436: {  	s0 =	smov.u32 s1;
	s1 =	sadd.s32 $0x20, s1;
	v33 =	vld.idx.msk [tilespmem:v33+s17+$0x0], $0xffff  }
0x437: {  	v42 =	vmov s31;
	v30 =	vld.idx.msk [tilespmem:v30+s17+$0x0], $0xffff  }
0x438: {  	v42 =	vshll.u32 v42, $0x2;
	v37 =	vld.idx.msk [tilespmem:v37+s17+$0x0], $0xffff  }
0x439: {  	v28 =	vadd.s32 v28, v41;
	v25 =	vadd.s32 v38, v25;
	v38 =	vor.u32 s31, v11;
	v34 =	vld.idx.msk [tilespmem:v34+s17+$0x0], $0xffff  }
0x43a: {  	v38 =	vand.u32 $0x7E, v38;
	v25 =	vadd.s32 v40, v25;
	v40 =	vor.u32 s31, v17;
	s31 =	smov.u32 s0;
	v35 =	vld.idx.msk [tilespmem:v35+s17+$0x0], $0xffff  }
0x43b: {  	v25 =	vadd.s32 v29, v25;
	v40 =	vand.u32 $0x7F, v40;
	v29 =	vld.idx.msk [tilespmem:v32+s17+$0x0], $0xffff;
	v32 =	vand.u32 $0xE00, v42  }
0x43c: {  	v28 =	vadd.s32 v31, v28;
	v25 =	vadd.s32 v36, v25;
	v22 =	vld.idx.msk [tilespmem:v22+s17+$0x0], $0xffff;
	v31 =	vor.u32 v18, v32  }
0x43d: {  	v23 =	vadd.s32 v23, v28;
	v24 =	vadd.s32 v24, v25;
	v21 =	vld.idx.msk [tilespmem:v21+s17+$0x0], $0xffff;
	v25 =	vor.u32 v40, v31  }
0x43e: {  	v23 =	vadd.s32 v30, v23;
	v28 =	vor.u32 v19, v32;
	v24 =	vadd.s32 v33, v24  }
0x43f: {  	v30 =	vor.u32 v38, v31;
	v31 =	vor.u32 v28, v38;
	v23 =	vadd.s32 v34, v23  }
0x440: {  	v24 =	vadd.s32 v26, v24;
	v20 =	vadd.s32 v20, v23  }
0x441: {  	v23 =	vadd.s32 v27, v24;
	v24 =	vor.u32 v28, v40;
	v20 =	vadd.s32 v35, v20  }
0x442: {  	v23 =	vadd.s32 v37, v23;
	v20 =	vadd.s32 v39, v20  }
0x443: {  	v23 =	vadd.s32 v29, v23;
	v20 =	vadd.s32 v22, v20  }
0x444: {  	v21 =	vadd.s32 v21, v23;
	v22 =	vand.u32 $0xFFFF, v20;
	v20 =	vshrl.u32 v20, $0x10  }
0x445: {  	v23 =	vand.u32 $0xFFFF, v21;
	v22 =	vcvt.s32.f32 v22;
	v20 =	vcvt.s32.f32 v20  }
0x446: {  	v21 =	vshrl.u32 v21, $0x10;
	v23 =	vcvt.s32.f32 v23  }
0x447: {  	v21 =	vcvt.s32.f32 v21;
	v22 =	vadd.f32 $-2.457600000e+04, v22;
	v20 =	vadd.f32 $-2.457600000e+04, v20  }
0x448: {  	v23 =	vadd.f32 $-2.457600000e+04, v23  }
0x449: {  	v21 =	vadd.f32 $-2.457600000e+04, v21;
	v22 =	vmul.f32 $3.333333430e-01, v22  }
0x44a: {  	v20 =	vmul.f32 $3.333333430e-01, v20  }
0x44b: {  	[tilespmem:v30+s24+$0x0] =	vst.idx.msk $0xffff, v22;
	v22 =	vmul.f32 $3.333333430e-01, v23  }
0x44c: {  	[tilespmem:v25+s24+$0x0] =	vst.idx.msk $0xffff, v20;
	v20 =	vmul.f32 $3.333333430e-01, v21  }
0x44d: {  	[tilespmem:v31+s24+$0x0] =	vst.idx.msk $0xffff, v22  }
0x44e: {  	[tilespmem:v24+s24+$0x0] =	vst.idx.msk $0xffff, v20  }
0x44f: {  	v20 =	vld [tilespmem:s29+$0xFFFFFDFC]  }
0x450: {  	v21 =	vld [tilespmem:s29+$0xFFFFFFFC]  }
0x451: {  	v22 =	vld [tilespmem:s29+$0xFFFFFDF9]  }
0x452: {  	v23 =	vld [tilespmem:s29+$0xFFFFFFFE]  }
0x453: {  	v24 =	vld [tilespmem:s29+$0xFFFFF9F1]  }
0x454: {  	v25 =	vld [tilespmem:s29+$0xFFFFFDFB]  }
0x455: {  	v26 =	vld [tilespmem:s29+$0xFFFFF9F0]  }
0x456: {  	v27 =	vld [tilespmem:s29+$0xFFFFFDFA]  }
0x457: {  	v28 =	vld [tilespmem:s29+$0xFFFFFBF6]  }
0x458: {  	v29 =	vld [tilespmem:s29+$0xFFFFFBF5];
	v24 =	vshll.u32 v24, $0x4  }
0x459: {  	v22 =	vshll.u32 v22, $0x4;
	v30 =	vld [tilespmem:s29+$0xFFFFFBF7]  }
0x45a: {  	v31 =	vld [tilespmem:s29+$0xFFFFFFFF]  }
0x45b: {  	v32 =	vld [tilespmem:s29+$0xFFFFFBF8]  }
0x45c: {  	v25 =	vshll.u32 v25, $0x4;
	v33 =	vld [tilespmem:s29+$0xFFFFF9F2]  }
0x45d: {  	v26 =	vshll.u32 v26, $0x4;
	v27 =	vshll.u32 v27, $0x4;
	v34 =	vld [tilespmem:s29+$0xFFFFFBF4]  }
0x45e: {  	s0 =	sand.u32 $0x2FFC, s30;
	v20 =	vshll.u32 v20, $0x4;
	v28 =	vshll.u32 v28, $0x8;
	v30 =	vshll.u32 v30, $0x4;
	v35 =	vld [tilespmem:s29+$0xFFFFF7EF]  }
0x45f: {  	v22 =	vadd.s32 v28, v22;
	v20 =	vadd.s32 v28, v20;
	v26 =	vadd.s32 v28, v26;
	v36 =	vld [tilespmem:s0+$0x2600]  }
0x460: {  	v27 =	vadd.s32 v28, v27;
	v29 =	vshll.u32 v29, $0x4;
	v31 =	vadd.s32 v31, v20;
	v37 =	vld [tilespmem:s29+$0xFFFFF7ED]  }
0x461: {  	v20 =	vadd.s32 v23, v27;
	v23 =	vshll.u32 v33, $0x4;
	v27 =	vld [tilespmem:s29+$0xFFFFF7EE];
	v33 =	vadd.s32 $0x10000, v31  }
0x462: {  	v29 =	vadd.s32 v28, v29;
	v38 =	vadd.s32 v21, v22;
	v30 =	vadd.s32 v28, v30;
	v39 =	vld [tilespmem:s29+$0xFFFFF9F3]  }
0x463: {  	v40 =	vadd.s32 $0xA000, v38;
	v29 =	vadd.s32 v34, v29;
	v34 =	vld [tilespmem:s29+$0x0];
	v21 =	vshll.u32 v35, $0x4  }
0x464: {  	v32 =	vadd.s32 v32, v30;
	v30 =	vadd.s32 $0x3000, v20;
	v35 =	vld [tilespmem:s29+$0xFFFFF7EC];
	v21 =	vadd.s32 v28, v21  }
0x465: {  	v41 =	vadd.s32 $0x2000, v20;
	v20 =	vadd.s32 v28, v23;
	v23 =	vld [tilespmem:s29+$0xFFFFFFFD];
	v21 =	vadd.s32 v36, v21  }
0x466: {  	v20 =	vadd.s32 v27, v20;
	v27 =	vld [tilespmem:s29+$0xFFFFF7F0];
	v22 =	vadd.s32 $0x16000, v21;
	v21 =	vadd.s32 $0x17000, v21  }
0x467: {  	v36 =	vadd.s32 $0x6000, v20;
	v42 =	vadd.s32 $0x7000, v20;
	v20 =	vadd.s32 v28, v25;
	v43 =	vld [tilespmem:s29+$0xFFFFFDF8]  }
0x468: {  	v24 =	vadd.s32 v28, v24;
	v38 =	vadd.s32 $0xB000, v38;
	v44 =	vadd.s32 v34, v20;
	v20 =	vld.idx.msk [tilespmem:v33+s17+$0x0], $0xffff  }
0x469: {  	v34 =	vshll.u32 v39, $0x4;
	v45 =	vld.idx.msk [tilespmem:v32+s17+$0x0], $0xffff;
	v46 =	vadd.s32 $0x8000, v44;
	v24 =	vadd.s32 v35, v24  }
0x46a: {  	v25 =	vld.idx.msk [tilespmem:v30+s17+$0x0], $0xffff;
	v30 =	vadd.s32 $0xC000, v24;
	v33 =	vadd.s32 $0xD000, v24;
	v24 =	vadd.s32 v28, v34  }
0x46b: {  	v47 =	vadd.s32 $0x4000, v29;
	v41 =	vld.idx.msk [tilespmem:v41+s17+$0x0], $0xffff;
	v24 =	vadd.s32 v27, v24;
	v27 =	vshll.u32 v23, $0x4  }
0x46c: {  	v23 =	vld.idx.msk [tilespmem:v40+s17+$0x0], $0xffff;
	v34 =	vadd.s32 $0xE000, v24;
	v40 =	vadd.s32 $0xF000, v24;
	v24 =	vadd.s32 v28, v27  }
0x46d: {  	v27 =	vadd.s32 $0x11000, v31;
	v28 =	vld.idx.msk [tilespmem:v36+s17+$0x0], $0xffff;
	v31 =	vadd.s32 v43, v24  }
0x46e: {  	v26 =	vadd.s32 v37, v26;
	v36 =	vadd.s32 $0x1000, v32;
	v43 =	vadd.s32 $0x5000, v29;
	v24 =	vld.idx.msk [tilespmem:v38+s17+$0x0], $0xffff  }
0x46f: {  	v39 =	vadd.s32 $0x14000, v26;
	v32 =	vadd.s32 $0x15000, v26;
	v35 =	vadd.s32 $0x12000, v31;
	v29 =	vld.idx.msk [tilespmem:v42+s17+$0x0], $0xffff  }
0x470: {  	v44 =	vadd.s32 $0x9000, v44;
	v37 =	vadd.s32 $0x13000, v31;
	v42 =	vld.idx.msk [tilespmem:v47+s17+$0x0], $0xffff  }
0x471: {  	v26 =	vld.idx.msk [tilespmem:v40+s17+$0x0], $0xffff  }
.Ltmp16:
0x472: {  	v31 =	vld.idx.msk [tilespmem:v46+s17+$0x0], $0xffff;
	(pc) =	sbr.rel @p1 .LBB2_35-.Ltmp16, $4  }
0x473: {  	v27 =	vld.idx.msk [tilespmem:v27+s17+$0x0], $0xffff  }
0x474: {  	v38 =	vld.idx.msk [tilespmem:v36+s17+$0x0], $0xffff  }
0x475: {  	v40 =	vadd.s32 v45, v41;
	v36 =	vld.idx.msk [tilespmem:v44+s17+$0x0], $0xffff  }
0x476: {  	v41 =	vadd.s32 v42, v40;
	v40 =	vld.idx.msk [tilespmem:v43+s17+$0x0], $0xffff  }
0x477: {  	_ =	sdelay $0x3  }
0x478: {  	v39 =	vld.idx.msk [tilespmem:v39+s17+$0x0], $0xffff  }
0x479: {  	v30 =	vld.idx.msk [tilespmem:v30+s17+$0x0], $0xffff  }
0x47a: {  	v34 =	vld.idx.msk [tilespmem:v34+s17+$0x0], $0xffff  }
0x47b: {  	v33 =	vld.idx.msk [tilespmem:v33+s17+$0x0], $0xffff;
	v42 =	vmov s31;
	v28 =	vadd.s32 v28, v41;
	v25 =	vadd.s32 v38, v25  }
0x47c: {  	v35 =	vld.idx.msk [tilespmem:v35+s17+$0x0], $0xffff;
	v51 =	vor.u32 s31, v11;
	v28 =	vadd.s32 v31, v28;
	v25 =	vadd.s32 v40, v25  }
0x47d: {  	v50 =	vld.idx.msk [tilespmem:v37+s17+$0x0], $0xffff;
	v53 =	vor.u32 s31, v17;
	v23 =	vadd.s32 v23, v28;
	v25 =	vadd.s32 v29, v25  }
0x47e: {  	v22 =	vld.idx.msk [tilespmem:v22+s17+$0x0], $0xffff;
	v49 =	vshll.u32 v42, $0x2;
	v23 =	vadd.s32 v30, v23;
	v25 =	vadd.s32 v36, v25  }
0x47f: {  	v54 =	vld.idx.msk [tilespmem:v32+s17+$0x0], $0xffff;
	v52 =	vand.u32 $0x7E, v51;
	v23 =	vadd.s32 v34, v23;
	v24 =	vadd.s32 v24, v25  }
0x480: {  	v21 =	vld.idx.msk [tilespmem:v21+s17+$0x0], $0xffff;
	v56 =	vand.u32 $0x7F, v53;
	v20 =	vadd.s32 v20, v23;
	v24 =	vadd.s32 v33, v24  }
0x481: {  	v55 =	vand.u32 $0xE00, v49;
	v20 =	vadd.s32 v35, v20;
	v24 =	vadd.s32 v26, v24  }
0x482: {  	v18 =	vor.u32 v18, v55;
	v20 =	vadd.s32 v39, v20;
	v24 =	vadd.s32 v27, v24  }
0x483: {  	v19 =	vor.u32 v19, v55;
	v20 =	vadd.s32 v22, v20;
	v24 =	vadd.s32 v50, v24  }
0x484: {  	v57 =	vor.u32 v56, v18;
	v59 =	vand.u32 $0xFFFF, v20;
	v58 =	vadd.s32 v54, v24  }
0x485: {  	v20 =	vshrl.u32 v20, $0x10;
	v60 =	vcvt.s32.f32 v59;
	v21 =	vadd.s32 v21, v58  }
0x486: {  	v18 =	vor.u32 v52, v18;
	v20 =	vcvt.s32.f32 v20;
	v61 =	vand.u32 $0xFFFF, v21  }
0x487: {  	v21 =	vshrl.u32 v21, $0x10;
	v22 =	vadd.f32 $-2.457600000e+04, v60;
	v24 =	vcvt.s32.f32 v61  }
0x488: {  	v25 =	vor.u32 v19, v52;
	v20 =	vadd.f32 $-2.457600000e+04, v20;
	v21 =	vcvt.s32.f32 v21  }
0x489: {  	v19 =	vor.u32 v19, v56;
	v22 =	vmul.f32 $3.333333430e-01, v22;
	v62 =	vadd.f32 $-2.457600000e+04, v24  }
.Ltmp17:
0x48a: {  	v20 =	vmul.f32 $3.333333430e-01, v20;
	v21 =	vadd.f32 $-2.457600000e+04, v21;
	(pc) =	sbr.rel @p0 .LBB2_34-.Ltmp17, $4  }
0x48b: {  	[tilespmem:v18+s24+$0x0] =	vst.idx.msk $0xffff, v22;
	v18 =	vmul.f32 $3.333333430e-01, v62  }
0x48c: {  	[tilespmem:v57+s24+$0x0] =	vst.idx.msk $0xffff, v20;
	v63 =	vmul.f32 $3.333333430e-01, v21  }
0x48d: {  	[tilespmem:v25+s24+$0x0] =	vst.idx.msk $0xffff, v18  }
0x48e: {  	s0 =	simm.s32 $0x1;
	p1 =	por $0x0, $0x0;
	[tilespmem:v19+s24+$0x0] =	vst.idx.msk $0xffff, v63  }
0x48f: {  	[hbm4b:s13+s22] =	stream.strided.scatter [tilespmem:s24], [sflag:$0x3], $0x1000, s23, s22, $0x38;
	[tilespmem:$0x1F080] =	vst v63  }
0x490: {  	s28 =	sadd.s32 $0x1, s28  }
0x491: {  	_ =	swait.ge [sflag:s25], $0x1000;
	p0 =	sne.s32 s28, s14  }
.Ltmp18:
0x492: {  	[sflag:s25] =	ssyncset.done $0x0;
	(pc) =	sbr.rel @p0 .LBB2_1-.Ltmp18, $4  }
0x493: {  	[sflag:s25] =	ssyncadd.s32 $0xFFFFF000  }
0x494: {  	_ =	swait.ge [sflag:s26], $0x1000  }
0x495: {  	[sflag:s26] =	ssyncset.done $0x0  }
0x496: {  	[sflag:s26] =	ssyncadd.s32 $0xFFFFF000  }
0x497: {  	_ =	sfence.sel $0x180000  }
0x498: {  	[bflag:$0x0] =	sbarrier.arrive $0xFFFF  }
0x499: {  	_ =	strace $0x90000047  }
0x49a: {  	s0 =	stileid.u32;
	[bflag:$0x2] =	sbarrier.arrive $0xFFFF  }
0x49b: {  	p0 =	sne.s32 s0, $0x0;
	s0 =	rddreg [dreg:$0x2]  }
0x49c: {  	s0 =	sadd.s32 @!p0 $0x100000, s0  }
0x49d: {  	[sflag:s0] =	ssyncadd.tile.s32 @!p0 $0x1;
	_ =	shalt  }
.Lfunc_end2:
_tile_overlayer_lowered:
.L_overlay_start_2:
0x49e: {  	(tag) =	ssettag $0x2  }
0x49f: {  	s0 =	rddreg [dreg:$0x0];
	s2 =	stileid.u32  }
0x4a0: {  	s1 =	rddreg [dreg:$0x1];
	p0 =	sne.s32 s2, $0x0  }
0x4a1: {  	s3 =	rddreg [dreg:$0x2];
	[bflag:$0x3] =	sbarrier.arrive $0xFFFF;
	s2 =	simm.s32 @!p0 $0x1C04  }
0x4a2: {  	[timem:s3], [sflag:s2] =	dma.local @!p0 [hbm:s0], s1  }
0x4a3: {  	s0 =	simm.s32 @!p0 $0x4  }
0x4a4: {  	_ =	swait.ge @!p0 [sflag:s0], s1  }
0x4a5: {  	s1 =	ssub.s32 @!p0 $0x0, s1;
	[sflag:s0] =	ssyncset.done @!p0 $0x0  }
0x4a6: {  	[sflag:s0] =	ssyncadd.s32 @!p0 s1  }
0x4a7: {  	[bflag:$0x3] =	sbarrier.arrive $0xFFFF  }
0x4a8: {  	_ =	shalt  }

</sc_bundles>
